<compile_context>
chip_gen: v7x
topology: tpu7x:2x2x1
jax: 0.10.2.dev20260603
libtpu: 0.0.44.dev20260713+nightly
codegen_flags: <defaults>
</compile_context>

<pallas_src>
import functools

import jax
import jax.numpy as jnp
from jax import lax
from jax.experimental import pallas as pl
from jax.experimental.pallas import tpu as pltpu
from jax.experimental.pallas import tpu_sc as plsc

_N = 10000
_E = 320000
_H = 128
_HH = 64
_PW = 16
_NPAD = 10240
_CH = 80
_NCHUNKS = _E // _CH
_NC = 2
_NS = 16
_NW = _NC * _NS
_ITERS = _NCHUNKS // _NW
_NB = 5
_C0 = 64
_C1 = _ITERS - _C0
_STRIPE = _NPAD // _NS
_QROWS = _NPAD // 8
_QSTRIPE = _QROWS // _NS


def _mesh():
    return plsc.VectorSubcoreMesh(core_axis_name="c", subcore_axis_name="s")


_BN = 1000


def _pack_pair(x_lo, x_hi):
    lo = lax.convert_element_type(
        lax.bitcast_convert_type(x_lo.astype(jnp.bfloat16), jnp.uint16),
        jnp.uint32)
    hi = lax.convert_element_type(
        lax.bitcast_convert_type(x_hi.astype(jnp.bfloat16), jnp.uint16),
        jnp.uint32)
    return lo | (hi << 16)


def _pack_body(f, pt, w1a, w1b, b1, t1, t2):
    a = jnp.dot(f[:], w1a[:], preferred_element_type=jnp.float32) + b1[:]
    b = jnp.dot(f[:], w1b[:], preferred_element_type=jnp.float32)
    ptv = pt[:]
    ppk = _pack_pair(ptv[:, :_HH], ptv[:, _HH:])
    t1[:, :_HH] = _pack_pair(a[:, :_HH], a[:, _HH:])
    t1[:, _HH:] = ppk
    t2[:, :_HH] = _pack_pair(b[:, :_HH], b[:, _HH:])
    t2[:, _HH:] = ppk


def _pack_tables(f, pt, w1a, w1b, b1):
    full = lambda shp: pl.BlockSpec(shp, lambda i: (0, 0))
    return pl.pallas_call(
        _pack_body,
        grid=(_N // _BN,),
        in_specs=[
            pl.BlockSpec((_BN, _H), lambda i: (i, 0)),
            pl.BlockSpec((_BN, _H), lambda i: (i, 0)),
            full((_H, _H)), full((_H, _H)), full((1, _H)),
        ],
        out_specs=[
            pl.BlockSpec((_BN, _H), lambda i: (i, 0)),
            pl.BlockSpec((_BN, _H), lambda i: (i, 0)),
        ],
        out_shape=[
            jax.ShapeDtypeStruct((_N, _H), jnp.uint32),
            jax.ShapeDtypeStruct((_N, _H), jnp.uint32),
        ],
    )(f, pt, w1a, w1b, b1)


def _sc_gather_body(nch, t1, t2, src1d, dst1d, hs_out, hd_out, idxs, idxd,
                    *bufs_and_sems):
    rfs = bufs_and_sems[:_NB]
    rfd = bufs_and_sems[_NB:2 * _NB]
    sem_s = bufs_and_sems[2 * _NB:3 * _NB]
    sem_d = bufs_and_sems[3 * _NB:4 * _NB]
    c = lax.axis_index("c")
    s = lax.axis_index("s")
    wid = s * _NC + c
    wbase = wid * nch
    pltpu.sync_copy(src1d.at[pl.ds(wbase * _CH, nch * _CH)], idxs)
    pltpu.sync_copy(dst1d.at[pl.ds(wbase * _CH, nch * _CH)], idxd)

    def group(row0, nb):
        gs = [pltpu.async_copy(
                  t1.at[idxs.at[pl.ds((row0 + b) * _CH, _CH)]],
                  rfs[b], sem_s[b])
              for b in range(nb)]
        gd = [pltpu.async_copy(
                  t2.at[idxd.at[pl.ds((row0 + b) * _CH, _CH)]],
                  rfd[b], sem_d[b])
              for b in range(nb)]
        ws, wd = [], []
        for b in range(nb):
            gs[b].wait()
            gd[b].wait()
            base = (wbase + row0 + b) * _CH
            ws.append(pltpu.async_copy(rfs[b], hs_out.at[pl.ds(base, _CH)],
                                       sem_s[b]))
            wd.append(pltpu.async_copy(rfd[b], hd_out.at[pl.ds(base, _CH)],
                                       sem_d[b]))
        for b in range(nb):
            ws[b].wait()
            wd[b].wait()

    def body(g, carry):
        group(g * _NB, _NB)
        return carry

    nfull = nch // _NB
    lax.fori_loop(0, nfull, body, None)
    if nch % _NB:
        group(nfull * _NB, nch % _NB)


def _sc_gather(t1, t2, src1d, dst1d, nch):
    ne = _NW * nch * _CH
    return pl.kernel(
        functools.partial(_sc_gather_body, nch),
        out_type=(
            jax.ShapeDtypeStruct((ne, _H), jnp.uint32),
            jax.ShapeDtypeStruct((ne, _H), jnp.uint32),
        ),
        mesh=_mesh(),
        scratch_types=(
            [pltpu.VMEM((nch * _CH,), jnp.int32)] * 2
            + [pltpu.VMEM((_CH, _H), jnp.uint32)] * (2 * _NB)
            + [pltpu.SemaphoreType.DMA] * (2 * _NB)
        ),
    )(t1, t2, src1d, dst1d)


def _sc_scatter_body(nch, pay_m, pay_q, dst1d, dsthi1d, out_m, out_q,
                     acc_m, acc_q, *bufs_and_sems):
    _NBS = 3
    pb = bufs_and_sems[:_NBS]
    ix = bufs_and_sems[_NBS:2 * _NBS]
    sem_p = bufs_and_sems[2 * _NBS:3 * _NBS]
    sem_i = bufs_and_sems[3 * _NBS:4 * _NBS]
    c = lax.axis_index("c")
    s = lax.axis_index("s")
    wid = s * _NC + c
    wbase = wid * nch

    def zrow(i, carry):
        for j in range(_H // 16):
            pb[0][i, pl.ds(j * 16, 16)] = jnp.zeros((16,), jnp.float32)
        return carry

    lax.fori_loop(0, _CH, zrow, None)

    def zcp(r, carry):
        pltpu.sync_copy(pb[0], acc_m.at[pl.ds(s * _STRIPE + r * _CH, _CH)])
        return carry

    lax.fori_loop(0, _STRIPE // _CH, zcp, None)
    pltpu.sync_copy(pb[0], acc_q.at[pl.ds(s * _QSTRIPE, _QSTRIPE)])
    plsc.subcore_barrier()

    def run_phase(pay, idx1d, acc):
        def group(row0, nb):
            ri, rp = [], []
            for b in range(nb):
                base = (wbase + row0 + b) * _CH
                ri.append(pltpu.async_copy(idx1d.at[pl.ds(base, _CH)],
                                           ix[b], sem_i[b]))
                rp.append(pltpu.async_copy(pay.at[pl.ds(base, _CH)],
                                           pb[b], sem_p[b]))
            sc = []
            for b in range(nb):
                ri[b].wait()
                rp[b].wait()
                sc.append(pltpu.async_copy(pb[b], acc.at[ix[b]],
                                           sem_p[b], add=True))
            for cp in sc:
                cp.wait()

        def body(g, carry):
            group(g * _NBS, _NBS)
            return carry

        nfull = nch // _NBS
        lax.fori_loop(0, nfull, body, None)
        if nch % _NBS:
            group(nfull * _NBS, nch % _NBS)

    run_phase(pay_m, dst1d, acc_m)
    run_phase(pay_q, dsthi1d, acc_q)
    plsc.subcore_barrier()
    pltpu.sync_copy(acc_m.at[pl.ds(s * _STRIPE, _STRIPE)],
                    out_m.at[pl.ds(c * _NPAD + s * _STRIPE, _STRIPE)])
    pltpu.sync_copy(acc_q.at[pl.ds(s * _QSTRIPE, _QSTRIPE)],
                    out_q.at[pl.ds(c * _QROWS + s * _QSTRIPE, _QSTRIPE)])


def _sc_scatter(pay_m, pay_q, dst1d, dsthi1d, nch):
    return pl.kernel(
        functools.partial(_sc_scatter_body, nch),
        out_type=(
            jax.ShapeDtypeStruct((_NC * _NPAD, _H), jnp.float32),
            jax.ShapeDtypeStruct((_NC * _QROWS, _H), jnp.float32),
        ),
        mesh=_mesh(),
        scratch_types=(
            [pltpu.VMEM_SHARED((_NPAD, _H), jnp.float32),
             pltpu.VMEM_SHARED((_QROWS, _H), jnp.float32)]
            + [pltpu.VMEM((_CH, _H), jnp.float32)] * 3
            + [pltpu.VMEM((_CH,), jnp.int32)] * 3
            + [pltpu.SemaphoreType.DMA] * 6
        ),
    )(pay_m, pay_q, dst1d, dsthi1d)


_BE = 2560


def _unpack_pair(u):
    lo = lax.bitcast_convert_type(
        lax.convert_element_type(u & jnp.uint32(0xFFFF), jnp.uint16),
        jnp.bfloat16)
    hi = lax.bitcast_convert_type(
        lax.convert_element_type(u >> jnp.uint32(16), jnp.uint16),
        jnp.bfloat16)
    return lo, hi


def _edge_body(ts, td, dm, w1d, w2, b2, p1, pb1, p2, pb2, out_m, out_q):
    slo, shi = _unpack_pair(ts[:])
    dlo, dhi = _unpack_pair(td[:])
    xl = slo[:, :_HH].astype(jnp.float32) + dlo[:, :_HH].astype(jnp.float32)
    xh = shi[:, :_HH].astype(jnp.float32) + dhi[:, :_HH].astype(jnp.float32)
    rl = slo[:, _HH:].astype(jnp.float32) - dlo[:, _HH:].astype(jnp.float32)
    rh = shi[:, _HH:].astype(jnp.float32) - dhi[:, _HH:].astype(jnp.float32)
    x = jnp.concatenate([xl, xh], axis=1)
    rel = jnp.concatenate([rl, rh], axis=1)
    rel16 = rel[:, :_PW]
    dist = jnp.sqrt(jnp.sum(rel16 * rel16, axis=1, keepdims=True))
    x = x + dist * w1d[:]
    x = x * jax.nn.sigmoid(x)
    msg = (jnp.dot(x.astype(jnp.bfloat16), w2[:],
                   preferred_element_type=jnp.float32) + b2[:])
    t = (jnp.dot(msg.astype(jnp.bfloat16), p1[:],
                 preferred_element_type=jnp.float32) + pb1[:])
    t = t * jax.nn.sigmoid(t)
    wv = jnp.tanh(jnp.dot(t, p2[:], preferred_element_type=jnp.float32)
                  + pb2[:])
    out_m[:, :] = msg
    grp = lax.broadcasted_iota(jnp.int32, (_BE, _H), 1) >> 4
    sel = (grp == dm[:]).astype(jnp.float32)
    out_q[:, :] = wv * rel * sel


def _edge_mlp(ts, td, dm, w1d, w2, b2, p1, pb1, p2, pb2):
    ne = ts.shape[0]
    full = lambda shp: pl.BlockSpec(shp, lambda i: (0, 0))
    return pl.pallas_call(
        _edge_body,
        grid=(ne // _BE,),
        in_specs=[
            pl.BlockSpec((_BE, _H), lambda i: (i, 0)),
            pl.BlockSpec((_BE, _H), lambda i: (i, 0)),
            pl.BlockSpec((_BE, 1), lambda i: (i, 0)),
            full((1, _H)),
            full((_H, _H)), full((1, _H)),
            full((_H, _H)), full((1, _H)),
            full((_H, 1)), full((1, 1)),
        ],
        out_specs=[
            pl.BlockSpec((_BE, _H), lambda i: (i, 0)),
            pl.BlockSpec((_BE, _H), lambda i: (i, 0)),
        ],
        out_shape=[
            jax.ShapeDtypeStruct((ne, _H), jnp.float32),
            jax.ShapeDtypeStruct((ne, _H), jnp.float32),
        ],
    )(ts, td, dm, w1d, w2, b2, p1, pb1, p2, pb2)


def _node_body(f, pos, a0m, a1m, a2m, a3m, a0q, a1q, a2q, a3q, deg,
               u1a, u1b, ub1, u2, ub2, fout, pout):
    aggm = a0m[:] + a1m[:] + a2m[:] + a3m[:]
    nrm = jnp.maximum(deg[:], 1.0)
    m = aggm / nrm
    x = (jnp.dot(f[:], u1a[:], preferred_element_type=jnp.float32)
         + jnp.dot(m, u1b[:], preferred_element_type=jnp.float32) + ub1[:])
    x = x * jax.nn.sigmoid(x)
    fu = jnp.dot(x, u2[:], preferred_element_type=jnp.float32) + ub2[:]
    fout[:, :] = f[:] + fu
    pout[:, :] = pos[:] + (a0q[:] + a1q[:] + a2q[:] + a3q[:])[:, :3]


def _node_mlp(f, pos, ams, aqs, deg, u1a, u1b, ub1, u2, ub2):
    full = lambda shp: pl.BlockSpec(shp, lambda i: (0, 0))
    return pl.pallas_call(
        _node_body,
        grid=(_N // _BN,),
        in_specs=[
            pl.BlockSpec((_BN, _H), lambda i: (i, 0)),
            pl.BlockSpec((_BN, 3), lambda i: (i, 0)),
        ] + [pl.BlockSpec((_BN, _H), lambda i: (i, 0))] * 4
          + [pl.BlockSpec((_BN, _PW), lambda i: (i, 0))] * 4
          + [
            pl.BlockSpec((_BN, 1), lambda i: (i, 0)),
            full((_H, _H)), full((_H, _H)), full((1, _H)),
            full((_H, _H)), full((1, _H)),
        ],
        out_specs=[
            pl.BlockSpec((_BN, _H), lambda i: (i, 0)),
            pl.BlockSpec((_BN, 3), lambda i: (i, 0)),
        ],
        out_shape=[
            jax.ShapeDtypeStruct((_N, _H), jnp.float32),
            jax.ShapeDtypeStruct((_N, 3), jnp.float32),
        ],
    )(f, pos, *ams, *aqs, deg, u1a, u1b, ub1, u2, ub2)


def kernel(features, positions, edge_index_adj, node_degree_adj,
           W1, b1, W2, b2, P1, pb1, P2, pb2, U1, ub1, U2, ub2):
    f = features[0]
    pos = positions[0]
    src = edge_index_adj[0].astype(jnp.int32)
    dst = edge_index_adj[1].astype(jnp.int32)
    src3 = src.reshape(_NW, _ITERS, _CH)
    dst3 = dst.reshape(_NW, _ITERS, _CH)
    src_h = [src3[:, :_C0].reshape(-1), src3[:, _C0:].reshape(-1)]
    dst_h = [dst3[:, :_C0].reshape(-1), dst3[:, _C0:].reshape(-1)]
    dsthi_h = [d >> 3 for d in dst_h]
    dm_h = [(d & 7).reshape(-1, 1) for d in dst_h]
    pos_tiled = jnp.tile(jnp.pad(pos, ((0, 0), (0, _PW - 3))), (1, 8))

    t1, t2 = _pack_tables(f, pos_tiled, W1[:_H], W1[_H:2 * _H],
                          b1.reshape(1, _H))

    ams, aqs = [], []
    ew = (W1[2 * _H:2 * _H + 1], W2.astype(jnp.bfloat16), b2.reshape(1, _H),
          P1.astype(jnp.bfloat16), pb1.reshape(1, _H), P2, pb2.reshape(1, 1))
    for h, nch in ((0, _C0), (1, _C1)):
        hs, hd = _sc_gather(t1, t2, src_h[h], dst_h[h], nch)
        pay_m, pay_q = _edge_mlp(hs, hd, dm_h[h], *ew)
        agg_m, agg_q2 = _sc_scatter(pay_m, pay_q, dst_h[h], dsthi_h[h], nch)
        agg_q = agg_q2.reshape(_NC, _NPAD, _PW)
        ams += [agg_m[:_N], agg_m[_NPAD:_NPAD + _N]]
        aqs += [agg_q[0, :_N], agg_q[1, :_N]]

    fout, pout = _node_mlp(
        f, pos, ams, aqs,
        node_degree_adj.reshape(_N, 1),
        U1[:_H], U1[_H:], ub1.reshape(1, _H),
        U2, ub2.reshape(1, _H),
    )
    return fout[None], pout[None]

# --- scband reference (transcript-rebuilt; emitter-appended) ---
"""Pipeline reference for scband-etnnlayer-25666724560985 (READ-ONLY COPY).

The authoritative reference and input builder live on the scoring server;
editing this copy changes nothing except your own understanding.
"""

import jax, jax.numpy as jnp
import numpy as np

N = 10000
E = 320000
H = 128
B = 1

def setup_inputs(seed: int = 0) -> dict:
    key = jax.random.key(seed)
    ks = jax.random.split(key, 16)
    features = jax.random.normal(ks[0], (B, N, H), dtype=jnp.float32)
    positions = jax.random.normal(ks[1], (B, N, 3), dtype=jnp.float32)
    edge_index_adj = jax.random.randint(ks[2], (2, E), 0, N, dtype=jnp.int64)
    node_degree_adj = jax.random.uniform(ks[3], (N,), dtype=jnp.float32)
    s = 0.02
    W1 = jax.random.normal(ks[4], (2 * H + 1, H), dtype=jnp.float32) * s
    b1 = jnp.zeros((H,), dtype=jnp.float32)
    W2 = jax.random.normal(ks[5], (H, H), dtype=jnp.float32) * s
    b2 = jnp.zeros((H,), dtype=jnp.float32)
    P1 = jax.random.normal(ks[6], (H, H), dtype=jnp.float32) * s
    pb1 = jnp.zeros((H,), dtype=jnp.float32)
    P2 = jax.random.normal(ks[7], (H, 1), dtype=jnp.float32) * s
    pb2 = jnp.zeros((1,), dtype=jnp.float32)
    U1 = jax.random.normal(ks[8], (2 * H, H), dtype=jnp.float32) * s
    ub1 = jnp.zeros((H,), dtype=jnp.float32)
    U2 = jax.random.normal(ks[9], (H, H), dtype=jnp.float32) * s
    ub2 = jnp.zeros((H,), dtype=jnp.float32)
    return {"features": features, "positions": positions, "edge_index_adj": edge_index_adj,
            "node_degree_adj": node_degree_adj, "W1": W1, "b1": b1, "W2": W2, "b2": b2,
            "P1": P1, "pb1": pb1, "P2": P2, "pb2": pb2, "U1": U1, "ub1": ub1, "U2": U2, "ub2": ub2}

def reference(features, positions, edge_index_adj, node_degree_adj,
              W1, b1, W2, b2, P1, pb1, P2, pb2, U1, ub1, U2, ub2):
    src = edge_index_adj[0]
    dst = edge_index_adj[1]
    h_src = features[:, src, :]
    h_dst = features[:, dst, :]
    rel_pos = positions[:, src, :] - positions[:, dst, :]
    distances = jnp.linalg.norm(rel_pos, axis=-1, keepdims=True)
    msg_input = jnp.concatenate([h_src, h_dst, distances], axis=-1)
    hid = jax.nn.silu(msg_input @ W1 + b1)
    messages = hid @ W2 + b2
    aggregated = jnp.zeros_like(features).at[:, dst, :].add(messages)
    norm = jnp.clip(node_degree_adj, 1.0, None)
    aggregated = aggregated / norm[None, :, None]
    message_accumulator = aggregated
    w = jnp.tanh(jax.nn.silu(messages @ P1 + pb1) @ P2 + pb2)
    position_updates = jnp.zeros_like(positions).at[:, dst, :].add(w * rel_pos)
    update_input = jnp.concatenate([features, message_accumulator], axis=-1)
    feature_update = jax.nn.silu(update_input @ U1 + ub1) @ U2 + ub2
    updated_features = features + feature_update
    updated_positions = positions + position_updates / 1.0
    return (updated_features, updated_positions)

if __name__ == "__main__":
    import jax
    _d = setup_inputs()
    print(jax.jit(kernel)(*tuple(_d.values())))

</pallas_src>

<mosaic_0001>
#map = affine_map<(d0, d1) -> (0, 0)>
#map1 = affine_map<(d0, d1) -> (0)>
module attributes {stable_mosaic.version = 14 : i64} {
  func.func @_sc_gather_body(%arg0: i32, %arg1: i32, %arg2: memref<10000x128xi32, #tpu.memory_space<hbm>>, %arg3: memref<10000x128xi32, #tpu.memory_space<hbm>>, %arg4: memref<163840xi32, #tpu.memory_space<hbm>>, %arg5: memref<163840xi32, #tpu.memory_space<hbm>>, %arg6: memref<163840x128xi32, #tpu.memory_space<hbm>>, %arg7: memref<163840x128xi32, #tpu.memory_space<hbm>>, %arg8: memref<5120xi32, #tpu.memory_space<vmem>>, %arg9: memref<5120xi32, #tpu.memory_space<vmem>>, %arg10: memref<80x128xi32, #tpu.memory_space<vmem>>, %arg11: memref<80x128xi32, #tpu.memory_space<vmem>>, %arg12: memref<80x128xi32, #tpu.memory_space<vmem>>, %arg13: memref<80x128xi32, #tpu.memory_space<vmem>>, %arg14: memref<80x128xi32, #tpu.memory_space<vmem>>, %arg15: memref<80x128xi32, #tpu.memory_space<vmem>>, %arg16: memref<80x128xi32, #tpu.memory_space<vmem>>, %arg17: memref<80x128xi32, #tpu.memory_space<vmem>>, %arg18: memref<80x128xi32, #tpu.memory_space<vmem>>, %arg19: memref<80x128xi32, #tpu.memory_space<vmem>>, %arg20: memref<!tpu.dma_semaphore, #tpu.memory_space<semaphore_mem>>, %arg21: memref<!tpu.dma_semaphore, #tpu.memory_space<semaphore_mem>>, %arg22: memref<!tpu.dma_semaphore, #tpu.memory_space<semaphore_mem>>, %arg23: memref<!tpu.dma_semaphore, #tpu.memory_space<semaphore_mem>>, %arg24: memref<!tpu.dma_semaphore, #tpu.memory_space<semaphore_mem>>, %arg25: memref<!tpu.dma_semaphore, #tpu.memory_space<semaphore_mem>>, %arg26: memref<!tpu.dma_semaphore, #tpu.memory_space<semaphore_mem>>, %arg27: memref<!tpu.dma_semaphore, #tpu.memory_space<semaphore_mem>>, %arg28: memref<!tpu.dma_semaphore, #tpu.memory_space<semaphore_mem>>, %arg29: memref<!tpu.dma_semaphore, #tpu.memory_space<semaphore_mem>>) attributes {dimension_semantics = [#tpu.dimension_semantics<core_parallel>, #tpu.dimension_semantics<subcore_parallel>], iteration_bounds = array<i64: 2, 16>, scalar_prefetch = 0 : i64, scratch_operands = 22 : i64, tpu.core_type = #tpu.core_type<sc_vector_subcore>, window_params = [{transform_indices = #map}, {transform_indices = #map}, {transform_indices = #map1}, {transform_indices = #map1}, {transform_indices = #map}, {transform_indices = #map}]} {
    %mul3A = arith.constant 2 : i32
    %mul3A_0 = arith.muli %arg1, %mul3A : i32
    %add3A = arith.addi %mul3A_0, %arg0 : i32
    %mul3A_1 = arith.constant 64 : i32
    %mul3A_2 = arith.muli %add3A, %mul3A_1 : i32
    %mul3A_3 = arith.constant 80 : i32
    %mul3A_4 = arith.muli %mul3A_2, %mul3A_3 : i32
    "tpu.region"() ({
      %run_scoped3A = tpu.sem_alloc : memref<!tpu.dma_semaphore, #tpu.memory_space<semaphore_mem>>
      %dma_start3A_177 = tpu.memref_slice %arg4[%mul3A_4] : memref<163840xi32, #tpu.memory_space<hbm>> -> memref<5120xi32, #tpu.memory_space<hbm>>
      %dma_start3A_178 = tpu.memref_slice %arg4[%mul3A_4] : memref<163840xi32, #tpu.memory_space<hbm>> -> memref<5120xi32, #tpu.memory_space<hbm>>
      tpu.enqueue_dma source(%dma_start3A_178 : memref<5120xi32, #tpu.memory_space<hbm>>) target(%arg8 : memref<5120xi32, #tpu.memory_space<vmem>>) target_semaphore(%run_scoped3A : memref<!tpu.dma_semaphore, #tpu.memory_space<semaphore_mem>>)
      %dma_wait3A_179 = tpu.memref_slice %arg4[%mul3A_4] : memref<163840xi32, #tpu.memory_space<hbm>> -> memref<5120xi32, #tpu.memory_space<hbm>>
      %dma_wait3A_180 = tpu.memref_slice %arg4[%mul3A_4] : memref<163840xi32, #tpu.memory_space<hbm>> -> memref<5120xi32, #tpu.memory_space<hbm>>
      tpu.wait_dma2 semaphore(%run_scoped3A : memref<!tpu.dma_semaphore, #tpu.memory_space<semaphore_mem>>) src(%dma_wait3A_180 : memref<5120xi32, #tpu.memory_space<hbm>>) dst(%arg8 : memref<5120xi32, #tpu.memory_space<vmem>>)
      tpu.yield
    }) : () -> ()
    %mul3A_5 = arith.constant 80 : i32
    %mul3A_6 = arith.muli %mul3A_2, %mul3A_5 : i32
    "tpu.region"() ({
      %run_scoped3A = tpu.sem_alloc : memref<!tpu.dma_semaphore, #tpu.memory_space<semaphore_mem>>
      %dma_start3A_177 = tpu.memref_slice %arg5[%mul3A_6] : memref<163840xi32, #tpu.memory_space<hbm>> -> memref<5120xi32, #tpu.memory_space<hbm>>
      %dma_start3A_178 = tpu.memref_slice %arg5[%mul3A_6] : memref<163840xi32, #tpu.memory_space<hbm>> -> memref<5120xi32, #tpu.memory_space<hbm>>
      tpu.enqueue_dma source(%dma_start3A_178 : memref<5120xi32, #tpu.memory_space<hbm>>) target(%arg9 : memref<5120xi32, #tpu.memory_space<vmem>>) target_semaphore(%run_scoped3A : memref<!tpu.dma_semaphore, #tpu.memory_space<semaphore_mem>>)
      %dma_wait3A_179 = tpu.memref_slice %arg5[%mul3A_6] : memref<163840xi32, #tpu.memory_space<hbm>> -> memref<5120xi32, #tpu.memory_space<hbm>>
      %dma_wait3A_180 = tpu.memref_slice %arg5[%mul3A_6] : memref<163840xi32, #tpu.memory_space<hbm>> -> memref<5120xi32, #tpu.memory_space<hbm>>
      tpu.wait_dma2 semaphore(%run_scoped3A : memref<!tpu.dma_semaphore, #tpu.memory_space<semaphore_mem>>) src(%dma_wait3A_180 : memref<5120xi32, #tpu.memory_space<hbm>>) dst(%arg9 : memref<5120xi32, #tpu.memory_space<vmem>>)
      tpu.yield
    }) : () -> ()
    %scan3A = arith.constant 0 : i32
    %scan3A_7 = arith.constant 12 : i32
    %scan3A_8 = arith.addi %scan3A, %scan3A_7 : i32
    %scan3A_9 = arith.constant 1 : i32
    scf.for %scan3A_177 = %scan3A to %scan3A_8 step %scan3A_9  : i32 {
      %mul3A_178 = arith.constant 5 : i32
      %mul3A_179 = arith.muli %scan3A_177, %mul3A_178 : i32
      %add3A_180 = arith.constant 0 : i32
      %add3A_181 = arith.addi %mul3A_179, %add3A_180 : i32
      %mul3A_182 = arith.constant 80 : i32
      %mul3A_183 = arith.muli %add3A_181, %mul3A_182 : i32
      %dma_start3A_184 = tpu.memref_slice %arg8[%mul3A_183] : memref<5120xi32, #tpu.memory_space<vmem>> -> memref<80xi32, #tpu.memory_space<vmem>>
      %dma_start3A_185 = arith.constant 0 : i32
      %dma_start3A_186 = arith.constant 0 : i32
      %dma_start3A_187 = tpu.memref_slice %arg2[%dma_start3A_185, %dma_start3A_186] : memref<10000x128xi32, #tpu.memory_space<hbm>> -> memref<10000x128xi32, #tpu.memory_space<hbm>>
      tpu.enqueue_indirect_dma source(%dma_start3A_187 : memref<10000x128xi32, #tpu.memory_space<hbm>>) target(%arg10 : memref<80x128xi32, #tpu.memory_space<vmem>>) offsets(%dma_start3A_184 : memref<80xi32, #tpu.memory_space<vmem>>) semaphore(%arg20 : memref<!tpu.dma_semaphore, #tpu.memory_space<semaphore_mem>>)
      %add3A_188 = arith.constant 1 : i32
      %add3A_189 = arith.addi %mul3A_179, %add3A_188 : i32
      %mul3A_190 = arith.constant 80 : i32
      %mul3A_191 = arith.muli %add3A_189, %mul3A_190 : i32
      %dma_start3A_192 = tpu.memref_slice %arg8[%mul3A_191] : memref<5120xi32, #tpu.memory_space<vmem>> -> memref<80xi32, #tpu.memory_space<vmem>>
      %dma_start3A_193 = arith.constant 0 : i32
      %dma_start3A_194 = arith.constant 0 : i32
      %dma_start3A_195 = tpu.memref_slice %arg2[%dma_start3A_193, %dma_start3A_194] : memref<10000x128xi32, #tpu.memory_space<hbm>> -> memref<10000x128xi32, #tpu.memory_space<hbm>>
      tpu.enqueue_indirect_dma source(%dma_start3A_195 : memref<10000x128xi32, #tpu.memory_space<hbm>>) target(%arg11 : memref<80x128xi32, #tpu.memory_space<vmem>>) offsets(%dma_start3A_192 : memref<80xi32, #tpu.memory_space<vmem>>) semaphore(%arg21 : memref<!tpu.dma_semaphore, #tpu.memory_space<semaphore_mem>>)
      %add3A_196 = arith.constant 2 : i32
      %add3A_197 = arith.addi %mul3A_179, %add3A_196 : i32
      %mul3A_198 = arith.constant 80 : i32
      %mul3A_199 = arith.muli %add3A_197, %mul3A_198 : i32
      %dma_start3A_200 = tpu.memref_slice %arg8[%mul3A_199] : memref<5120xi32, #tpu.memory_space<vmem>> -> memref<80xi32, #tpu.memory_space<vmem>>
      %dma_start3A_201 = arith.constant 0 : i32
      %dma_start3A_202 = arith.constant 0 : i32
      %dma_start3A_203 = tpu.memref_slice %arg2[%dma_start3A_201, %dma_start3A_202] : memref<10000x128xi32, #tpu.memory_space<hbm>> -> memref<10000x128xi32, #tpu.memory_space<hbm>>
      tpu.enqueue_indirect_dma source(%dma_start3A_203 : memref<10000x128xi32, #tpu.memory_space<hbm>>) target(%arg12 : memref<80x128xi32, #tpu.memory_space<vmem>>) offsets(%dma_start3A_200 : memref<80xi32, #tpu.memory_space<vmem>>) semaphore(%arg22 : memref<!tpu.dma_semaphore, #tpu.memory_space<semaphore_mem>>)
      %add3A_204 = arith.constant 3 : i32
      %add3A_205 = arith.addi %mul3A_179, %add3A_204 : i32
      %mul3A_206 = arith.constant 80 : i32
      %mul3A_207 = arith.muli %add3A_205, %mul3A_206 : i32
      %dma_start3A_208 = tpu.memref_slice %arg8[%mul3A_207] : memref<5120xi32, #tpu.memory_space<vmem>> -> memref<80xi32, #tpu.memory_space<vmem>>
      %dma_start3A_209 = arith.constant 0 : i32
      %dma_start3A_210 = arith.constant 0 : i32
      %dma_start3A_211 = tpu.memref_slice %arg2[%dma_start3A_209, %dma_start3A_210] : memref<10000x128xi32, #tpu.memory_space<hbm>> -> memref<10000x128xi32, #tpu.memory_space<hbm>>
      tpu.enqueue_indirect_dma source(%dma_start3A_211 : memref<10000x128xi32, #tpu.memory_space<hbm>>) target(%arg13 : memref<80x128xi32, #tpu.memory_space<vmem>>) offsets(%dma_start3A_208 : memref<80xi32, #tpu.memory_space<vmem>>) semaphore(%arg23 : memref<!tpu.dma_semaphore, #tpu.memory_space<semaphore_mem>>)
      %add3A_212 = arith.constant 4 : i32
      %add3A_213 = arith.addi %mul3A_179, %add3A_212 : i32
      %mul3A_214 = arith.constant 80 : i32
      %mul3A_215 = arith.muli %add3A_213, %mul3A_214 : i32
      %dma_start3A_216 = tpu.memref_slice %arg8[%mul3A_215] : memref<5120xi32, #tpu.memory_space<vmem>> -> memref<80xi32, #tpu.memory_space<vmem>>
      %dma_start3A_217 = arith.constant 0 : i32
      %dma_start3A_218 = arith.constant 0 : i32
      %dma_start3A_219 = tpu.memref_slice %arg2[%dma_start3A_217, %dma_start3A_218] : memref<10000x128xi32, #tpu.memory_space<hbm>> -> memref<10000x128xi32, #tpu.memory_space<hbm>>
      tpu.enqueue_indirect_dma source(%dma_start3A_219 : memref<10000x128xi32, #tpu.memory_space<hbm>>) target(%arg14 : memref<80x128xi32, #tpu.memory_space<vmem>>) offsets(%dma_start3A_216 : memref<80xi32, #tpu.memory_space<vmem>>) semaphore(%arg24 : memref<!tpu.dma_semaphore, #tpu.memory_space<semaphore_mem>>)
      %add3A_220 = arith.constant 0 : i32
      %add3A_221 = arith.addi %mul3A_179, %add3A_220 : i32
      %mul3A_222 = arith.constant 80 : i32
      %mul3A_223 = arith.muli %add3A_221, %mul3A_222 : i32
      %dma_start3A_224 = tpu.memref_slice %arg9[%mul3A_223] : memref<5120xi32, #tpu.memory_space<vmem>> -> memref<80xi32, #tpu.memory_space<vmem>>
      %dma_start3A_225 = arith.constant 0 : i32
      %dma_start3A_226 = arith.constant 0 : i32
      %dma_start3A_227 = tpu.memref_slice %arg3[%dma_start3A_225, %dma_start3A_226] : memref<10000x128xi32, #tpu.memory_space<hbm>> -> memref<10000x128xi32, #tpu.memory_space<hbm>>
      tpu.enqueue_indirect_dma source(%dma_start3A_227 : memref<10000x128xi32, #tpu.memory_space<hbm>>) target(%arg15 : memref<80x128xi32, #tpu.memory_space<vmem>>) offsets(%dma_start3A_224 : memref<80xi32, #tpu.memory_space<vmem>>) semaphore(%arg25 : memref<!tpu.dma_semaphore, #tpu.memory_space<semaphore_mem>>)
      %add3A_228 = arith.constant 1 : i32
      %add3A_229 = arith.addi %mul3A_179, %add3A_228 : i32
      %mul3A_230 = arith.constant 80 : i32
      %mul3A_231 = arith.muli %add3A_229, %mul3A_230 : i32
      %dma_start3A_232 = tpu.memref_slice %arg9[%mul3A_231] : memref<5120xi32, #tpu.memory_space<vmem>> -> memref<80xi32, #tpu.memory_space<vmem>>
      %dma_start3A_233 = arith.constant 0 : i32
      %dma_start3A_234 = arith.constant 0 : i32
      %dma_start3A_235 = tpu.memref_slice %arg3[%dma_start3A_233, %dma_start3A_234] : memref<10000x128xi32, #tpu.memory_space<hbm>> -> memref<10000x128xi32, #tpu.memory_space<hbm>>
      tpu.enqueue_indirect_dma source(%dma_start3A_235 : memref<10000x128xi32, #tpu.memory_space<hbm>>) target(%arg16 : memref<80x128xi32, #tpu.memory_space<vmem>>) offsets(%dma_start3A_232 : memref<80xi32, #tpu.memory_space<vmem>>) semaphore(%arg26 : memref<!tpu.dma_semaphore, #tpu.memory_space<semaphore_mem>>)
      %add3A_236 = arith.constant 2 : i32
      %add3A_237 = arith.addi %mul3A_179, %add3A_236 : i32
      %mul3A_238 = arith.constant 80 : i32
      %mul3A_239 = arith.muli %add3A_237, %mul3A_238 : i32
      %dma_start3A_240 = tpu.memref_slice %arg9[%mul3A_239] : memref<5120xi32, #tpu.memory_space<vmem>> -> memref<80xi32, #tpu.memory_space<vmem>>
      %dma_start3A_241 = arith.constant 0 : i32
      %dma_start3A_242 = arith.constant 0 : i32
      %dma_start3A_243 = tpu.memref_slice %arg3[%dma_start3A_241, %dma_start3A_242] : memref<10000x128xi32, #tpu.memory_space<hbm>> -> memref<10000x128xi32, #tpu.memory_space<hbm>>
      tpu.enqueue_indirect_dma source(%dma_start3A_243 : memref<10000x128xi32, #tpu.memory_space<hbm>>) target(%arg17 : memref<80x128xi32, #tpu.memory_space<vmem>>) offsets(%dma_start3A_240 : memref<80xi32, #tpu.memory_space<vmem>>) semaphore(%arg27 : memref<!tpu.dma_semaphore, #tpu.memory_space<semaphore_mem>>)
      %add3A_244 = arith.constant 3 : i32
      %add3A_245 = arith.addi %mul3A_179, %add3A_244 : i32
      %mul3A_246 = arith.constant 80 : i32
      %mul3A_247 = arith.muli %add3A_245, %mul3A_246 : i32
      %dma_start3A_248 = tpu.memref_slice %arg9[%mul3A_247] : memref<5120xi32, #tpu.memory_space<vmem>> -> memref<80xi32, #tpu.memory_space<vmem>>
      %dma_start3A_249 = arith.constant 0 : i32
      %dma_start3A_250 = arith.constant 0 : i32
      %dma_start3A_251 = tpu.memref_slice %arg3[%dma_start3A_249, %dma_start3A_250] : memref<10000x128xi32, #tpu.memory_space<hbm>> -> memref<10000x128xi32, #tpu.memory_space<hbm>>
      tpu.enqueue_indirect_dma source(%dma_start3A_251 : memref<10000x128xi32, #tpu.memory_space<hbm>>) target(%arg18 : memref<80x128xi32, #tpu.memory_space<vmem>>) offsets(%dma_start3A_248 : memref<80xi32, #tpu.memory_space<vmem>>) semaphore(%arg28 : memref<!tpu.dma_semaphore, #tpu.memory_space<semaphore_mem>>)
      %add3A_252 = arith.constant 4 : i32
      %add3A_253 = arith.addi %mul3A_179, %add3A_252 : i32
      %mul3A_254 = arith.constant 80 : i32
      %mul3A_255 = arith.muli %add3A_253, %mul3A_254 : i32
      %dma_start3A_256 = tpu.memref_slice %arg9[%mul3A_255] : memref<5120xi32, #tpu.memory_space<vmem>> -> memref<80xi32, #tpu.memory_space<vmem>>
      %dma_start3A_257 = arith.constant 0 : i32
      %dma_start3A_258 = arith.constant 0 : i32
      %dma_start3A_259 = tpu.memref_slice %arg3[%dma_start3A_257, %dma_start3A_258] : memref<10000x128xi32, #tpu.memory_space<hbm>> -> memref<10000x128xi32, #tpu.memory_space<hbm>>
      tpu.enqueue_indirect_dma source(%dma_start3A_259 : memref<10000x128xi32, #tpu.memory_space<hbm>>) target(%arg19 : memref<80x128xi32, #tpu.memory_space<vmem>>) offsets(%dma_start3A_256 : memref<80xi32, #tpu.memory_space<vmem>>) semaphore(%arg29 : memref<!tpu.dma_semaphore, #tpu.memory_space<semaphore_mem>>)
      %dma_wait3A_260 = tpu.memref_slice %arg8[%mul3A_183] : memref<5120xi32, #tpu.memory_space<vmem>> -> memref<80xi32, #tpu.memory_space<vmem>>
      %dma_wait3A_261 = arith.constant 0 : i32
      %dma_wait3A_262 = arith.constant 0 : i32
      %dma_wait3A_263 = tpu.memref_slice %arg2[%dma_wait3A_261, %dma_wait3A_262] : memref<10000x128xi32, #tpu.memory_space<hbm>> -> memref<10000x128xi32, #tpu.memory_space<hbm>>
      tpu.wait_indirect_dma semaphore(%arg20 : memref<!tpu.dma_semaphore, #tpu.memory_space<semaphore_mem>>) src(%dma_wait3A_263 : memref<10000x128xi32, #tpu.memory_space<hbm>>) dst(%arg10 : memref<80x128xi32, #tpu.memory_space<vmem>>)
      %dma_wait3A_264 = tpu.memref_slice %arg9[%mul3A_223] : memref<5120xi32, #tpu.memory_space<vmem>> -> memref<80xi32, #tpu.memory_space<vmem>>
      %dma_wait3A_265 = arith.constant 0 : i32
      %dma_wait3A_266 = arith.constant 0 : i32
      %dma_wait3A_267 = tpu.memref_slice %arg3[%dma_wait3A_265, %dma_wait3A_266] : memref<10000x128xi32, #tpu.memory_space<hbm>> -> memref<10000x128xi32, #tpu.memory_space<hbm>>
      tpu.wait_indirect_dma semaphore(%arg25 : memref<!tpu.dma_semaphore, #tpu.memory_space<semaphore_mem>>) src(%dma_wait3A_267 : memref<10000x128xi32, #tpu.memory_space<hbm>>) dst(%arg15 : memref<80x128xi32, #tpu.memory_space<vmem>>)
      %add3A_268 = arith.addi %mul3A_2, %mul3A_179 : i32
      %add3A_269 = arith.constant 0 : i32
      %add3A_270 = arith.addi %add3A_268, %add3A_269 : i32
      %mul3A_271 = arith.constant 80 : i32
      %mul3A_272 = arith.muli %add3A_270, %mul3A_271 : i32
      %dma_start3A_273 = arith.constant 0 : i32
      %dma_start3A_274 = tpu.memref_slice %arg6[%mul3A_272, %dma_start3A_273] : memref<163840x128xi32, #tpu.memory_space<hbm>> -> memref<80x128xi32, #tpu.memory_space<hbm>>
      %dma_start3A_275 = arith.constant 0 : i32
      %dma_start3A_276 = tpu.memref_slice %arg6[%mul3A_272, %dma_start3A_275] : memref<163840x128xi32, #tpu.memory_space<hbm>> -> memref<80x128xi32, #tpu.memory_space<hbm>>
      tpu.enqueue_dma source(%arg10 : memref<80x128xi32, #tpu.memory_space<vmem>>) target(%dma_start3A_276 : memref<80x128xi32, #tpu.memory_space<hbm>>) target_semaphore(%arg20 : memref<!tpu.dma_semaphore, #tpu.memory_space<semaphore_mem>>)
      %dma_start3A_277 = arith.constant 0 : i32
      %dma_start3A_278 = tpu.memref_slice %arg7[%mul3A_272, %dma_start3A_277] : memref<163840x128xi32, #tpu.memory_space<hbm>> -> memref<80x128xi32, #tpu.memory_space<hbm>>
      %dma_start3A_279 = arith.constant 0 : i32
      %dma_start3A_280 = tpu.memref_slice %arg7[%mul3A_272, %dma_start3A_279] : memref<163840x128xi32, #tpu.memory_space<hbm>> -> memref<80x128xi32, #tpu.memory_space<hbm>>
      tpu.enqueue_dma source(%arg15 : memref<80x128xi32, #tpu.memory_space<vmem>>) target(%dma_start3A_280 : memref<80x128xi32, #tpu.memory_space<hbm>>) target_semaphore(%arg25 : memref<!tpu.dma_semaphore, #tpu.memory_space<semaphore_mem>>)
      %dma_wait3A_281 = tpu.memref_slice %arg8[%mul3A_191] : memref<5120xi32, #tpu.memory_space<vmem>> -> memref<80xi32, #tpu.memory_space<vmem>>
      %dma_wait3A_282 = arith.constant 0 : i32
      %dma_wait3A_283 = arith.constant 0 : i32
      %dma_wait3A_284 = tpu.memref_slice %arg2[%dma_wait3A_282, %dma_wait3A_283] : memref<10000x128xi32, #tpu.memory_space<hbm>> -> memref<10000x128xi32, #tpu.memory_space<hbm>>
      tpu.wait_indirect_dma semaphore(%arg21 : memref<!tpu.dma_semaphore, #tpu.memory_space<semaphore_mem>>) src(%dma_wait3A_284 : memref<10000x128xi32, #tpu.memory_space<hbm>>) dst(%arg11 : memref<80x128xi32, #tpu.memory_space<vmem>>)
      %dma_wait3A_285 = tpu.memref_slice %arg9[%mul3A_231] : memref<5120xi32, #tpu.memory_space<vmem>> -> memref<80xi32, #tpu.memory_space<vmem>>
      %dma_wait3A_286 = arith.constant 0 : i32
      %dma_wait3A_287 = arith.constant 0 : i32
      %dma_wait3A_288 = tpu.memref_slice %arg3[%dma_wait3A_286, %dma_wait3A_287] : memref<10000x128xi32, #tpu.memory_space<hbm>> -> memref<10000x128xi32, #tpu.memory_space<hbm>>
      tpu.wait_indirect_dma semaphore(%arg26 : memref<!tpu.dma_semaphore, #tpu.memory_space<semaphore_mem>>) src(%dma_wait3A_288 : memref<10000x128xi32, #tpu.memory_space<hbm>>) dst(%arg16 : memref<80x128xi32, #tpu.memory_space<vmem>>)
      %add3A_289 = arith.addi %mul3A_2, %mul3A_179 : i32
      %add3A_290 = arith.constant 1 : i32
      %add3A_291 = arith.addi %add3A_289, %add3A_290 : i32
      %mul3A_292 = arith.constant 80 : i32
      %mul3A_293 = arith.muli %add3A_291, %mul3A_292 : i32
      %dma_start3A_294 = arith.constant 0 : i32
      %dma_start3A_295 = tpu.memref_slice %arg6[%mul3A_293, %dma_start3A_294] : memref<163840x128xi32, #tpu.memory_space<hbm>> -> memref<80x128xi32, #tpu.memory_space<hbm>>
      %dma_start3A_296 = arith.constant 0 : i32
      %dma_start3A_297 = tpu.memref_slice %arg6[%mul3A_293, %dma_start3A_296] : memref<163840x128xi32, #tpu.memory_space<hbm>> -> memref<80x128xi32, #tpu.memory_space<hbm>>
      tpu.enqueue_dma source(%arg11 : memref<80x128xi32, #tpu.memory_space<vmem>>) target(%dma_start3A_297 : memref<80x128xi32, #tpu.memory_space<hbm>>) target_semaphore(%arg21 : memref<!tpu.dma_semaphore, #tpu.memory_space<semaphore_mem>>)
      %dma_start3A_298 = arith.constant 0 : i32
      %dma_start3A_299 = tpu.memref_slice %arg7[%mul3A_293, %dma_start3A_298] : memref<163840x128xi32, #tpu.memory_space<hbm>> -> memref<80x128xi32, #tpu.memory_space<hbm>>
      %dma_start3A_300 = arith.constant 0 : i32
      %dma_start3A_301 = tpu.memref_slice %arg7[%mul3A_293, %dma_start3A_300] : memref<163840x128xi32, #tpu.memory_space<hbm>> -> memref<80x128xi32, #tpu.memory_space<hbm>>
      tpu.enqueue_dma source(%arg16 : memref<80x128xi32, #tpu.memory_space<vmem>>) target(%dma_start3A_301 : memref<80x128xi32, #tpu.memory_space<hbm>>) target_semaphore(%arg26 : memref<!tpu.dma_semaphore, #tpu.memory_space<semaphore_mem>>)
      %dma_wait3A_302 = tpu.memref_slice %arg8[%mul3A_199] : memref<5120xi32, #tpu.memory_space<vmem>> -> memref<80xi32, #tpu.memory_space<vmem>>
      %dma_wait3A_303 = arith.constant 0 : i32
      %dma_wait3A_304 = arith.constant 0 : i32
      %dma_wait3A_305 = tpu.memref_slice %arg2[%dma_wait3A_303, %dma_wait3A_304] : memref<10000x128xi32, #tpu.memory_space<hbm>> -> memref<10000x128xi32, #tpu.memory_space<hbm>>
      tpu.wait_indirect_dma semaphore(%arg22 : memref<!tpu.dma_semaphore, #tpu.memory_space<semaphore_mem>>) src(%dma_wait3A_305 : memref<10000x128xi32, #tpu.memory_space<hbm>>) dst(%arg12 : memref<80x128xi32, #tpu.memory_space<vmem>>)
      %dma_wait3A_306 = tpu.memref_slice %arg9[%mul3A_239] : memref<5120xi32, #tpu.memory_space<vmem>> -> memref<80xi32, #tpu.memory_space<vmem>>
      %dma_wait3A_307 = arith.constant 0 : i32
      %dma_wait3A_308 = arith.constant 0 : i32
      %dma_wait3A_309 = tpu.memref_slice %arg3[%dma_wait3A_307, %dma_wait3A_308] : memref<10000x128xi32, #tpu.memory_space<hbm>> -> memref<10000x128xi32, #tpu.memory_space<hbm>>
      tpu.wait_indirect_dma semaphore(%arg27 : memref<!tpu.dma_semaphore, #tpu.memory_space<semaphore_mem>>) src(%dma_wait3A_309 : memref<10000x128xi32, #tpu.memory_space<hbm>>) dst(%arg17 : memref<80x128xi32, #tpu.memory_space<vmem>>)
      %add3A_310 = arith.addi %mul3A_2, %mul3A_179 : i32
      %add3A_311 = arith.constant 2 : i32
      %add3A_312 = arith.addi %add3A_310, %add3A_311 : i32
      %mul3A_313 = arith.constant 80 : i32
      %mul3A_314 = arith.muli %add3A_312, %mul3A_313 : i32
      %dma_start3A_315 = arith.constant 0 : i32
      %dma_start3A_316 = tpu.memref_slice %arg6[%mul3A_314, %dma_start3A_315] : memref<163840x128xi32, #tpu.memory_space<hbm>> -> memref<80x128xi32, #tpu.memory_space<hbm>>
      %dma_start3A_317 = arith.constant 0 : i32
      %dma_start3A_318 = tpu.memref_slice %arg6[%mul3A_314, %dma_start3A_317] : memref<163840x128xi32, #tpu.memory_space<hbm>> -> memref<80x128xi32, #tpu.memory_space<hbm>>
      tpu.enqueue_dma source(%arg12 : memref<80x128xi32, #tpu.memory_space<vmem>>) target(%dma_start3A_318 : memref<80x128xi32, #tpu.memory_space<hbm>>) target_semaphore(%arg22 : memref<!tpu.dma_semaphore, #tpu.memory_space<semaphore_mem>>)
      %dma_start3A_319 = arith.constant 0 : i32
      %dma_start3A_320 = tpu.memref_slice %arg7[%mul3A_314, %dma_start3A_319] : memref<163840x128xi32, #tpu.memory_space<hbm>> -> memref<80x128xi32, #tpu.memory_space<hbm>>
      %dma_start3A_321 = arith.constant 0 : i32
      %dma_start3A_322 = tpu.memref_slice %arg7[%mul3A_314, %dma_start3A_321] : memref<163840x128xi32, #tpu.memory_space<hbm>> -> memref<80x128xi32, #tpu.memory_space<hbm>>
      tpu.enqueue_dma source(%arg17 : memref<80x128xi32, #tpu.memory_space<vmem>>) target(%dma_start3A_322 : memref<80x128xi32, #tpu.memory_space<hbm>>) target_semaphore(%arg27 : memref<!tpu.dma_semaphore, #tpu.memory_space<semaphore_mem>>)
      %dma_wait3A_323 = tpu.memref_slice %arg8[%mul3A_207] : memref<5120xi32, #tpu.memory_space<vmem>> -> memref<80xi32, #tpu.memory_space<vmem>>
      %dma_wait3A_324 = arith.constant 0 : i32
      %dma_wait3A_325 = arith.constant 0 : i32
      %dma_wait3A_326 = tpu.memref_slice %arg2[%dma_wait3A_324, %dma_wait3A_325] : memref<10000x128xi32, #tpu.memory_space<hbm>> -> memref<10000x128xi32, #tpu.memory_space<hbm>>
      tpu.wait_indirect_dma semaphore(%arg23 : memref<!tpu.dma_semaphore, #tpu.memory_space<semaphore_mem>>) src(%dma_wait3A_326 : memref<10000x128xi32, #tpu.memory_space<hbm>>) dst(%arg13 : memref<80x128xi32, #tpu.memory_space<vmem>>)
      %dma_wait3A_327 = tpu.memref_slice %arg9[%mul3A_247] : memref<5120xi32, #tpu.memory_space<vmem>> -> memref<80xi32, #tpu.memory_space<vmem>>
      %dma_wait3A_328 = arith.constant 0 : i32
      %dma_wait3A_329 = arith.constant 0 : i32
      %dma_wait3A_330 = tpu.memref_slice %arg3[%dma_wait3A_328, %dma_wait3A_329] : memref<10000x128xi32, #tpu.memory_space<hbm>> -> memref<10000x128xi32, #tpu.memory_space<hbm>>
      tpu.wait_indirect_dma semaphore(%arg28 : memref<!tpu.dma_semaphore, #tpu.memory_space<semaphore_mem>>) src(%dma_wait3A_330 : memref<10000x128xi32, #tpu.memory_space<hbm>>) dst(%arg18 : memref<80x128xi32, #tpu.memory_space<vmem>>)
      %add3A_331 = arith.addi %mul3A_2, %mul3A_179 : i32
      %add3A_332 = arith.constant 3 : i32
      %add3A_333 = arith.addi %add3A_331, %add3A_332 : i32
      %mul3A_334 = arith.constant 80 : i32
      %mul3A_335 = arith.muli %add3A_333, %mul3A_334 : i32
      %dma_start3A_336 = arith.constant 0 : i32
      %dma_start3A_337 = tpu.memref_slice %arg6[%mul3A_335, %dma_start3A_336] : memref<163840x128xi32, #tpu.memory_space<hbm>> -> memref<80x128xi32, #tpu.memory_space<hbm>>
      %dma_start3A_338 = arith.constant 0 : i32
      %dma_start3A_339 = tpu.memref_slice %arg6[%mul3A_335, %dma_start3A_338] : memref<163840x128xi32, #tpu.memory_space<hbm>> -> memref<80x128xi32, #tpu.memory_space<hbm>>
      tpu.enqueue_dma source(%arg13 : memref<80x128xi32, #tpu.memory_space<vmem>>) target(%dma_start3A_339 : memref<80x128xi32, #tpu.memory_space<hbm>>) target_semaphore(%arg23 : memref<!tpu.dma_semaphore, #tpu.memory_space<semaphore_mem>>)
      %dma_start3A_340 = arith.constant 0 : i32
      %dma_start3A_341 = tpu.memref_slice %arg7[%mul3A_335, %dma_start3A_340] : memref<163840x128xi32, #tpu.memory_space<hbm>> -> memref<80x128xi32, #tpu.memory_space<hbm>>
      %dma_start3A_342 = arith.constant 0 : i32
      %dma_start3A_343 = tpu.memref_slice %arg7[%mul3A_335, %dma_start3A_342] : memref<163840x128xi32, #tpu.memory_space<hbm>> -> memref<80x128xi32, #tpu.memory_space<hbm>>
      tpu.enqueue_dma source(%arg18 : memref<80x128xi32, #tpu.memory_space<vmem>>) target(%dma_start3A_343 : memref<80x128xi32, #tpu.memory_space<hbm>>) target_semaphore(%arg28 : memref<!tpu.dma_semaphore, #tpu.memory_space<semaphore_mem>>)
      %dma_wait3A_344 = tpu.memref_slice %arg8[%mul3A_215] : memref<5120xi32, #tpu.memory_space<vmem>> -> memref<80xi32, #tpu.memory_space<vmem>>
      %dma_wait3A_345 = arith.constant 0 : i32
      %dma_wait3A_346 = arith.constant 0 : i32
      %dma_wait3A_347 = tpu.memref_slice %arg2[%dma_wait3A_345, %dma_wait3A_346] : memref<10000x128xi32, #tpu.memory_space<hbm>> -> memref<10000x128xi32, #tpu.memory_space<hbm>>
      tpu.wait_indirect_dma semaphore(%arg24 : memref<!tpu.dma_semaphore, #tpu.memory_space<semaphore_mem>>) src(%dma_wait3A_347 : memref<10000x128xi32, #tpu.memory_space<hbm>>) dst(%arg14 : memref<80x128xi32, #tpu.memory_space<vmem>>)
      %dma_wait3A_348 = tpu.memref_slice %arg9[%mul3A_255] : memref<5120xi32, #tpu.memory_space<vmem>> -> memref<80xi32, #tpu.memory_space<vmem>>
      %dma_wait3A_349 = arith.constant 0 : i32
      %dma_wait3A_350 = arith.constant 0 : i32
      %dma_wait3A_351 = tpu.memref_slice %arg3[%dma_wait3A_349, %dma_wait3A_350] : memref<10000x128xi32, #tpu.memory_space<hbm>> -> memref<10000x128xi32, #tpu.memory_space<hbm>>
      tpu.wait_indirect_dma semaphore(%arg29 : memref<!tpu.dma_semaphore, #tpu.memory_space<semaphore_mem>>) src(%dma_wait3A_351 : memref<10000x128xi32, #tpu.memory_space<hbm>>) dst(%arg19 : memref<80x128xi32, #tpu.memory_space<vmem>>)
      %add3A_352 = arith.addi %mul3A_2, %mul3A_179 : i32
      %add3A_353 = arith.constant 4 : i32
      %add3A_354 = arith.addi %add3A_352, %add3A_353 : i32
      %mul3A_355 = arith.constant 80 : i32
      %mul3A_356 = arith.muli %add3A_354, %mul3A_355 : i32
      %dma_start3A_357 = arith.constant 0 : i32
      %dma_start3A_358 = tpu.memref_slice %arg6[%mul3A_356, %dma_start3A_357] : memref<163840x128xi32, #tpu.memory_space<hbm>> -> memref<80x128xi32, #tpu.memory_space<hbm>>
      %dma_start3A_359 = arith.constant 0 : i32
      %dma_start3A_360 = tpu.memref_slice %arg6[%mul3A_356, %dma_start3A_359] : memref<163840x128xi32, #tpu.memory_space<hbm>> -> memref<80x128xi32, #tpu.memory_space<hbm>>
      tpu.enqueue_dma source(%arg14 : memref<80x128xi32, #tpu.memory_space<vmem>>) target(%dma_start3A_360 : memref<80x128xi32, #tpu.memory_space<hbm>>) target_semaphore(%arg24 : memref<!tpu.dma_semaphore, #tpu.memory_space<semaphore_mem>>)
      %dma_start3A_361 = arith.constant 0 : i32
      %dma_start3A_362 = tpu.memref_slice %arg7[%mul3A_356, %dma_start3A_361] : memref<163840x128xi32, #tpu.memory_space<hbm>> -> memref<80x128xi32, #tpu.memory_space<hbm>>
      %dma_start3A_363 = arith.constant 0 : i32
      %dma_start3A_364 = tpu.memref_slice %arg7[%mul3A_356, %dma_start3A_363] : memref<163840x128xi32, #tpu.memory_space<hbm>> -> memref<80x128xi32, #tpu.memory_space<hbm>>
      tpu.enqueue_dma source(%arg19 : memref<80x128xi32, #tpu.memory_space<vmem>>) target(%dma_start3A_364 : memref<80x128xi32, #tpu.memory_space<hbm>>) target_semaphore(%arg29 : memref<!tpu.dma_semaphore, #tpu.memory_space<semaphore_mem>>)
      %dma_wait3A_365 = arith.constant 0 : i32
      %dma_wait3A_366 = tpu.memref_slice %arg6[%mul3A_272, %dma_wait3A_365] : memref<163840x128xi32, #tpu.memory_space<hbm>> -> memref<80x128xi32, #tpu.memory_space<hbm>>
      %dma_wait3A_367 = arith.constant 0 : i32
      %dma_wait3A_368 = tpu.memref_slice %arg6[%mul3A_272, %dma_wait3A_367] : memref<163840x128xi32, #tpu.memory_space<hbm>> -> memref<80x128xi32, #tpu.memory_space<hbm>>
      tpu.wait_dma2 semaphore(%arg20 : memref<!tpu.dma_semaphore, #tpu.memory_space<semaphore_mem>>) src(%arg10 : memref<80x128xi32, #tpu.memory_space<vmem>>) dst(%dma_wait3A_368 : memref<80x128xi32, #tpu.memory_space<hbm>>)
      %dma_wait3A_369 = arith.constant 0 : i32
      %dma_wait3A_370 = tpu.memref_slice %arg7[%mul3A_272, %dma_wait3A_369] : memref<163840x128xi32, #tpu.memory_space<hbm>> -> memref<80x128xi32, #tpu.memory_space<hbm>>
      %dma_wait3A_371 = arith.constant 0 : i32
      %dma_wait3A_372 = tpu.memref_slice %arg7[%mul3A_272, %dma_wait3A_371] : memref<163840x128xi32, #tpu.memory_space<hbm>> -> memref<80x128xi32, #tpu.memory_space<hbm>>
      tpu.wait_dma2 semaphore(%arg25 : memref<!tpu.dma_semaphore, #tpu.memory_space<semaphore_mem>>) src(%arg15 : memref<80x128xi32, #tpu.memory_space<vmem>>) dst(%dma_wait3A_372 : memref<80x128xi32, #tpu.memory_space<hbm>>)
      %dma_wait3A_373 = arith.constant 0 : i32
      %dma_wait3A_374 = tpu.memref_slice %arg6[%mul3A_293, %dma_wait3A_373] : memref<163840x128xi32, #tpu.memory_space<hbm>> -> memref<80x128xi32, #tpu.memory_space<hbm>>
      %dma_wait3A_375 = arith.constant 0 : i32
      %dma_wait3A_376 = tpu.memref_slice %arg6[%mul3A_293, %dma_wait3A_375] : memref<163840x128xi32, #tpu.memory_space<hbm>> -> memref<80x128xi32, #tpu.memory_space<hbm>>
      tpu.wait_dma2 semaphore(%arg21 : memref<!tpu.dma_semaphore, #tpu.memory_space<semaphore_mem>>) src(%arg11 : memref<80x128xi32, #tpu.memory_space<vmem>>) dst(%dma_wait3A_376 : memref<80x128xi32, #tpu.memory_space<hbm>>)
      %dma_wait3A_377 = arith.constant 0 : i32
      %dma_wait3A_378 = tpu.memref_slice %arg7[%mul3A_293, %dma_wait3A_377] : memref<163840x128xi32, #tpu.memory_space<hbm>> -> memref<80x128xi32, #tpu.memory_space<hbm>>
      %dma_wait3A_379 = arith.constant 0 : i32
      %dma_wait3A_380 = tpu.memref_slice %arg7[%mul3A_293, %dma_wait3A_379] : memref<163840x128xi32, #tpu.memory_space<hbm>> -> memref<80x128xi32, #tpu.memory_space<hbm>>
      tpu.wait_dma2 semaphore(%arg26 : memref<!tpu.dma_semaphore, #tpu.memory_space<semaphore_mem>>) src(%arg16 : memref<80x128xi32, #tpu.memory_space<vmem>>) dst(%dma_wait3A_380 : memref<80x128xi32, #tpu.memory_space<hbm>>)
      %dma_wait3A_381 = arith.constant 0 : i32
      %dma_wait3A_382 = tpu.memref_slice %arg6[%mul3A_314, %dma_wait3A_381] : memref<163840x128xi32, #tpu.memory_space<hbm>> -> memref<80x128xi32, #tpu.memory_space<hbm>>
      %dma_wait3A_383 = arith.constant 0 : i32
      %dma_wait3A_384 = tpu.memref_slice %arg6[%mul3A_314, %dma_wait3A_383] : memref<163840x128xi32, #tpu.memory_space<hbm>> -> memref<80x128xi32, #tpu.memory_space<hbm>>
      tpu.wait_dma2 semaphore(%arg22 : memref<!tpu.dma_semaphore, #tpu.memory_space<semaphore_mem>>) src(%arg12 : memref<80x128xi32, #tpu.memory_space<vmem>>) dst(%dma_wait3A_384 : memref<80x128xi32, #tpu.memory_space<hbm>>)
      %dma_wait3A_385 = arith.constant 0 : i32
      %dma_wait3A_386 = tpu.memref_slice %arg7[%mul3A_314, %dma_wait3A_385] : memref<163840x128xi32, #tpu.memory_space<hbm>> -> memref<80x128xi32, #tpu.memory_space<hbm>>
      %dma_wait3A_387 = arith.constant 0 : i32
      %dma_wait3A_388 = tpu.memref_slice %arg7[%mul3A_314, %dma_wait3A_387] : memref<163840x128xi32, #tpu.memory_space<hbm>> -> memref<80x128xi32, #tpu.memory_space<hbm>>
      tpu.wait_dma2 semaphore(%arg27 : memref<!tpu.dma_semaphore, #tpu.memory_space<semaphore_mem>>) src(%arg17 : memref<80x128xi32, #tpu.memory_space<vmem>>) dst(%dma_wait3A_388 : memref<80x128xi32, #tpu.memory_space<hbm>>)
      %dma_wait3A_389 = arith.constant 0 : i32
      %dma_wait3A_390 = tpu.memref_slice %arg6[%mul3A_335, %dma_wait3A_389] : memref<163840x128xi32, #tpu.memory_space<hbm>> -> memref<80x128xi32, #tpu.memory_space<hbm>>
      %dma_wait3A_391 = arith.constant 0 : i32
      %dma_wait3A_392 = tpu.memref_slice %arg6[%mul3A_335, %dma_wait3A_391] : memref<163840x128xi32, #tpu.memory_space<hbm>> -> memref<80x128xi32, #tpu.memory_space<hbm>>
      tpu.wait_dma2 semaphore(%arg23 : memref<!tpu.dma_semaphore, #tpu.memory_space<semaphore_mem>>) src(%arg13 : memref<80x128xi32, #tpu.memory_space<vmem>>) dst(%dma_wait3A_392 : memref<80x128xi32, #tpu.memory_space<hbm>>)
      %dma_wait3A_393 = arith.constant 0 : i32
      %dma_wait3A_394 = tpu.memref_slice %arg7[%mul3A_335, %dma_wait3A_393] : memref<163840x128xi32, #tpu.memory_space<hbm>> -> memref<80x128xi32, #tpu.memory_space<hbm>>
      %dma_wait3A_395 = arith.constant 0 : i32
      %dma_wait3A_396 = tpu.memref_slice %arg7[%mul3A_335, %dma_wait3A_395] : memref<163840x128xi32, #tpu.memory_space<hbm>> -> memref<80x128xi32, #tpu.memory_space<hbm>>
      tpu.wait_dma2 semaphore(%arg28 : memref<!tpu.dma_semaphore, #tpu.memory_space<semaphore_mem>>) src(%arg18 : memref<80x128xi32, #tpu.memory_space<vmem>>) dst(%dma_wait3A_396 : memref<80x128xi32, #tpu.memory_space<hbm>>)
      %dma_wait3A_397 = arith.constant 0 : i32
      %dma_wait3A_398 = tpu.memref_slice %arg6[%mul3A_356, %dma_wait3A_397] : memref<163840x128xi32, #tpu.memory_space<hbm>> -> memref<80x128xi32, #tpu.memory_space<hbm>>
      %dma_wait3A_399 = arith.constant 0 : i32
      %dma_wait3A_400 = tpu.memref_slice %arg6[%mul3A_356, %dma_wait3A_399] : memref<163840x128xi32, #tpu.memory_space<hbm>> -> memref<80x128xi32, #tpu.memory_space<hbm>>
      tpu.wait_dma2 semaphore(%arg24 : memref<!tpu.dma_semaphore, #tpu.memory_space<semaphore_mem>>) src(%arg14 : memref<80x128xi32, #tpu.memory_space<vmem>>) dst(%dma_wait3A_400 : memref<80x128xi32, #tpu.memory_space<hbm>>)
      %dma_wait3A_401 = arith.constant 0 : i32
      %dma_wait3A_402 = tpu.memref_slice %arg7[%mul3A_356, %dma_wait3A_401] : memref<163840x128xi32, #tpu.memory_space<hbm>> -> memref<80x128xi32, #tpu.memory_space<hbm>>
      %dma_wait3A_403 = arith.constant 0 : i32
      %dma_wait3A_404 = tpu.memref_slice %arg7[%mul3A_356, %dma_wait3A_403] : memref<163840x128xi32, #tpu.memory_space<hbm>> -> memref<80x128xi32, #tpu.memory_space<hbm>>
      tpu.wait_dma2 semaphore(%arg29 : memref<!tpu.dma_semaphore, #tpu.memory_space<semaphore_mem>>) src(%arg19 : memref<80x128xi32, #tpu.memory_space<vmem>>) dst(%dma_wait3A_404 : memref<80x128xi32, #tpu.memory_space<hbm>>)
    }
    %scan3A_10 = arith.constant 12 : i32
    %dma_start3A = arith.constant 4800 : i32
    %dma_start3A_11 = tpu.memref_slice %arg8[%dma_start3A] : memref<5120xi32, #tpu.memory_space<vmem>> -> memref<80xi32, #tpu.memory_space<vmem>>
    %dma_start3A_12 = arith.constant 0 : i32
    %dma_start3A_13 = arith.constant 0 : i32
    %dma_start3A_14 = tpu.memref_slice %arg2[%dma_start3A_12, %dma_start3A_13] : memref<10000x128xi32, #tpu.memory_space<hbm>> -> memref<10000x128xi32, #tpu.memory_space<hbm>>
    tpu.enqueue_indirect_dma source(%dma_start3A_14 : memref<10000x128xi32, #tpu.memory_space<hbm>>) target(%arg10 : memref<80x128xi32, #tpu.memory_space<vmem>>) offsets(%dma_start3A_11 : memref<80xi32, #tpu.memory_space<vmem>>) semaphore(%arg20 : memref<!tpu.dma_semaphore, #tpu.memory_space<semaphore_mem>>)
    %dma_start3A_15 = arith.constant 4880 : i32
    %dma_start3A_16 = tpu.memref_slice %arg8[%dma_start3A_15] : memref<5120xi32, #tpu.memory_space<vmem>> -> memref<80xi32, #tpu.memory_space<vmem>>
    %dma_start3A_17 = arith.constant 0 : i32
    %dma_start3A_18 = arith.constant 0 : i32
    %dma_start3A_19 = tpu.memref_slice %arg2[%dma_start3A_17, %dma_start3A_18] : memref<10000x128xi32, #tpu.memory_space<hbm>> -> memref<10000x128xi32, #tpu.memory_space<hbm>>
    tpu.enqueue_indirect_dma source(%dma_start3A_19 : memref<10000x128xi32, #tpu.memory_space<hbm>>) target(%arg11 : memref<80x128xi32, #tpu.memory_space<vmem>>) offsets(%dma_start3A_16 : memref<80xi32, #tpu.memory_space<vmem>>) semaphore(%arg21 : memref<!tpu.dma_semaphore, #tpu.memory_space<semaphore_mem>>)
    %dma_start3A_20 = arith.constant 4960 : i32
    %dma_start3A_21 = tpu.memref_slice %arg8[%dma_start3A_20] : memref<5120xi32, #tpu.memory_space<vmem>> -> memref<80xi32, #tpu.memory_space<vmem>>
    %dma_start3A_22 = arith.constant 0 : i32
    %dma_start3A_23 = arith.constant 0 : i32
    %dma_start3A_24 = tpu.memref_slice %arg2[%dma_start3A_22, %dma_start3A_23] : memref<10000x128xi32, #tpu.memory_space<hbm>> -> memref<10000x128xi32, #tpu.memory_space<hbm>>
    tpu.enqueue_indirect_dma source(%dma_start3A_24 : memref<10000x128xi32, #tpu.memory_space<hbm>>) target(%arg12 : memref<80x128xi32, #tpu.memory_space<vmem>>) offsets(%dma_start3A_21 : memref<80xi32, #tpu.memory_space<vmem>>) semaphore(%arg22 : memref<!tpu.dma_semaphore, #tpu.memory_space<semaphore_mem>>)
    %dma_start3A_25 = arith.constant 5040 : i32
    %dma_start3A_26 = tpu.memref_slice %arg8[%dma_start3A_25] : memref<5120xi32, #tpu.memory_space<vmem>> -> memref<80xi32, #tpu.memory_space<vmem>>
    %dma_start3A_27 = arith.constant 0 : i32
    %dma_start3A_28 = arith.constant 0 : i32
    %dma_start3A_29 = tpu.memref_slice %arg2[%dma_start3A_27, %dma_start3A_28] : memref<10000x128xi32, #tpu.memory_space<hbm>> -> memref<10000x128xi32, #tpu.memory_space<hbm>>
    tpu.enqueue_indirect_dma source(%dma_start3A_29 : memref<10000x128xi32, #tpu.memory_space<hbm>>) target(%arg13 : memref<80x128xi32, #tpu.memory_space<vmem>>) offsets(%dma_start3A_26 : memref<80xi32, #tpu.memory_space<vmem>>) semaphore(%arg23 : memref<!tpu.dma_semaphore, #tpu.memory_space<semaphore_mem>>)
    %dma_start3A_30 = arith.constant 4800 : i32
    %dma_start3A_31 = tpu.memref_slice %arg9[%dma_start3A_30] : memref<5120xi32, #tpu.memory_space<vmem>> -> memref<80xi32, #tpu.memory_space<vmem>>
    %dma_start3A_32 = arith.constant 0 : i32
    %dma_start3A_33 = arith.constant 0 : i32
    %dma_start3A_34 = tpu.memref_slice %arg3[%dma_start3A_32, %dma_start3A_33] : memref<10000x128xi32, #tpu.memory_space<hbm>> -> memref<10000x128xi32, #tpu.memory_space<hbm>>
    tpu.enqueue_indirect_dma source(%dma_start3A_34 : memref<10000x128xi32, #tpu.memory_space<hbm>>) target(%arg15 : memref<80x128xi32, #tpu.memory_space<vmem>>) offsets(%dma_start3A_31 : memref<80xi32, #tpu.memory_space<vmem>>) semaphore(%arg25 : memref<!tpu.dma_semaphore, #tpu.memory_space<semaphore_mem>>)
    %dma_start3A_35 = arith.constant 4880 : i32
    %dma_start3A_36 = tpu.memref_slice %arg9[%dma_start3A_35] : memref<5120xi32, #tpu.memory_space<vmem>> -> memref<80xi32, #tpu.memory_space<vmem>>
    %dma_start3A_37 = arith.constant 0 : i32
    %dma_start3A_38 = arith.constant 0 : i32
    %dma_start3A_39 = tpu.memref_slice %arg3[%dma_start3A_37, %dma_start3A_38] : memref<10000x128xi32, #tpu.memory_space<hbm>> -> memref<10000x128xi32, #tpu.memory_space<hbm>>
    tpu.enqueue_indirect_dma source(%dma_start3A_39 : memref<10000x128xi32, #tpu.memory_space<hbm>>) target(%arg16 : memref<80x128xi32, #tpu.memory_space<vmem>>) offsets(%dma_start3A_36 : memref<80xi32, #tpu.memory_space<vmem>>) semaphore(%arg26 : memref<!tpu.dma_semaphore, #tpu.memory_space<semaphore_mem>>)
    %dma_start3A_40 = arith.constant 4960 : i32
    %dma_start3A_41 = tpu.memref_slice %arg9[%dma_start3A_40] : memref<5120xi32, #tpu.memory_space<vmem>> -> memref<80xi32, #tpu.memory_space<vmem>>
    %dma_start3A_42 = arith.constant 0 : i32
    %dma_start3A_43 = arith.constant 0 : i32
    %dma_start3A_44 = tpu.memref_slice %arg3[%dma_start3A_42, %dma_start3A_43] : memref<10000x128xi32, #tpu.memory_space<hbm>> -> memref<10000x128xi32, #tpu.memory_space<hbm>>
    tpu.enqueue_indirect_dma source(%dma_start3A_44 : memref<10000x128xi32, #tpu.memory_space<hbm>>) target(%arg17 : memref<80x128xi32, #tpu.memory_space<vmem>>) offsets(%dma_start3A_41 : memref<80xi32, #tpu.memory_space<vmem>>) semaphore(%arg27 : memref<!tpu.dma_semaphore, #tpu.memory_space<semaphore_mem>>)
    %dma_start3A_45 = arith.constant 5040 : i32
    %dma_start3A_46 = tpu.memref_slice %arg9[%dma_start3A_45] : memref<5120xi32, #tpu.memory_space<vmem>> -> memref<80xi32, #tpu.memory_space<vmem>>
    %dma_start3A_47 = arith.constant 0 : i32
    %dma_start3A_48 = arith.constant 0 : i32
    %dma_start3A_49 = tpu.memref_slice %arg3[%dma_start3A_47, %dma_start3A_48] : memref<10000x128xi32, #tpu.memory_space<hbm>> -> memref<10000x128xi32, #tpu.memory_space<hbm>>
    tpu.enqueue_indirect_dma source(%dma_start3A_49 : memref<10000x128xi32, #tpu.memory_space<hbm>>) target(%arg18 : memref<80x128xi32, #tpu.memory_space<vmem>>) offsets(%dma_start3A_46 : memref<80xi32, #tpu.memory_space<vmem>>) semaphore(%arg28 : memref<!tpu.dma_semaphore, #tpu.memory_space<semaphore_mem>>)
    %dma_wait3A = arith.constant 4800 : i32
    %dma_wait3A_50 = tpu.memref_slice %arg8[%dma_wait3A] : memref<5120xi32, #tpu.memory_space<vmem>> -> memref<80xi32, #tpu.memory_space<vmem>>
    %dma_wait3A_51 = arith.constant 0 : i32
    %dma_wait3A_52 = arith.constant 0 : i32
    %dma_wait3A_53 = tpu.memref_slice %arg2[%dma_wait3A_51, %dma_wait3A_52] : memref<10000x128xi32, #tpu.memory_space<hbm>> -> memref<10000x128xi32, #tpu.memory_space<hbm>>
    tpu.wait_indirect_dma semaphore(%arg20 : memref<!tpu.dma_semaphore, #tpu.memory_space<semaphore_mem>>) src(%dma_wait3A_53 : memref<10000x128xi32, #tpu.memory_space<hbm>>) dst(%arg10 : memref<80x128xi32, #tpu.memory_space<vmem>>)
    %dma_wait3A_54 = arith.constant 4800 : i32
    %dma_wait3A_55 = tpu.memref_slice %arg9[%dma_wait3A_54] : memref<5120xi32, #tpu.memory_space<vmem>> -> memref<80xi32, #tpu.memory_space<vmem>>
    %dma_wait3A_56 = arith.constant 0 : i32
    %dma_wait3A_57 = arith.constant 0 : i32
    %dma_wait3A_58 = tpu.memref_slice %arg3[%dma_wait3A_56, %dma_wait3A_57] : memref<10000x128xi32, #tpu.memory_space<hbm>> -> memref<10000x128xi32, #tpu.memory_space<hbm>>
    tpu.wait_indirect_dma semaphore(%arg25 : memref<!tpu.dma_semaphore, #tpu.memory_space<semaphore_mem>>) src(%dma_wait3A_58 : memref<10000x128xi32, #tpu.memory_space<hbm>>) dst(%arg15 : memref<80x128xi32, #tpu.memory_space<vmem>>)
    %add3A_59 = arith.constant 60 : i32
    %add3A_60 = arith.addi %mul3A_2, %add3A_59 : i32
    %add3A_61 = arith.constant 0 : i32
    %add3A_62 = arith.addi %add3A_60, %add3A_61 : i32
    %mul3A_63 = arith.constant 80 : i32
    %mul3A_64 = arith.muli %add3A_62, %mul3A_63 : i32
    %dma_start3A_65 = arith.constant 0 : i32
    %dma_start3A_66 = tpu.memref_slice %arg6[%mul3A_64, %dma_start3A_65] : memref<163840x128xi32, #tpu.memory_space<hbm>> -> memref<80x128xi32, #tpu.memory_space<hbm>>
    %dma_start3A_67 = arith.constant 0 : i32
    %dma_start3A_68 = tpu.memref_slice %arg6[%mul3A_64, %dma_start3A_67] : memref<163840x128xi32, #tpu.memory_space<hbm>> -> memref<80x128xi32, #tpu.memory_space<hbm>>
    tpu.enqueue_dma source(%arg10 : memref<80x128xi32, #tpu.memory_space<vmem>>) target(%dma_start3A_68 : memref<80x128xi32, #tpu.memory_space<hbm>>) target_semaphore(%arg20 : memref<!tpu.dma_semaphore, #tpu.memory_space<semaphore_mem>>)
    %dma_start3A_69 = arith.constant 0 : i32
    %dma_start3A_70 = tpu.memref_slice %arg7[%mul3A_64, %dma_start3A_69] : memref<163840x128xi32, #tpu.memory_space<hbm>> -> memref<80x128xi32, #tpu.memory_space<hbm>>
    %dma_start3A_71 = arith.constant 0 : i32
    %dma_start3A_72 = tpu.memref_slice %arg7[%mul3A_64, %dma_start3A_71] : memref<163840x128xi32, #tpu.memory_space<hbm>> -> memref<80x128xi32, #tpu.memory_space<hbm>>
    tpu.enqueue_dma source(%arg15 : memref<80x128xi32, #tpu.memory_space<vmem>>) target(%dma_start3A_72 : memref<80x128xi32, #tpu.memory_space<hbm>>) target_semaphore(%arg25 : memref<!tpu.dma_semaphore, #tpu.memory_space<semaphore_mem>>)
    %dma_wait3A_73 = arith.constant 4880 : i32
    %dma_wait3A_74 = tpu.memref_slice %arg8[%dma_wait3A_73] : memref<5120xi32, #tpu.memory_space<vmem>> -> memref<80xi32, #tpu.memory_space<vmem>>
    %dma_wait3A_75 = arith.constant 0 : i32
    %dma_wait3A_76 = arith.constant 0 : i32
    %dma_wait3A_77 = tpu.memref_slice %arg2[%dma_wait3A_75, %dma_wait3A_76] : memref<10000x128xi32, #tpu.memory_space<hbm>> -> memref<10000x128xi32, #tpu.memory_space<hbm>>
    tpu.wait_indirect_dma semaphore(%arg21 : memref<!tpu.dma_semaphore, #tpu.memory_space<semaphore_mem>>) src(%dma_wait3A_77 : memref<10000x128xi32, #tpu.memory_space<hbm>>) dst(%arg11 : memref<80x128xi32, #tpu.memory_space<vmem>>)
    %dma_wait3A_78 = arith.constant 4880 : i32
    %dma_wait3A_79 = tpu.memref_slice %arg9[%dma_wait3A_78] : memref<5120xi32, #tpu.memory_space<vmem>> -> memref<80xi32, #tpu.memory_space<vmem>>
    %dma_wait3A_80 = arith.constant 0 : i32
    %dma_wait3A_81 = arith.constant 0 : i32
    %dma_wait3A_82 = tpu.memref_slice %arg3[%dma_wait3A_80, %dma_wait3A_81] : memref<10000x128xi32, #tpu.memory_space<hbm>> -> memref<10000x128xi32, #tpu.memory_space<hbm>>
    tpu.wait_indirect_dma semaphore(%arg26 : memref<!tpu.dma_semaphore, #tpu.memory_space<semaphore_mem>>) src(%dma_wait3A_82 : memref<10000x128xi32, #tpu.memory_space<hbm>>) dst(%arg16 : memref<80x128xi32, #tpu.memory_space<vmem>>)
    %add3A_83 = arith.constant 60 : i32
    %add3A_84 = arith.addi %mul3A_2, %add3A_83 : i32
    %add3A_85 = arith.constant 1 : i32
    %add3A_86 = arith.addi %add3A_84, %add3A_85 : i32
    %mul3A_87 = arith.constant 80 : i32
    %mul3A_88 = arith.muli %add3A_86, %mul3A_87 : i32
    %dma_start3A_89 = arith.constant 0 : i32
    %dma_start3A_90 = tpu.memref_slice %arg6[%mul3A_88, %dma_start3A_89] : memref<163840x128xi32, #tpu.memory_space<hbm>> -> memref<80x128xi32, #tpu.memory_space<hbm>>
    %dma_start3A_91 = arith.constant 0 : i32
    %dma_start3A_92 = tpu.memref_slice %arg6[%mul3A_88, %dma_start3A_91] : memref<163840x128xi32, #tpu.memory_space<hbm>> -> memref<80x128xi32, #tpu.memory_space<hbm>>
    tpu.enqueue_dma source(%arg11 : memref<80x128xi32, #tpu.memory_space<vmem>>) target(%dma_start3A_92 : memref<80x128xi32, #tpu.memory_space<hbm>>) target_semaphore(%arg21 : memref<!tpu.dma_semaphore, #tpu.memory_space<semaphore_mem>>)
    %dma_start3A_93 = arith.constant 0 : i32
    %dma_start3A_94 = tpu.memref_slice %arg7[%mul3A_88, %dma_start3A_93] : memref<163840x128xi32, #tpu.memory_space<hbm>> -> memref<80x128xi32, #tpu.memory_space<hbm>>
    %dma_start3A_95 = arith.constant 0 : i32
    %dma_start3A_96 = tpu.memref_slice %arg7[%mul3A_88, %dma_start3A_95] : memref<163840x128xi32, #tpu.memory_space<hbm>> -> memref<80x128xi32, #tpu.memory_space<hbm>>
    tpu.enqueue_dma source(%arg16 : memref<80x128xi32, #tpu.memory_space<vmem>>) target(%dma_start3A_96 : memref<80x128xi32, #tpu.memory_space<hbm>>) target_semaphore(%arg26 : memref<!tpu.dma_semaphore, #tpu.memory_space<semaphore_mem>>)
    %dma_wait3A_97 = arith.constant 4960 : i32
    %dma_wait3A_98 = tpu.memref_slice %arg8[%dma_wait3A_97] : memref<5120xi32, #tpu.memory_space<vmem>> -> memref<80xi32, #tpu.memory_space<vmem>>
    %dma_wait3A_99 = arith.constant 0 : i32
    %dma_wait3A_100 = arith.constant 0 : i32
    %dma_wait3A_101 = tpu.memref_slice %arg2[%dma_wait3A_99, %dma_wait3A_100] : memref<10000x128xi32, #tpu.memory_space<hbm>> -> memref<10000x128xi32, #tpu.memory_space<hbm>>
    tpu.wait_indirect_dma semaphore(%arg22 : memref<!tpu.dma_semaphore, #tpu.memory_space<semaphore_mem>>) src(%dma_wait3A_101 : memref<10000x128xi32, #tpu.memory_space<hbm>>) dst(%arg12 : memref<80x128xi32, #tpu.memory_space<vmem>>)
    %dma_wait3A_102 = arith.constant 4960 : i32
    %dma_wait3A_103 = tpu.memref_slice %arg9[%dma_wait3A_102] : memref<5120xi32, #tpu.memory_space<vmem>> -> memref<80xi32, #tpu.memory_space<vmem>>
    %dma_wait3A_104 = arith.constant 0 : i32
    %dma_wait3A_105 = arith.constant 0 : i32
    %dma_wait3A_106 = tpu.memref_slice %arg3[%dma_wait3A_104, %dma_wait3A_105] : memref<10000x128xi32, #tpu.memory_space<hbm>> -> memref<10000x128xi32, #tpu.memory_space<hbm>>
    tpu.wait_indirect_dma semaphore(%arg27 : memref<!tpu.dma_semaphore, #tpu.memory_space<semaphore_mem>>) src(%dma_wait3A_106 : memref<10000x128xi32, #tpu.memory_space<hbm>>) dst(%arg17 : memref<80x128xi32, #tpu.memory_space<vmem>>)
    %add3A_107 = arith.constant 60 : i32
    %add3A_108 = arith.addi %mul3A_2, %add3A_107 : i32
    %add3A_109 = arith.constant 2 : i32
    %add3A_110 = arith.addi %add3A_108, %add3A_109 : i32
    %mul3A_111 = arith.constant 80 : i32
    %mul3A_112 = arith.muli %add3A_110, %mul3A_111 : i32
    %dma_start3A_113 = arith.constant 0 : i32
    %dma_start3A_114 = tpu.memref_slice %arg6[%mul3A_112, %dma_start3A_113] : memref<163840x128xi32, #tpu.memory_space<hbm>> -> memref<80x128xi32, #tpu.memory_space<hbm>>
    %dma_start3A_115 = arith.constant 0 : i32
    %dma_start3A_116 = tpu.memref_slice %arg6[%mul3A_112, %dma_start3A_115] : memref<163840x128xi32, #tpu.memory_space<hbm>> -> memref<80x128xi32, #tpu.memory_space<hbm>>
    tpu.enqueue_dma source(%arg12 : memref<80x128xi32, #tpu.memory_space<vmem>>) target(%dma_start3A_116 : memref<80x128xi32, #tpu.memory_space<hbm>>) target_semaphore(%arg22 : memref<!tpu.dma_semaphore, #tpu.memory_space<semaphore_mem>>)
    %dma_start3A_117 = arith.constant 0 : i32
    %dma_start3A_118 = tpu.memref_slice %arg7[%mul3A_112, %dma_start3A_117] : memref<163840x128xi32, #tpu.memory_space<hbm>> -> memref<80x128xi32, #tpu.memory_space<hbm>>
    %dma_start3A_119 = arith.constant 0 : i32
    %dma_start3A_120 = tpu.memref_slice %arg7[%mul3A_112, %dma_start3A_119] : memref<163840x128xi32, #tpu.memory_space<hbm>> -> memref<80x128xi32, #tpu.memory_space<hbm>>
    tpu.enqueue_dma source(%arg17 : memref<80x128xi32, #tpu.memory_space<vmem>>) target(%dma_start3A_120 : memref<80x128xi32, #tpu.memory_space<hbm>>) target_semaphore(%arg27 : memref<!tpu.dma_semaphore, #tpu.memory_space<semaphore_mem>>)
    %dma_wait3A_121 = arith.constant 5040 : i32
    %dma_wait3A_122 = tpu.memref_slice %arg8[%dma_wait3A_121] : memref<5120xi32, #tpu.memory_space<vmem>> -> memref<80xi32, #tpu.memory_space<vmem>>
    %dma_wait3A_123 = arith.constant 0 : i32
    %dma_wait3A_124 = arith.constant 0 : i32
    %dma_wait3A_125 = tpu.memref_slice %arg2[%dma_wait3A_123, %dma_wait3A_124] : memref<10000x128xi32, #tpu.memory_space<hbm>> -> memref<10000x128xi32, #tpu.memory_space<hbm>>
    tpu.wait_indirect_dma semaphore(%arg23 : memref<!tpu.dma_semaphore, #tpu.memory_space<semaphore_mem>>) src(%dma_wait3A_125 : memref<10000x128xi32, #tpu.memory_space<hbm>>) dst(%arg13 : memref<80x128xi32, #tpu.memory_space<vmem>>)
    %dma_wait3A_126 = arith.constant 5040 : i32
    %dma_wait3A_127 = tpu.memref_slice %arg9[%dma_wait3A_126] : memref<5120xi32, #tpu.memory_space<vmem>> -> memref<80xi32, #tpu.memory_space<vmem>>
    %dma_wait3A_128 = arith.constant 0 : i32
    %dma_wait3A_129 = arith.constant 0 : i32
    %dma_wait3A_130 = tpu.memref_slice %arg3[%dma_wait3A_128, %dma_wait3A_129] : memref<10000x128xi32, #tpu.memory_space<hbm>> -> memref<10000x128xi32, #tpu.memory_space<hbm>>
    tpu.wait_indirect_dma semaphore(%arg28 : memref<!tpu.dma_semaphore, #tpu.memory_space<semaphore_mem>>) src(%dma_wait3A_130 : memref<10000x128xi32, #tpu.memory_space<hbm>>) dst(%arg18 : memref<80x128xi32, #tpu.memory_space<vmem>>)
    %add3A_131 = arith.constant 60 : i32
    %add3A_132 = arith.addi %mul3A_2, %add3A_131 : i32
    %add3A_133 = arith.constant 3 : i32
    %add3A_134 = arith.addi %add3A_132, %add3A_133 : i32
    %mul3A_135 = arith.constant 80 : i32
    %mul3A_136 = arith.muli %add3A_134, %mul3A_135 : i32
    %dma_start3A_137 = arith.constant 0 : i32
    %dma_start3A_138 = tpu.memref_slice %arg6[%mul3A_136, %dma_start3A_137] : memref<163840x128xi32, #tpu.memory_space<hbm>> -> memref<80x128xi32, #tpu.memory_space<hbm>>
    %dma_start3A_139 = arith.constant 0 : i32
    %dma_start3A_140 = tpu.memref_slice %arg6[%mul3A_136, %dma_start3A_139] : memref<163840x128xi32, #tpu.memory_space<hbm>> -> memref<80x128xi32, #tpu.memory_space<hbm>>
    tpu.enqueue_dma source(%arg13 : memref<80x128xi32, #tpu.memory_space<vmem>>) target(%dma_start3A_140 : memref<80x128xi32, #tpu.memory_space<hbm>>) target_semaphore(%arg23 : memref<!tpu.dma_semaphore, #tpu.memory_space<semaphore_mem>>)
    %dma_start3A_141 = arith.constant 0 : i32
    %dma_start3A_142 = tpu.memref_slice %arg7[%mul3A_136, %dma_start3A_141] : memref<163840x128xi32, #tpu.memory_space<hbm>> -> memref<80x128xi32, #tpu.memory_space<hbm>>
    %dma_start3A_143 = arith.constant 0 : i32
    %dma_start3A_144 = tpu.memref_slice %arg7[%mul3A_136, %dma_start3A_143] : memref<163840x128xi32, #tpu.memory_space<hbm>> -> memref<80x128xi32, #tpu.memory_space<hbm>>
    tpu.enqueue_dma source(%arg18 : memref<80x128xi32, #tpu.memory_space<vmem>>) target(%dma_start3A_144 : memref<80x128xi32, #tpu.memory_space<hbm>>) target_semaphore(%arg28 : memref<!tpu.dma_semaphore, #tpu.memory_space<semaphore_mem>>)
    %dma_wait3A_145 = arith.constant 0 : i32
    %dma_wait3A_146 = tpu.memref_slice %arg6[%mul3A_64, %dma_wait3A_145] : memref<163840x128xi32, #tpu.memory_space<hbm>> -> memref<80x128xi32, #tpu.memory_space<hbm>>
    %dma_wait3A_147 = arith.constant 0 : i32
    %dma_wait3A_148 = tpu.memref_slice %arg6[%mul3A_64, %dma_wait3A_147] : memref<163840x128xi32, #tpu.memory_space<hbm>> -> memref<80x128xi32, #tpu.memory_space<hbm>>
    tpu.wait_dma2 semaphore(%arg20 : memref<!tpu.dma_semaphore, #tpu.memory_space<semaphore_mem>>) src(%arg10 : memref<80x128xi32, #tpu.memory_space<vmem>>) dst(%dma_wait3A_148 : memref<80x128xi32, #tpu.memory_space<hbm>>)
    %dma_wait3A_149 = arith.constant 0 : i32
    %dma_wait3A_150 = tpu.memref_slice %arg7[%mul3A_64, %dma_wait3A_149] : memref<163840x128xi32, #tpu.memory_space<hbm>> -> memref<80x128xi32, #tpu.memory_space<hbm>>
    %dma_wait3A_151 = arith.constant 0 : i32
    %dma_wait3A_152 = tpu.memref_slice %arg7[%mul3A_64, %dma_wait3A_151] : memref<163840x128xi32, #tpu.memory_space<hbm>> -> memref<80x128xi32, #tpu.memory_space<hbm>>
    tpu.wait_dma2 semaphore(%arg25 : memref<!tpu.dma_semaphore, #tpu.memory_space<semaphore_mem>>) src(%arg15 : memref<80x128xi32, #tpu.memory_space<vmem>>) dst(%dma_wait3A_152 : memref<80x128xi32, #tpu.memory_space<hbm>>)
    %dma_wait3A_153 = arith.constant 0 : i32
    %dma_wait3A_154 = tpu.memref_slice %arg6[%mul3A_88, %dma_wait3A_153] : memref<163840x128xi32, #tpu.memory_space<hbm>> -> memref<80x128xi32, #tpu.memory_space<hbm>>
    %dma_wait3A_155 = arith.constant 0 : i32
    %dma_wait3A_156 = tpu.memref_slice %arg6[%mul3A_88, %dma_wait3A_155] : memref<163840x128xi32, #tpu.memory_space<hbm>> -> memref<80x128xi32, #tpu.memory_space<hbm>>
    tpu.wait_dma2 semaphore(%arg21 : memref<!tpu.dma_semaphore, #tpu.memory_space<semaphore_mem>>) src(%arg11 : memref<80x128xi32, #tpu.memory_space<vmem>>) dst(%dma_wait3A_156 : memref<80x128xi32, #tpu.memory_space<hbm>>)
    %dma_wait3A_157 = arith.constant 0 : i32
    %dma_wait3A_158 = tpu.memref_slice %arg7[%mul3A_88, %dma_wait3A_157] : memref<163840x128xi32, #tpu.memory_space<hbm>> -> memref<80x128xi32, #tpu.memory_space<hbm>>
    %dma_wait3A_159 = arith.constant 0 : i32
    %dma_wait3A_160 = tpu.memref_slice %arg7[%mul3A_88, %dma_wait3A_159] : memref<163840x128xi32, #tpu.memory_space<hbm>> -> memref<80x128xi32, #tpu.memory_space<hbm>>
    tpu.wait_dma2 semaphore(%arg26 : memref<!tpu.dma_semaphore, #tpu.memory_space<semaphore_mem>>) src(%arg16 : memref<80x128xi32, #tpu.memory_space<vmem>>) dst(%dma_wait3A_160 : memref<80x128xi32, #tpu.memory_space<hbm>>)
    %dma_wait3A_161 = arith.constant 0 : i32
    %dma_wait3A_162 = tpu.memref_slice %arg6[%mul3A_112, %dma_wait3A_161] : memref<163840x128xi32, #tpu.memory_space<hbm>> -> memref<80x128xi32, #tpu.memory_space<hbm>>
    %dma_wait3A_163 = arith.constant 0 : i32
    %dma_wait3A_164 = tpu.memref_slice %arg6[%mul3A_112, %dma_wait3A_163] : memref<163840x128xi32, #tpu.memory_space<hbm>> -> memref<80x128xi32, #tpu.memory_space<hbm>>
    tpu.wait_dma2 semaphore(%arg22 : memref<!tpu.dma_semaphore, #tpu.memory_space<semaphore_mem>>) src(%arg12 : memref<80x128xi32, #tpu.memory_space<vmem>>) dst(%dma_wait3A_164 : memref<80x128xi32, #tpu.memory_space<hbm>>)
    %dma_wait3A_165 = arith.constant 0 : i32
    %dma_wait3A_166 = tpu.memref_slice %arg7[%mul3A_112, %dma_wait3A_165] : memref<163840x128xi32, #tpu.memory_space<hbm>> -> memref<80x128xi32, #tpu.memory_space<hbm>>
    %dma_wait3A_167 = arith.constant 0 : i32
    %dma_wait3A_168 = tpu.memref_slice %arg7[%mul3A_112, %dma_wait3A_167] : memref<163840x128xi32, #tpu.memory_space<hbm>> -> memref<80x128xi32, #tpu.memory_space<hbm>>
    tpu.wait_dma2 semaphore(%arg27 : memref<!tpu.dma_semaphore, #tpu.memory_space<semaphore_mem>>) src(%arg17 : memref<80x128xi32, #tpu.memory_space<vmem>>) dst(%dma_wait3A_168 : memref<80x128xi32, #tpu.memory_space<hbm>>)
    %dma_wait3A_169 = arith.constant 0 : i32
    %dma_wait3A_170 = tpu.memref_slice %arg6[%mul3A_136, %dma_wait3A_169] : memref<163840x128xi32, #tpu.memory_space<hbm>> -> memref<80x128xi32, #tpu.memory_space<hbm>>
    %dma_wait3A_171 = arith.constant 0 : i32
    %dma_wait3A_172 = tpu.memref_slice %arg6[%mul3A_136, %dma_wait3A_171] : memref<163840x128xi32, #tpu.memory_space<hbm>> -> memref<80x128xi32, #tpu.memory_space<hbm>>
    tpu.wait_dma2 semaphore(%arg23 : memref<!tpu.dma_semaphore, #tpu.memory_space<semaphore_mem>>) src(%arg13 : memref<80x128xi32, #tpu.memory_space<vmem>>) dst(%dma_wait3A_172 : memref<80x128xi32, #tpu.memory_space<hbm>>)
    %dma_wait3A_173 = arith.constant 0 : i32
    %dma_wait3A_174 = tpu.memref_slice %arg7[%mul3A_136, %dma_wait3A_173] : memref<163840x128xi32, #tpu.memory_space<hbm>> -> memref<80x128xi32, #tpu.memory_space<hbm>>
    %dma_wait3A_175 = arith.constant 0 : i32
    %dma_wait3A_176 = tpu.memref_slice %arg7[%mul3A_136, %dma_wait3A_175] : memref<163840x128xi32, #tpu.memory_space<hbm>> -> memref<80x128xi32, #tpu.memory_space<hbm>>
    tpu.wait_dma2 semaphore(%arg28 : memref<!tpu.dma_semaphore, #tpu.memory_space<semaphore_mem>>) src(%arg18 : memref<80x128xi32, #tpu.memory_space<vmem>>) dst(%dma_wait3A_176 : memref<80x128xi32, #tpu.memory_space<hbm>>)
    return
  }
}

#map = affine_map<(d0, d1) -> (0, 0)>
#map1 = affine_map<(d0, d1) -> (0)>
module attributes {stable_mosaic.version = 14 : i64} {
  func.func @_sc_gather_body(%arg0: i32, %arg1: i32, %arg2: memref<10000x128xi32, #tpu.memory_space<hbm>>, %arg3: memref<10000x128xi32, #tpu.memory_space<hbm>>, %arg4: memref<156160xi32, #tpu.memory_space<hbm>>, %arg5: memref<156160xi32, #tpu.memory_space<hbm>>, %arg6: memref<156160x128xi32, #tpu.memory_space<hbm>>, %arg7: memref<156160x128xi32, #tpu.memory_space<hbm>>, %arg8: memref<4880xi32, #tpu.memory_space<vmem>>, %arg9: memref<4880xi32, #tpu.memory_space<vmem>>, %arg10: memref<80x128xi32, #tpu.memory_space<vmem>>, %arg11: memref<80x128xi32, #tpu.memory_space<vmem>>, %arg12: memref<80x128xi32, #tpu.memory_space<vmem>>, %arg13: memref<80x128xi32, #tpu.memory_space<vmem>>, %arg14: memref<80x128xi32, #tpu.memory_space<vmem>>, %arg15: memref<80x128xi32, #tpu.memory_space<vmem>>, %arg16: memref<80x128xi32, #tpu.memory_space<vmem>>, %arg17: memref<80x128xi32, #tpu.memory_space<vmem>>, %arg18: memref<80x128xi32, #tpu.memory_space<vmem>>, %arg19: memref<80x128xi32, #tpu.memory_space<vmem>>, %arg20: memref<!tpu.dma_semaphore, #tpu.memory_space<semaphore_mem>>, %arg21: memref<!tpu.dma_semaphore, #tpu.memory_space<semaphore_mem>>, %arg22: memref<!tpu.dma_semaphore, #tpu.memory_space<semaphore_mem>>, %arg23: memref<!tpu.dma_semaphore, #tpu.memory_space<semaphore_mem>>, %arg24: memref<!tpu.dma_semaphore, #tpu.memory_space<semaphore_mem>>, %arg25: memref<!tpu.dma_semaphore, #tpu.memory_space<semaphore_mem>>, %arg26: memref<!tpu.dma_semaphore, #tpu.memory_space<semaphore_mem>>, %arg27: memref<!tpu.dma_semaphore, #tpu.memory_space<semaphore_mem>>, %arg28: memref<!tpu.dma_semaphore, #tpu.memory_space<semaphore_mem>>, %arg29: memref<!tpu.dma_semaphore, #tpu.memory_space<semaphore_mem>>) attributes {dimension_semantics = [#tpu.dimension_semantics<core_parallel>, #tpu.dimension_semantics<subcore_parallel>], iteration_bounds = array<i64: 2, 16>, scalar_prefetch = 0 : i64, scratch_operands = 22 : i64, tpu.core_type = #tpu.core_type<sc_vector_subcore>, window_params = [{transform_indices = #map}, {transform_indices = #map}, {transform_indices = #map1}, {transform_indices = #map1}, {transform_indices = #map}, {transform_indices = #map}]} {
    %mul3A = arith.constant 2 : i32
    %mul3A_0 = arith.muli %arg1, %mul3A : i32
    %add3A = arith.addi %mul3A_0, %arg0 : i32
    %mul3A_1 = arith.constant 61 : i32
    %mul3A_2 = arith.muli %add3A, %mul3A_1 : i32
    %mul3A_3 = arith.constant 80 : i32
    %mul3A_4 = arith.muli %mul3A_2, %mul3A_3 : i32
    "tpu.region"() ({
      %run_scoped3A = tpu.sem_alloc : memref<!tpu.dma_semaphore, #tpu.memory_space<semaphore_mem>>
      %dma_start3A_51 = tpu.memref_slice %arg4[%mul3A_4] : memref<156160xi32, #tpu.memory_space<hbm>> -> memref<4880xi32, #tpu.memory_space<hbm>>
      %dma_start3A_52 = tpu.memref_slice %arg4[%mul3A_4] : memref<156160xi32, #tpu.memory_space<hbm>> -> memref<4880xi32, #tpu.memory_space<hbm>>
      tpu.enqueue_dma source(%dma_start3A_52 : memref<4880xi32, #tpu.memory_space<hbm>>) target(%arg8 : memref<4880xi32, #tpu.memory_space<vmem>>) target_semaphore(%run_scoped3A : memref<!tpu.dma_semaphore, #tpu.memory_space<semaphore_mem>>)
      %dma_wait3A_53 = tpu.memref_slice %arg4[%mul3A_4] : memref<156160xi32, #tpu.memory_space<hbm>> -> memref<4880xi32, #tpu.memory_space<hbm>>
      %dma_wait3A_54 = tpu.memref_slice %arg4[%mul3A_4] : memref<156160xi32, #tpu.memory_space<hbm>> -> memref<4880xi32, #tpu.memory_space<hbm>>
      tpu.wait_dma2 semaphore(%run_scoped3A : memref<!tpu.dma_semaphore, #tpu.memory_space<semaphore_mem>>) src(%dma_wait3A_54 : memref<4880xi32, #tpu.memory_space<hbm>>) dst(%arg8 : memref<4880xi32, #tpu.memory_space<vmem>>)
      tpu.yield
    }) : () -> ()
    %mul3A_5 = arith.constant 80 : i32
    %mul3A_6 = arith.muli %mul3A_2, %mul3A_5 : i32
    "tpu.region"() ({
      %run_scoped3A = tpu.sem_alloc : memref<!tpu.dma_semaphore, #tpu.memory_space<semaphore_mem>>
      %dma_start3A_51 = tpu.memref_slice %arg5[%mul3A_6] : memref<156160xi32, #tpu.memory_space<hbm>> -> memref<4880xi32, #tpu.memory_space<hbm>>
      %dma_start3A_52 = tpu.memref_slice %arg5[%mul3A_6] : memref<156160xi32, #tpu.memory_space<hbm>> -> memref<4880xi32, #tpu.memory_space<hbm>>
      tpu.enqueue_dma source(%dma_start3A_52 : memref<4880xi32, #tpu.memory_space<hbm>>) target(%arg9 : memref<4880xi32, #tpu.memory_space<vmem>>) target_semaphore(%run_scoped3A : memref<!tpu.dma_semaphore, #tpu.memory_space<semaphore_mem>>)
      %dma_wait3A_53 = tpu.memref_slice %arg5[%mul3A_6] : memref<156160xi32, #tpu.memory_space<hbm>> -> memref<4880xi32, #tpu.memory_space<hbm>>
      %dma_wait3A_54 = tpu.memref_slice %arg5[%mul3A_6] : memref<156160xi32, #tpu.memory_space<hbm>> -> memref<4880xi32, #tpu.memory_space<hbm>>
      tpu.wait_dma2 semaphore(%run_scoped3A : memref<!tpu.dma_semaphore, #tpu.memory_space<semaphore_mem>>) src(%dma_wait3A_54 : memref<4880xi32, #tpu.memory_space<hbm>>) dst(%arg9 : memref<4880xi32, #tpu.memory_space<vmem>>)
      tpu.yield
    }) : () -> ()
    %scan3A = arith.constant 0 : i32
    %scan3A_7 = arith.constant 12 : i32
    %scan3A_8 = arith.addi %scan3A, %scan3A_7 : i32
    %scan3A_9 = arith.constant 1 : i32
    scf.for %scan3A_51 = %scan3A to %scan3A_8 step %scan3A_9  : i32 {
      %mul3A_52 = arith.constant 5 : i32
      %mul3A_53 = arith.muli %scan3A_51, %mul3A_52 : i32
      %add3A_54 = arith.constant 0 : i32
      %add3A_55 = arith.addi %mul3A_53, %add3A_54 : i32
      %mul3A_56 = arith.constant 80 : i32
      %mul3A_57 = arith.muli %add3A_55, %mul3A_56 : i32
      %dma_start3A_58 = tpu.memref_slice %arg8[%mul3A_57] : memref<4880xi32, #tpu.memory_space<vmem>> -> memref<80xi32, #tpu.memory_space<vmem>>
      %dma_start3A_59 = arith.constant 0 : i32
      %dma_start3A_60 = arith.constant 0 : i32
      %dma_start3A_61 = tpu.memref_slice %arg2[%dma_start3A_59, %dma_start3A_60] : memref<10000x128xi32, #tpu.memory_space<hbm>> -> memref<10000x128xi32, #tpu.memory_space<hbm>>
      tpu.enqueue_indirect_dma source(%dma_start3A_61 : memref<10000x128xi32, #tpu.memory_space<hbm>>) target(%arg10 : memref<80x128xi32, #tpu.memory_space<vmem>>) offsets(%dma_start3A_58 : memref<80xi32, #tpu.memory_space<vmem>>) semaphore(%arg20 : memref<!tpu.dma_semaphore, #tpu.memory_space<semaphore_mem>>)
      %add3A_62 = arith.constant 1 : i32
      %add3A_63 = arith.addi %mul3A_53, %add3A_62 : i32
      %mul3A_64 = arith.constant 80 : i32
      %mul3A_65 = arith.muli %add3A_63, %mul3A_64 : i32
      %dma_start3A_66 = tpu.memref_slice %arg8[%mul3A_65] : memref<4880xi32, #tpu.memory_space<vmem>> -> memref<80xi32, #tpu.memory_space<vmem>>
      %dma_start3A_67 = arith.constant 0 : i32
      %dma_start3A_68 = arith.constant 0 : i32
      %dma_start3A_69 = tpu.memref_slice %arg2[%dma_start3A_67, %dma_start3A_68] : memref<10000x128xi32, #tpu.memory_space<hbm>> -> memref<10000x128xi32, #tpu.memory_space<hbm>>
      tpu.enqueue_indirect_dma source(%dma_start3A_69 : memref<10000x128xi32, #tpu.memory_space<hbm>>) target(%arg11 : memref<80x128xi32, #tpu.memory_space<vmem>>) offsets(%dma_start3A_66 : memref<80xi32, #tpu.memory_space<vmem>>) semaphore(%arg21 : memref<!tpu.dma_semaphore, #tpu.memory_space<semaphore_mem>>)
      %add3A_70 = arith.constant 2 : i32
      %add3A_71 = arith.addi %mul3A_53, %add3A_70 : i32
      %mul3A_72 = arith.constant 80 : i32
      %mul3A_73 = arith.muli %add3A_71, %mul3A_72 : i32
      %dma_start3A_74 = tpu.memref_slice %arg8[%mul3A_73] : memref<4880xi32, #tpu.memory_space<vmem>> -> memref<80xi32, #tpu.memory_space<vmem>>
      %dma_start3A_75 = arith.constant 0 : i32
      %dma_start3A_76 = arith.constant 0 : i32
      %dma_start3A_77 = tpu.memref_slice %arg2[%dma_start3A_75, %dma_start3A_76] : memref<10000x128xi32, #tpu.memory_space<hbm>> -> memref<10000x128xi32, #tpu.memory_space<hbm>>
      tpu.enqueue_indirect_dma source(%dma_start3A_77 : memref<10000x128xi32, #tpu.memory_space<hbm>>) target(%arg12 : memref<80x128xi32, #tpu.memory_space<vmem>>) offsets(%dma_start3A_74 : memref<80xi32, #tpu.memory_space<vmem>>) semaphore(%arg22 : memref<!tpu.dma_semaphore, #tpu.memory_space<semaphore_mem>>)
      %add3A_78 = arith.constant 3 : i32
      %add3A_79 = arith.addi %mul3A_53, %add3A_78 : i32
      %mul3A_80 = arith.constant 80 : i32
      %mul3A_81 = arith.muli %add3A_79, %mul3A_80 : i32
      %dma_start3A_82 = tpu.memref_slice %arg8[%mul3A_81] : memref<4880xi32, #tpu.memory_space<vmem>> -> memref<80xi32, #tpu.memory_space<vmem>>
      %dma_start3A_83 = arith.constant 0 : i32
      %dma_start3A_84 = arith.constant 0 : i32
      %dma_start3A_85 = tpu.memref_slice %arg2[%dma_start3A_83, %dma_start3A_84] : memref<10000x128xi32, #tpu.memory_space<hbm>> -> memref<10000x128xi32, #tpu.memory_space<hbm>>
      tpu.enqueue_indirect_dma source(%dma_start3A_85 : memref<10000x128xi32, #tpu.memory_space<hbm>>) target(%arg13 : memref<80x128xi32, #tpu.memory_space<vmem>>) offsets(%dma_start3A_82 : memref<80xi32, #tpu.memory_space<vmem>>) semaphore(%arg23 : memref<!tpu.dma_semaphore, #tpu.memory_space<semaphore_mem>>)
      %add3A_86 = arith.constant 4 : i32
      %add3A_87 = arith.addi %mul3A_53, %add3A_86 : i32
      %mul3A_88 = arith.constant 80 : i32
      %mul3A_89 = arith.muli %add3A_87, %mul3A_88 : i32
      %dma_start3A_90 = tpu.memref_slice %arg8[%mul3A_89] : memref<4880xi32, #tpu.memory_space<vmem>> -> memref<80xi32, #tpu.memory_space<vmem>>
      %dma_start3A_91 = arith.constant 0 : i32
      %dma_start3A_92 = arith.constant 0 : i32
      %dma_start3A_93 = tpu.memref_slice %arg2[%dma_start3A_91, %dma_start3A_92] : memref<10000x128xi32, #tpu.memory_space<hbm>> -> memref<10000x128xi32, #tpu.memory_space<hbm>>
      tpu.enqueue_indirect_dma source(%dma_start3A_93 : memref<10000x128xi32, #tpu.memory_space<hbm>>) target(%arg14 : memref<80x128xi32, #tpu.memory_space<vmem>>) offsets(%dma_start3A_90 : memref<80xi32, #tpu.memory_space<vmem>>) semaphore(%arg24 : memref<!tpu.dma_semaphore, #tpu.memory_space<semaphore_mem>>)
      %add3A_94 = arith.constant 0 : i32
      %add3A_95 = arith.addi %mul3A_53, %add3A_94 : i32
      %mul3A_96 = arith.constant 80 : i32
      %mul3A_97 = arith.muli %add3A_95, %mul3A_96 : i32
      %dma_start3A_98 = tpu.memref_slice %arg9[%mul3A_97] : memref<4880xi32, #tpu.memory_space<vmem>> -> memref<80xi32, #tpu.memory_space<vmem>>
      %dma_start3A_99 = arith.constant 0 : i32
      %dma_start3A_100 = arith.constant 0 : i32
      %dma_start3A_101 = tpu.memref_slice %arg3[%dma_start3A_99, %dma_start3A_100] : memref<10000x128xi32, #tpu.memory_space<hbm>> -> memref<10000x128xi32, #tpu.memory_space<hbm>>
      tpu.enqueue_indirect_dma source(%dma_start3A_101 : memref<10000x128xi32, #tpu.memory_space<hbm>>) target(%arg15 : memref<80x128xi32, #tpu.memory_space<vmem>>) offsets(%dma_start3A_98 : memref<80xi32, #tpu.memory_space<vmem>>) semaphore(%arg25 : memref<!tpu.dma_semaphore, #tpu.memory_space<semaphore_mem>>)
      %add3A_102 = arith.constant 1 : i32
      %add3A_103 = arith.addi %mul3A_53, %add3A_102 : i32
      %mul3A_104 = arith.constant 80 : i32
      %mul3A_105 = arith.muli %add3A_103, %mul3A_104 : i32
      %dma_start3A_106 = tpu.memref_slice %arg9[%mul3A_105] : memref<4880xi32, #tpu.memory_space<vmem>> -> memref<80xi32, #tpu.memory_space<vmem>>
      %dma_start3A_107 = arith.constant 0 : i32
      %dma_start3A_108 = arith.constant 0 : i32
      %dma_start3A_109 = tpu.memref_slice %arg3[%dma_start3A_107, %dma_start3A_108] : memref<10000x128xi32, #tpu.memory_space<hbm>> -> memref<10000x128xi32, #tpu.memory_space<hbm>>
      tpu.enqueue_indirect_dma source(%dma_start3A_109 : memref<10000x128xi32, #tpu.memory_space<hbm>>) target(%arg16 : memref<80x128xi32, #tpu.memory_space<vmem>>) offsets(%dma_start3A_106 : memref<80xi32, #tpu.memory_space<vmem>>) semaphore(%arg26 : memref<!tpu.dma_semaphore, #tpu.memory_space<semaphore_mem>>)
      %add3A_110 = arith.constant 2 : i32
      %add3A_111 = arith.addi %mul3A_53, %add3A_110 : i32
      %mul3A_112 = arith.constant 80 : i32
      %mul3A_113 = arith.muli %add3A_111, %mul3A_112 : i32
      %dma_start3A_114 = tpu.memref_slice %arg9[%mul3A_113] : memref<4880xi32, #tpu.memory_space<vmem>> -> memref<80xi32, #tpu.memory_space<vmem>>
      %dma_start3A_115 = arith.constant 0 : i32
      %dma_start3A_116 = arith.constant 0 : i32
      %dma_start3A_117 = tpu.memref_slice %arg3[%dma_start3A_115, %dma_start3A_116] : memref<10000x128xi32, #tpu.memory_space<hbm>> -> memref<10000x128xi32, #tpu.memory_space<hbm>>
      tpu.enqueue_indirect_dma source(%dma_start3A_117 : memref<10000x128xi32, #tpu.memory_space<hbm>>) target(%arg17 : memref<80x128xi32, #tpu.memory_space<vmem>>) offsets(%dma_start3A_114 : memref<80xi32, #tpu.memory_space<vmem>>) semaphore(%arg27 : memref<!tpu.dma_semaphore, #tpu.memory_space<semaphore_mem>>)
      %add3A_118 = arith.constant 3 : i32
      %add3A_119 = arith.addi %mul3A_53, %add3A_118 : i32
      %mul3A_120 = arith.constant 80 : i32
      %mul3A_121 = arith.muli %add3A_119, %mul3A_120 : i32
      %dma_start3A_122 = tpu.memref_slice %arg9[%mul3A_121] : memref<4880xi32, #tpu.memory_space<vmem>> -> memref<80xi32, #tpu.memory_space<vmem>>
      %dma_start3A_123 = arith.constant 0 : i32
      %dma_start3A_124 = arith.constant 0 : i32
      %dma_start3A_125 = tpu.memref_slice %arg3[%dma_start3A_123, %dma_start3A_124] : memref<10000x128xi32, #tpu.memory_space<hbm>> -> memref<10000x128xi32, #tpu.memory_space<hbm>>
      tpu.enqueue_indirect_dma source(%dma_start3A_125 : memref<10000x128xi32, #tpu.memory_space<hbm>>) target(%arg18 : memref<80x128xi32, #tpu.memory_space<vmem>>) offsets(%dma_start3A_122 : memref<80xi32, #tpu.memory_space<vmem>>) semaphore(%arg28 : memref<!tpu.dma_semaphore, #tpu.memory_space<semaphore_mem>>)
      %add3A_126 = arith.constant 4 : i32
      %add3A_127 = arith.addi %mul3A_53, %add3A_126 : i32
      %mul3A_128 = arith.constant 80 : i32
      %mul3A_129 = arith.muli %add3A_127, %mul3A_128 : i32
      %dma_start3A_130 = tpu.memref_slice %arg9[%mul3A_129] : memref<4880xi32, #tpu.memory_space<vmem>> -> memref<80xi32, #tpu.memory_space<vmem>>
      %dma_start3A_131 = arith.constant 0 : i32
      %dma_start3A_132 = arith.constant 0 : i32
      %dma_start3A_133 = tpu.memref_slice %arg3[%dma_start3A_131, %dma_start3A_132] : memref<10000x128xi32, #tpu.memory_space<hbm>> -> memref<10000x128xi32, #tpu.memory_space<hbm>>
      tpu.enqueue_indirect_dma source(%dma_start3A_133 : memref<10000x128xi32, #tpu.memory_space<hbm>>) target(%arg19 : memref<80x128xi32, #tpu.memory_space<vmem>>) offsets(%dma_start3A_130 : memref<80xi32, #tpu.memory_space<vmem>>) semaphore(%arg29 : memref<!tpu.dma_semaphore, #tpu.memory_space<semaphore_mem>>)
      %dma_wait3A_134 = tpu.memref_slice %arg8[%mul3A_57] : memref<4880xi32, #tpu.memory_space<vmem>> -> memref<80xi32, #tpu.memory_space<vmem>>
      %dma_wait3A_135 = arith.constant 0 : i32
      %dma_wait3A_136 = arith.constant 0 : i32
      %dma_wait3A_137 = tpu.memref_slice %arg2[%dma_wait3A_135, %dma_wait3A_136] : memref<10000x128xi32, #tpu.memory_space<hbm>> -> memref<10000x128xi32, #tpu.memory_space<hbm>>
      tpu.wait_indirect_dma semaphore(%arg20 : memref<!tpu.dma_semaphore, #tpu.memory_space<semaphore_mem>>) src(%dma_wait3A_137 : memref<10000x128xi32, #tpu.memory_space<hbm>>) dst(%arg10 : memref<80x128xi32, #tpu.memory_space<vmem>>)
      %dma_wait3A_138 = tpu.memref_slice %arg9[%mul3A_97] : memref<4880xi32, #tpu.memory_space<vmem>> -> memref<80xi32, #tpu.memory_space<vmem>>
      %dma_wait3A_139 = arith.constant 0 : i32
      %dma_wait3A_140 = arith.constant 0 : i32
      %dma_wait3A_141 = tpu.memref_slice %arg3[%dma_wait3A_139, %dma_wait3A_140] : memref<10000x128xi32, #tpu.memory_space<hbm>> -> memref<10000x128xi32, #tpu.memory_space<hbm>>
      tpu.wait_indirect_dma semaphore(%arg25 : memref<!tpu.dma_semaphore, #tpu.memory_space<semaphore_mem>>) src(%dma_wait3A_141 : memref<10000x128xi32, #tpu.memory_space<hbm>>) dst(%arg15 : memref<80x128xi32, #tpu.memory_space<vmem>>)
      %add3A_142 = arith.addi %mul3A_2, %mul3A_53 : i32
      %add3A_143 = arith.constant 0 : i32
      %add3A_144 = arith.addi %add3A_142, %add3A_143 : i32
      %mul3A_145 = arith.constant 80 : i32
      %mul3A_146 = arith.muli %add3A_144, %mul3A_145 : i32
      %dma_start3A_147 = arith.constant 0 : i32
      %dma_start3A_148 = tpu.memref_slice %arg6[%mul3A_146, %dma_start3A_147] : memref<156160x128xi32, #tpu.memory_space<hbm>> -> memref<80x128xi32, #tpu.memory_space<hbm>>
      %dma_start3A_149 = arith.constant 0 : i32
      %dma_start3A_150 = tpu.memref_slice %arg6[%mul3A_146, %dma_start3A_149] : memref<156160x128xi32, #tpu.memory_space<hbm>> -> memref<80x128xi32, #tpu.memory_space<hbm>>
      tpu.enqueue_dma source(%arg10 : memref<80x128xi32, #tpu.memory_space<vmem>>) target(%dma_start3A_150 : memref<80x128xi32, #tpu.memory_space<hbm>>) target_semaphore(%arg20 : memref<!tpu.dma_semaphore, #tpu.memory_space<semaphore_mem>>)
      %dma_start3A_151 = arith.constant 0 : i32
      %dma_start3A_152 = tpu.memref_slice %arg7[%mul3A_146, %dma_start3A_151] : memref<156160x128xi32, #tpu.memory_space<hbm>> -> memref<80x128xi32, #tpu.memory_space<hbm>>
      %dma_start3A_153 = arith.constant 0 : i32
      %dma_start3A_154 = tpu.memref_slice %arg7[%mul3A_146, %dma_start3A_153] : memref<156160x128xi32, #tpu.memory_space<hbm>> -> memref<80x128xi32, #tpu.memory_space<hbm>>
      tpu.enqueue_dma source(%arg15 : memref<80x128xi32, #tpu.memory_space<vmem>>) target(%dma_start3A_154 : memref<80x128xi32, #tpu.memory_space<hbm>>) target_semaphore(%arg25 : memref<!tpu.dma_semaphore, #tpu.memory_space<semaphore_mem>>)
      %dma_wait3A_155 = tpu.memref_slice %arg8[%mul3A_65] : memref<4880xi32, #tpu.memory_space<vmem>> -> memref<80xi32, #tpu.memory_space<vmem>>
      %dma_wait3A_156 = arith.constant 0 : i32
      %dma_wait3A_157 = arith.constant 0 : i32
      %dma_wait3A_158 = tpu.memref_slice %arg2[%dma_wait3A_156, %dma_wait3A_157] : memref<10000x128xi32, #tpu.memory_space<hbm>> -> memref<10000x128xi32, #tpu.memory_space<hbm>>
      tpu.wait_indirect_dma semaphore(%arg21 : memref<!tpu.dma_semaphore, #tpu.memory_space<semaphore_mem>>) src(%dma_wait3A_158 : memref<10000x128xi32, #tpu.memory_space<hbm>>) dst(%arg11 : memref<80x128xi32, #tpu.memory_space<vmem>>)
      %dma_wait3A_159 = tpu.memref_slice %arg9[%mul3A_105] : memref<4880xi32, #tpu.memory_space<vmem>> -> memref<80xi32, #tpu.memory_space<vmem>>
      %dma_wait3A_160 = arith.constant 0 : i32
      %dma_wait3A_161 = arith.constant 0 : i32
      %dma_wait3A_162 = tpu.memref_slice %arg3[%dma_wait3A_160, %dma_wait3A_161] : memref<10000x128xi32, #tpu.memory_space<hbm>> -> memref<10000x128xi32, #tpu.memory_space<hbm>>
      tpu.wait_indirect_dma semaphore(%arg26 : memref<!tpu.dma_semaphore, #tpu.memory_space<semaphore_mem>>) src(%dma_wait3A_162 : memref<10000x128xi32, #tpu.memory_space<hbm>>) dst(%arg16 : memref<80x128xi32, #tpu.memory_space<vmem>>)
      %add3A_163 = arith.addi %mul3A_2, %mul3A_53 : i32
      %add3A_164 = arith.constant 1 : i32
      %add3A_165 = arith.addi %add3A_163, %add3A_164 : i32
      %mul3A_166 = arith.constant 80 : i32
      %mul3A_167 = arith.muli %add3A_165, %mul3A_166 : i32
      %dma_start3A_168 = arith.constant 0 : i32
      %dma_start3A_169 = tpu.memref_slice %arg6[%mul3A_167, %dma_start3A_168] : memref<156160x128xi32, #tpu.memory_space<hbm>> -> memref<80x128xi32, #tpu.memory_space<hbm>>
      %dma_start3A_170 = arith.constant 0 : i32
      %dma_start3A_171 = tpu.memref_slice %arg6[%mul3A_167, %dma_start3A_170] : memref<156160x128xi32, #tpu.memory_space<hbm>> -> memref<80x128xi32, #tpu.memory_space<hbm>>
      tpu.enqueue_dma source(%arg11 : memref<80x128xi32, #tpu.memory_space<vmem>>) target(%dma_start3A_171 : memref<80x128xi32, #tpu.memory_space<hbm>>) target_semaphore(%arg21 : memref<!tpu.dma_semaphore, #tpu.memory_space<semaphore_mem>>)
      %dma_start3A_172 = arith.constant 0 : i32
      %dma_start3A_173 = tpu.memref_slice %arg7[%mul3A_167, %dma_start3A_172] : memref<156160x128xi32, #tpu.memory_space<hbm>> -> memref<80x128xi32, #tpu.memory_space<hbm>>
      %dma_start3A_174 = arith.constant 0 : i32
      %dma_start3A_175 = tpu.memref_slice %arg7[%mul3A_167, %dma_start3A_174] : memref<156160x128xi32, #tpu.memory_space<hbm>> -> memref<80x128xi32, #tpu.memory_space<hbm>>
      tpu.enqueue_dma source(%arg16 : memref<80x128xi32, #tpu.memory_space<vmem>>) target(%dma_start3A_175 : memref<80x128xi32, #tpu.memory_space<hbm>>) target_semaphore(%arg26 : memref<!tpu.dma_semaphore, #tpu.memory_space<semaphore_mem>>)
      %dma_wait3A_176 = tpu.memref_slice %arg8[%mul3A_73] : memref<4880xi32, #tpu.memory_space<vmem>> -> memref<80xi32, #tpu.memory_space<vmem>>
      %dma_wait3A_177 = arith.constant 0 : i32
      %dma_wait3A_178 = arith.constant 0 : i32
      %dma_wait3A_179 = tpu.memref_slice %arg2[%dma_wait3A_177, %dma_wait3A_178] : memref<10000x128xi32, #tpu.memory_space<hbm>> -> memref<10000x128xi32, #tpu.memory_space<hbm>>
      tpu.wait_indirect_dma semaphore(%arg22 : memref<!tpu.dma_semaphore, #tpu.memory_space<semaphore_mem>>) src(%dma_wait3A_179 : memref<10000x128xi32, #tpu.memory_space<hbm>>) dst(%arg12 : memref<80x128xi32, #tpu.memory_space<vmem>>)
      %dma_wait3A_180 = tpu.memref_slice %arg9[%mul3A_113] : memref<4880xi32, #tpu.memory_space<vmem>> -> memref<80xi32, #tpu.memory_space<vmem>>
      %dma_wait3A_181 = arith.constant 0 : i32
      %dma_wait3A_182 = arith.constant 0 : i32
      %dma_wait3A_183 = tpu.memref_slice %arg3[%dma_wait3A_181, %dma_wait3A_182] : memref<10000x128xi32, #tpu.memory_space<hbm>> -> memref<10000x128xi32, #tpu.memory_space<hbm>>
      tpu.wait_indirect_dma semaphore(%arg27 : memref<!tpu.dma_semaphore, #tpu.memory_space<semaphore_mem>>) src(%dma_wait3A_183 : memref<10000x128xi32, #tpu.memory_space<hbm>>) dst(%arg17 : memref<80x128xi32, #tpu.memory_space<vmem>>)
      %add3A_184 = arith.addi %mul3A_2, %mul3A_53 : i32
      %add3A_185 = arith.constant 2 : i32
      %add3A_186 = arith.addi %add3A_184, %add3A_185 : i32
      %mul3A_187 = arith.constant 80 : i32
      %mul3A_188 = arith.muli %add3A_186, %mul3A_187 : i32
      %dma_start3A_189 = arith.constant 0 : i32
      %dma_start3A_190 = tpu.memref_slice %arg6[%mul3A_188, %dma_start3A_189] : memref<156160x128xi32, #tpu.memory_space<hbm>> -> memref<80x128xi32, #tpu.memory_space<hbm>>
      %dma_start3A_191 = arith.constant 0 : i32
      %dma_start3A_192 = tpu.memref_slice %arg6[%mul3A_188, %dma_start3A_191] : memref<156160x128xi32, #tpu.memory_space<hbm>> -> memref<80x128xi32, #tpu.memory_space<hbm>>
      tpu.enqueue_dma source(%arg12 : memref<80x128xi32, #tpu.memory_space<vmem>>) target(%dma_start3A_192 : memref<80x128xi32, #tpu.memory_space<hbm>>) target_semaphore(%arg22 : memref<!tpu.dma_semaphore, #tpu.memory_space<semaphore_mem>>)
      %dma_start3A_193 = arith.constant 0 : i32
      %dma_start3A_194 = tpu.memref_slice %arg7[%mul3A_188, %dma_start3A_193] : memref<156160x128xi32, #tpu.memory_space<hbm>> -> memref<80x128xi32, #tpu.memory_space<hbm>>
      %dma_start3A_195 = arith.constant 0 : i32
      %dma_start3A_196 = tpu.memref_slice %arg7[%mul3A_188, %dma_start3A_195] : memref<156160x128xi32, #tpu.memory_space<hbm>> -> memref<80x128xi32, #tpu.memory_space<hbm>>
      tpu.enqueue_dma source(%arg17 : memref<80x128xi32, #tpu.memory_space<vmem>>) target(%dma_start3A_196 : memref<80x128xi32, #tpu.memory_space<hbm>>) target_semaphore(%arg27 : memref<!tpu.dma_semaphore, #tpu.memory_space<semaphore_mem>>)
      %dma_wait3A_197 = tpu.memref_slice %arg8[%mul3A_81] : memref<4880xi32, #tpu.memory_space<vmem>> -> memref<80xi32, #tpu.memory_space<vmem>>
      %dma_wait3A_198 = arith.constant 0 : i32
      %dma_wait3A_199 = arith.constant 0 : i32
      %dma_wait3A_200 = tpu.memref_slice %arg2[%dma_wait3A_198, %dma_wait3A_199] : memref<10000x128xi32, #tpu.memory_space<hbm>> -> memref<10000x128xi32, #tpu.memory_space<hbm>>
      tpu.wait_indirect_dma semaphore(%arg23 : memref<!tpu.dma_semaphore, #tpu.memory_space<semaphore_mem>>) src(%dma_wait3A_200 : memref<10000x128xi32, #tpu.memory_space<hbm>>) dst(%arg13 : memref<80x128xi32, #tpu.memory_space<vmem>>)
      %dma_wait3A_201 = tpu.memref_slice %arg9[%mul3A_121] : memref<4880xi32, #tpu.memory_space<vmem>> -> memref<80xi32, #tpu.memory_space<vmem>>
      %dma_wait3A_202 = arith.constant 0 : i32
      %dma_wait3A_203 = arith.constant 0 : i32
      %dma_wait3A_204 = tpu.memref_slice %arg3[%dma_wait3A_202, %dma_wait3A_203] : memref<10000x128xi32, #tpu.memory_space<hbm>> -> memref<10000x128xi32, #tpu.memory_space<hbm>>
      tpu.wait_indirect_dma semaphore(%arg28 : memref<!tpu.dma_semaphore, #tpu.memory_space<semaphore_mem>>) src(%dma_wait3A_204 : memref<10000x128xi32, #tpu.memory_space<hbm>>) dst(%arg18 : memref<80x128xi32, #tpu.memory_space<vmem>>)
      %add3A_205 = arith.addi %mul3A_2, %mul3A_53 : i32
      %add3A_206 = arith.constant 3 : i32
      %add3A_207 = arith.addi %add3A_205, %add3A_206 : i32
      %mul3A_208 = arith.constant 80 : i32
      %mul3A_209 = arith.muli %add3A_207, %mul3A_208 : i32
      %dma_start3A_210 = arith.constant 0 : i32
      %dma_start3A_211 = tpu.memref_slice %arg6[%mul3A_209, %dma_start3A_210] : memref<156160x128xi32, #tpu.memory_space<hbm>> -> memref<80x128xi32, #tpu.memory_space<hbm>>
      %dma_start3A_212 = arith.constant 0 : i32
      %dma_start3A_213 = tpu.memref_slice %arg6[%mul3A_209, %dma_start3A_212] : memref<156160x128xi32, #tpu.memory_space<hbm>> -> memref<80x128xi32, #tpu.memory_space<hbm>>
      tpu.enqueue_dma source(%arg13 : memref<80x128xi32, #tpu.memory_space<vmem>>) target(%dma_start3A_213 : memref<80x128xi32, #tpu.memory_space<hbm>>) target_semaphore(%arg23 : memref<!tpu.dma_semaphore, #tpu.memory_space<semaphore_mem>>)
      %dma_start3A_214 = arith.constant 0 : i32
      %dma_start3A_215 = tpu.memref_slice %arg7[%mul3A_209, %dma_start3A_214] : memref<156160x128xi32, #tpu.memory_space<hbm>> -> memref<80x128xi32, #tpu.memory_space<hbm>>
      %dma_start3A_216 = arith.constant 0 : i32
      %dma_start3A_217 = tpu.memref_slice %arg7[%mul3A_209, %dma_start3A_216] : memref<156160x128xi32, #tpu.memory_space<hbm>> -> memref<80x128xi32, #tpu.memory_space<hbm>>
      tpu.enqueue_dma source(%arg18 : memref<80x128xi32, #tpu.memory_space<vmem>>) target(%dma_start3A_217 : memref<80x128xi32, #tpu.memory_space<hbm>>) target_semaphore(%arg28 : memref<!tpu.dma_semaphore, #tpu.memory_space<semaphore_mem>>)
      %dma_wait3A_218 = tpu.memref_slice %arg8[%mul3A_89] : memref<4880xi32, #tpu.memory_space<vmem>> -> memref<80xi32, #tpu.memory_space<vmem>>
      %dma_wait3A_219 = arith.constant 0 : i32
      %dma_wait3A_220 = arith.constant 0 : i32
      %dma_wait3A_221 = tpu.memref_slice %arg2[%dma_wait3A_219, %dma_wait3A_220] : memref<10000x128xi32, #tpu.memory_space<hbm>> -> memref<10000x128xi32, #tpu.memory_space<hbm>>
      tpu.wait_indirect_dma semaphore(%arg24 : memref<!tpu.dma_semaphore, #tpu.memory_space<semaphore_mem>>) src(%dma_wait3A_221 : memref<10000x128xi32, #tpu.memory_space<hbm>>) dst(%arg14 : memref<80x128xi32, #tpu.memory_space<vmem>>)
      %dma_wait3A_222 = tpu.memref_slice %arg9[%mul3A_129] : memref<4880xi32, #tpu.memory_space<vmem>> -> memref<80xi32, #tpu.memory_space<vmem>>
      %dma_wait3A_223 = arith.constant 0 : i32
      %dma_wait3A_224 = arith.constant 0 : i32
      %dma_wait3A_225 = tpu.memref_slice %arg3[%dma_wait3A_223, %dma_wait3A_224] : memref<10000x128xi32, #tpu.memory_space<hbm>> -> memref<10000x128xi32, #tpu.memory_space<hbm>>
      tpu.wait_indirect_dma semaphore(%arg29 : memref<!tpu.dma_semaphore, #tpu.memory_space<semaphore_mem>>) src(%dma_wait3A_225 : memref<10000x128xi32, #tpu.memory_space<hbm>>) dst(%arg19 : memref<80x128xi32, #tpu.memory_space<vmem>>)
      %add3A_226 = arith.addi %mul3A_2, %mul3A_53 : i32
      %add3A_227 = arith.constant 4 : i32
      %add3A_228 = arith.addi %add3A_226, %add3A_227 : i32
      %mul3A_229 = arith.constant 80 : i32
      %mul3A_230 = arith.muli %add3A_228, %mul3A_229 : i32
      %dma_start3A_231 = arith.constant 0 : i32
      %dma_start3A_232 = tpu.memref_slice %arg6[%mul3A_230, %dma_start3A_231] : memref<156160x128xi32, #tpu.memory_space<hbm>> -> memref<80x128xi32, #tpu.memory_space<hbm>>
      %dma_start3A_233 = arith.constant 0 : i32
      %dma_start3A_234 = tpu.memref_slice %arg6[%mul3A_230, %dma_start3A_233] : memref<156160x128xi32, #tpu.memory_space<hbm>> -> memref<80x128xi32, #tpu.memory_space<hbm>>
      tpu.enqueue_dma source(%arg14 : memref<80x128xi32, #tpu.memory_space<vmem>>) target(%dma_start3A_234 : memref<80x128xi32, #tpu.memory_space<hbm>>) target_semaphore(%arg24 : memref<!tpu.dma_semaphore, #tpu.memory_space<semaphore_mem>>)
      %dma_start3A_235 = arith.constant 0 : i32
      %dma_start3A_236 = tpu.memref_slice %arg7[%mul3A_230, %dma_start3A_235] : memref<156160x128xi32, #tpu.memory_space<hbm>> -> memref<80x128xi32, #tpu.memory_space<hbm>>
      %dma_start3A_237 = arith.constant 0 : i32
      %dma_start3A_238 = tpu.memref_slice %arg7[%mul3A_230, %dma_start3A_237] : memref<156160x128xi32, #tpu.memory_space<hbm>> -> memref<80x128xi32, #tpu.memory_space<hbm>>
      tpu.enqueue_dma source(%arg19 : memref<80x128xi32, #tpu.memory_space<vmem>>) target(%dma_start3A_238 : memref<80x128xi32, #tpu.memory_space<hbm>>) target_semaphore(%arg29 : memref<!tpu.dma_semaphore, #tpu.memory_space<semaphore_mem>>)
      %dma_wait3A_239 = arith.constant 0 : i32
      %dma_wait3A_240 = tpu.memref_slice %arg6[%mul3A_146, %dma_wait3A_239] : memref<156160x128xi32, #tpu.memory_space<hbm>> -> memref<80x128xi32, #tpu.memory_space<hbm>>
      %dma_wait3A_241 = arith.constant 0 : i32
      %dma_wait3A_242 = tpu.memref_slice %arg6[%mul3A_146, %dma_wait3A_241] : memref<156160x128xi32, #tpu.memory_space<hbm>> -> memref<80x128xi32, #tpu.memory_space<hbm>>
      tpu.wait_dma2 semaphore(%arg20 : memref<!tpu.dma_semaphore, #tpu.memory_space<semaphore_mem>>) src(%arg10 : memref<80x128xi32, #tpu.memory_space<vmem>>) dst(%dma_wait3A_242 : memref<80x128xi32, #tpu.memory_space<hbm>>)
      %dma_wait3A_243 = arith.constant 0 : i32
      %dma_wait3A_244 = tpu.memref_slice %arg7[%mul3A_146, %dma_wait3A_243] : memref<156160x128xi32, #tpu.memory_space<hbm>> -> memref<80x128xi32, #tpu.memory_space<hbm>>
      %dma_wait3A_245 = arith.constant 0 : i32
      %dma_wait3A_246 = tpu.memref_slice %arg7[%mul3A_146, %dma_wait3A_245] : memref<156160x128xi32, #tpu.memory_space<hbm>> -> memref<80x128xi32, #tpu.memory_space<hbm>>
      tpu.wait_dma2 semaphore(%arg25 : memref<!tpu.dma_semaphore, #tpu.memory_space<semaphore_mem>>) src(%arg15 : memref<80x128xi32, #tpu.memory_space<vmem>>) dst(%dma_wait3A_246 : memref<80x128xi32, #tpu.memory_space<hbm>>)
      %dma_wait3A_247 = arith.constant 0 : i32
      %dma_wait3A_248 = tpu.memref_slice %arg6[%mul3A_167, %dma_wait3A_247] : memref<156160x128xi32, #tpu.memory_space<hbm>> -> memref<80x128xi32, #tpu.memory_space<hbm>>
      %dma_wait3A_249 = arith.constant 0 : i32
      %dma_wait3A_250 = tpu.memref_slice %arg6[%mul3A_167, %dma_wait3A_249] : memref<156160x128xi32, #tpu.memory_space<hbm>> -> memref<80x128xi32, #tpu.memory_space<hbm>>
      tpu.wait_dma2 semaphore(%arg21 : memref<!tpu.dma_semaphore, #tpu.memory_space<semaphore_mem>>) src(%arg11 : memref<80x128xi32, #tpu.memory_space<vmem>>) dst(%dma_wait3A_250 : memref<80x128xi32, #tpu.memory_space<hbm>>)
      %dma_wait3A_251 = arith.constant 0 : i32
      %dma_wait3A_252 = tpu.memref_slice %arg7[%mul3A_167, %dma_wait3A_251] : memref<156160x128xi32, #tpu.memory_space<hbm>> -> memref<80x128xi32, #tpu.memory_space<hbm>>
      %dma_wait3A_253 = arith.constant 0 : i32
      %dma_wait3A_254 = tpu.memref_slice %arg7[%mul3A_167, %dma_wait3A_253] : memref<156160x128xi32, #tpu.memory_space<hbm>> -> memref<80x128xi32, #tpu.memory_space<hbm>>
      tpu.wait_dma2 semaphore(%arg26 : memref<!tpu.dma_semaphore, #tpu.memory_space<semaphore_mem>>) src(%arg16 : memref<80x128xi32, #tpu.memory_space<vmem>>) dst(%dma_wait3A_254 : memref<80x128xi32, #tpu.memory_space<hbm>>)
      %dma_wait3A_255 = arith.constant 0 : i32
      %dma_wait3A_256 = tpu.memref_slice %arg6[%mul3A_188, %dma_wait3A_255] : memref<156160x128xi32, #tpu.memory_space<hbm>> -> memref<80x128xi32, #tpu.memory_space<hbm>>
      %dma_wait3A_257 = arith.constant 0 : i32
      %dma_wait3A_258 = tpu.memref_slice %arg6[%mul3A_188, %dma_wait3A_257] : memref<156160x128xi32, #tpu.memory_space<hbm>> -> memref<80x128xi32, #tpu.memory_space<hbm>>
      tpu.wait_dma2 semaphore(%arg22 : memref<!tpu.dma_semaphore, #tpu.memory_space<semaphore_mem>>) src(%arg12 : memref<80x128xi32, #tpu.memory_space<vmem>>) dst(%dma_wait3A_258 : memref<80x128xi32, #tpu.memory_space<hbm>>)
      %dma_wait3A_259 = arith.constant 0 : i32
      %dma_wait3A_260 = tpu.memref_slice %arg7[%mul3A_188, %dma_wait3A_259] : memref<156160x128xi32, #tpu.memory_space<hbm>> -> memref<80x128xi32, #tpu.memory_space<hbm>>
      %dma_wait3A_261 = arith.constant 0 : i32
      %dma_wait3A_262 = tpu.memref_slice %arg7[%mul3A_188, %dma_wait3A_261] : memref<156160x128xi32, #tpu.memory_space<hbm>> -> memref<80x128xi32, #tpu.memory_space<hbm>>
      tpu.wait_dma2 semaphore(%arg27 : memref<!tpu.dma_semaphore, #tpu.memory_space<semaphore_mem>>) src(%arg17 : memref<80x128xi32, #tpu.memory_space<vmem>>) dst(%dma_wait3A_262 : memref<80x128xi32, #tpu.memory_space<hbm>>)
      %dma_wait3A_263 = arith.constant 0 : i32
      %dma_wait3A_264 = tpu.memref_slice %arg6[%mul3A_209, %dma_wait3A_263] : memref<156160x128xi32, #tpu.memory_space<hbm>> -> memref<80x128xi32, #tpu.memory_space<hbm>>
      %dma_wait3A_265 = arith.constant 0 : i32
      %dma_wait3A_266 = tpu.memref_slice %arg6[%mul3A_209, %dma_wait3A_265] : memref<156160x128xi32, #tpu.memory_space<hbm>> -> memref<80x128xi32, #tpu.memory_space<hbm>>
      tpu.wait_dma2 semaphore(%arg23 : memref<!tpu.dma_semaphore, #tpu.memory_space<semaphore_mem>>) src(%arg13 : memref<80x128xi32, #tpu.memory_space<vmem>>) dst(%dma_wait3A_266 : memref<80x128xi32, #tpu.memory_space<hbm>>)
      %dma_wait3A_267 = arith.constant 0 : i32
      %dma_wait3A_268 = tpu.memref_slice %arg7[%mul3A_209, %dma_wait3A_267] : memref<156160x128xi32, #tpu.memory_space<hbm>> -> memref<80x128xi32, #tpu.memory_space<hbm>>
      %dma_wait3A_269 = arith.constant 0 : i32
      %dma_wait3A_270 = tpu.memref_slice %arg7[%mul3A_209, %dma_wait3A_269] : memref<156160x128xi32, #tpu.memory_space<hbm>> -> memref<80x128xi32, #tpu.memory_space<hbm>>
      tpu.wait_dma2 semaphore(%arg28 : memref<!tpu.dma_semaphore, #tpu.memory_space<semaphore_mem>>) src(%arg18 : memref<80x128xi32, #tpu.memory_space<vmem>>) dst(%dma_wait3A_270 : memref<80x128xi32, #tpu.memory_space<hbm>>)
      %dma_wait3A_271 = arith.constant 0 : i32
      %dma_wait3A_272 = tpu.memref_slice %arg6[%mul3A_230, %dma_wait3A_271] : memref<156160x128xi32, #tpu.memory_space<hbm>> -> memref<80x128xi32, #tpu.memory_space<hbm>>
      %dma_wait3A_273 = arith.constant 0 : i32
      %dma_wait3A_274 = tpu.memref_slice %arg6[%mul3A_230, %dma_wait3A_273] : memref<156160x128xi32, #tpu.memory_space<hbm>> -> memref<80x128xi32, #tpu.memory_space<hbm>>
      tpu.wait_dma2 semaphore(%arg24 : memref<!tpu.dma_semaphore, #tpu.memory_space<semaphore_mem>>) src(%arg14 : memref<80x128xi32, #tpu.memory_space<vmem>>) dst(%dma_wait3A_274 : memref<80x128xi32, #tpu.memory_space<hbm>>)
      %dma_wait3A_275 = arith.constant 0 : i32
      %dma_wait3A_276 = tpu.memref_slice %arg7[%mul3A_230, %dma_wait3A_275] : memref<156160x128xi32, #tpu.memory_space<hbm>> -> memref<80x128xi32, #tpu.memory_space<hbm>>
      %dma_wait3A_277 = arith.constant 0 : i32
      %dma_wait3A_278 = tpu.memref_slice %arg7[%mul3A_230, %dma_wait3A_277] : memref<156160x128xi32, #tpu.memory_space<hbm>> -> memref<80x128xi32, #tpu.memory_space<hbm>>
      tpu.wait_dma2 semaphore(%arg29 : memref<!tpu.dma_semaphore, #tpu.memory_space<semaphore_mem>>) src(%arg19 : memref<80x128xi32, #tpu.memory_space<vmem>>) dst(%dma_wait3A_278 : memref<80x128xi32, #tpu.memory_space<hbm>>)
    }
    %scan3A_10 = arith.constant 12 : i32
    %dma_start3A = arith.constant 4800 : i32
    %dma_start3A_11 = tpu.memref_slice %arg8[%dma_start3A] : memref<4880xi32, #tpu.memory_space<vmem>> -> memref<80xi32, #tpu.memory_space<vmem>>
    %dma_start3A_12 = arith.constant 0 : i32
    %dma_start3A_13 = arith.constant 0 : i32
    %dma_start3A_14 = tpu.memref_slice %arg2[%dma_start3A_12, %dma_start3A_13] : memref<10000x128xi32, #tpu.memory_space<hbm>> -> memref<10000x128xi32, #tpu.memory_space<hbm>>
    tpu.enqueue_indirect_dma source(%dma_start3A_14 : memref<10000x128xi32, #tpu.memory_space<hbm>>) target(%arg10 : memref<80x128xi32, #tpu.memory_space<vmem>>) offsets(%dma_start3A_11 : memref<80xi32, #tpu.memory_space<vmem>>) semaphore(%arg20 : memref<!tpu.dma_semaphore, #tpu.memory_space<semaphore_mem>>)
    %dma_start3A_15 = arith.constant 4800 : i32
    %dma_start3A_16 = tpu.memref_slice %arg9[%dma_start3A_15] : memref<4880xi32, #tpu.memory_space<vmem>> -> memref<80xi32, #tpu.memory_space<vmem>>
    %dma_start3A_17 = arith.constant 0 : i32
    %dma_start3A_18 = arith.constant 0 : i32
    %dma_start3A_19 = tpu.memref_slice %arg3[%dma_start3A_17, %dma_start3A_18] : memref<10000x128xi32, #tpu.memory_space<hbm>> -> memref<10000x128xi32, #tpu.memory_space<hbm>>
    tpu.enqueue_indirect_dma source(%dma_start3A_19 : memref<10000x128xi32, #tpu.memory_space<hbm>>) target(%arg15 : memref<80x128xi32, #tpu.memory_space<vmem>>) offsets(%dma_start3A_16 : memref<80xi32, #tpu.memory_space<vmem>>) semaphore(%arg25 : memref<!tpu.dma_semaphore, #tpu.memory_space<semaphore_mem>>)
    %dma_wait3A = arith.constant 4800 : i32
    %dma_wait3A_20 = tpu.memref_slice %arg8[%dma_wait3A] : memref<4880xi32, #tpu.memory_space<vmem>> -> memref<80xi32, #tpu.memory_space<vmem>>
    %dma_wait3A_21 = arith.constant 0 : i32
    %dma_wait3A_22 = arith.constant 0 : i32
    %dma_wait3A_23 = tpu.memref_slice %arg2[%dma_wait3A_21, %dma_wait3A_22] : memref<10000x128xi32, #tpu.memory_space<hbm>> -> memref<10000x128xi32, #tpu.memory_space<hbm>>
    tpu.wait_indirect_dma semaphore(%arg20 : memref<!tpu.dma_semaphore, #tpu.memory_space<semaphore_mem>>) src(%dma_wait3A_23 : memref<10000x128xi32, #tpu.memory_space<hbm>>) dst(%arg10 : memref<80x128xi32, #tpu.memory_space<vmem>>)
    %dma_wait3A_24 = arith.constant 4800 : i32
    %dma_wait3A_25 = tpu.memref_slice %arg9[%dma_wait3A_24] : memref<4880xi32, #tpu.memory_space<vmem>> -> memref<80xi32, #tpu.memory_space<vmem>>
    %dma_wait3A_26 = arith.constant 0 : i32
    %dma_wait3A_27 = arith.constant 0 : i32
    %dma_wait3A_28 = tpu.memref_slice %arg3[%dma_wait3A_26, %dma_wait3A_27] : memref<10000x128xi32, #tpu.memory_space<hbm>> -> memref<10000x128xi32, #tpu.memory_space<hbm>>
    tpu.wait_indirect_dma semaphore(%arg25 : memref<!tpu.dma_semaphore, #tpu.memory_space<semaphore_mem>>) src(%dma_wait3A_28 : memref<10000x128xi32, #tpu.memory_space<hbm>>) dst(%arg15 : memref<80x128xi32, #tpu.memory_space<vmem>>)
    %add3A_29 = arith.constant 60 : i32
    %add3A_30 = arith.addi %mul3A_2, %add3A_29 : i32
    %add3A_31 = arith.constant 0 : i32
    %add3A_32 = arith.addi %add3A_30, %add3A_31 : i32
    %mul3A_33 = arith.constant 80 : i32
    %mul3A_34 = arith.muli %add3A_32, %mul3A_33 : i32
    %dma_start3A_35 = arith.constant 0 : i32
    %dma_start3A_36 = tpu.memref_slice %arg6[%mul3A_34, %dma_start3A_35] : memref<156160x128xi32, #tpu.memory_space<hbm>> -> memref<80x128xi32, #tpu.memory_space<hbm>>
    %dma_start3A_37 = arith.constant 0 : i32
    %dma_start3A_38 = tpu.memref_slice %arg6[%mul3A_34, %dma_start3A_37] : memref<156160x128xi32, #tpu.memory_space<hbm>> -> memref<80x128xi32, #tpu.memory_space<hbm>>
    tpu.enqueue_dma source(%arg10 : memref<80x128xi32, #tpu.memory_space<vmem>>) target(%dma_start3A_38 : memref<80x128xi32, #tpu.memory_space<hbm>>) target_semaphore(%arg20 : memref<!tpu.dma_semaphore, #tpu.memory_space<semaphore_mem>>)
    %dma_start3A_39 = arith.constant 0 : i32
    %dma_start3A_40 = tpu.memref_slice %arg7[%mul3A_34, %dma_start3A_39] : memref<156160x128xi32, #tpu.memory_space<hbm>> -> memref<80x128xi32, #tpu.memory_space<hbm>>
    %dma_start3A_41 = arith.constant 0 : i32
    %dma_start3A_42 = tpu.memref_slice %arg7[%mul3A_34, %dma_start3A_41] : memref<156160x128xi32, #tpu.memory_space<hbm>> -> memref<80x128xi32, #tpu.memory_space<hbm>>
    tpu.enqueue_dma source(%arg15 : memref<80x128xi32, #tpu.memory_space<vmem>>) target(%dma_start3A_42 : memref<80x128xi32, #tpu.memory_space<hbm>>) target_semaphore(%arg25 : memref<!tpu.dma_semaphore, #tpu.memory_space<semaphore_mem>>)
    %dma_wait3A_43 = arith.constant 0 : i32
    %dma_wait3A_44 = tpu.memref_slice %arg6[%mul3A_34, %dma_wait3A_43] : memref<156160x128xi32, #tpu.memory_space<hbm>> -> memref<80x128xi32, #tpu.memory_space<hbm>>
    %dma_wait3A_45 = arith.constant 0 : i32
    %dma_wait3A_46 = tpu.memref_slice %arg6[%mul3A_34, %dma_wait3A_45] : memref<156160x128xi32, #tpu.memory_space<hbm>> -> memref<80x128xi32, #tpu.memory_space<hbm>>
    tpu.wait_dma2 semaphore(%arg20 : memref<!tpu.dma_semaphore, #tpu.memory_space<semaphore_mem>>) src(%arg10 : memref<80x128xi32, #tpu.memory_space<vmem>>) dst(%dma_wait3A_46 : memref<80x128xi32, #tpu.memory_space<hbm>>)
    %dma_wait3A_47 = arith.constant 0 : i32
    %dma_wait3A_48 = tpu.memref_slice %arg7[%mul3A_34, %dma_wait3A_47] : memref<156160x128xi32, #tpu.memory_space<hbm>> -> memref<80x128xi32, #tpu.memory_space<hbm>>
    %dma_wait3A_49 = arith.constant 0 : i32
    %dma_wait3A_50 = tpu.memref_slice %arg7[%mul3A_34, %dma_wait3A_49] : memref<156160x128xi32, #tpu.memory_space<hbm>> -> memref<80x128xi32, #tpu.memory_space<hbm>>
    tpu.wait_dma2 semaphore(%arg25 : memref<!tpu.dma_semaphore, #tpu.memory_space<semaphore_mem>>) src(%arg15 : memref<80x128xi32, #tpu.memory_space<vmem>>) dst(%dma_wait3A_50 : memref<80x128xi32, #tpu.memory_space<hbm>>)
    return
  }
}

#map = affine_map<(d0, d1) -> (0, 0)>
#map1 = affine_map<(d0, d1) -> (0)>
module attributes {stable_mosaic.version = 14 : i64} {
  func.func @_sc_scatter_body(%arg0: i32, %arg1: i32, %arg2: memref<163840x128xf32, #tpu.memory_space<hbm>>, %arg3: memref<163840x128xf32, #tpu.memory_space<hbm>>, %arg4: memref<163840xi32, #tpu.memory_space<hbm>>, %arg5: memref<163840xi32, #tpu.memory_space<hbm>>, %arg6: memref<20480x128xf32, #tpu.memory_space<hbm>>, %arg7: memref<2560x128xf32, #tpu.memory_space<hbm>>, %arg8: memref<10240x128xf32, #tpu.memory_space<vmem_shared>>, %arg9: memref<1280x128xf32, #tpu.memory_space<vmem_shared>>, %arg10: memref<80x128xf32, #tpu.memory_space<vmem>>, %arg11: memref<80x128xf32, #tpu.memory_space<vmem>>, %arg12: memref<80x128xf32, #tpu.memory_space<vmem>>, %arg13: memref<80xi32, #tpu.memory_space<vmem>>, %arg14: memref<80xi32, #tpu.memory_space<vmem>>, %arg15: memref<80xi32, #tpu.memory_space<vmem>>, %arg16: memref<!tpu.dma_semaphore, #tpu.memory_space<semaphore_mem>>, %arg17: memref<!tpu.dma_semaphore, #tpu.memory_space<semaphore_mem>>, %arg18: memref<!tpu.dma_semaphore, #tpu.memory_space<semaphore_mem>>, %arg19: memref<!tpu.dma_semaphore, #tpu.memory_space<semaphore_mem>>, %arg20: memref<!tpu.dma_semaphore, #tpu.memory_space<semaphore_mem>>, %arg21: memref<!tpu.dma_semaphore, #tpu.memory_space<semaphore_mem>>) attributes {dimension_semantics = [#tpu.dimension_semantics<core_parallel>, #tpu.dimension_semantics<subcore_parallel>], iteration_bounds = array<i64: 2, 16>, scalar_prefetch = 0 : i64, scratch_operands = 14 : i64, tpu.core_type = #tpu.core_type<sc_vector_subcore>, window_params = [{transform_indices = #map}, {transform_indices = #map}, {transform_indices = #map1}, {transform_indices = #map1}, {transform_indices = #map}, {transform_indices = #map}]} {
    %mul3A = arith.constant 2 : i32
    %mul3A_0 = arith.muli %arg1, %mul3A : i32
    %add3A = arith.addi %mul3A_0, %arg0 : i32
    %mul3A_1 = arith.constant 64 : i32
    %mul3A_2 = arith.muli %add3A, %mul3A_1 : i32
    %scan3A = arith.constant 0 : i32
    %scan3A_3 = arith.constant 80 : i32
    %scan3A_4 = arith.addi %scan3A, %scan3A_3 : i32
    %scan3A_5 = arith.constant 1 : i32
    scf.for %scan3A_85 = %scan3A to %scan3A_4 step %scan3A_5  : i32 {
      %broadcast_in_dim3A = arith.constant 0.000000e+00 : f32
      %broadcast_in_dim3A_86 = vector.broadcast %broadcast_in_dim3A : f32 to vector<16xf32>
      %swap3A = arith.index_cast %scan3A_85 : i32 to index
      %swap3A_87 = arith.constant 0 : index
      %swap3A_88 = tpu.vector_load %arg10[%swap3A, %swap3A_87] {strides = array<i32>} : memref<80x128xf32, #tpu.memory_space<vmem>>, vector<1x16xf32>,
      %swap3A_89 = vector.shape_cast %swap3A_88 : vector<1x16xf32> to vector<16xf32>
      %swap3A_90 = vector.shape_cast %broadcast_in_dim3A_86 : vector<16xf32> to vector<1x16xf32>
      tpu.vector_store %arg10[%swap3A, %swap3A_87], %swap3A_90 {strides = array<i32>} : memref<80x128xf32, #tpu.memory_space<vmem>>, vector<1x16xf32>,
      %broadcast_in_dim3A_91 = arith.constant 0.000000e+00 : f32
      %broadcast_in_dim3A_92 = vector.broadcast %broadcast_in_dim3A_91 : f32 to vector<16xf32>
      %swap3A_93 = arith.index_cast %scan3A_85 : i32 to index
      %swap3A_94 = arith.constant 16 : index
      %swap3A_95 = tpu.vector_load %arg10[%swap3A_93, %swap3A_94] {strides = array<i32>} : memref<80x128xf32, #tpu.memory_space<vmem>>, vector<1x16xf32>,
      %swap3A_96 = vector.shape_cast %swap3A_95 : vector<1x16xf32> to vector<16xf32>
      %swap3A_97 = vector.shape_cast %broadcast_in_dim3A_92 : vector<16xf32> to vector<1x16xf32>
      tpu.vector_store %arg10[%swap3A_93, %swap3A_94], %swap3A_97 {strides = array<i32>} : memref<80x128xf32, #tpu.memory_space<vmem>>, vector<1x16xf32>,
      %broadcast_in_dim3A_98 = arith.constant 0.000000e+00 : f32
      %broadcast_in_dim3A_99 = vector.broadcast %broadcast_in_dim3A_98 : f32 to vector<16xf32>
      %swap3A_100 = arith.index_cast %scan3A_85 : i32 to index
      %swap3A_101 = arith.constant 32 : index
      %swap3A_102 = tpu.vector_load %arg10[%swap3A_100, %swap3A_101] {strides = array<i32>} : memref<80x128xf32, #tpu.memory_space<vmem>>, vector<1x16xf32>,
      %swap3A_103 = vector.shape_cast %swap3A_102 : vector<1x16xf32> to vector<16xf32>
      %swap3A_104 = vector.shape_cast %broadcast_in_dim3A_99 : vector<16xf32> to vector<1x16xf32>
      tpu.vector_store %arg10[%swap3A_100, %swap3A_101], %swap3A_104 {strides = array<i32>} : memref<80x128xf32, #tpu.memory_space<vmem>>, vector<1x16xf32>,
      %broadcast_in_dim3A_105 = arith.constant 0.000000e+00 : f32
      %broadcast_in_dim3A_106 = vector.broadcast %broadcast_in_dim3A_105 : f32 to vector<16xf32>
      %swap3A_107 = arith.index_cast %scan3A_85 : i32 to index
      %swap3A_108 = arith.constant 48 : index
      %swap3A_109 = tpu.vector_load %arg10[%swap3A_107, %swap3A_108] {strides = array<i32>} : memref<80x128xf32, #tpu.memory_space<vmem>>, vector<1x16xf32>,
      %swap3A_110 = vector.shape_cast %swap3A_109 : vector<1x16xf32> to vector<16xf32>
      %swap3A_111 = vector.shape_cast %broadcast_in_dim3A_106 : vector<16xf32> to vector<1x16xf32>
      tpu.vector_store %arg10[%swap3A_107, %swap3A_108], %swap3A_111 {strides = array<i32>} : memref<80x128xf32, #tpu.memory_space<vmem>>, vector<1x16xf32>,
      %broadcast_in_dim3A_112 = arith.constant 0.000000e+00 : f32
      %broadcast_in_dim3A_113 = vector.broadcast %broadcast_in_dim3A_112 : f32 to vector<16xf32>
      %swap3A_114 = arith.index_cast %scan3A_85 : i32 to index
      %swap3A_115 = arith.constant 64 : index
      %swap3A_116 = tpu.vector_load %arg10[%swap3A_114, %swap3A_115] {strides = array<i32>} : memref<80x128xf32, #tpu.memory_space<vmem>>, vector<1x16xf32>,
      %swap3A_117 = vector.shape_cast %swap3A_116 : vector<1x16xf32> to vector<16xf32>
      %swap3A_118 = vector.shape_cast %broadcast_in_dim3A_113 : vector<16xf32> to vector<1x16xf32>
      tpu.vector_store %arg10[%swap3A_114, %swap3A_115], %swap3A_118 {strides = array<i32>} : memref<80x128xf32, #tpu.memory_space<vmem>>, vector<1x16xf32>,
      %broadcast_in_dim3A_119 = arith.constant 0.000000e+00 : f32
      %broadcast_in_dim3A_120 = vector.broadcast %broadcast_in_dim3A_119 : f32 to vector<16xf32>
      %swap3A_121 = arith.index_cast %scan3A_85 : i32 to index
      %swap3A_122 = arith.constant 80 : index
      %swap3A_123 = tpu.vector_load %arg10[%swap3A_121, %swap3A_122] {strides = array<i32>} : memref<80x128xf32, #tpu.memory_space<vmem>>, vector<1x16xf32>,
      %swap3A_124 = vector.shape_cast %swap3A_123 : vector<1x16xf32> to vector<16xf32>
      %swap3A_125 = vector.shape_cast %broadcast_in_dim3A_120 : vector<16xf32> to vector<1x16xf32>
      tpu.vector_store %arg10[%swap3A_121, %swap3A_122], %swap3A_125 {strides = array<i32>} : memref<80x128xf32, #tpu.memory_space<vmem>>, vector<1x16xf32>,
      %broadcast_in_dim3A_126 = arith.constant 0.000000e+00 : f32
      %broadcast_in_dim3A_127 = vector.broadcast %broadcast_in_dim3A_126 : f32 to vector<16xf32>
      %swap3A_128 = arith.index_cast %scan3A_85 : i32 to index
      %swap3A_129 = arith.constant 96 : index
      %swap3A_130 = tpu.vector_load %arg10[%swap3A_128, %swap3A_129] {strides = array<i32>} : memref<80x128xf32, #tpu.memory_space<vmem>>, vector<1x16xf32>,
      %swap3A_131 = vector.shape_cast %swap3A_130 : vector<1x16xf32> to vector<16xf32>
      %swap3A_132 = vector.shape_cast %broadcast_in_dim3A_127 : vector<16xf32> to vector<1x16xf32>
      tpu.vector_store %arg10[%swap3A_128, %swap3A_129], %swap3A_132 {strides = array<i32>} : memref<80x128xf32, #tpu.memory_space<vmem>>, vector<1x16xf32>,
      %broadcast_in_dim3A_133 = arith.constant 0.000000e+00 : f32
      %broadcast_in_dim3A_134 = vector.broadcast %broadcast_in_dim3A_133 : f32 to vector<16xf32>
      %swap3A_135 = arith.index_cast %scan3A_85 : i32 to index
      %swap3A_136 = arith.constant 112 : index
      %swap3A_137 = tpu.vector_load %arg10[%swap3A_135, %swap3A_136] {strides = array<i32>} : memref<80x128xf32, #tpu.memory_space<vmem>>, vector<1x16xf32>,
      %swap3A_138 = vector.shape_cast %swap3A_137 : vector<1x16xf32> to vector<16xf32>
      %swap3A_139 = vector.shape_cast %broadcast_in_dim3A_134 : vector<16xf32> to vector<1x16xf32>
      tpu.vector_store %arg10[%swap3A_135, %swap3A_136], %swap3A_139 {strides = array<i32>} : memref<80x128xf32, #tpu.memory_space<vmem>>, vector<1x16xf32>,
    }
    %scan3A_6 = arith.constant 80 : i32
    %scan3A_7 = arith.constant 0 : i32
    %scan3A_8 = arith.constant 8 : i32
    %scan3A_9 = arith.addi %scan3A_7, %scan3A_8 : i32
    %scan3A_10 = arith.constant 1 : i32
    scf.for %scan3A_85 = %scan3A_7 to %scan3A_9 step %scan3A_10  : i32 {
      %mul3A_86 = arith.constant 640 : i32
      %mul3A_87 = arith.muli %arg1, %mul3A_86 : i32
      %mul3A_88 = arith.constant 80 : i32
      %mul3A_89 = arith.muli %scan3A_85, %mul3A_88 : i32
      %add3A_90 = arith.addi %mul3A_87, %mul3A_89 : i32
      "tpu.region"() ({
        %run_scoped3A = tpu.sem_alloc : memref<!tpu.dma_semaphore, #tpu.memory_space<semaphore_mem>>
        %dma_start3A_91 = arith.constant 0 : i32
        %dma_start3A_92 = tpu.memref_slice %arg8[%add3A_90, %dma_start3A_91] : memref<10240x128xf32, #tpu.memory_space<vmem_shared>> -> memref<80x128xf32, #tpu.memory_space<vmem_shared>>
        %dma_start3A_93 = arith.constant 0 : i32
        %dma_start3A_94 = tpu.memref_slice %arg8[%add3A_90, %dma_start3A_93] : memref<10240x128xf32, #tpu.memory_space<vmem_shared>> -> memref<80x128xf32, #tpu.memory_space<vmem_shared>>
        tpu.enqueue_dma source(%arg10 : memref<80x128xf32, #tpu.memory_space<vmem>>) target(%dma_start3A_94 : memref<80x128xf32, #tpu.memory_space<vmem_shared>>) target_semaphore(%run_scoped3A : memref<!tpu.dma_semaphore, #tpu.memory_space<semaphore_mem>>)
        %dma_wait3A_95 = arith.constant 0 : i32
        %dma_wait3A_96 = tpu.memref_slice %arg8[%add3A_90, %dma_wait3A_95] : memref<10240x128xf32, #tpu.memory_space<vmem_shared>> -> memref<80x128xf32, #tpu.memory_space<vmem_shared>>
        %dma_wait3A_97 = arith.constant 0 : i32
        %dma_wait3A_98 = tpu.memref_slice %arg8[%add3A_90, %dma_wait3A_97] : memref<10240x128xf32, #tpu.memory_space<vmem_shared>> -> memref<80x128xf32, #tpu.memory_space<vmem_shared>>
        tpu.wait_dma2 semaphore(%run_scoped3A : memref<!tpu.dma_semaphore, #tpu.memory_space<semaphore_mem>>) src(%arg10 : memref<80x128xf32, #tpu.memory_space<vmem>>) dst(%dma_wait3A_98 : memref<80x128xf32, #tpu.memory_space<vmem_shared>>)
        tpu.yield
      }) : () -> ()
    }
    %scan3A_11 = arith.constant 8 : i32
    %mul3A_12 = arith.constant 80 : i32
    %mul3A_13 = arith.muli %arg1, %mul3A_12 : i32
    "tpu.region"() ({
      %run_scoped3A = tpu.sem_alloc : memref<!tpu.dma_semaphore, #tpu.memory_space<semaphore_mem>>
      %dma_start3A_85 = arith.constant 0 : i32
      %dma_start3A_86 = tpu.memref_slice %arg9[%mul3A_13, %dma_start3A_85] : memref<1280x128xf32, #tpu.memory_space<vmem_shared>> -> memref<80x128xf32, #tpu.memory_space<vmem_shared>>
      %dma_start3A_87 = arith.constant 0 : i32
      %dma_start3A_88 = tpu.memref_slice %arg9[%mul3A_13, %dma_start3A_87] : memref<1280x128xf32, #tpu.memory_space<vmem_shared>> -> memref<80x128xf32, #tpu.memory_space<vmem_shared>>
      tpu.enqueue_dma source(%arg10 : memref<80x128xf32, #tpu.memory_space<vmem>>) target(%dma_start3A_88 : memref<80x128xf32, #tpu.memory_space<vmem_shared>>) target_semaphore(%run_scoped3A : memref<!tpu.dma_semaphore, #tpu.memory_space<semaphore_mem>>)
      %dma_wait3A_89 = arith.constant 0 : i32
      %dma_wait3A_90 = tpu.memref_slice %arg9[%mul3A_13, %dma_wait3A_89] : memref<1280x128xf32, #tpu.memory_space<vmem_shared>> -> memref<80x128xf32, #tpu.memory_space<vmem_shared>>
      %dma_wait3A_91 = arith.constant 0 : i32
      %dma_wait3A_92 = tpu.memref_slice %arg9[%mul3A_13, %dma_wait3A_91] : memref<1280x128xf32, #tpu.memory_space<vmem_shared>> -> memref<80x128xf32, #tpu.memory_space<vmem_shared>>
      tpu.wait_dma2 semaphore(%run_scoped3A : memref<!tpu.dma_semaphore, #tpu.memory_space<semaphore_mem>>) src(%arg10 : memref<80x128xf32, #tpu.memory_space<vmem>>) dst(%dma_wait3A_92 : memref<80x128xf32, #tpu.memory_space<vmem_shared>>)
      tpu.yield
    }) : () -> ()
    %barrier3A = arith.constant 0 : index
    tpu.barrier barrier_id(%barrier3A)
    %scan3A_14 = arith.constant 0 : i32
    %scan3A_15 = arith.constant 21 : i32
    %scan3A_16 = arith.addi %scan3A_14, %scan3A_15 : i32
    %scan3A_17 = arith.constant 1 : i32
    scf.for %scan3A_85 = %scan3A_14 to %scan3A_16 step %scan3A_17  : i32 {
      %mul3A_86 = arith.constant 3 : i32
      %mul3A_87 = arith.muli %scan3A_85, %mul3A_86 : i32
      %add3A_88 = arith.addi %mul3A_2, %mul3A_87 : i32
      %add3A_89 = arith.constant 0 : i32
      %add3A_90 = arith.addi %add3A_88, %add3A_89 : i32
      %mul3A_91 = arith.constant 80 : i32
      %mul3A_92 = arith.muli %add3A_90, %mul3A_91 : i32
      %dma_start3A_93 = tpu.memref_slice %arg4[%mul3A_92] : memref<163840xi32, #tpu.memory_space<hbm>> -> memref<80xi32, #tpu.memory_space<hbm>>
      %dma_start3A_94 = tpu.memref_slice %arg4[%mul3A_92] : memref<163840xi32, #tpu.memory_space<hbm>> -> memref<80xi32, #tpu.memory_space<hbm>>
      tpu.enqueue_dma source(%dma_start3A_94 : memref<80xi32, #tpu.memory_space<hbm>>) target(%arg13 : memref<80xi32, #tpu.memory_space<vmem>>) target_semaphore(%arg19 : memref<!tpu.dma_semaphore, #tpu.memory_space<semaphore_mem>>)
      %dma_start3A_95 = arith.constant 0 : i32
      %dma_start3A_96 = tpu.memref_slice %arg2[%mul3A_92, %dma_start3A_95] : memref<163840x128xf32, #tpu.memory_space<hbm>> -> memref<80x128xf32, #tpu.memory_space<hbm>>
      %dma_start3A_97 = arith.constant 0 : i32
      %dma_start3A_98 = tpu.memref_slice %arg2[%mul3A_92, %dma_start3A_97] : memref<163840x128xf32, #tpu.memory_space<hbm>> -> memref<80x128xf32, #tpu.memory_space<hbm>>
      tpu.enqueue_dma source(%dma_start3A_98 : memref<80x128xf32, #tpu.memory_space<hbm>>) target(%arg10 : memref<80x128xf32, #tpu.memory_space<vmem>>) target_semaphore(%arg16 : memref<!tpu.dma_semaphore, #tpu.memory_space<semaphore_mem>>)
      %add3A_99 = arith.addi %mul3A_2, %mul3A_87 : i32
      %add3A_100 = arith.constant 1 : i32
      %add3A_101 = arith.addi %add3A_99, %add3A_100 : i32
      %mul3A_102 = arith.constant 80 : i32
      %mul3A_103 = arith.muli %add3A_101, %mul3A_102 : i32
      %dma_start3A_104 = tpu.memref_slice %arg4[%mul3A_103] : memref<163840xi32, #tpu.memory_space<hbm>> -> memref<80xi32, #tpu.memory_space<hbm>>
      %dma_start3A_105 = tpu.memref_slice %arg4[%mul3A_103] : memref<163840xi32, #tpu.memory_space<hbm>> -> memref<80xi32, #tpu.memory_space<hbm>>
      tpu.enqueue_dma source(%dma_start3A_105 : memref<80xi32, #tpu.memory_space<hbm>>) target(%arg14 : memref<80xi32, #tpu.memory_space<vmem>>) target_semaphore(%arg20 : memref<!tpu.dma_semaphore, #tpu.memory_space<semaphore_mem>>)
      %dma_start3A_106 = arith.constant 0 : i32
      %dma_start3A_107 = tpu.memref_slice %arg2[%mul3A_103, %dma_start3A_106] : memref<163840x128xf32, #tpu.memory_space<hbm>> -> memref<80x128xf32, #tpu.memory_space<hbm>>
      %dma_start3A_108 = arith.constant 0 : i32
      %dma_start3A_109 = tpu.memref_slice %arg2[%mul3A_103, %dma_start3A_108] : memref<163840x128xf32, #tpu.memory_space<hbm>> -> memref<80x128xf32, #tpu.memory_space<hbm>>
      tpu.enqueue_dma source(%dma_start3A_109 : memref<80x128xf32, #tpu.memory_space<hbm>>) target(%arg11 : memref<80x128xf32, #tpu.memory_space<vmem>>) target_semaphore(%arg17 : memref<!tpu.dma_semaphore, #tpu.memory_space<semaphore_mem>>)
      %add3A_110 = arith.addi %mul3A_2, %mul3A_87 : i32
      %add3A_111 = arith.constant 2 : i32
      %add3A_112 = arith.addi %add3A_110, %add3A_111 : i32
      %mul3A_113 = arith.constant 80 : i32
      %mul3A_114 = arith.muli %add3A_112, %mul3A_113 : i32
      %dma_start3A_115 = tpu.memref_slice %arg4[%mul3A_114] : memref<163840xi32, #tpu.memory_space<hbm>> -> memref<80xi32, #tpu.memory_space<hbm>>
      %dma_start3A_116 = tpu.memref_slice %arg4[%mul3A_114] : memref<163840xi32, #tpu.memory_space<hbm>> -> memref<80xi32, #tpu.memory_space<hbm>>
      tpu.enqueue_dma source(%dma_start3A_116 : memref<80xi32, #tpu.memory_space<hbm>>) target(%arg15 : memref<80xi32, #tpu.memory_space<vmem>>) target_semaphore(%arg21 : memref<!tpu.dma_semaphore, #tpu.memory_space<semaphore_mem>>)
      %dma_start3A_117 = arith.constant 0 : i32
      %dma_start3A_118 = tpu.memref_slice %arg2[%mul3A_114, %dma_start3A_117] : memref<163840x128xf32, #tpu.memory_space<hbm>> -> memref<80x128xf32, #tpu.memory_space<hbm>>
      %dma_start3A_119 = arith.constant 0 : i32
      %dma_start3A_120 = tpu.memref_slice %arg2[%mul3A_114, %dma_start3A_119] : memref<163840x128xf32, #tpu.memory_space<hbm>> -> memref<80x128xf32, #tpu.memory_space<hbm>>
      tpu.enqueue_dma source(%dma_start3A_120 : memref<80x128xf32, #tpu.memory_space<hbm>>) target(%arg12 : memref<80x128xf32, #tpu.memory_space<vmem>>) target_semaphore(%arg18 : memref<!tpu.dma_semaphore, #tpu.memory_space<semaphore_mem>>)
      %dma_wait3A_121 = tpu.memref_slice %arg4[%mul3A_92] : memref<163840xi32, #tpu.memory_space<hbm>> -> memref<80xi32, #tpu.memory_space<hbm>>
      %dma_wait3A_122 = tpu.memref_slice %arg4[%mul3A_92] : memref<163840xi32, #tpu.memory_space<hbm>> -> memref<80xi32, #tpu.memory_space<hbm>>
      tpu.wait_dma2 semaphore(%arg19 : memref<!tpu.dma_semaphore, #tpu.memory_space<semaphore_mem>>) src(%dma_wait3A_122 : memref<80xi32, #tpu.memory_space<hbm>>) dst(%arg13 : memref<80xi32, #tpu.memory_space<vmem>>)
      %dma_wait3A_123 = arith.constant 0 : i32
      %dma_wait3A_124 = tpu.memref_slice %arg2[%mul3A_92, %dma_wait3A_123] : memref<163840x128xf32, #tpu.memory_space<hbm>> -> memref<80x128xf32, #tpu.memory_space<hbm>>
      %dma_wait3A_125 = arith.constant 0 : i32
      %dma_wait3A_126 = tpu.memref_slice %arg2[%mul3A_92, %dma_wait3A_125] : memref<163840x128xf32, #tpu.memory_space<hbm>> -> memref<80x128xf32, #tpu.memory_space<hbm>>
      tpu.wait_dma2 semaphore(%arg16 : memref<!tpu.dma_semaphore, #tpu.memory_space<semaphore_mem>>) src(%dma_wait3A_126 : memref<80x128xf32, #tpu.memory_space<hbm>>) dst(%arg10 : memref<80x128xf32, #tpu.memory_space<vmem>>)
      %dma_start3A_127 = arith.constant 0 : i32
      %dma_start3A_128 = arith.constant 0 : i32
      %dma_start3A_129 = tpu.memref_slice %arg8[%dma_start3A_127, %dma_start3A_128] : memref<10240x128xf32, #tpu.memory_space<vmem_shared>> -> memref<10240x128xf32, #tpu.memory_space<vmem_shared>>
      tpu.enqueue_indirect_dma source(%arg10 : memref<80x128xf32, #tpu.memory_space<vmem>>) target(%dma_start3A_129 : memref<10240x128xf32, #tpu.memory_space<vmem_shared>>) offsets(%arg13 : memref<80xi32, #tpu.memory_space<vmem>>) semaphore(%arg16 : memref<!tpu.dma_semaphore, #tpu.memory_space<semaphore_mem>>) {add = true}
      %dma_wait3A_130 = tpu.memref_slice %arg4[%mul3A_103] : memref<163840xi32, #tpu.memory_space<hbm>> -> memref<80xi32, #tpu.memory_space<hbm>>
      %dma_wait3A_131 = tpu.memref_slice %arg4[%mul3A_103] : memref<163840xi32, #tpu.memory_space<hbm>> -> memref<80xi32, #tpu.memory_space<hbm>>
      tpu.wait_dma2 semaphore(%arg20 : memref<!tpu.dma_semaphore, #tpu.memory_space<semaphore_mem>>) src(%dma_wait3A_131 : memref<80xi32, #tpu.memory_space<hbm>>) dst(%arg14 : memref<80xi32, #tpu.memory_space<vmem>>)
      %dma_wait3A_132 = arith.constant 0 : i32
      %dma_wait3A_133 = tpu.memref_slice %arg2[%mul3A_103, %dma_wait3A_132] : memref<163840x128xf32, #tpu.memory_space<hbm>> -> memref<80x128xf32, #tpu.memory_space<hbm>>
      %dma_wait3A_134 = arith.constant 0 : i32
      %dma_wait3A_135 = tpu.memref_slice %arg2[%mul3A_103, %dma_wait3A_134] : memref<163840x128xf32, #tpu.memory_space<hbm>> -> memref<80x128xf32, #tpu.memory_space<hbm>>
      tpu.wait_dma2 semaphore(%arg17 : memref<!tpu.dma_semaphore, #tpu.memory_space<semaphore_mem>>) src(%dma_wait3A_135 : memref<80x128xf32, #tpu.memory_space<hbm>>) dst(%arg11 : memref<80x128xf32, #tpu.memory_space<vmem>>)
      %dma_start3A_136 = arith.constant 0 : i32
      %dma_start3A_137 = arith.constant 0 : i32
      %dma_start3A_138 = tpu.memref_slice %arg8[%dma_start3A_136, %dma_start3A_137] : memref<10240x128xf32, #tpu.memory_space<vmem_shared>> -> memref<10240x128xf32, #tpu.memory_space<vmem_shared>>
      tpu.enqueue_indirect_dma source(%arg11 : memref<80x128xf32, #tpu.memory_space<vmem>>) target(%dma_start3A_138 : memref<10240x128xf32, #tpu.memory_space<vmem_shared>>) offsets(%arg14 : memref<80xi32, #tpu.memory_space<vmem>>) semaphore(%arg17 : memref<!tpu.dma_semaphore, #tpu.memory_space<semaphore_mem>>) {add = true}
      %dma_wait3A_139 = tpu.memref_slice %arg4[%mul3A_114] : memref<163840xi32, #tpu.memory_space<hbm>> -> memref<80xi32, #tpu.memory_space<hbm>>
      %dma_wait3A_140 = tpu.memref_slice %arg4[%mul3A_114] : memref<163840xi32, #tpu.memory_space<hbm>> -> memref<80xi32, #tpu.memory_space<hbm>>
      tpu.wait_dma2 semaphore(%arg21 : memref<!tpu.dma_semaphore, #tpu.memory_space<semaphore_mem>>) src(%dma_wait3A_140 : memref<80xi32, #tpu.memory_space<hbm>>) dst(%arg15 : memref<80xi32, #tpu.memory_space<vmem>>)
      %dma_wait3A_141 = arith.constant 0 : i32
      %dma_wait3A_142 = tpu.memref_slice %arg2[%mul3A_114, %dma_wait3A_141] : memref<163840x128xf32, #tpu.memory_space<hbm>> -> memref<80x128xf32, #tpu.memory_space<hbm>>
      %dma_wait3A_143 = arith.constant 0 : i32
      %dma_wait3A_144 = tpu.memref_slice %arg2[%mul3A_114, %dma_wait3A_143] : memref<163840x128xf32, #tpu.memory_space<hbm>> -> memref<80x128xf32, #tpu.memory_space<hbm>>
      tpu.wait_dma2 semaphore(%arg18 : memref<!tpu.dma_semaphore, #tpu.memory_space<semaphore_mem>>) src(%dma_wait3A_144 : memref<80x128xf32, #tpu.memory_space<hbm>>) dst(%arg12 : memref<80x128xf32, #tpu.memory_space<vmem>>)
      %dma_start3A_145 = arith.constant 0 : i32
      %dma_start3A_146 = arith.constant 0 : i32
      %dma_start3A_147 = tpu.memref_slice %arg8[%dma_start3A_145, %dma_start3A_146] : memref<10240x128xf32, #tpu.memory_space<vmem_shared>> -> memref<10240x128xf32, #tpu.memory_space<vmem_shared>>
      tpu.enqueue_indirect_dma source(%arg12 : memref<80x128xf32, #tpu.memory_space<vmem>>) target(%dma_start3A_147 : memref<10240x128xf32, #tpu.memory_space<vmem_shared>>) offsets(%arg15 : memref<80xi32, #tpu.memory_space<vmem>>) semaphore(%arg18 : memref<!tpu.dma_semaphore, #tpu.memory_space<semaphore_mem>>) {add = true}
      %dma_wait3A_148 = arith.constant 0 : i32
      %dma_wait3A_149 = arith.constant 0 : i32
      %dma_wait3A_150 = tpu.memref_slice %arg8[%dma_wait3A_148, %dma_wait3A_149] : memref<10240x128xf32, #tpu.memory_space<vmem_shared>> -> memref<10240x128xf32, #tpu.memory_space<vmem_shared>>
      tpu.wait_indirect_dma semaphore(%arg16 : memref<!tpu.dma_semaphore, #tpu.memory_space<semaphore_mem>>) src(%arg10 : memref<80x128xf32, #tpu.memory_space<vmem>>) dst(%dma_wait3A_150 : memref<10240x128xf32, #tpu.memory_space<vmem_shared>>)
      %dma_wait3A_151 = arith.constant 0 : i32
      %dma_wait3A_152 = arith.constant 0 : i32
      %dma_wait3A_153 = tpu.memref_slice %arg8[%dma_wait3A_151, %dma_wait3A_152] : memref<10240x128xf32, #tpu.memory_space<vmem_shared>> -> memref<10240x128xf32, #tpu.memory_space<vmem_shared>>
      tpu.wait_indirect_dma semaphore(%arg17 : memref<!tpu.dma_semaphore, #tpu.memory_space<semaphore_mem>>) src(%arg11 : memref<80x128xf32, #tpu.memory_space<vmem>>) dst(%dma_wait3A_153 : memref<10240x128xf32, #tpu.memory_space<vmem_shared>>)
      %dma_wait3A_154 = arith.constant 0 : i32
      %dma_wait3A_155 = arith.constant 0 : i32
      %dma_wait3A_156 = tpu.memref_slice %arg8[%dma_wait3A_154, %dma_wait3A_155] : memref<10240x128xf32, #tpu.memory_space<vmem_shared>> -> memref<10240x128xf32, #tpu.memory_space<vmem_shared>>
      tpu.wait_indirect_dma semaphore(%arg18 : memref<!tpu.dma_semaphore, #tpu.memory_space<semaphore_mem>>) src(%arg12 : memref<80x128xf32, #tpu.memory_space<vmem>>) dst(%dma_wait3A_156 : memref<10240x128xf32, #tpu.memory_space<vmem_shared>>)
    }
    %scan3A_18 = arith.constant 21 : i32
    %add3A_19 = arith.constant 63 : i32
    %add3A_20 = arith.addi %mul3A_2, %add3A_19 : i32
    %add3A_21 = arith.constant 0 : i32
    %add3A_22 = arith.addi %add3A_20, %add3A_21 : i32
    %mul3A_23 = arith.constant 80 : i32
    %mul3A_24 = arith.muli %add3A_22, %mul3A_23 : i32
    %dma_start3A = tpu.memref_slice %arg4[%mul3A_24] : memref<163840xi32, #tpu.memory_space<hbm>> -> memref<80xi32, #tpu.memory_space<hbm>>
    %dma_start3A_25 = tpu.memref_slice %arg4[%mul3A_24] : memref<163840xi32, #tpu.memory_space<hbm>> -> memref<80xi32, #tpu.memory_space<hbm>>
    tpu.enqueue_dma source(%dma_start3A_25 : memref<80xi32, #tpu.memory_space<hbm>>) target(%arg13 : memref<80xi32, #tpu.memory_space<vmem>>) target_semaphore(%arg19 : memref<!tpu.dma_semaphore, #tpu.memory_space<semaphore_mem>>)
    %dma_start3A_26 = arith.constant 0 : i32
    %dma_start3A_27 = tpu.memref_slice %arg2[%mul3A_24, %dma_start3A_26] : memref<163840x128xf32, #tpu.memory_space<hbm>> -> memref<80x128xf32, #tpu.memory_space<hbm>>
    %dma_start3A_28 = arith.constant 0 : i32
    %dma_start3A_29 = tpu.memref_slice %arg2[%mul3A_24, %dma_start3A_28] : memref<163840x128xf32, #tpu.memory_space<hbm>> -> memref<80x128xf32, #tpu.memory_space<hbm>>
    tpu.enqueue_dma source(%dma_start3A_29 : memref<80x128xf32, #tpu.memory_space<hbm>>) target(%arg10 : memref<80x128xf32, #tpu.memory_space<vmem>>) target_semaphore(%arg16 : memref<!tpu.dma_semaphore, #tpu.memory_space<semaphore_mem>>)
    %dma_wait3A = tpu.memref_slice %arg4[%mul3A_24] : memref<163840xi32, #tpu.memory_space<hbm>> -> memref<80xi32, #tpu.memory_space<hbm>>
    %dma_wait3A_30 = tpu.memref_slice %arg4[%mul3A_24] : memref<163840xi32, #tpu.memory_space<hbm>> -> memref<80xi32, #tpu.memory_space<hbm>>
    tpu.wait_dma2 semaphore(%arg19 : memref<!tpu.dma_semaphore, #tpu.memory_space<semaphore_mem>>) src(%dma_wait3A_30 : memref<80xi32, #tpu.memory_space<hbm>>) dst(%arg13 : memref<80xi32, #tpu.memory_space<vmem>>)
    %dma_wait3A_31 = arith.constant 0 : i32
    %dma_wait3A_32 = tpu.memref_slice %arg2[%mul3A_24, %dma_wait3A_31] : memref<163840x128xf32, #tpu.memory_space<hbm>> -> memref<80x128xf32, #tpu.memory_space<hbm>>
    %dma_wait3A_33 = arith.constant 0 : i32
    %dma_wait3A_34 = tpu.memref_slice %arg2[%mul3A_24, %dma_wait3A_33] : memref<163840x128xf32, #tpu.memory_space<hbm>> -> memref<80x128xf32, #tpu.memory_space<hbm>>
    tpu.wait_dma2 semaphore(%arg16 : memref<!tpu.dma_semaphore, #tpu.memory_space<semaphore_mem>>) src(%dma_wait3A_34 : memref<80x128xf32, #tpu.memory_space<hbm>>) dst(%arg10 : memref<80x128xf32, #tpu.memory_space<vmem>>)
    %dma_start3A_35 = arith.constant 0 : i32
    %dma_start3A_36 = arith.constant 0 : i32
    %dma_start3A_37 = tpu.memref_slice %arg8[%dma_start3A_35, %dma_start3A_36] : memref<10240x128xf32, #tpu.memory_space<vmem_shared>> -> memref<10240x128xf32, #tpu.memory_space<vmem_shared>>
    tpu.enqueue_indirect_dma source(%arg10 : memref<80x128xf32, #tpu.memory_space<vmem>>) target(%dma_start3A_37 : memref<10240x128xf32, #tpu.memory_space<vmem_shared>>) offsets(%arg13 : memref<80xi32, #tpu.memory_space<vmem>>) semaphore(%arg16 : memref<!tpu.dma_semaphore, #tpu.memory_space<semaphore_mem>>) {add = true}
    %dma_wait3A_38 = arith.constant 0 : i32
    %dma_wait3A_39 = arith.constant 0 : i32
    %dma_wait3A_40 = tpu.memref_slice %arg8[%dma_wait3A_38, %dma_wait3A_39] : memref<10240x128xf32, #tpu.memory_space<vmem_shared>> -> memref<10240x128xf32, #tpu.memory_space<vmem_shared>>
    tpu.wait_indirect_dma semaphore(%arg16 : memref<!tpu.dma_semaphore, #tpu.memory_space<semaphore_mem>>) src(%arg10 : memref<80x128xf32, #tpu.memory_space<vmem>>) dst(%dma_wait3A_40 : memref<10240x128xf32, #tpu.memory_space<vmem_shared>>)
    %scan3A_41 = arith.constant 0 : i32
    %scan3A_42 = arith.constant 21 : i32
    %scan3A_43 = arith.addi %scan3A_41, %scan3A_42 : i32
    %scan3A_44 = arith.constant 1 : i32
    scf.for %scan3A_85 = %scan3A_41 to %scan3A_43 step %scan3A_44  : i32 {
      %mul3A_86 = arith.constant 3 : i32
      %mul3A_87 = arith.muli %scan3A_85, %mul3A_86 : i32
      %add3A_88 = arith.addi %mul3A_2, %mul3A_87 : i32
      %add3A_89 = arith.constant 0 : i32
      %add3A_90 = arith.addi %add3A_88, %add3A_89 : i32
      %mul3A_91 = arith.constant 80 : i32
      %mul3A_92 = arith.muli %add3A_90, %mul3A_91 : i32
      %dma_start3A_93 = tpu.memref_slice %arg5[%mul3A_92] : memref<163840xi32, #tpu.memory_space<hbm>> -> memref<80xi32, #tpu.memory_space<hbm>>
      %dma_start3A_94 = tpu.memref_slice %arg5[%mul3A_92] : memref<163840xi32, #tpu.memory_space<hbm>> -> memref<80xi32, #tpu.memory_space<hbm>>
      tpu.enqueue_dma source(%dma_start3A_94 : memref<80xi32, #tpu.memory_space<hbm>>) target(%arg13 : memref<80xi32, #tpu.memory_space<vmem>>) target_semaphore(%arg19 : memref<!tpu.dma_semaphore, #tpu.memory_space<semaphore_mem>>)
      %dma_start3A_95 = arith.constant 0 : i32
      %dma_start3A_96 = tpu.memref_slice %arg3[%mul3A_92, %dma_start3A_95] : memref<163840x128xf32, #tpu.memory_space<hbm>> -> memref<80x128xf32, #tpu.memory_space<hbm>>
      %dma_start3A_97 = arith.constant 0 : i32
      %dma_start3A_98 = tpu.memref_slice %arg3[%mul3A_92, %dma_start3A_97] : memref<163840x128xf32, #tpu.memory_space<hbm>> -> memref<80x128xf32, #tpu.memory_space<hbm>>
      tpu.enqueue_dma source(%dma_start3A_98 : memref<80x128xf32, #tpu.memory_space<hbm>>) target(%arg10 : memref<80x128xf32, #tpu.memory_space<vmem>>) target_semaphore(%arg16 : memref<!tpu.dma_semaphore, #tpu.memory_space<semaphore_mem>>)
      %add3A_99 = arith.addi %mul3A_2, %mul3A_87 : i32
      %add3A_100 = arith.constant 1 : i32
      %add3A_101 = arith.addi %add3A_99, %add3A_100 : i32
      %mul3A_102 = arith.constant 80 : i32
      %mul3A_103 = arith.muli %add3A_101, %mul3A_102 : i32
      %dma_start3A_104 = tpu.memref_slice %arg5[%mul3A_103] : memref<163840xi32, #tpu.memory_space<hbm>> -> memref<80xi32, #tpu.memory_space<hbm>>
      %dma_start3A_105 = tpu.memref_slice %arg5[%mul3A_103] : memref<163840xi32, #tpu.memory_space<hbm>> -> memref<80xi32, #tpu.memory_space<hbm>>
      tpu.enqueue_dma source(%dma_start3A_105 : memref<80xi32, #tpu.memory_space<hbm>>) target(%arg14 : memref<80xi32, #tpu.memory_space<vmem>>) target_semaphore(%arg20 : memref<!tpu.dma_semaphore, #tpu.memory_space<semaphore_mem>>)
      %dma_start3A_106 = arith.constant 0 : i32
      %dma_start3A_107 = tpu.memref_slice %arg3[%mul3A_103, %dma_start3A_106] : memref<163840x128xf32, #tpu.memory_space<hbm>> -> memref<80x128xf32, #tpu.memory_space<hbm>>
      %dma_start3A_108 = arith.constant 0 : i32
      %dma_start3A_109 = tpu.memref_slice %arg3[%mul3A_103, %dma_start3A_108] : memref<163840x128xf32, #tpu.memory_space<hbm>> -> memref<80x128xf32, #tpu.memory_space<hbm>>
      tpu.enqueue_dma source(%dma_start3A_109 : memref<80x128xf32, #tpu.memory_space<hbm>>) target(%arg11 : memref<80x128xf32, #tpu.memory_space<vmem>>) target_semaphore(%arg17 : memref<!tpu.dma_semaphore, #tpu.memory_space<semaphore_mem>>)
      %add3A_110 = arith.addi %mul3A_2, %mul3A_87 : i32
      %add3A_111 = arith.constant 2 : i32
      %add3A_112 = arith.addi %add3A_110, %add3A_111 : i32
      %mul3A_113 = arith.constant 80 : i32
      %mul3A_114 = arith.muli %add3A_112, %mul3A_113 : i32
      %dma_start3A_115 = tpu.memref_slice %arg5[%mul3A_114] : memref<163840xi32, #tpu.memory_space<hbm>> -> memref<80xi32, #tpu.memory_space<hbm>>
      %dma_start3A_116 = tpu.memref_slice %arg5[%mul3A_114] : memref<163840xi32, #tpu.memory_space<hbm>> -> memref<80xi32, #tpu.memory_space<hbm>>
      tpu.enqueue_dma source(%dma_start3A_116 : memref<80xi32, #tpu.memory_space<hbm>>) target(%arg15 : memref<80xi32, #tpu.memory_space<vmem>>) target_semaphore(%arg21 : memref<!tpu.dma_semaphore, #tpu.memory_space<semaphore_mem>>)
      %dma_start3A_117 = arith.constant 0 : i32
      %dma_start3A_118 = tpu.memref_slice %arg3[%mul3A_114, %dma_start3A_117] : memref<163840x128xf32, #tpu.memory_space<hbm>> -> memref<80x128xf32, #tpu.memory_space<hbm>>
      %dma_start3A_119 = arith.constant 0 : i32
      %dma_start3A_120 = tpu.memref_slice %arg3[%mul3A_114, %dma_start3A_119] : memref<163840x128xf32, #tpu.memory_space<hbm>> -> memref<80x128xf32, #tpu.memory_space<hbm>>
      tpu.enqueue_dma source(%dma_start3A_120 : memref<80x128xf32, #tpu.memory_space<hbm>>) target(%arg12 : memref<80x128xf32, #tpu.memory_space<vmem>>) target_semaphore(%arg18 : memref<!tpu.dma_semaphore, #tpu.memory_space<semaphore_mem>>)
      %dma_wait3A_121 = tpu.memref_slice %arg5[%mul3A_92] : memref<163840xi32, #tpu.memory_space<hbm>> -> memref<80xi32, #tpu.memory_space<hbm>>
      %dma_wait3A_122 = tpu.memref_slice %arg5[%mul3A_92] : memref<163840xi32, #tpu.memory_space<hbm>> -> memref<80xi32, #tpu.memory_space<hbm>>
      tpu.wait_dma2 semaphore(%arg19 : memref<!tpu.dma_semaphore, #tpu.memory_space<semaphore_mem>>) src(%dma_wait3A_122 : memref<80xi32, #tpu.memory_space<hbm>>) dst(%arg13 : memref<80xi32, #tpu.memory_space<vmem>>)
      %dma_wait3A_123 = arith.constant 0 : i32
      %dma_wait3A_124 = tpu.memref_slice %arg3[%mul3A_92, %dma_wait3A_123] : memref<163840x128xf32, #tpu.memory_space<hbm>> -> memref<80x128xf32, #tpu.memory_space<hbm>>
      %dma_wait3A_125 = arith.constant 0 : i32
      %dma_wait3A_126 = tpu.memref_slice %arg3[%mul3A_92, %dma_wait3A_125] : memref<163840x128xf32, #tpu.memory_space<hbm>> -> memref<80x128xf32, #tpu.memory_space<hbm>>
      tpu.wait_dma2 semaphore(%arg16 : memref<!tpu.dma_semaphore, #tpu.memory_space<semaphore_mem>>) src(%dma_wait3A_126 : memref<80x128xf32, #tpu.memory_space<hbm>>) dst(%arg10 : memref<80x128xf32, #tpu.memory_space<vmem>>)
      %dma_start3A_127 = arith.constant 0 : i32
      %dma_start3A_128 = arith.constant 0 : i32
      %dma_start3A_129 = tpu.memref_slice %arg9[%dma_start3A_127, %dma_start3A_128] : memref<1280x128xf32, #tpu.memory_space<vmem_shared>> -> memref<1280x128xf32, #tpu.memory_space<vmem_shared>>
      tpu.enqueue_indirect_dma source(%arg10 : memref<80x128xf32, #tpu.memory_space<vmem>>) target(%dma_start3A_129 : memref<1280x128xf32, #tpu.memory_space<vmem_shared>>) offsets(%arg13 : memref<80xi32, #tpu.memory_space<vmem>>) semaphore(%arg16 : memref<!tpu.dma_semaphore, #tpu.memory_space<semaphore_mem>>) {add = true}
      %dma_wait3A_130 = tpu.memref_slice %arg5[%mul3A_103] : memref<163840xi32, #tpu.memory_space<hbm>> -> memref<80xi32, #tpu.memory_space<hbm>>
      %dma_wait3A_131 = tpu.memref_slice %arg5[%mul3A_103] : memref<163840xi32, #tpu.memory_space<hbm>> -> memref<80xi32, #tpu.memory_space<hbm>>
      tpu.wait_dma2 semaphore(%arg20 : memref<!tpu.dma_semaphore, #tpu.memory_space<semaphore_mem>>) src(%dma_wait3A_131 : memref<80xi32, #tpu.memory_space<hbm>>) dst(%arg14 : memref<80xi32, #tpu.memory_space<vmem>>)
      %dma_wait3A_132 = arith.constant 0 : i32
      %dma_wait3A_133 = tpu.memref_slice %arg3[%mul3A_103, %dma_wait3A_132] : memref<163840x128xf32, #tpu.memory_space<hbm>> -> memref<80x128xf32, #tpu.memory_space<hbm>>
      %dma_wait3A_134 = arith.constant 0 : i32
      %dma_wait3A_135 = tpu.memref_slice %arg3[%mul3A_103, %dma_wait3A_134] : memref<163840x128xf32, #tpu.memory_space<hbm>> -> memref<80x128xf32, #tpu.memory_space<hbm>>
      tpu.wait_dma2 semaphore(%arg17 : memref<!tpu.dma_semaphore, #tpu.memory_space<semaphore_mem>>) src(%dma_wait3A_135 : memref<80x128xf32, #tpu.memory_space<hbm>>) dst(%arg11 : memref<80x128xf32, #tpu.memory_space<vmem>>)
      %dma_start3A_136 = arith.constant 0 : i32
      %dma_start3A_137 = arith.constant 0 : i32
      %dma_start3A_138 = tpu.memref_slice %arg9[%dma_start3A_136, %dma_start3A_137] : memref<1280x128xf32, #tpu.memory_space<vmem_shared>> -> memref<1280x128xf32, #tpu.memory_space<vmem_shared>>
      tpu.enqueue_indirect_dma source(%arg11 : memref<80x128xf32, #tpu.memory_space<vmem>>) target(%dma_start3A_138 : memref<1280x128xf32, #tpu.memory_space<vmem_shared>>) offsets(%arg14 : memref<80xi32, #tpu.memory_space<vmem>>) semaphore(%arg17 : memref<!tpu.dma_semaphore, #tpu.memory_space<semaphore_mem>>) {add = true}
      %dma_wait3A_139 = tpu.memref_slice %arg5[%mul3A_114] : memref<163840xi32, #tpu.memory_space<hbm>> -> memref<80xi32, #tpu.memory_space<hbm>>
      %dma_wait3A_140 = tpu.memref_slice %arg5[%mul3A_114] : memref<163840xi32, #tpu.memory_space<hbm>> -> memref<80xi32, #tpu.memory_space<hbm>>
      tpu.wait_dma2 semaphore(%arg21 : memref<!tpu.dma_semaphore, #tpu.memory_space<semaphore_mem>>) src(%dma_wait3A_140 : memref<80xi32, #tpu.memory_space<hbm>>) dst(%arg15 : memref<80xi32, #tpu.memory_space<vmem>>)
      %dma_wait3A_141 = arith.constant 0 : i32
      %dma_wait3A_142 = tpu.memref_slice %arg3[%mul3A_114, %dma_wait3A_141] : memref<163840x128xf32, #tpu.memory_space<hbm>> -> memref<80x128xf32, #tpu.memory_space<hbm>>
      %dma_wait3A_143 = arith.constant 0 : i32
      %dma_wait3A_144 = tpu.memref_slice %arg3[%mul3A_114, %dma_wait3A_143] : memref<163840x128xf32, #tpu.memory_space<hbm>> -> memref<80x128xf32, #tpu.memory_space<hbm>>
      tpu.wait_dma2 semaphore(%arg18 : memref<!tpu.dma_semaphore, #tpu.memory_space<semaphore_mem>>) src(%dma_wait3A_144 : memref<80x128xf32, #tpu.memory_space<hbm>>) dst(%arg12 : memref<80x128xf32, #tpu.memory_space<vmem>>)
      %dma_start3A_145 = arith.constant 0 : i32
      %dma_start3A_146 = arith.constant 0 : i32
      %dma_start3A_147 = tpu.memref_slice %arg9[%dma_start3A_145, %dma_start3A_146] : memref<1280x128xf32, #tpu.memory_space<vmem_shared>> -> memref<1280x128xf32, #tpu.memory_space<vmem_shared>>
      tpu.enqueue_indirect_dma source(%arg12 : memref<80x128xf32, #tpu.memory_space<vmem>>) target(%dma_start3A_147 : memref<1280x128xf32, #tpu.memory_space<vmem_shared>>) offsets(%arg15 : memref<80xi32, #tpu.memory_space<vmem>>) semaphore(%arg18 : memref<!tpu.dma_semaphore, #tpu.memory_space<semaphore_mem>>) {add = true}
      %dma_wait3A_148 = arith.constant 0 : i32
      %dma_wait3A_149 = arith.constant 0 : i32
      %dma_wait3A_150 = tpu.memref_slice %arg9[%dma_wait3A_148, %dma_wait3A_149] : memref<1280x128xf32, #tpu.memory_space<vmem_shared>> -> memref<1280x128xf32, #tpu.memory_space<vmem_shared>>
      tpu.wait_indirect_dma semaphore(%arg16 : memref<!tpu.dma_semaphore, #tpu.memory_space<semaphore_mem>>) src(%arg10 : memref<80x128xf32, #tpu.memory_space<vmem>>) dst(%dma_wait3A_150 : memref<1280x128xf32, #tpu.memory_space<vmem_shared>>)
      %dma_wait3A_151 = arith.constant 0 : i32
      %dma_wait3A_152 = arith.constant 0 : i32
      %dma_wait3A_153 = tpu.memref_slice %arg9[%dma_wait3A_151, %dma_wait3A_152] : memref<1280x128xf32, #tpu.memory_space<vmem_shared>> -> memref<1280x128xf32, #tpu.memory_space<vmem_shared>>
      tpu.wait_indirect_dma semaphore(%arg17 : memref<!tpu.dma_semaphore, #tpu.memory_space<semaphore_mem>>) src(%arg11 : memref<80x128xf32, #tpu.memory_space<vmem>>) dst(%dma_wait3A_153 : memref<1280x128xf32, #tpu.memory_space<vmem_shared>>)
      %dma_wait3A_154 = arith.constant 0 : i32
      %dma_wait3A_155 = arith.constant 0 : i32
      %dma_wait3A_156 = tpu.memref_slice %arg9[%dma_wait3A_154, %dma_wait3A_155] : memref<1280x128xf32, #tpu.memory_space<vmem_shared>> -> memref<1280x128xf32, #tpu.memory_space<vmem_shared>>
      tpu.wait_indirect_dma semaphore(%arg18 : memref<!tpu.dma_semaphore, #tpu.memory_space<semaphore_mem>>) src(%arg12 : memref<80x128xf32, #tpu.memory_space<vmem>>) dst(%dma_wait3A_156 : memref<1280x128xf32, #tpu.memory_space<vmem_shared>>)
    }
    %scan3A_45 = arith.constant 21 : i32
    %add3A_46 = arith.constant 63 : i32
    %add3A_47 = arith.addi %mul3A_2, %add3A_46 : i32
    %add3A_48 = arith.constant 0 : i32
    %add3A_49 = arith.addi %add3A_47, %add3A_48 : i32
    %mul3A_50 = arith.constant 80 : i32
    %mul3A_51 = arith.muli %add3A_49, %mul3A_50 : i32
    %dma_start3A_52 = tpu.memref_slice %arg5[%mul3A_51] : memref<163840xi32, #tpu.memory_space<hbm>> -> memref<80xi32, #tpu.memory_space<hbm>>
    %dma_start3A_53 = tpu.memref_slice %arg5[%mul3A_51] : memref<163840xi32, #tpu.memory_space<hbm>> -> memref<80xi32, #tpu.memory_space<hbm>>
    tpu.enqueue_dma source(%dma_start3A_53 : memref<80xi32, #tpu.memory_space<hbm>>) target(%arg13 : memref<80xi32, #tpu.memory_space<vmem>>) target_semaphore(%arg19 : memref<!tpu.dma_semaphore, #tpu.memory_space<semaphore_mem>>)
    %dma_start3A_54 = arith.constant 0 : i32
    %dma_start3A_55 = tpu.memref_slice %arg3[%mul3A_51, %dma_start3A_54] : memref<163840x128xf32, #tpu.memory_space<hbm>> -> memref<80x128xf32, #tpu.memory_space<hbm>>
    %dma_start3A_56 = arith.constant 0 : i32
    %dma_start3A_57 = tpu.memref_slice %arg3[%mul3A_51, %dma_start3A_56] : memref<163840x128xf32, #tpu.memory_space<hbm>> -> memref<80x128xf32, #tpu.memory_space<hbm>>
    tpu.enqueue_dma source(%dma_start3A_57 : memref<80x128xf32, #tpu.memory_space<hbm>>) target(%arg10 : memref<80x128xf32, #tpu.memory_space<vmem>>) target_semaphore(%arg16 : memref<!tpu.dma_semaphore, #tpu.memory_space<semaphore_mem>>)
    %dma_wait3A_58 = tpu.memref_slice %arg5[%mul3A_51] : memref<163840xi32, #tpu.memory_space<hbm>> -> memref<80xi32, #tpu.memory_space<hbm>>
    %dma_wait3A_59 = tpu.memref_slice %arg5[%mul3A_51] : memref<163840xi32, #tpu.memory_space<hbm>> -> memref<80xi32, #tpu.memory_space<hbm>>
    tpu.wait_dma2 semaphore(%arg19 : memref<!tpu.dma_semaphore, #tpu.memory_space<semaphore_mem>>) src(%dma_wait3A_59 : memref<80xi32, #tpu.memory_space<hbm>>) dst(%arg13 : memref<80xi32, #tpu.memory_space<vmem>>)
    %dma_wait3A_60 = arith.constant 0 : i32
    %dma_wait3A_61 = tpu.memref_slice %arg3[%mul3A_51, %dma_wait3A_60] : memref<163840x128xf32, #tpu.memory_space<hbm>> -> memref<80x128xf32, #tpu.memory_space<hbm>>
    %dma_wait3A_62 = arith.constant 0 : i32
    %dma_wait3A_63 = tpu.memref_slice %arg3[%mul3A_51, %dma_wait3A_62] : memref<163840x128xf32, #tpu.memory_space<hbm>> -> memref<80x128xf32, #tpu.memory_space<hbm>>
    tpu.wait_dma2 semaphore(%arg16 : memref<!tpu.dma_semaphore, #tpu.memory_space<semaphore_mem>>) src(%dma_wait3A_63 : memref<80x128xf32, #tpu.memory_space<hbm>>) dst(%arg10 : memref<80x128xf32, #tpu.memory_space<vmem>>)
    %dma_start3A_64 = arith.constant 0 : i32
    %dma_start3A_65 = arith.constant 0 : i32
    %dma_start3A_66 = tpu.memref_slice %arg9[%dma_start3A_64, %dma_start3A_65] : memref<1280x128xf32, #tpu.memory_space<vmem_shared>> -> memref<1280x128xf32, #tpu.memory_space<vmem_shared>>
    tpu.enqueue_indirect_dma source(%arg10 : memref<80x128xf32, #tpu.memory_space<vmem>>) target(%dma_start3A_66 : memref<1280x128xf32, #tpu.memory_space<vmem_shared>>) offsets(%arg13 : memref<80xi32, #tpu.memory_space<vmem>>) semaphore(%arg16 : memref<!tpu.dma_semaphore, #tpu.memory_space<semaphore_mem>>) {add = true}
    %dma_wait3A_67 = arith.constant 0 : i32
    %dma_wait3A_68 = arith.constant 0 : i32
    %dma_wait3A_69 = tpu.memref_slice %arg9[%dma_wait3A_67, %dma_wait3A_68] : memref<1280x128xf32, #tpu.memory_space<vmem_shared>> -> memref<1280x128xf32, #tpu.memory_space<vmem_shared>>
    tpu.wait_indirect_dma semaphore(%arg16 : memref<!tpu.dma_semaphore, #tpu.memory_space<semaphore_mem>>) src(%arg10 : memref<80x128xf32, #tpu.memory_space<vmem>>) dst(%dma_wait3A_69 : memref<1280x128xf32, #tpu.memory_space<vmem_shared>>)
    %barrier3A_70 = arith.constant 0 : index
    tpu.barrier barrier_id(%barrier3A_70)
    %mul3A_71 = arith.constant 640 : i32
    %mul3A_72 = arith.muli %arg1, %mul3A_71 : i32
    %mul3A_73 = arith.constant 10240 : i32
    %mul3A_74 = arith.muli %arg0, %mul3A_73 : i32
    %mul3A_75 = arith.constant 640 : i32
    %mul3A_76 = arith.muli %arg1, %mul3A_75 : i32
    %add3A_77 = arith.addi %mul3A_74, %mul3A_76 : i32
    "tpu.region"() ({
      %run_scoped3A = tpu.sem_alloc : memref<!tpu.dma_semaphore, #tpu.memory_space<semaphore_mem>>
      %dma_start3A_85 = arith.constant 0 : i32
      %dma_start3A_86 = tpu.memref_slice %arg6[%add3A_77, %dma_start3A_85] : memref<20480x128xf32, #tpu.memory_space<hbm>> -> memref<640x128xf32, #tpu.memory_space<hbm>>
      %dma_start3A_87 = arith.constant 0 : i32
      %dma_start3A_88 = tpu.memref_slice %arg8[%mul3A_72, %dma_start3A_87] : memref<10240x128xf32, #tpu.memory_space<vmem_shared>> -> memref<640x128xf32, #tpu.memory_space<vmem_shared>>
      tpu.enqueue_dma source(%dma_start3A_88 : memref<640x128xf32, #tpu.memory_space<vmem_shared>>) target(%dma_start3A_86 : memref<640x128xf32, #tpu.memory_space<hbm>>) target_semaphore(%run_scoped3A : memref<!tpu.dma_semaphore, #tpu.memory_space<semaphore_mem>>)
      %dma_wait3A_89 = arith.constant 0 : i32
      %dma_wait3A_90 = tpu.memref_slice %arg6[%add3A_77, %dma_wait3A_89] : memref<20480x128xf32, #tpu.memory_space<hbm>> -> memref<640x128xf32, #tpu.memory_space<hbm>>
      %dma_wait3A_91 = arith.constant 0 : i32
      %dma_wait3A_92 = tpu.memref_slice %arg8[%mul3A_72, %dma_wait3A_91] : memref<10240x128xf32, #tpu.memory_space<vmem_shared>> -> memref<640x128xf32, #tpu.memory_space<vmem_shared>>
      tpu.wait_dma2 semaphore(%run_scoped3A : memref<!tpu.dma_semaphore, #tpu.memory_space<semaphore_mem>>) src(%dma_wait3A_92 : memref<640x128xf32, #tpu.memory_space<vmem_shared>>) dst(%dma_wait3A_90 : memref<640x128xf32, #tpu.memory_space<hbm>>)
      tpu.yield
    }) : () -> ()
    %mul3A_78 = arith.constant 80 : i32
    %mul3A_79 = arith.muli %arg1, %mul3A_78 : i32
    %mul3A_80 = arith.constant 1280 : i32
    %mul3A_81 = arith.muli %arg0, %mul3A_80 : i32
    %mul3A_82 = arith.constant 80 : i32
    %mul3A_83 = arith.muli %arg1, %mul3A_82 : i32
    %add3A_84 = arith.addi %mul3A_81, %mul3A_83 : i32
    "tpu.region"() ({
      %run_scoped3A = tpu.sem_alloc : memref<!tpu.dma_semaphore, #tpu.memory_space<semaphore_mem>>
      %dma_start3A_85 = arith.constant 0 : i32
      %dma_start3A_86 = tpu.memref_slice %arg7[%add3A_84, %dma_start3A_85] : memref<2560x128xf32, #tpu.memory_space<hbm>> -> memref<80x128xf32, #tpu.memory_space<hbm>>
      %dma_start3A_87 = arith.constant 0 : i32
      %dma_start3A_88 = tpu.memref_slice %arg9[%mul3A_79, %dma_start3A_87] : memref<1280x128xf32, #tpu.memory_space<vmem_shared>> -> memref<80x128xf32, #tpu.memory_space<vmem_shared>>
      tpu.enqueue_dma source(%dma_start3A_88 : memref<80x128xf32, #tpu.memory_space<vmem_shared>>) target(%dma_start3A_86 : memref<80x128xf32, #tpu.memory_space<hbm>>) target_semaphore(%run_scoped3A : memref<!tpu.dma_semaphore, #tpu.memory_space<semaphore_mem>>)
      %dma_wait3A_89 = arith.constant 0 : i32
      %dma_wait3A_90 = tpu.memref_slice %arg7[%add3A_84, %dma_wait3A_89] : memref<2560x128xf32, #tpu.memory_space<hbm>> -> memref<80x128xf32, #tpu.memory_space<hbm>>
      %dma_wait3A_91 = arith.constant 0 : i32
      %dma_wait3A_92 = tpu.memref_slice %arg9[%mul3A_79, %dma_wait3A_91] : memref<1280x128xf32, #tpu.memory_space<vmem_shared>> -> memref<80x128xf32, #tpu.memory_space<vmem_shared>>
      tpu.wait_dma2 semaphore(%run_scoped3A : memref<!tpu.dma_semaphore, #tpu.memory_space<semaphore_mem>>) src(%dma_wait3A_92 : memref<80x128xf32, #tpu.memory_space<vmem_shared>>) dst(%dma_wait3A_90 : memref<80x128xf32, #tpu.memory_space<hbm>>)
      tpu.yield
    }) : () -> ()
    return
  }
}

#map = affine_map<(d0, d1) -> (0, 0)>
#map1 = affine_map<(d0, d1) -> (0)>
module attributes {stable_mosaic.version = 14 : i64} {
  func.func @_sc_scatter_body(%arg0: i32, %arg1: i32, %arg2: memref<156160x128xf32, #tpu.memory_space<hbm>>, %arg3: memref<156160x128xf32, #tpu.memory_space<hbm>>, %arg4: memref<156160xi32, #tpu.memory_space<hbm>>, %arg5: memref<156160xi32, #tpu.memory_space<hbm>>, %arg6: memref<20480x128xf32, #tpu.memory_space<hbm>>, %arg7: memref<2560x128xf32, #tpu.memory_space<hbm>>, %arg8: memref<10240x128xf32, #tpu.memory_space<vmem_shared>>, %arg9: memref<1280x128xf32, #tpu.memory_space<vmem_shared>>, %arg10: memref<80x128xf32, #tpu.memory_space<vmem>>, %arg11: memref<80x128xf32, #tpu.memory_space<vmem>>, %arg12: memref<80x128xf32, #tpu.memory_space<vmem>>, %arg13: memref<80xi32, #tpu.memory_space<vmem>>, %arg14: memref<80xi32, #tpu.memory_space<vmem>>, %arg15: memref<80xi32, #tpu.memory_space<vmem>>, %arg16: memref<!tpu.dma_semaphore, #tpu.memory_space<semaphore_mem>>, %arg17: memref<!tpu.dma_semaphore, #tpu.memory_space<semaphore_mem>>, %arg18: memref<!tpu.dma_semaphore, #tpu.memory_space<semaphore_mem>>, %arg19: memref<!tpu.dma_semaphore, #tpu.memory_space<semaphore_mem>>, %arg20: memref<!tpu.dma_semaphore, #tpu.memory_space<semaphore_mem>>, %arg21: memref<!tpu.dma_semaphore, #tpu.memory_space<semaphore_mem>>) attributes {dimension_semantics = [#tpu.dimension_semantics<core_parallel>, #tpu.dimension_semantics<subcore_parallel>], iteration_bounds = array<i64: 2, 16>, scalar_prefetch = 0 : i64, scratch_operands = 14 : i64, tpu.core_type = #tpu.core_type<sc_vector_subcore>, window_params = [{transform_indices = #map}, {transform_indices = #map}, {transform_indices = #map1}, {transform_indices = #map1}, {transform_indices = #map}, {transform_indices = #map}]} {
    %mul3A = arith.constant 2 : i32
    %mul3A_0 = arith.muli %arg1, %mul3A : i32
    %add3A = arith.addi %mul3A_0, %arg0 : i32
    %mul3A_1 = arith.constant 61 : i32
    %mul3A_2 = arith.muli %add3A, %mul3A_1 : i32
    %scan3A = arith.constant 0 : i32
    %scan3A_3 = arith.constant 80 : i32
    %scan3A_4 = arith.addi %scan3A, %scan3A_3 : i32
    %scan3A_5 = arith.constant 1 : i32
    scf.for %scan3A_85 = %scan3A to %scan3A_4 step %scan3A_5  : i32 {
      %broadcast_in_dim3A = arith.constant 0.000000e+00 : f32
      %broadcast_in_dim3A_86 = vector.broadcast %broadcast_in_dim3A : f32 to vector<16xf32>
      %swap3A = arith.index_cast %scan3A_85 : i32 to index
      %swap3A_87 = arith.constant 0 : index
      %swap3A_88 = tpu.vector_load %arg10[%swap3A, %swap3A_87] {strides = array<i32>} : memref<80x128xf32, #tpu.memory_space<vmem>>, vector<1x16xf32>,
      %swap3A_89 = vector.shape_cast %swap3A_88 : vector<1x16xf32> to vector<16xf32>
      %swap3A_90 = vector.shape_cast %broadcast_in_dim3A_86 : vector<16xf32> to vector<1x16xf32>
      tpu.vector_store %arg10[%swap3A, %swap3A_87], %swap3A_90 {strides = array<i32>} : memref<80x128xf32, #tpu.memory_space<vmem>>, vector<1x16xf32>,
      %broadcast_in_dim3A_91 = arith.constant 0.000000e+00 : f32
      %broadcast_in_dim3A_92 = vector.broadcast %broadcast_in_dim3A_91 : f32 to vector<16xf32>
      %swap3A_93 = arith.index_cast %scan3A_85 : i32 to index
      %swap3A_94 = arith.constant 16 : index
      %swap3A_95 = tpu.vector_load %arg10[%swap3A_93, %swap3A_94] {strides = array<i32>} : memref<80x128xf32, #tpu.memory_space<vmem>>, vector<1x16xf32>,
      %swap3A_96 = vector.shape_cast %swap3A_95 : vector<1x16xf32> to vector<16xf32>
      %swap3A_97 = vector.shape_cast %broadcast_in_dim3A_92 : vector<16xf32> to vector<1x16xf32>
      tpu.vector_store %arg10[%swap3A_93, %swap3A_94], %swap3A_97 {strides = array<i32>} : memref<80x128xf32, #tpu.memory_space<vmem>>, vector<1x16xf32>,
      %broadcast_in_dim3A_98 = arith.constant 0.000000e+00 : f32
      %broadcast_in_dim3A_99 = vector.broadcast %broadcast_in_dim3A_98 : f32 to vector<16xf32>
      %swap3A_100 = arith.index_cast %scan3A_85 : i32 to index
      %swap3A_101 = arith.constant 32 : index
      %swap3A_102 = tpu.vector_load %arg10[%swap3A_100, %swap3A_101] {strides = array<i32>} : memref<80x128xf32, #tpu.memory_space<vmem>>, vector<1x16xf32>,
      %swap3A_103 = vector.shape_cast %swap3A_102 : vector<1x16xf32> to vector<16xf32>
      %swap3A_104 = vector.shape_cast %broadcast_in_dim3A_99 : vector<16xf32> to vector<1x16xf32>
      tpu.vector_store %arg10[%swap3A_100, %swap3A_101], %swap3A_104 {strides = array<i32>} : memref<80x128xf32, #tpu.memory_space<vmem>>, vector<1x16xf32>,
      %broadcast_in_dim3A_105 = arith.constant 0.000000e+00 : f32
      %broadcast_in_dim3A_106 = vector.broadcast %broadcast_in_dim3A_105 : f32 to vector<16xf32>
      %swap3A_107 = arith.index_cast %scan3A_85 : i32 to index
      %swap3A_108 = arith.constant 48 : index
      %swap3A_109 = tpu.vector_load %arg10[%swap3A_107, %swap3A_108] {strides = array<i32>} : memref<80x128xf32, #tpu.memory_space<vmem>>, vector<1x16xf32>,
      %swap3A_110 = vector.shape_cast %swap3A_109 : vector<1x16xf32> to vector<16xf32>
      %swap3A_111 = vector.shape_cast %broadcast_in_dim3A_106 : vector<16xf32> to vector<1x16xf32>
      tpu.vector_store %arg10[%swap3A_107, %swap3A_108], %swap3A_111 {strides = array<i32>} : memref<80x128xf32, #tpu.memory_space<vmem>>, vector<1x16xf32>,
      %broadcast_in_dim3A_112 = arith.constant 0.000000e+00 : f32
      %broadcast_in_dim3A_113 = vector.broadcast %broadcast_in_dim3A_112 : f32 to vector<16xf32>
      %swap3A_114 = arith.index_cast %scan3A_85 : i32 to index
      %swap3A_115 = arith.constant 64 : index
      %swap3A_116 = tpu.vector_load %arg10[%swap3A_114, %swap3A_115] {strides = array<i32>} : memref<80x128xf32, #tpu.memory_space<vmem>>, vector<1x16xf32>,
      %swap3A_117 = vector.shape_cast %swap3A_116 : vector<1x16xf32> to vector<16xf32>
      %swap3A_118 = vector.shape_cast %broadcast_in_dim3A_113 : vector<16xf32> to vector<1x16xf32>
      tpu.vector_store %arg10[%swap3A_114, %swap3A_115], %swap3A_118 {strides = array<i32>} : memref<80x128xf32, #tpu.memory_space<vmem>>, vector<1x16xf32>,
      %broadcast_in_dim3A_119 = arith.constant 0.000000e+00 : f32
      %broadcast_in_dim3A_120 = vector.broadcast %broadcast_in_dim3A_119 : f32 to vector<16xf32>
      %swap3A_121 = arith.index_cast %scan3A_85 : i32 to index
      %swap3A_122 = arith.constant 80 : index
      %swap3A_123 = tpu.vector_load %arg10[%swap3A_121, %swap3A_122] {strides = array<i32>} : memref<80x128xf32, #tpu.memory_space<vmem>>, vector<1x16xf32>,
      %swap3A_124 = vector.shape_cast %swap3A_123 : vector<1x16xf32> to vector<16xf32>
      %swap3A_125 = vector.shape_cast %broadcast_in_dim3A_120 : vector<16xf32> to vector<1x16xf32>
      tpu.vector_store %arg10[%swap3A_121, %swap3A_122], %swap3A_125 {strides = array<i32>} : memref<80x128xf32, #tpu.memory_space<vmem>>, vector<1x16xf32>,
      %broadcast_in_dim3A_126 = arith.constant 0.000000e+00 : f32
      %broadcast_in_dim3A_127 = vector.broadcast %broadcast_in_dim3A_126 : f32 to vector<16xf32>
      %swap3A_128 = arith.index_cast %scan3A_85 : i32 to index
      %swap3A_129 = arith.constant 96 : index
      %swap3A_130 = tpu.vector_load %arg10[%swap3A_128, %swap3A_129] {strides = array<i32>} : memref<80x128xf32, #tpu.memory_space<vmem>>, vector<1x16xf32>,
      %swap3A_131 = vector.shape_cast %swap3A_130 : vector<1x16xf32> to vector<16xf32>
      %swap3A_132 = vector.shape_cast %broadcast_in_dim3A_127 : vector<16xf32> to vector<1x16xf32>
      tpu.vector_store %arg10[%swap3A_128, %swap3A_129], %swap3A_132 {strides = array<i32>} : memref<80x128xf32, #tpu.memory_space<vmem>>, vector<1x16xf32>,
      %broadcast_in_dim3A_133 = arith.constant 0.000000e+00 : f32
      %broadcast_in_dim3A_134 = vector.broadcast %broadcast_in_dim3A_133 : f32 to vector<16xf32>
      %swap3A_135 = arith.index_cast %scan3A_85 : i32 to index
      %swap3A_136 = arith.constant 112 : index
      %swap3A_137 = tpu.vector_load %arg10[%swap3A_135, %swap3A_136] {strides = array<i32>} : memref<80x128xf32, #tpu.memory_space<vmem>>, vector<1x16xf32>,
      %swap3A_138 = vector.shape_cast %swap3A_137 : vector<1x16xf32> to vector<16xf32>
      %swap3A_139 = vector.shape_cast %broadcast_in_dim3A_134 : vector<16xf32> to vector<1x16xf32>
      tpu.vector_store %arg10[%swap3A_135, %swap3A_136], %swap3A_139 {strides = array<i32>} : memref<80x128xf32, #tpu.memory_space<vmem>>, vector<1x16xf32>,
    }
    %scan3A_6 = arith.constant 80 : i32
    %scan3A_7 = arith.constant 0 : i32
    %scan3A_8 = arith.constant 8 : i32
    %scan3A_9 = arith.addi %scan3A_7, %scan3A_8 : i32
    %scan3A_10 = arith.constant 1 : i32
    scf.for %scan3A_85 = %scan3A_7 to %scan3A_9 step %scan3A_10  : i32 {
      %mul3A_86 = arith.constant 640 : i32
      %mul3A_87 = arith.muli %arg1, %mul3A_86 : i32
      %mul3A_88 = arith.constant 80 : i32
      %mul3A_89 = arith.muli %scan3A_85, %mul3A_88 : i32
      %add3A_90 = arith.addi %mul3A_87, %mul3A_89 : i32
      "tpu.region"() ({
        %run_scoped3A = tpu.sem_alloc : memref<!tpu.dma_semaphore, #tpu.memory_space<semaphore_mem>>
        %dma_start3A_91 = arith.constant 0 : i32
        %dma_start3A_92 = tpu.memref_slice %arg8[%add3A_90, %dma_start3A_91] : memref<10240x128xf32, #tpu.memory_space<vmem_shared>> -> memref<80x128xf32, #tpu.memory_space<vmem_shared>>
        %dma_start3A_93 = arith.constant 0 : i32
        %dma_start3A_94 = tpu.memref_slice %arg8[%add3A_90, %dma_start3A_93] : memref<10240x128xf32, #tpu.memory_space<vmem_shared>> -> memref<80x128xf32, #tpu.memory_space<vmem_shared>>
        tpu.enqueue_dma source(%arg10 : memref<80x128xf32, #tpu.memory_space<vmem>>) target(%dma_start3A_94 : memref<80x128xf32, #tpu.memory_space<vmem_shared>>) target_semaphore(%run_scoped3A : memref<!tpu.dma_semaphore, #tpu.memory_space<semaphore_mem>>)
        %dma_wait3A_95 = arith.constant 0 : i32
        %dma_wait3A_96 = tpu.memref_slice %arg8[%add3A_90, %dma_wait3A_95] : memref<10240x128xf32, #tpu.memory_space<vmem_shared>> -> memref<80x128xf32, #tpu.memory_space<vmem_shared>>
        %dma_wait3A_97 = arith.constant 0 : i32
        %dma_wait3A_98 = tpu.memref_slice %arg8[%add3A_90, %dma_wait3A_97] : memref<10240x128xf32, #tpu.memory_space<vmem_shared>> -> memref<80x128xf32, #tpu.memory_space<vmem_shared>>
        tpu.wait_dma2 semaphore(%run_scoped3A : memref<!tpu.dma_semaphore, #tpu.memory_space<semaphore_mem>>) src(%arg10 : memref<80x128xf32, #tpu.memory_space<vmem>>) dst(%dma_wait3A_98 : memref<80x128xf32, #tpu.memory_space<vmem_shared>>)
        tpu.yield
      }) : () -> ()
    }
    %scan3A_11 = arith.constant 8 : i32
    %mul3A_12 = arith.constant 80 : i32
    %mul3A_13 = arith.muli %arg1, %mul3A_12 : i32
    "tpu.region"() ({
      %run_scoped3A = tpu.sem_alloc : memref<!tpu.dma_semaphore, #tpu.memory_space<semaphore_mem>>
      %dma_start3A_85 = arith.constant 0 : i32
      %dma_start3A_86 = tpu.memref_slice %arg9[%mul3A_13, %dma_start3A_85] : memref<1280x128xf32, #tpu.memory_space<vmem_shared>> -> memref<80x128xf32, #tpu.memory_space<vmem_shared>>
      %dma_start3A_87 = arith.constant 0 : i32
      %dma_start3A_88 = tpu.memref_slice %arg9[%mul3A_13, %dma_start3A_87] : memref<1280x128xf32, #tpu.memory_space<vmem_shared>> -> memref<80x128xf32, #tpu.memory_space<vmem_shared>>
      tpu.enqueue_dma source(%arg10 : memref<80x128xf32, #tpu.memory_space<vmem>>) target(%dma_start3A_88 : memref<80x128xf32, #tpu.memory_space<vmem_shared>>) target_semaphore(%run_scoped3A : memref<!tpu.dma_semaphore, #tpu.memory_space<semaphore_mem>>)
      %dma_wait3A_89 = arith.constant 0 : i32
      %dma_wait3A_90 = tpu.memref_slice %arg9[%mul3A_13, %dma_wait3A_89] : memref<1280x128xf32, #tpu.memory_space<vmem_shared>> -> memref<80x128xf32, #tpu.memory_space<vmem_shared>>
      %dma_wait3A_91 = arith.constant 0 : i32
      %dma_wait3A_92 = tpu.memref_slice %arg9[%mul3A_13, %dma_wait3A_91] : memref<1280x128xf32, #tpu.memory_space<vmem_shared>> -> memref<80x128xf32, #tpu.memory_space<vmem_shared>>
      tpu.wait_dma2 semaphore(%run_scoped3A : memref<!tpu.dma_semaphore, #tpu.memory_space<semaphore_mem>>) src(%arg10 : memref<80x128xf32, #tpu.memory_space<vmem>>) dst(%dma_wait3A_92 : memref<80x128xf32, #tpu.memory_space<vmem_shared>>)
      tpu.yield
    }) : () -> ()
    %barrier3A = arith.constant 0 : index
    tpu.barrier barrier_id(%barrier3A)
    %scan3A_14 = arith.constant 0 : i32
    %scan3A_15 = arith.constant 20 : i32
    %scan3A_16 = arith.addi %scan3A_14, %scan3A_15 : i32
    %scan3A_17 = arith.constant 1 : i32
    scf.for %scan3A_85 = %scan3A_14 to %scan3A_16 step %scan3A_17  : i32 {
      %mul3A_86 = arith.constant 3 : i32
      %mul3A_87 = arith.muli %scan3A_85, %mul3A_86 : i32
      %add3A_88 = arith.addi %mul3A_2, %mul3A_87 : i32
      %add3A_89 = arith.constant 0 : i32
      %add3A_90 = arith.addi %add3A_88, %add3A_89 : i32
      %mul3A_91 = arith.constant 80 : i32
      %mul3A_92 = arith.muli %add3A_90, %mul3A_91 : i32
      %dma_start3A_93 = tpu.memref_slice %arg4[%mul3A_92] : memref<156160xi32, #tpu.memory_space<hbm>> -> memref<80xi32, #tpu.memory_space<hbm>>
      %dma_start3A_94 = tpu.memref_slice %arg4[%mul3A_92] : memref<156160xi32, #tpu.memory_space<hbm>> -> memref<80xi32, #tpu.memory_space<hbm>>
      tpu.enqueue_dma source(%dma_start3A_94 : memref<80xi32, #tpu.memory_space<hbm>>) target(%arg13 : memref<80xi32, #tpu.memory_space<vmem>>) target_semaphore(%arg19 : memref<!tpu.dma_semaphore, #tpu.memory_space<semaphore_mem>>)
      %dma_start3A_95 = arith.constant 0 : i32
      %dma_start3A_96 = tpu.memref_slice %arg2[%mul3A_92, %dma_start3A_95] : memref<156160x128xf32, #tpu.memory_space<hbm>> -> memref<80x128xf32, #tpu.memory_space<hbm>>
      %dma_start3A_97 = arith.constant 0 : i32
      %dma_start3A_98 = tpu.memref_slice %arg2[%mul3A_92, %dma_start3A_97] : memref<156160x128xf32, #tpu.memory_space<hbm>> -> memref<80x128xf32, #tpu.memory_space<hbm>>
      tpu.enqueue_dma source(%dma_start3A_98 : memref<80x128xf32, #tpu.memory_space<hbm>>) target(%arg10 : memref<80x128xf32, #tpu.memory_space<vmem>>) target_semaphore(%arg16 : memref<!tpu.dma_semaphore, #tpu.memory_space<semaphore_mem>>)
      %add3A_99 = arith.addi %mul3A_2, %mul3A_87 : i32
      %add3A_100 = arith.constant 1 : i32
      %add3A_101 = arith.addi %add3A_99, %add3A_100 : i32
      %mul3A_102 = arith.constant 80 : i32
      %mul3A_103 = arith.muli %add3A_101, %mul3A_102 : i32
      %dma_start3A_104 = tpu.memref_slice %arg4[%mul3A_103] : memref<156160xi32, #tpu.memory_space<hbm>> -> memref<80xi32, #tpu.memory_space<hbm>>
      %dma_start3A_105 = tpu.memref_slice %arg4[%mul3A_103] : memref<156160xi32, #tpu.memory_space<hbm>> -> memref<80xi32, #tpu.memory_space<hbm>>
      tpu.enqueue_dma source(%dma_start3A_105 : memref<80xi32, #tpu.memory_space<hbm>>) target(%arg14 : memref<80xi32, #tpu.memory_space<vmem>>) target_semaphore(%arg20 : memref<!tpu.dma_semaphore, #tpu.memory_space<semaphore_mem>>)
      %dma_start3A_106 = arith.constant 0 : i32
      %dma_start3A_107 = tpu.memref_slice %arg2[%mul3A_103, %dma_start3A_106] : memref<156160x128xf32, #tpu.memory_space<hbm>> -> memref<80x128xf32, #tpu.memory_space<hbm>>
      %dma_start3A_108 = arith.constant 0 : i32
      %dma_start3A_109 = tpu.memref_slice %arg2[%mul3A_103, %dma_start3A_108] : memref<156160x128xf32, #tpu.memory_space<hbm>> -> memref<80x128xf32, #tpu.memory_space<hbm>>
      tpu.enqueue_dma source(%dma_start3A_109 : memref<80x128xf32, #tpu.memory_space<hbm>>) target(%arg11 : memref<80x128xf32, #tpu.memory_space<vmem>>) target_semaphore(%arg17 : memref<!tpu.dma_semaphore, #tpu.memory_space<semaphore_mem>>)
      %add3A_110 = arith.addi %mul3A_2, %mul3A_87 : i32
      %add3A_111 = arith.constant 2 : i32
      %add3A_112 = arith.addi %add3A_110, %add3A_111 : i32
      %mul3A_113 = arith.constant 80 : i32
      %mul3A_114 = arith.muli %add3A_112, %mul3A_113 : i32
      %dma_start3A_115 = tpu.memref_slice %arg4[%mul3A_114] : memref<156160xi32, #tpu.memory_space<hbm>> -> memref<80xi32, #tpu.memory_space<hbm>>
      %dma_start3A_116 = tpu.memref_slice %arg4[%mul3A_114] : memref<156160xi32, #tpu.memory_space<hbm>> -> memref<80xi32, #tpu.memory_space<hbm>>
      tpu.enqueue_dma source(%dma_start3A_116 : memref<80xi32, #tpu.memory_space<hbm>>) target(%arg15 : memref<80xi32, #tpu.memory_space<vmem>>) target_semaphore(%arg21 : memref<!tpu.dma_semaphore, #tpu.memory_space<semaphore_mem>>)
      %dma_start3A_117 = arith.constant 0 : i32
      %dma_start3A_118 = tpu.memref_slice %arg2[%mul3A_114, %dma_start3A_117] : memref<156160x128xf32, #tpu.memory_space<hbm>> -> memref<80x128xf32, #tpu.memory_space<hbm>>
      %dma_start3A_119 = arith.constant 0 : i32
      %dma_start3A_120 = tpu.memref_slice %arg2[%mul3A_114, %dma_start3A_119] : memref<156160x128xf32, #tpu.memory_space<hbm>> -> memref<80x128xf32, #tpu.memory_space<hbm>>
      tpu.enqueue_dma source(%dma_start3A_120 : memref<80x128xf32, #tpu.memory_space<hbm>>) target(%arg12 : memref<80x128xf32, #tpu.memory_space<vmem>>) target_semaphore(%arg18 : memref<!tpu.dma_semaphore, #tpu.memory_space<semaphore_mem>>)
      %dma_wait3A_121 = tpu.memref_slice %arg4[%mul3A_92] : memref<156160xi32, #tpu.memory_space<hbm>> -> memref<80xi32, #tpu.memory_space<hbm>>
      %dma_wait3A_122 = tpu.memref_slice %arg4[%mul3A_92] : memref<156160xi32, #tpu.memory_space<hbm>> -> memref<80xi32, #tpu.memory_space<hbm>>
      tpu.wait_dma2 semaphore(%arg19 : memref<!tpu.dma_semaphore, #tpu.memory_space<semaphore_mem>>) src(%dma_wait3A_122 : memref<80xi32, #tpu.memory_space<hbm>>) dst(%arg13 : memref<80xi32, #tpu.memory_space<vmem>>)
      %dma_wait3A_123 = arith.constant 0 : i32
      %dma_wait3A_124 = tpu.memref_slice %arg2[%mul3A_92, %dma_wait3A_123] : memref<156160x128xf32, #tpu.memory_space<hbm>> -> memref<80x128xf32, #tpu.memory_space<hbm>>
      %dma_wait3A_125 = arith.constant 0 : i32
      %dma_wait3A_126 = tpu.memref_slice %arg2[%mul3A_92, %dma_wait3A_125] : memref<156160x128xf32, #tpu.memory_space<hbm>> -> memref<80x128xf32, #tpu.memory_space<hbm>>
      tpu.wait_dma2 semaphore(%arg16 : memref<!tpu.dma_semaphore, #tpu.memory_space<semaphore_mem>>) src(%dma_wait3A_126 : memref<80x128xf32, #tpu.memory_space<hbm>>) dst(%arg10 : memref<80x128xf32, #tpu.memory_space<vmem>>)
      %dma_start3A_127 = arith.constant 0 : i32
      %dma_start3A_128 = arith.constant 0 : i32
      %dma_start3A_129 = tpu.memref_slice %arg8[%dma_start3A_127, %dma_start3A_128] : memref<10240x128xf32, #tpu.memory_space<vmem_shared>> -> memref<10240x128xf32, #tpu.memory_space<vmem_shared>>
      tpu.enqueue_indirect_dma source(%arg10 : memref<80x128xf32, #tpu.memory_space<vmem>>) target(%dma_start3A_129 : memref<10240x128xf32, #tpu.memory_space<vmem_shared>>) offsets(%arg13 : memref<80xi32, #tpu.memory_space<vmem>>) semaphore(%arg16 : memref<!tpu.dma_semaphore, #tpu.memory_space<semaphore_mem>>) {add = true}
      %dma_wait3A_130 = tpu.memref_slice %arg4[%mul3A_103] : memref<156160xi32, #tpu.memory_space<hbm>> -> memref<80xi32, #tpu.memory_space<hbm>>
      %dma_wait3A_131 = tpu.memref_slice %arg4[%mul3A_103] : memref<156160xi32, #tpu.memory_space<hbm>> -> memref<80xi32, #tpu.memory_space<hbm>>
      tpu.wait_dma2 semaphore(%arg20 : memref<!tpu.dma_semaphore, #tpu.memory_space<semaphore_mem>>) src(%dma_wait3A_131 : memref<80xi32, #tpu.memory_space<hbm>>) dst(%arg14 : memref<80xi32, #tpu.memory_space<vmem>>)
      %dma_wait3A_132 = arith.constant 0 : i32
      %dma_wait3A_133 = tpu.memref_slice %arg2[%mul3A_103, %dma_wait3A_132] : memref<156160x128xf32, #tpu.memory_space<hbm>> -> memref<80x128xf32, #tpu.memory_space<hbm>>
      %dma_wait3A_134 = arith.constant 0 : i32
      %dma_wait3A_135 = tpu.memref_slice %arg2[%mul3A_103, %dma_wait3A_134] : memref<156160x128xf32, #tpu.memory_space<hbm>> -> memref<80x128xf32, #tpu.memory_space<hbm>>
      tpu.wait_dma2 semaphore(%arg17 : memref<!tpu.dma_semaphore, #tpu.memory_space<semaphore_mem>>) src(%dma_wait3A_135 : memref<80x128xf32, #tpu.memory_space<hbm>>) dst(%arg11 : memref<80x128xf32, #tpu.memory_space<vmem>>)
      %dma_start3A_136 = arith.constant 0 : i32
      %dma_start3A_137 = arith.constant 0 : i32
      %dma_start3A_138 = tpu.memref_slice %arg8[%dma_start3A_136, %dma_start3A_137] : memref<10240x128xf32, #tpu.memory_space<vmem_shared>> -> memref<10240x128xf32, #tpu.memory_space<vmem_shared>>
      tpu.enqueue_indirect_dma source(%arg11 : memref<80x128xf32, #tpu.memory_space<vmem>>) target(%dma_start3A_138 : memref<10240x128xf32, #tpu.memory_space<vmem_shared>>) offsets(%arg14 : memref<80xi32, #tpu.memory_space<vmem>>) semaphore(%arg17 : memref<!tpu.dma_semaphore, #tpu.memory_space<semaphore_mem>>) {add = true}
      %dma_wait3A_139 = tpu.memref_slice %arg4[%mul3A_114] : memref<156160xi32, #tpu.memory_space<hbm>> -> memref<80xi32, #tpu.memory_space<hbm>>
      %dma_wait3A_140 = tpu.memref_slice %arg4[%mul3A_114] : memref<156160xi32, #tpu.memory_space<hbm>> -> memref<80xi32, #tpu.memory_space<hbm>>
      tpu.wait_dma2 semaphore(%arg21 : memref<!tpu.dma_semaphore, #tpu.memory_space<semaphore_mem>>) src(%dma_wait3A_140 : memref<80xi32, #tpu.memory_space<hbm>>) dst(%arg15 : memref<80xi32, #tpu.memory_space<vmem>>)
      %dma_wait3A_141 = arith.constant 0 : i32
      %dma_wait3A_142 = tpu.memref_slice %arg2[%mul3A_114, %dma_wait3A_141] : memref<156160x128xf32, #tpu.memory_space<hbm>> -> memref<80x128xf32, #tpu.memory_space<hbm>>
      %dma_wait3A_143 = arith.constant 0 : i32
      %dma_wait3A_144 = tpu.memref_slice %arg2[%mul3A_114, %dma_wait3A_143] : memref<156160x128xf32, #tpu.memory_space<hbm>> -> memref<80x128xf32, #tpu.memory_space<hbm>>
      tpu.wait_dma2 semaphore(%arg18 : memref<!tpu.dma_semaphore, #tpu.memory_space<semaphore_mem>>) src(%dma_wait3A_144 : memref<80x128xf32, #tpu.memory_space<hbm>>) dst(%arg12 : memref<80x128xf32, #tpu.memory_space<vmem>>)
      %dma_start3A_145 = arith.constant 0 : i32
      %dma_start3A_146 = arith.constant 0 : i32
      %dma_start3A_147 = tpu.memref_slice %arg8[%dma_start3A_145, %dma_start3A_146] : memref<10240x128xf32, #tpu.memory_space<vmem_shared>> -> memref<10240x128xf32, #tpu.memory_space<vmem_shared>>
      tpu.enqueue_indirect_dma source(%arg12 : memref<80x128xf32, #tpu.memory_space<vmem>>) target(%dma_start3A_147 : memref<10240x128xf32, #tpu.memory_space<vmem_shared>>) offsets(%arg15 : memref<80xi32, #tpu.memory_space<vmem>>) semaphore(%arg18 : memref<!tpu.dma_semaphore, #tpu.memory_space<semaphore_mem>>) {add = true}
      %dma_wait3A_148 = arith.constant 0 : i32
      %dma_wait3A_149 = arith.constant 0 : i32
      %dma_wait3A_150 = tpu.memref_slice %arg8[%dma_wait3A_148, %dma_wait3A_149] : memref<10240x128xf32, #tpu.memory_space<vmem_shared>> -> memref<10240x128xf32, #tpu.memory_space<vmem_shared>>
      tpu.wait_indirect_dma semaphore(%arg16 : memref<!tpu.dma_semaphore, #tpu.memory_space<semaphore_mem>>) src(%arg10 : memref<80x128xf32, #tpu.memory_space<vmem>>) dst(%dma_wait3A_150 : memref<10240x128xf32, #tpu.memory_space<vmem_shared>>)
      %dma_wait3A_151 = arith.constant 0 : i32
      %dma_wait3A_152 = arith.constant 0 : i32
      %dma_wait3A_153 = tpu.memref_slice %arg8[%dma_wait3A_151, %dma_wait3A_152] : memref<10240x128xf32, #tpu.memory_space<vmem_shared>> -> memref<10240x128xf32, #tpu.memory_space<vmem_shared>>
      tpu.wait_indirect_dma semaphore(%arg17 : memref<!tpu.dma_semaphore, #tpu.memory_space<semaphore_mem>>) src(%arg11 : memref<80x128xf32, #tpu.memory_space<vmem>>) dst(%dma_wait3A_153 : memref<10240x128xf32, #tpu.memory_space<vmem_shared>>)
      %dma_wait3A_154 = arith.constant 0 : i32
      %dma_wait3A_155 = arith.constant 0 : i32
      %dma_wait3A_156 = tpu.memref_slice %arg8[%dma_wait3A_154, %dma_wait3A_155] : memref<10240x128xf32, #tpu.memory_space<vmem_shared>> -> memref<10240x128xf32, #tpu.memory_space<vmem_shared>>
      tpu.wait_indirect_dma semaphore(%arg18 : memref<!tpu.dma_semaphore, #tpu.memory_space<semaphore_mem>>) src(%arg12 : memref<80x128xf32, #tpu.memory_space<vmem>>) dst(%dma_wait3A_156 : memref<10240x128xf32, #tpu.memory_space<vmem_shared>>)
    }
    %scan3A_18 = arith.constant 20 : i32
    %add3A_19 = arith.constant 60 : i32
    %add3A_20 = arith.addi %mul3A_2, %add3A_19 : i32
    %add3A_21 = arith.constant 0 : i32
    %add3A_22 = arith.addi %add3A_20, %add3A_21 : i32
    %mul3A_23 = arith.constant 80 : i32
    %mul3A_24 = arith.muli %add3A_22, %mul3A_23 : i32
    %dma_start3A = tpu.memref_slice %arg4[%mul3A_24] : memref<156160xi32, #tpu.memory_space<hbm>> -> memref<80xi32, #tpu.memory_space<hbm>>
    %dma_start3A_25 = tpu.memref_slice %arg4[%mul3A_24] : memref<156160xi32, #tpu.memory_space<hbm>> -> memref<80xi32, #tpu.memory_space<hbm>>
    tpu.enqueue_dma source(%dma_start3A_25 : memref<80xi32, #tpu.memory_space<hbm>>) target(%arg13 : memref<80xi32, #tpu.memory_space<vmem>>) target_semaphore(%arg19 : memref<!tpu.dma_semaphore, #tpu.memory_space<semaphore_mem>>)
    %dma_start3A_26 = arith.constant 0 : i32
    %dma_start3A_27 = tpu.memref_slice %arg2[%mul3A_24, %dma_start3A_26] : memref<156160x128xf32, #tpu.memory_space<hbm>> -> memref<80x128xf32, #tpu.memory_space<hbm>>
    %dma_start3A_28 = arith.constant 0 : i32
    %dma_start3A_29 = tpu.memref_slice %arg2[%mul3A_24, %dma_start3A_28] : memref<156160x128xf32, #tpu.memory_space<hbm>> -> memref<80x128xf32, #tpu.memory_space<hbm>>
    tpu.enqueue_dma source(%dma_start3A_29 : memref<80x128xf32, #tpu.memory_space<hbm>>) target(%arg10 : memref<80x128xf32, #tpu.memory_space<vmem>>) target_semaphore(%arg16 : memref<!tpu.dma_semaphore, #tpu.memory_space<semaphore_mem>>)
    %dma_wait3A = tpu.memref_slice %arg4[%mul3A_24] : memref<156160xi32, #tpu.memory_space<hbm>> -> memref<80xi32, #tpu.memory_space<hbm>>
    %dma_wait3A_30 = tpu.memref_slice %arg4[%mul3A_24] : memref<156160xi32, #tpu.memory_space<hbm>> -> memref<80xi32, #tpu.memory_space<hbm>>
    tpu.wait_dma2 semaphore(%arg19 : memref<!tpu.dma_semaphore, #tpu.memory_space<semaphore_mem>>) src(%dma_wait3A_30 : memref<80xi32, #tpu.memory_space<hbm>>) dst(%arg13 : memref<80xi32, #tpu.memory_space<vmem>>)
    %dma_wait3A_31 = arith.constant 0 : i32
    %dma_wait3A_32 = tpu.memref_slice %arg2[%mul3A_24, %dma_wait3A_31] : memref<156160x128xf32, #tpu.memory_space<hbm>> -> memref<80x128xf32, #tpu.memory_space<hbm>>
    %dma_wait3A_33 = arith.constant 0 : i32
    %dma_wait3A_34 = tpu.memref_slice %arg2[%mul3A_24, %dma_wait3A_33] : memref<156160x128xf32, #tpu.memory_space<hbm>> -> memref<80x128xf32, #tpu.memory_space<hbm>>
    tpu.wait_dma2 semaphore(%arg16 : memref<!tpu.dma_semaphore, #tpu.memory_space<semaphore_mem>>) src(%dma_wait3A_34 : memref<80x128xf32, #tpu.memory_space<hbm>>) dst(%arg10 : memref<80x128xf32, #tpu.memory_space<vmem>>)
    %dma_start3A_35 = arith.constant 0 : i32
    %dma_start3A_36 = arith.constant 0 : i32
    %dma_start3A_37 = tpu.memref_slice %arg8[%dma_start3A_35, %dma_start3A_36] : memref<10240x128xf32, #tpu.memory_space<vmem_shared>> -> memref<10240x128xf32, #tpu.memory_space<vmem_shared>>
    tpu.enqueue_indirect_dma source(%arg10 : memref<80x128xf32, #tpu.memory_space<vmem>>) target(%dma_start3A_37 : memref<10240x128xf32, #tpu.memory_space<vmem_shared>>) offsets(%arg13 : memref<80xi32, #tpu.memory_space<vmem>>) semaphore(%arg16 : memref<!tpu.dma_semaphore, #tpu.memory_space<semaphore_mem>>) {add = true}
    %dma_wait3A_38 = arith.constant 0 : i32
    %dma_wait3A_39 = arith.constant 0 : i32
    %dma_wait3A_40 = tpu.memref_slice %arg8[%dma_wait3A_38, %dma_wait3A_39] : memref<10240x128xf32, #tpu.memory_space<vmem_shared>> -> memref<10240x128xf32, #tpu.memory_space<vmem_shared>>
    tpu.wait_indirect_dma semaphore(%arg16 : memref<!tpu.dma_semaphore, #tpu.memory_space<semaphore_mem>>) src(%arg10 : memref<80x128xf32, #tpu.memory_space<vmem>>) dst(%dma_wait3A_40 : memref<10240x128xf32, #tpu.memory_space<vmem_shared>>)
    %scan3A_41 = arith.constant 0 : i32
    %scan3A_42 = arith.constant 20 : i32
    %scan3A_43 = arith.addi %scan3A_41, %scan3A_42 : i32
    %scan3A_44 = arith.constant 1 : i32
    scf.for %scan3A_85 = %scan3A_41 to %scan3A_43 step %scan3A_44  : i32 {
      %mul3A_86 = arith.constant 3 : i32
      %mul3A_87 = arith.muli %scan3A_85, %mul3A_86 : i32
      %add3A_88 = arith.addi %mul3A_2, %mul3A_87 : i32
      %add3A_89 = arith.constant 0 : i32
      %add3A_90 = arith.addi %add3A_88, %add3A_89 : i32
      %mul3A_91 = arith.constant 80 : i32
      %mul3A_92 = arith.muli %add3A_90, %mul3A_91 : i32
      %dma_start3A_93 = tpu.memref_slice %arg5[%mul3A_92] : memref<156160xi32, #tpu.memory_space<hbm>> -> memref<80xi32, #tpu.memory_space<hbm>>
      %dma_start3A_94 = tpu.memref_slice %arg5[%mul3A_92] : memref<156160xi32, #tpu.memory_space<hbm>> -> memref<80xi32, #tpu.memory_space<hbm>>
      tpu.enqueue_dma source(%dma_start3A_94 : memref<80xi32, #tpu.memory_space<hbm>>) target(%arg13 : memref<80xi32, #tpu.memory_space<vmem>>) target_semaphore(%arg19 : memref<!tpu.dma_semaphore, #tpu.memory_space<semaphore_mem>>)
      %dma_start3A_95 = arith.constant 0 : i32
      %dma_start3A_96 = tpu.memref_slice %arg3[%mul3A_92, %dma_start3A_95] : memref<156160x128xf32, #tpu.memory_space<hbm>> -> memref<80x128xf32, #tpu.memory_space<hbm>>
      %dma_start3A_97 = arith.constant 0 : i32
      %dma_start3A_98 = tpu.memref_slice %arg3[%mul3A_92, %dma_start3A_97] : memref<156160x128xf32, #tpu.memory_space<hbm>> -> memref<80x128xf32, #tpu.memory_space<hbm>>
      tpu.enqueue_dma source(%dma_start3A_98 : memref<80x128xf32, #tpu.memory_space<hbm>>) target(%arg10 : memref<80x128xf32, #tpu.memory_space<vmem>>) target_semaphore(%arg16 : memref<!tpu.dma_semaphore, #tpu.memory_space<semaphore_mem>>)
      %add3A_99 = arith.addi %mul3A_2, %mul3A_87 : i32
      %add3A_100 = arith.constant 1 : i32
      %add3A_101 = arith.addi %add3A_99, %add3A_100 : i32
      %mul3A_102 = arith.constant 80 : i32
      %mul3A_103 = arith.muli %add3A_101, %mul3A_102 : i32
      %dma_start3A_104 = tpu.memref_slice %arg5[%mul3A_103] : memref<156160xi32, #tpu.memory_space<hbm>> -> memref<80xi32, #tpu.memory_space<hbm>>
      %dma_start3A_105 = tpu.memref_slice %arg5[%mul3A_103] : memref<156160xi32, #tpu.memory_space<hbm>> -> memref<80xi32, #tpu.memory_space<hbm>>
      tpu.enqueue_dma source(%dma_start3A_105 : memref<80xi32, #tpu.memory_space<hbm>>) target(%arg14 : memref<80xi32, #tpu.memory_space<vmem>>) target_semaphore(%arg20 : memref<!tpu.dma_semaphore, #tpu.memory_space<semaphore_mem>>)
      %dma_start3A_106 = arith.constant 0 : i32
      %dma_start3A_107 = tpu.memref_slice %arg3[%mul3A_103, %dma_start3A_106] : memref<156160x128xf32, #tpu.memory_space<hbm>> -> memref<80x128xf32, #tpu.memory_space<hbm>>
      %dma_start3A_108 = arith.constant 0 : i32
      %dma_start3A_109 = tpu.memref_slice %arg3[%mul3A_103, %dma_start3A_108] : memref<156160x128xf32, #tpu.memory_space<hbm>> -> memref<80x128xf32, #tpu.memory_space<hbm>>
      tpu.enqueue_dma source(%dma_start3A_109 : memref<80x128xf32, #tpu.memory_space<hbm>>) target(%arg11 : memref<80x128xf32, #tpu.memory_space<vmem>>) target_semaphore(%arg17 : memref<!tpu.dma_semaphore, #tpu.memory_space<semaphore_mem>>)
      %add3A_110 = arith.addi %mul3A_2, %mul3A_87 : i32
      %add3A_111 = arith.constant 2 : i32
      %add3A_112 = arith.addi %add3A_110, %add3A_111 : i32
      %mul3A_113 = arith.constant 80 : i32
      %mul3A_114 = arith.muli %add3A_112, %mul3A_113 : i32
      %dma_start3A_115 = tpu.memref_slice %arg5[%mul3A_114] : memref<156160xi32, #tpu.memory_space<hbm>> -> memref<80xi32, #tpu.memory_space<hbm>>
      %dma_start3A_116 = tpu.memref_slice %arg5[%mul3A_114] : memref<156160xi32, #tpu.memory_space<hbm>> -> memref<80xi32, #tpu.memory_space<hbm>>
      tpu.enqueue_dma source(%dma_start3A_116 : memref<80xi32, #tpu.memory_space<hbm>>) target(%arg15 : memref<80xi32, #tpu.memory_space<vmem>>) target_semaphore(%arg21 : memref<!tpu.dma_semaphore, #tpu.memory_space<semaphore_mem>>)
      %dma_start3A_117 = arith.constant 0 : i32
      %dma_start3A_118 = tpu.memref_slice %arg3[%mul3A_114, %dma_start3A_117] : memref<156160x128xf32, #tpu.memory_space<hbm>> -> memref<80x128xf32, #tpu.memory_space<hbm>>
      %dma_start3A_119 = arith.constant 0 : i32
      %dma_start3A_120 = tpu.memref_slice %arg3[%mul3A_114, %dma_start3A_119] : memref<156160x128xf32, #tpu.memory_space<hbm>> -> memref<80x128xf32, #tpu.memory_space<hbm>>
      tpu.enqueue_dma source(%dma_start3A_120 : memref<80x128xf32, #tpu.memory_space<hbm>>) target(%arg12 : memref<80x128xf32, #tpu.memory_space<vmem>>) target_semaphore(%arg18 : memref<!tpu.dma_semaphore, #tpu.memory_space<semaphore_mem>>)
      %dma_wait3A_121 = tpu.memref_slice %arg5[%mul3A_92] : memref<156160xi32, #tpu.memory_space<hbm>> -> memref<80xi32, #tpu.memory_space<hbm>>
      %dma_wait3A_122 = tpu.memref_slice %arg5[%mul3A_92] : memref<156160xi32, #tpu.memory_space<hbm>> -> memref<80xi32, #tpu.memory_space<hbm>>
      tpu.wait_dma2 semaphore(%arg19 : memref<!tpu.dma_semaphore, #tpu.memory_space<semaphore_mem>>) src(%dma_wait3A_122 : memref<80xi32, #tpu.memory_space<hbm>>) dst(%arg13 : memref<80xi32, #tpu.memory_space<vmem>>)
      %dma_wait3A_123 = arith.constant 0 : i32
      %dma_wait3A_124 = tpu.memref_slice %arg3[%mul3A_92, %dma_wait3A_123] : memref<156160x128xf32, #tpu.memory_space<hbm>> -> memref<80x128xf32, #tpu.memory_space<hbm>>
      %dma_wait3A_125 = arith.constant 0 : i32
      %dma_wait3A_126 = tpu.memref_slice %arg3[%mul3A_92, %dma_wait3A_125] : memref<156160x128xf32, #tpu.memory_space<hbm>> -> memref<80x128xf32, #tpu.memory_space<hbm>>
      tpu.wait_dma2 semaphore(%arg16 : memref<!tpu.dma_semaphore, #tpu.memory_space<semaphore_mem>>) src(%dma_wait3A_126 : memref<80x128xf32, #tpu.memory_space<hbm>>) dst(%arg10 : memref<80x128xf32, #tpu.memory_space<vmem>>)
      %dma_start3A_127 = arith.constant 0 : i32
      %dma_start3A_128 = arith.constant 0 : i32
      %dma_start3A_129 = tpu.memref_slice %arg9[%dma_start3A_127, %dma_start3A_128] : memref<1280x128xf32, #tpu.memory_space<vmem_shared>> -> memref<1280x128xf32, #tpu.memory_space<vmem_shared>>
      tpu.enqueue_indirect_dma source(%arg10 : memref<80x128xf32, #tpu.memory_space<vmem>>) target(%dma_start3A_129 : memref<1280x128xf32, #tpu.memory_space<vmem_shared>>) offsets(%arg13 : memref<80xi32, #tpu.memory_space<vmem>>) semaphore(%arg16 : memref<!tpu.dma_semaphore, #tpu.memory_space<semaphore_mem>>) {add = true}
      %dma_wait3A_130 = tpu.memref_slice %arg5[%mul3A_103] : memref<156160xi32, #tpu.memory_space<hbm>> -> memref<80xi32, #tpu.memory_space<hbm>>
      %dma_wait3A_131 = tpu.memref_slice %arg5[%mul3A_103] : memref<156160xi32, #tpu.memory_space<hbm>> -> memref<80xi32, #tpu.memory_space<hbm>>
      tpu.wait_dma2 semaphore(%arg20 : memref<!tpu.dma_semaphore, #tpu.memory_space<semaphore_mem>>) src(%dma_wait3A_131 : memref<80xi32, #tpu.memory_space<hbm>>) dst(%arg14 : memref<80xi32, #tpu.memory_space<vmem>>)
      %dma_wait3A_132 = arith.constant 0 : i32
      %dma_wait3A_133 = tpu.memref_slice %arg3[%mul3A_103, %dma_wait3A_132] : memref<156160x128xf32, #tpu.memory_space<hbm>> -> memref<80x128xf32, #tpu.memory_space<hbm>>
      %dma_wait3A_134 = arith.constant 0 : i32
      %dma_wait3A_135 = tpu.memref_slice %arg3[%mul3A_103, %dma_wait3A_134] : memref<156160x128xf32, #tpu.memory_space<hbm>> -> memref<80x128xf32, #tpu.memory_space<hbm>>
      tpu.wait_dma2 semaphore(%arg17 : memref<!tpu.dma_semaphore, #tpu.memory_space<semaphore_mem>>) src(%dma_wait3A_135 : memref<80x128xf32, #tpu.memory_space<hbm>>) dst(%arg11 : memref<80x128xf32, #tpu.memory_space<vmem>>)
      %dma_start3A_136 = arith.constant 0 : i32
      %dma_start3A_137 = arith.constant 0 : i32
      %dma_start3A_138 = tpu.memref_slice %arg9[%dma_start3A_136, %dma_start3A_137] : memref<1280x128xf32, #tpu.memory_space<vmem_shared>> -> memref<1280x128xf32, #tpu.memory_space<vmem_shared>>
      tpu.enqueue_indirect_dma source(%arg11 : memref<80x128xf32, #tpu.memory_space<vmem>>) target(%dma_start3A_138 : memref<1280x128xf32, #tpu.memory_space<vmem_shared>>) offsets(%arg14 : memref<80xi32, #tpu.memory_space<vmem>>) semaphore(%arg17 : memref<!tpu.dma_semaphore, #tpu.memory_space<semaphore_mem>>) {add = true}
      %dma_wait3A_139 = tpu.memref_slice %arg5[%mul3A_114] : memref<156160xi32, #tpu.memory_space<hbm>> -> memref<80xi32, #tpu.memory_space<hbm>>
      %dma_wait3A_140 = tpu.memref_slice %arg5[%mul3A_114] : memref<156160xi32, #tpu.memory_space<hbm>> -> memref<80xi32, #tpu.memory_space<hbm>>
      tpu.wait_dma2 semaphore(%arg21 : memref<!tpu.dma_semaphore, #tpu.memory_space<semaphore_mem>>) src(%dma_wait3A_140 : memref<80xi32, #tpu.memory_space<hbm>>) dst(%arg15 : memref<80xi32, #tpu.memory_space<vmem>>)
      %dma_wait3A_141 = arith.constant 0 : i32
      %dma_wait3A_142 = tpu.memref_slice %arg3[%mul3A_114, %dma_wait3A_141] : memref<156160x128xf32, #tpu.memory_space<hbm>> -> memref<80x128xf32, #tpu.memory_space<hbm>>
      %dma_wait3A_143 = arith.constant 0 : i32
      %dma_wait3A_144 = tpu.memref_slice %arg3[%mul3A_114, %dma_wait3A_143] : memref<156160x128xf32, #tpu.memory_space<hbm>> -> memref<80x128xf32, #tpu.memory_space<hbm>>
      tpu.wait_dma2 semaphore(%arg18 : memref<!tpu.dma_semaphore, #tpu.memory_space<semaphore_mem>>) src(%dma_wait3A_144 : memref<80x128xf32, #tpu.memory_space<hbm>>) dst(%arg12 : memref<80x128xf32, #tpu.memory_space<vmem>>)
      %dma_start3A_145 = arith.constant 0 : i32
      %dma_start3A_146 = arith.constant 0 : i32
      %dma_start3A_147 = tpu.memref_slice %arg9[%dma_start3A_145, %dma_start3A_146] : memref<1280x128xf32, #tpu.memory_space<vmem_shared>> -> memref<1280x128xf32, #tpu.memory_space<vmem_shared>>
      tpu.enqueue_indirect_dma source(%arg12 : memref<80x128xf32, #tpu.memory_space<vmem>>) target(%dma_start3A_147 : memref<1280x128xf32, #tpu.memory_space<vmem_shared>>) offsets(%arg15 : memref<80xi32, #tpu.memory_space<vmem>>) semaphore(%arg18 : memref<!tpu.dma_semaphore, #tpu.memory_space<semaphore_mem>>) {add = true}
      %dma_wait3A_148 = arith.constant 0 : i32
      %dma_wait3A_149 = arith.constant 0 : i32
      %dma_wait3A_150 = tpu.memref_slice %arg9[%dma_wait3A_148, %dma_wait3A_149] : memref<1280x128xf32, #tpu.memory_space<vmem_shared>> -> memref<1280x128xf32, #tpu.memory_space<vmem_shared>>
      tpu.wait_indirect_dma semaphore(%arg16 : memref<!tpu.dma_semaphore, #tpu.memory_space<semaphore_mem>>) src(%arg10 : memref<80x128xf32, #tpu.memory_space<vmem>>) dst(%dma_wait3A_150 : memref<1280x128xf32, #tpu.memory_space<vmem_shared>>)
      %dma_wait3A_151 = arith.constant 0 : i32
      %dma_wait3A_152 = arith.constant 0 : i32
      %dma_wait3A_153 = tpu.memref_slice %arg9[%dma_wait3A_151, %dma_wait3A_152] : memref<1280x128xf32, #tpu.memory_space<vmem_shared>> -> memref<1280x128xf32, #tpu.memory_space<vmem_shared>>
      tpu.wait_indirect_dma semaphore(%arg17 : memref<!tpu.dma_semaphore, #tpu.memory_space<semaphore_mem>>) src(%arg11 : memref<80x128xf32, #tpu.memory_space<vmem>>) dst(%dma_wait3A_153 : memref<1280x128xf32, #tpu.memory_space<vmem_shared>>)
      %dma_wait3A_154 = arith.constant 0 : i32
      %dma_wait3A_155 = arith.constant 0 : i32
      %dma_wait3A_156 = tpu.memref_slice %arg9[%dma_wait3A_154, %dma_wait3A_155] : memref<1280x128xf32, #tpu.memory_space<vmem_shared>> -> memref<1280x128xf32, #tpu.memory_space<vmem_shared>>
      tpu.wait_indirect_dma semaphore(%arg18 : memref<!tpu.dma_semaphore, #tpu.memory_space<semaphore_mem>>) src(%arg12 : memref<80x128xf32, #tpu.memory_space<vmem>>) dst(%dma_wait3A_156 : memref<1280x128xf32, #tpu.memory_space<vmem_shared>>)
    }
    %scan3A_45 = arith.constant 20 : i32
    %add3A_46 = arith.constant 60 : i32
    %add3A_47 = arith.addi %mul3A_2, %add3A_46 : i32
    %add3A_48 = arith.constant 0 : i32
    %add3A_49 = arith.addi %add3A_47, %add3A_48 : i32
    %mul3A_50 = arith.constant 80 : i32
    %mul3A_51 = arith.muli %add3A_49, %mul3A_50 : i32
    %dma_start3A_52 = tpu.memref_slice %arg5[%mul3A_51] : memref<156160xi32, #tpu.memory_space<hbm>> -> memref<80xi32, #tpu.memory_space<hbm>>
    %dma_start3A_53 = tpu.memref_slice %arg5[%mul3A_51] : memref<156160xi32, #tpu.memory_space<hbm>> -> memref<80xi32, #tpu.memory_space<hbm>>
    tpu.enqueue_dma source(%dma_start3A_53 : memref<80xi32, #tpu.memory_space<hbm>>) target(%arg13 : memref<80xi32, #tpu.memory_space<vmem>>) target_semaphore(%arg19 : memref<!tpu.dma_semaphore, #tpu.memory_space<semaphore_mem>>)
    %dma_start3A_54 = arith.constant 0 : i32
    %dma_start3A_55 = tpu.memref_slice %arg3[%mul3A_51, %dma_start3A_54] : memref<156160x128xf32, #tpu.memory_space<hbm>> -> memref<80x128xf32, #tpu.memory_space<hbm>>
    %dma_start3A_56 = arith.constant 0 : i32
    %dma_start3A_57 = tpu.memref_slice %arg3[%mul3A_51, %dma_start3A_56] : memref<156160x128xf32, #tpu.memory_space<hbm>> -> memref<80x128xf32, #tpu.memory_space<hbm>>
    tpu.enqueue_dma source(%dma_start3A_57 : memref<80x128xf32, #tpu.memory_space<hbm>>) target(%arg10 : memref<80x128xf32, #tpu.memory_space<vmem>>) target_semaphore(%arg16 : memref<!tpu.dma_semaphore, #tpu.memory_space<semaphore_mem>>)
    %dma_wait3A_58 = tpu.memref_slice %arg5[%mul3A_51] : memref<156160xi32, #tpu.memory_space<hbm>> -> memref<80xi32, #tpu.memory_space<hbm>>
    %dma_wait3A_59 = tpu.memref_slice %arg5[%mul3A_51] : memref<156160xi32, #tpu.memory_space<hbm>> -> memref<80xi32, #tpu.memory_space<hbm>>
    tpu.wait_dma2 semaphore(%arg19 : memref<!tpu.dma_semaphore, #tpu.memory_space<semaphore_mem>>) src(%dma_wait3A_59 : memref<80xi32, #tpu.memory_space<hbm>>) dst(%arg13 : memref<80xi32, #tpu.memory_space<vmem>>)
    %dma_wait3A_60 = arith.constant 0 : i32
    %dma_wait3A_61 = tpu.memref_slice %arg3[%mul3A_51, %dma_wait3A_60] : memref<156160x128xf32, #tpu.memory_space<hbm>> -> memref<80x128xf32, #tpu.memory_space<hbm>>
    %dma_wait3A_62 = arith.constant 0 : i32
    %dma_wait3A_63 = tpu.memref_slice %arg3[%mul3A_51, %dma_wait3A_62] : memref<156160x128xf32, #tpu.memory_space<hbm>> -> memref<80x128xf32, #tpu.memory_space<hbm>>
    tpu.wait_dma2 semaphore(%arg16 : memref<!tpu.dma_semaphore, #tpu.memory_space<semaphore_mem>>) src(%dma_wait3A_63 : memref<80x128xf32, #tpu.memory_space<hbm>>) dst(%arg10 : memref<80x128xf32, #tpu.memory_space<vmem>>)
    %dma_start3A_64 = arith.constant 0 : i32
    %dma_start3A_65 = arith.constant 0 : i32
    %dma_start3A_66 = tpu.memref_slice %arg9[%dma_start3A_64, %dma_start3A_65] : memref<1280x128xf32, #tpu.memory_space<vmem_shared>> -> memref<1280x128xf32, #tpu.memory_space<vmem_shared>>
    tpu.enqueue_indirect_dma source(%arg10 : memref<80x128xf32, #tpu.memory_space<vmem>>) target(%dma_start3A_66 : memref<1280x128xf32, #tpu.memory_space<vmem_shared>>) offsets(%arg13 : memref<80xi32, #tpu.memory_space<vmem>>) semaphore(%arg16 : memref<!tpu.dma_semaphore, #tpu.memory_space<semaphore_mem>>) {add = true}
    %dma_wait3A_67 = arith.constant 0 : i32
    %dma_wait3A_68 = arith.constant 0 : i32
    %dma_wait3A_69 = tpu.memref_slice %arg9[%dma_wait3A_67, %dma_wait3A_68] : memref<1280x128xf32, #tpu.memory_space<vmem_shared>> -> memref<1280x128xf32, #tpu.memory_space<vmem_shared>>
    tpu.wait_indirect_dma semaphore(%arg16 : memref<!tpu.dma_semaphore, #tpu.memory_space<semaphore_mem>>) src(%arg10 : memref<80x128xf32, #tpu.memory_space<vmem>>) dst(%dma_wait3A_69 : memref<1280x128xf32, #tpu.memory_space<vmem_shared>>)
    %barrier3A_70 = arith.constant 0 : index
    tpu.barrier barrier_id(%barrier3A_70)
    %mul3A_71 = arith.constant 640 : i32
    %mul3A_72 = arith.muli %arg1, %mul3A_71 : i32
    %mul3A_73 = arith.constant 10240 : i32
    %mul3A_74 = arith.muli %arg0, %mul3A_73 : i32
    %mul3A_75 = arith.constant 640 : i32
    %mul3A_76 = arith.muli %arg1, %mul3A_75 : i32
    %add3A_77 = arith.addi %mul3A_74, %mul3A_76 : i32
    "tpu.region"() ({
      %run_scoped3A = tpu.sem_alloc : memref<!tpu.dma_semaphore, #tpu.memory_space<semaphore_mem>>
      %dma_start3A_85 = arith.constant 0 : i32
      %dma_start3A_86 = tpu.memref_slice %arg6[%add3A_77, %dma_start3A_85] : memref<20480x128xf32, #tpu.memory_space<hbm>> -> memref<640x128xf32, #tpu.memory_space<hbm>>
      %dma_start3A_87 = arith.constant 0 : i32
      %dma_start3A_88 = tpu.memref_slice %arg8[%mul3A_72, %dma_start3A_87] : memref<10240x128xf32, #tpu.memory_space<vmem_shared>> -> memref<640x128xf32, #tpu.memory_space<vmem_shared>>
      tpu.enqueue_dma source(%dma_start3A_88 : memref<640x128xf32, #tpu.memory_space<vmem_shared>>) target(%dma_start3A_86 : memref<640x128xf32, #tpu.memory_space<hbm>>) target_semaphore(%run_scoped3A : memref<!tpu.dma_semaphore, #tpu.memory_space<semaphore_mem>>)
      %dma_wait3A_89 = arith.constant 0 : i32
      %dma_wait3A_90 = tpu.memref_slice %arg6[%add3A_77, %dma_wait3A_89] : memref<20480x128xf32, #tpu.memory_space<hbm>> -> memref<640x128xf32, #tpu.memory_space<hbm>>
      %dma_wait3A_91 = arith.constant 0 : i32
      %dma_wait3A_92 = tpu.memref_slice %arg8[%mul3A_72, %dma_wait3A_91] : memref<10240x128xf32, #tpu.memory_space<vmem_shared>> -> memref<640x128xf32, #tpu.memory_space<vmem_shared>>
      tpu.wait_dma2 semaphore(%run_scoped3A : memref<!tpu.dma_semaphore, #tpu.memory_space<semaphore_mem>>) src(%dma_wait3A_92 : memref<640x128xf32, #tpu.memory_space<vmem_shared>>) dst(%dma_wait3A_90 : memref<640x128xf32, #tpu.memory_space<hbm>>)
      tpu.yield
    }) : () -> ()
    %mul3A_78 = arith.constant 80 : i32
    %mul3A_79 = arith.muli %arg1, %mul3A_78 : i32
    %mul3A_80 = arith.constant 1280 : i32
    %mul3A_81 = arith.muli %arg0, %mul3A_80 : i32
    %mul3A_82 = arith.constant 80 : i32
    %mul3A_83 = arith.muli %arg1, %mul3A_82 : i32
    %add3A_84 = arith.addi %mul3A_81, %mul3A_83 : i32
    "tpu.region"() ({
      %run_scoped3A = tpu.sem_alloc : memref<!tpu.dma_semaphore, #tpu.memory_space<semaphore_mem>>
      %dma_start3A_85 = arith.constant 0 : i32
      %dma_start3A_86 = tpu.memref_slice %arg7[%add3A_84, %dma_start3A_85] : memref<2560x128xf32, #tpu.memory_space<hbm>> -> memref<80x128xf32, #tpu.memory_space<hbm>>
      %dma_start3A_87 = arith.constant 0 : i32
      %dma_start3A_88 = tpu.memref_slice %arg9[%mul3A_79, %dma_start3A_87] : memref<1280x128xf32, #tpu.memory_space<vmem_shared>> -> memref<80x128xf32, #tpu.memory_space<vmem_shared>>
      tpu.enqueue_dma source(%dma_start3A_88 : memref<80x128xf32, #tpu.memory_space<vmem_shared>>) target(%dma_start3A_86 : memref<80x128xf32, #tpu.memory_space<hbm>>) target_semaphore(%run_scoped3A : memref<!tpu.dma_semaphore, #tpu.memory_space<semaphore_mem>>)
      %dma_wait3A_89 = arith.constant 0 : i32
      %dma_wait3A_90 = tpu.memref_slice %arg7[%add3A_84, %dma_wait3A_89] : memref<2560x128xf32, #tpu.memory_space<hbm>> -> memref<80x128xf32, #tpu.memory_space<hbm>>
      %dma_wait3A_91 = arith.constant 0 : i32
      %dma_wait3A_92 = tpu.memref_slice %arg9[%mul3A_79, %dma_wait3A_91] : memref<1280x128xf32, #tpu.memory_space<vmem_shared>> -> memref<80x128xf32, #tpu.memory_space<vmem_shared>>
      tpu.wait_dma2 semaphore(%run_scoped3A : memref<!tpu.dma_semaphore, #tpu.memory_space<semaphore_mem>>) src(%dma_wait3A_92 : memref<80x128xf32, #tpu.memory_space<vmem_shared>>) dst(%dma_wait3A_90 : memref<80x128xf32, #tpu.memory_space<hbm>>)
      tpu.yield
    }) : () -> ()
    return
  }
}

module attributes {stable_mosaic.version = 14 : i64} {
  func.func @_pack_body(%arg0: i32, %arg1: memref<1000x128xf32, #tpu.memory_space<vmem>>, %arg2: memref<1000x128xf32, #tpu.memory_space<vmem>>, %arg3: memref<128x128xf32, #tpu.memory_space<vmem>>, %arg4: memref<128x128xf32, #tpu.memory_space<vmem>>, %arg5: memref<1x128xf32, #tpu.memory_space<vmem>>, %arg6: memref<1000x128xi32, #tpu.memory_space<vmem>>, %arg7: memref<1000x128xi32, #tpu.memory_space<vmem>>) attributes {dimension_semantics = [#tpu.dimension_semantics<arbitrary>], iteration_bounds = array<i64: 10>, scalar_prefetch = 0 : i64, scratch_operands = 0 : i64, tpu.core_type = #tpu.core_type<tc>, window_params = [{transform_indices = @transform_0, window_bounds = array<i64: 1000, 128>}, {transform_indices = @transform_1, window_bounds = array<i64: 1000, 128>}, {pipeline_mode = #tpu.pipeline_mode<synchronous>, transform_indices = @transform_2, window_bounds = array<i64: 128, 128>}, {pipeline_mode = #tpu.pipeline_mode<synchronous>, transform_indices = @transform_3, window_bounds = array<i64: 128, 128>}, {pipeline_mode = #tpu.pipeline_mode<synchronous>, transform_indices = @transform_4, window_bounds = array<i64: 1, 128>}, {transform_indices = @transform_5, window_bounds = array<i64: 1000, 128>}, {transform_indices = @transform_6, window_bounds = array<i64: 1000, 128>}]} {
    %get3A = arith.constant 0 : index
    %get3A_0 = arith.constant 0 : index
    %get3A_1 = vector.load %arg1[%get3A, %get3A_0] : memref<1000x128xf32, #tpu.memory_space<vmem>>, vector<1000x128xf32>
    %get3A_2 = arith.constant 0 : index
    %get3A_3 = arith.constant 0 : index
    %get3A_4 = vector.load %arg3[%get3A_2, %get3A_3] : memref<128x128xf32, #tpu.memory_space<vmem>>, vector<128x128xf32>
    %dot_general3A = arith.constant dense<0.000000e+00> : vector<1000x128xf32>
    %dot_general3A_5 = tpu.matmul %get3A_1, %get3A_4, %dot_general3A {dimension_numbers = #tpu.dot_dimension_numbers<[1], [0], [0], [1], [0, 0, 1, 1], [], []>, transpose_lhs_hint = false} : vector<1000x128xf32>, vector<128x128xf32>, vector<1000x128xf32> -> vector<1000x128xf32>
    %get3A_6 = arith.constant 0 : index
    %get3A_7 = arith.constant 0 : index
    %get3A_8 = vector.load %arg5[%get3A_6, %get3A_7] : memref<1x128xf32, #tpu.memory_space<vmem>>, vector<1x128xf32>
    %add3A = vector.broadcast %get3A_8 : vector<1x128xf32> to vector<1000x128xf32>
    %add3A_9 = arith.addf %dot_general3A_5, %add3A : vector<1000x128xf32>
    %get3A_10 = arith.constant 0 : index
    %get3A_11 = arith.constant 0 : index
    %get3A_12 = vector.load %arg1[%get3A_10, %get3A_11] : memref<1000x128xf32, #tpu.memory_space<vmem>>, vector<1000x128xf32>
    %get3A_13 = arith.constant 0 : index
    %get3A_14 = arith.constant 0 : index
    %get3A_15 = vector.load %arg4[%get3A_13, %get3A_14] : memref<128x128xf32, #tpu.memory_space<vmem>>, vector<128x128xf32>
    %dot_general3A_16 = arith.constant dense<0.000000e+00> : vector<1000x128xf32>
    %dot_general3A_17 = tpu.matmul %get3A_12, %get3A_15, %dot_general3A_16 {dimension_numbers = #tpu.dot_dimension_numbers<[1], [0], [0], [1], [0, 0, 1, 1], [], []>, transpose_lhs_hint = false} : vector<1000x128xf32>, vector<128x128xf32>, vector<1000x128xf32> -> vector<1000x128xf32>
    %get3A_18 = arith.constant 0 : index
    %get3A_19 = arith.constant 0 : index
    %get3A_20 = vector.load %arg2[%get3A_18, %get3A_19] : memref<1000x128xf32, #tpu.memory_space<vmem>>, vector<1000x128xf32>
    %slice3A = vector.extract_strided_slice %get3A_20 {offsets = [0, 0], sizes = [1000, 64], strides = [1, 1]} : vector<1000x128xf32> to vector<1000x64xf32>
    %slice3A_21 = vector.extract_strided_slice %get3A_20 {offsets = [0, 64], sizes = [1000, 64], strides = [1, 1]} : vector<1000x128xf32> to vector<1000x64xf32>
    %convert_element_type3A = arith.truncf %slice3A : vector<1000x64xf32> to vector<1000x64xbf16>
    %bitcast_convert_type3A = tpu.bitcast %convert_element_type3A : vector<1000x64xbf16> -> vector<1000x64xi16>
    %convert_element_type3A_22 = arith.extui %bitcast_convert_type3A : vector<1000x64xi16> to vector<1000x64xi32>
    %convert_element_type3A_23 = arith.truncf %slice3A_21 : vector<1000x64xf32> to vector<1000x64xbf16>
    %bitcast_convert_type3A_24 = tpu.bitcast %convert_element_type3A_23 : vector<1000x64xbf16> -> vector<1000x64xi16>
    %convert_element_type3A_25 = arith.extui %bitcast_convert_type3A_24 : vector<1000x64xi16> to vector<1000x64xi32>
    %shift_left3A = arith.constant 16 : i32
    %shift_left3A_26 = vector.broadcast %shift_left3A : i32 to vector<1000x64xi32>
    %shift_left3A_27 = arith.shli %convert_element_type3A_25, %shift_left3A_26 : vector<1000x64xi32>
    %or3A = arith.ori %convert_element_type3A_22, %shift_left3A_27 : vector<1000x64xi32>
    %slice3A_28 = vector.extract_strided_slice %add3A_9 {offsets = [0, 0], sizes = [1000, 64], strides = [1, 1]} : vector<1000x128xf32> to vector<1000x64xf32>
    %slice3A_29 = vector.extract_strided_slice %add3A_9 {offsets = [0, 64], sizes = [1000, 64], strides = [1, 1]} : vector<1000x128xf32> to vector<1000x64xf32>
    %convert_element_type3A_30 = arith.truncf %slice3A_28 : vector<1000x64xf32> to vector<1000x64xbf16>
    %bitcast_convert_type3A_31 = tpu.bitcast %convert_element_type3A_30 : vector<1000x64xbf16> -> vector<1000x64xi16>
    %convert_element_type3A_32 = arith.extui %bitcast_convert_type3A_31 : vector<1000x64xi16> to vector<1000x64xi32>
    %convert_element_type3A_33 = arith.truncf %slice3A_29 : vector<1000x64xf32> to vector<1000x64xbf16>
    %bitcast_convert_type3A_34 = tpu.bitcast %convert_element_type3A_33 : vector<1000x64xbf16> -> vector<1000x64xi16>
    %convert_element_type3A_35 = arith.extui %bitcast_convert_type3A_34 : vector<1000x64xi16> to vector<1000x64xi32>
    %shift_left3A_36 = arith.constant 16 : i32
    %shift_left3A_37 = vector.broadcast %shift_left3A_36 : i32 to vector<1000x64xi32>
    %shift_left3A_38 = arith.shli %convert_element_type3A_35, %shift_left3A_37 : vector<1000x64xi32>
    %or3A_39 = arith.ori %convert_element_type3A_32, %shift_left3A_38 : vector<1000x64xi32>
    %swap3A = arith.constant 0 : index
    %swap3A_40 = arith.constant 0 : index
    %swap3A_41 = vector.load %arg6[%swap3A, %swap3A_40] : memref<1000x128xi32, #tpu.memory_space<vmem>>, vector<1000x64xi32>
    tpu.vector_store %arg6[%swap3A, %swap3A_40], %or3A_39 {strides = array<i32>} : memref<1000x128xi32, #tpu.memory_space<vmem>>, vector<1000x64xi32>,
    %swap3A_42 = arith.constant 0 : index
    %swap3A_43 = arith.constant 64 : index
    %swap3A_44 = vector.load %arg6[%swap3A_42, %swap3A_43] : memref<1000x128xi32, #tpu.memory_space<vmem>>, vector<1000x64xi32>
    tpu.vector_store %arg6[%swap3A_42, %swap3A_43], %or3A {strides = array<i32>} : memref<1000x128xi32, #tpu.memory_space<vmem>>, vector<1000x64xi32>,
    %slice3A_45 = vector.extract_strided_slice %dot_general3A_17 {offsets = [0, 0], sizes = [1000, 64], strides = [1, 1]} : vector<1000x128xf32> to vector<1000x64xf32>
    %slice3A_46 = vector.extract_strided_slice %dot_general3A_17 {offsets = [0, 64], sizes = [1000, 64], strides = [1, 1]} : vector<1000x128xf32> to vector<1000x64xf32>
    %convert_element_type3A_47 = arith.truncf %slice3A_45 : vector<1000x64xf32> to vector<1000x64xbf16>
    %bitcast_convert_type3A_48 = tpu.bitcast %convert_element_type3A_47 : vector<1000x64xbf16> -> vector<1000x64xi16>
    %convert_element_type3A_49 = arith.extui %bitcast_convert_type3A_48 : vector<1000x64xi16> to vector<1000x64xi32>
    %convert_element_type3A_50 = arith.truncf %slice3A_46 : vector<1000x64xf32> to vector<1000x64xbf16>
    %bitcast_convert_type3A_51 = tpu.bitcast %convert_element_type3A_50 : vector<1000x64xbf16> -> vector<1000x64xi16>
    %convert_element_type3A_52 = arith.extui %bitcast_convert_type3A_51 : vector<1000x64xi16> to vector<1000x64xi32>
    %shift_left3A_53 = arith.constant 16 : i32
    %shift_left3A_54 = vector.broadcast %shift_left3A_53 : i32 to vector<1000x64xi32>
    %shift_left3A_55 = arith.shli %convert_element_type3A_52, %shift_left3A_54 : vector<1000x64xi32>
    %or3A_56 = arith.ori %convert_element_type3A_49, %shift_left3A_55 : vector<1000x64xi32>
    %swap3A_57 = arith.constant 0 : index
    %swap3A_58 = arith.constant 0 : index
    %swap3A_59 = vector.load %arg7[%swap3A_57, %swap3A_58] : memref<1000x128xi32, #tpu.memory_space<vmem>>, vector<1000x64xi32>
    tpu.vector_store %arg7[%swap3A_57, %swap3A_58], %or3A_56 {strides = array<i32>} : memref<1000x128xi32, #tpu.memory_space<vmem>>, vector<1000x64xi32>,
    %swap3A_60 = arith.constant 0 : index
    %swap3A_61 = arith.constant 64 : index
    %swap3A_62 = vector.load %arg7[%swap3A_60, %swap3A_61] : memref<1000x128xi32, #tpu.memory_space<vmem>>, vector<1000x64xi32>
    tpu.vector_store %arg7[%swap3A_60, %swap3A_61], %or3A {strides = array<i32>} : memref<1000x128xi32, #tpu.memory_space<vmem>>, vector<1000x64xi32>,
    return
  }
  func.func @transform_0(%arg0: i32) -> (i32, i32) {
    %c0_i32 = arith.constant 0 : i32
    %c0_i32_0 = arith.constant 0 : i32
    return %arg0, %c0_i32 : i32, i32
  }
  func.func @transform_1(%arg0: i32) -> (i32, i32) {
    %c0_i32 = arith.constant 0 : i32
    %c0_i32_0 = arith.constant 0 : i32
    return %arg0, %c0_i32 : i32, i32
  }
  func.func @transform_2(%arg0: i32) -> (i32, i32) {
    %c0_i32 = arith.constant 0 : i32
    %c0_i32_0 = arith.constant 0 : i32
    %c0_i32_1 = arith.constant 0 : i32
    return %c0_i32, %c0_i32_0 : i32, i32
  }
  func.func @transform_3(%arg0: i32) -> (i32, i32) {
    %c0_i32 = arith.constant 0 : i32
    %c0_i32_0 = arith.constant 0 : i32
    %c0_i32_1 = arith.constant 0 : i32
    return %c0_i32, %c0_i32_0 : i32, i32
  }
  func.func @transform_4(%arg0: i32) -> (i32, i32) {
    %c0_i32 = arith.constant 0 : i32
    %c0_i32_0 = arith.constant 0 : i32
    %c0_i32_1 = arith.constant 0 : i32
    return %c0_i32, %c0_i32_0 : i32, i32
  }
  func.func @transform_5(%arg0: i32) -> (i32, i32) {
    %c0_i32 = arith.constant 0 : i32
    %c0_i32_0 = arith.constant 0 : i32
    return %arg0, %c0_i32 : i32, i32
  }
  func.func @transform_6(%arg0: i32) -> (i32, i32) {
    %c0_i32 = arith.constant 0 : i32
    %c0_i32_0 = arith.constant 0 : i32
    return %arg0, %c0_i32 : i32, i32
  }
}

module attributes {stable_mosaic.version = 14 : i64} {
  func.func @_edge_body(%arg0: i32, %arg1: memref<2560x128xi32, #tpu.memory_space<vmem>>, %arg2: memref<2560x128xi32, #tpu.memory_space<vmem>>, %arg3: memref<2560x1xi32, #tpu.memory_space<vmem>>, %arg4: memref<1x128xf32, #tpu.memory_space<vmem>>, %arg5: memref<128x128xbf16, #tpu.memory_space<vmem>>, %arg6: memref<1x128xf32, #tpu.memory_space<vmem>>, %arg7: memref<128x128xbf16, #tpu.memory_space<vmem>>, %arg8: memref<1x128xf32, #tpu.memory_space<vmem>>, %arg9: memref<128x1xf32, #tpu.memory_space<vmem>>, %arg10: memref<1x1xf32, #tpu.memory_space<vmem>>, %arg11: memref<2560x128xf32, #tpu.memory_space<vmem>>, %arg12: memref<2560x128xf32, #tpu.memory_space<vmem>>) attributes {dimension_semantics = [#tpu.dimension_semantics<arbitrary>], iteration_bounds = array<i64: 61>, scalar_prefetch = 0 : i64, scratch_operands = 0 : i64, tpu.core_type = #tpu.core_type<tc>, window_params = [{transform_indices = @transform_0, window_bounds = array<i64: 2560, 128>}, {transform_indices = @transform_1, window_bounds = array<i64: 2560, 128>}, {transform_indices = @transform_2, window_bounds = array<i64: 2560, 1>}, {pipeline_mode = #tpu.pipeline_mode<synchronous>, transform_indices = @transform_3, window_bounds = array<i64: 1, 128>}, {pipeline_mode = #tpu.pipeline_mode<synchronous>, transform_indices = @transform_4, window_bounds = array<i64: 128, 128>}, {pipeline_mode = #tpu.pipeline_mode<synchronous>, transform_indices = @transform_5, window_bounds = array<i64: 1, 128>}, {pipeline_mode = #tpu.pipeline_mode<synchronous>, transform_indices = @transform_6, window_bounds = array<i64: 128, 128>}, {pipeline_mode = #tpu.pipeline_mode<synchronous>, transform_indices = @transform_7, window_bounds = array<i64: 1, 128>}, {pipeline_mode = #tpu.pipeline_mode<synchronous>, transform_indices = @transform_8, window_bounds = array<i64: 128, 1>}, {pipeline_mode = #tpu.pipeline_mode<synchronous>, transform_indices = @transform_9, window_bounds = array<i64: 1, 1>}, {transform_indices = @transform_10, window_bounds = array<i64: 2560, 128>}, {transform_indices = @transform_11, window_bounds = array<i64: 2560, 128>}]} {
    %get3A = arith.constant 0 : index
    %get3A_0 = arith.constant 0 : index
    %get3A_1 = vector.load %arg1[%get3A, %get3A_0] : memref<2560x128xi32, #tpu.memory_space<vmem>>, vector<2560x128xi32>
    %and3A = arith.constant 65535 : i32
    %and3A_2 = vector.broadcast %and3A : i32 to vector<2560x128xi32>
    %and3A_3 = arith.andi %get3A_1, %and3A_2 : vector<2560x128xi32>
    %convert_element_type3A = arith.trunci %and3A_3 : vector<2560x128xi32> to vector<2560x128xi16>
    %bitcast_convert_type3A = tpu.bitcast %convert_element_type3A : vector<2560x128xi16> -> vector<2560x128xbf16>
    %shift_right_logical3A = arith.constant 16 : i32
    %shift_right_logical3A_4 = vector.broadcast %shift_right_logical3A : i32 to vector<2560x128xi32>
    %shift_right_logical3A_5 = arith.shrui %get3A_1, %shift_right_logical3A_4 : vector<2560x128xi32>
    %convert_element_type3A_6 = arith.trunci %shift_right_logical3A_5 : vector<2560x128xi32> to vector<2560x128xi16>
    %bitcast_convert_type3A_7 = tpu.bitcast %convert_element_type3A_6 : vector<2560x128xi16> -> vector<2560x128xbf16>
    %get3A_8 = arith.constant 0 : index
    %get3A_9 = arith.constant 0 : index
    %get3A_10 = vector.load %arg2[%get3A_8, %get3A_9] : memref<2560x128xi32, #tpu.memory_space<vmem>>, vector<2560x128xi32>
    %and3A_11 = arith.constant 65535 : i32
    %and3A_12 = vector.broadcast %and3A_11 : i32 to vector<2560x128xi32>
    %and3A_13 = arith.andi %get3A_10, %and3A_12 : vector<2560x128xi32>
    %convert_element_type3A_14 = arith.trunci %and3A_13 : vector<2560x128xi32> to vector<2560x128xi16>
    %bitcast_convert_type3A_15 = tpu.bitcast %convert_element_type3A_14 : vector<2560x128xi16> -> vector<2560x128xbf16>
    %shift_right_logical3A_16 = arith.constant 16 : i32
    %shift_right_logical3A_17 = vector.broadcast %shift_right_logical3A_16 : i32 to vector<2560x128xi32>
    %shift_right_logical3A_18 = arith.shrui %get3A_10, %shift_right_logical3A_17 : vector<2560x128xi32>
    %convert_element_type3A_19 = arith.trunci %shift_right_logical3A_18 : vector<2560x128xi32> to vector<2560x128xi16>
    %bitcast_convert_type3A_20 = tpu.bitcast %convert_element_type3A_19 : vector<2560x128xi16> -> vector<2560x128xbf16>
    %slice3A = vector.extract_strided_slice %bitcast_convert_type3A {offsets = [0, 0], sizes = [2560, 64], strides = [1, 1]} : vector<2560x128xbf16> to vector<2560x64xbf16>
    %convert_element_type3A_21 = arith.extf %slice3A : vector<2560x64xbf16> to vector<2560x64xf32>
    %slice3A_22 = vector.extract_strided_slice %bitcast_convert_type3A_15 {offsets = [0, 0], sizes = [2560, 64], strides = [1, 1]} : vector<2560x128xbf16> to vector<2560x64xbf16>
    %convert_element_type3A_23 = arith.extf %slice3A_22 : vector<2560x64xbf16> to vector<2560x64xf32>
    %add3A = arith.addf %convert_element_type3A_21, %convert_element_type3A_23 : vector<2560x64xf32>
    %slice3A_24 = vector.extract_strided_slice %bitcast_convert_type3A_7 {offsets = [0, 0], sizes = [2560, 64], strides = [1, 1]} : vector<2560x128xbf16> to vector<2560x64xbf16>
    %convert_element_type3A_25 = arith.extf %slice3A_24 : vector<2560x64xbf16> to vector<2560x64xf32>
    %slice3A_26 = vector.extract_strided_slice %bitcast_convert_type3A_20 {offsets = [0, 0], sizes = [2560, 64], strides = [1, 1]} : vector<2560x128xbf16> to vector<2560x64xbf16>
    %convert_element_type3A_27 = arith.extf %slice3A_26 : vector<2560x64xbf16> to vector<2560x64xf32>
    %add3A_28 = arith.addf %convert_element_type3A_25, %convert_element_type3A_27 : vector<2560x64xf32>
    %slice3A_29 = vector.extract_strided_slice %bitcast_convert_type3A {offsets = [0, 64], sizes = [2560, 64], strides = [1, 1]} : vector<2560x128xbf16> to vector<2560x64xbf16>
    %convert_element_type3A_30 = arith.extf %slice3A_29 : vector<2560x64xbf16> to vector<2560x64xf32>
    %slice3A_31 = vector.extract_strided_slice %bitcast_convert_type3A_15 {offsets = [0, 64], sizes = [2560, 64], strides = [1, 1]} : vector<2560x128xbf16> to vector<2560x64xbf16>
    %convert_element_type3A_32 = arith.extf %slice3A_31 : vector<2560x64xbf16> to vector<2560x64xf32>
    %sub3A = arith.subf %convert_element_type3A_30, %convert_element_type3A_32 : vector<2560x64xf32>
    %slice3A_33 = vector.extract_strided_slice %bitcast_convert_type3A_7 {offsets = [0, 64], sizes = [2560, 64], strides = [1, 1]} : vector<2560x128xbf16> to vector<2560x64xbf16>
    %convert_element_type3A_34 = arith.extf %slice3A_33 : vector<2560x64xbf16> to vector<2560x64xf32>
    %slice3A_35 = vector.extract_strided_slice %bitcast_convert_type3A_20 {offsets = [0, 64], sizes = [2560, 64], strides = [1, 1]} : vector<2560x128xbf16> to vector<2560x64xbf16>
    %convert_element_type3A_36 = arith.extf %slice3A_35 : vector<2560x64xbf16> to vector<2560x64xf32>
    %sub3A_37 = arith.subf %convert_element_type3A_34, %convert_element_type3A_36 : vector<2560x64xf32>
    %concatenate3A = tpu.concatenate %add3A, %add3A_28 in 1 : vector<2560x64xf32>, vector<2560x64xf32> -> vector<2560x128xf32>
    %concatenate3A_38 = tpu.concatenate %sub3A, %sub3A_37 in 1 : vector<2560x64xf32>, vector<2560x64xf32> -> vector<2560x128xf32>
    %slice3A_39 = vector.extract_strided_slice %concatenate3A_38 {offsets = [0, 0], sizes = [2560, 16], strides = [1, 1]} : vector<2560x128xf32> to vector<2560x16xf32>
    %mul3A = arith.mulf %slice3A_39, %slice3A_39 : vector<2560x16xf32>
    %reduce_sum3A = arith.constant dense<0.000000e+00> : vector<2560xf32>
    %reduce_sum3A_40 = vector.multi_reduction <add>, %mul3A, %reduce_sum3A [1] : vector<2560x16xf32> to vector<2560xf32>
    %broadcast_in_dim3A = vector.shape_cast %reduce_sum3A_40 : vector<2560xf32> to vector<2560x1xf32>
    %sqrt3A = math.sqrt %broadcast_in_dim3A : vector<2560x1xf32>
    %get3A_41 = arith.constant 0 : index
    %get3A_42 = arith.constant 0 : index
    %get3A_43 = vector.load %arg4[%get3A_41, %get3A_42] : memref<1x128xf32, #tpu.memory_space<vmem>>, vector<1x128xf32>
    %mul3A_44 = vector.broadcast %sqrt3A : vector<2560x1xf32> to vector<2560x128xf32>
    %mul3A_45 = vector.broadcast %get3A_43 : vector<1x128xf32> to vector<2560x128xf32>
    %mul3A_46 = arith.mulf %mul3A_44, %mul3A_45 : vector<2560x128xf32>
    %add3A_47 = arith.addf %concatenate3A, %mul3A_46 : vector<2560x128xf32>
    %logistic3A = arith.negf %add3A_47 : vector<2560x128xf32>
    %logistic3A_48 = math.exp %logistic3A : vector<2560x128xf32>
    %logistic3A_49 = arith.constant 1.000000e+00 : f32
    %logistic3A_50 = vector.broadcast %logistic3A_49 : f32 to vector<2560x128xf32>
    %logistic3A_51 = arith.addf %logistic3A_50, %logistic3A_48 : vector<2560x128xf32>
    %logistic3A_52 = arith.divf %logistic3A_50, %logistic3A_51 : vector<2560x128xf32>
    %mul3A_53 = arith.mulf %add3A_47, %logistic3A_52 : vector<2560x128xf32>
    %convert_element_type3A_54 = arith.truncf %mul3A_53 : vector<2560x128xf32> to vector<2560x128xbf16>
    %get3A_55 = arith.constant 0 : index
    %get3A_56 = arith.constant 0 : index
    %get3A_57 = vector.load %arg5[%get3A_55, %get3A_56] : memref<128x128xbf16, #tpu.memory_space<vmem>>, vector<128x128xbf16>
    %dot_general3A = arith.constant dense<0.000000e+00> : vector<2560x128xf32>
    %dot_general3A_58 = tpu.matmul %convert_element_type3A_54, %get3A_57, %dot_general3A {dimension_numbers = #tpu.dot_dimension_numbers<[1], [0], [0], [1], [0, 0, 1, 1], [], []>, transpose_lhs_hint = false} : vector<2560x128xbf16>, vector<128x128xbf16>, vector<2560x128xf32> -> vector<2560x128xf32>
    %get3A_59 = arith.constant 0 : index
    %get3A_60 = arith.constant 0 : index
    %get3A_61 = vector.load %arg6[%get3A_59, %get3A_60] : memref<1x128xf32, #tpu.memory_space<vmem>>, vector<1x128xf32>
    %add3A_62 = vector.broadcast %get3A_61 : vector<1x128xf32> to vector<2560x128xf32>
    %add3A_63 = arith.addf %dot_general3A_58, %add3A_62 : vector<2560x128xf32>
    %convert_element_type3A_64 = arith.truncf %add3A_63 : vector<2560x128xf32> to vector<2560x128xbf16>
    %get3A_65 = arith.constant 0 : index
    %get3A_66 = arith.constant 0 : index
    %get3A_67 = vector.load %arg7[%get3A_65, %get3A_66] : memref<128x128xbf16, #tpu.memory_space<vmem>>, vector<128x128xbf16>
    %dot_general3A_68 = arith.constant dense<0.000000e+00> : vector<2560x128xf32>
    %dot_general3A_69 = tpu.matmul %convert_element_type3A_64, %get3A_67, %dot_general3A_68 {dimension_numbers = #tpu.dot_dimension_numbers<[1], [0], [0], [1], [0, 0, 1, 1], [], []>, transpose_lhs_hint = false} : vector<2560x128xbf16>, vector<128x128xbf16>, vector<2560x128xf32> -> vector<2560x128xf32>
    %get3A_70 = arith.constant 0 : index
    %get3A_71 = arith.constant 0 : index
    %get3A_72 = vector.load %arg8[%get3A_70, %get3A_71] : memref<1x128xf32, #tpu.memory_space<vmem>>, vector<1x128xf32>
    %add3A_73 = vector.broadcast %get3A_72 : vector<1x128xf32> to vector<2560x128xf32>
    %add3A_74 = arith.addf %dot_general3A_69, %add3A_73 : vector<2560x128xf32>
    %logistic3A_75 = arith.negf %add3A_74 : vector<2560x128xf32>
    %logistic3A_76 = math.exp %logistic3A_75 : vector<2560x128xf32>
    %logistic3A_77 = arith.constant 1.000000e+00 : f32
    %logistic3A_78 = vector.broadcast %logistic3A_77 : f32 to vector<2560x128xf32>
    %logistic3A_79 = arith.addf %logistic3A_78, %logistic3A_76 : vector<2560x128xf32>
    %logistic3A_80 = arith.divf %logistic3A_78, %logistic3A_79 : vector<2560x128xf32>
    %mul3A_81 = arith.mulf %add3A_74, %logistic3A_80 : vector<2560x128xf32>
    %get3A_82 = arith.constant 0 : index
    %get3A_83 = arith.constant 0 : index
    %get3A_84 = vector.load %arg9[%get3A_82, %get3A_83] : memref<128x1xf32, #tpu.memory_space<vmem>>, vector<128x1xf32>
    %dot_general3A_85 = arith.constant dense<0.000000e+00> : vector<2560x1xf32>
    %dot_general3A_86 = tpu.matmul %mul3A_81, %get3A_84, %dot_general3A_85 {dimension_numbers = #tpu.dot_dimension_numbers<[1], [0], [0], [1], [0, 0, 1, 1], [], []>, transpose_lhs_hint = false} : vector<2560x128xf32>, vector<128x1xf32>, vector<2560x1xf32> -> vector<2560x1xf32>
    %get3A_87 = arith.constant 0 : index
    %get3A_88 = arith.constant 0 : index
    %get3A_89 = vector.load %arg10[%get3A_87, %get3A_88] : memref<1x1xf32, #tpu.memory_space<vmem>>, vector<1x1xf32>
    %add3A_90 = vector.broadcast %get3A_89 : vector<1x1xf32> to vector<2560x1xf32>
    %add3A_91 = arith.addf %dot_general3A_86, %add3A_90 : vector<2560x1xf32>
    %tanh3A = math.tanh %add3A_91 : vector<2560x1xf32>
    %swap3A = arith.constant 0 : index
    %swap3A_92 = arith.constant 0 : index
    %swap3A_93 = vector.load %arg11[%swap3A, %swap3A_92] : memref<2560x128xf32, #tpu.memory_space<vmem>>, vector<2560x128xf32>
    tpu.vector_store %arg11[%swap3A, %swap3A_92], %add3A_63 {strides = array<i32>} : memref<2560x128xf32, #tpu.memory_space<vmem>>, vector<2560x128xf32>,
    %iota3A = tpu.iota {dimensions = array<i32: 1>} : vector<2560x128xi32>
    %shift_right_arithmetic3A = arith.constant 4 : i32
    %shift_right_arithmetic3A_94 = vector.broadcast %shift_right_arithmetic3A : i32 to vector<2560x128xi32>
    %shift_right_arithmetic3A_95 = arith.shrsi %iota3A, %shift_right_arithmetic3A_94 : vector<2560x128xi32>
    %get3A_96 = arith.constant 0 : index
    %get3A_97 = arith.constant 0 : index
    %get3A_98 = vector.load %arg3[%get3A_96, %get3A_97] : memref<2560x1xi32, #tpu.memory_space<vmem>>, vector<2560x1xi32>
    %eq3A = vector.broadcast %get3A_98 : vector<2560x1xi32> to vector<2560x128xi32>
    %eq3A_99 = arith.cmpi eq, %shift_right_arithmetic3A_95, %eq3A : vector<2560x128xi32>
    %convert_element_type3A_100 = arith.extui %eq3A_99 : vector<2560x128xi1> to vector<2560x128xi32>
    %convert_element_type3A_101 = arith.sitofp %convert_element_type3A_100 : vector<2560x128xi32> to vector<2560x128xf32>
    %mul3A_102 = vector.broadcast %tanh3A : vector<2560x1xf32> to vector<2560x128xf32>
    %mul3A_103 = arith.mulf %mul3A_102, %concatenate3A_38 : vector<2560x128xf32>
    %mul3A_104 = arith.mulf %mul3A_103, %convert_element_type3A_101 : vector<2560x128xf32>
    %swap3A_105 = arith.constant 0 : index
    %swap3A_106 = arith.constant 0 : index
    %swap3A_107 = vector.load %arg12[%swap3A_105, %swap3A_106] : memref<2560x128xf32, #tpu.memory_space<vmem>>, vector<2560x128xf32>
    tpu.vector_store %arg12[%swap3A_105, %swap3A_106], %mul3A_104 {strides = array<i32>} : memref<2560x128xf32, #tpu.memory_space<vmem>>, vector<2560x128xf32>,
    return
  }
  func.func @transform_0(%arg0: i32) -> (i32, i32) {
    %c0_i32 = arith.constant 0 : i32
    %c0_i32_0 = arith.constant 0 : i32
    return %arg0, %c0_i32 : i32, i32
  }
  func.func @transform_1(%arg0: i32) -> (i32, i32) {
    %c0_i32 = arith.constant 0 : i32
    %c0_i32_0 = arith.constant 0 : i32
    return %arg0, %c0_i32 : i32, i32
  }
  func.func @transform_2(%arg0: i32) -> (i32, i32) {
    %c0_i32 = arith.constant 0 : i32
    %c0_i32_0 = arith.constant 0 : i32
    return %arg0, %c0_i32 : i32, i32
  }
  func.func @transform_3(%arg0: i32) -> (i32, i32) {
    %c0_i32 = arith.constant 0 : i32
    %c0_i32_0 = arith.constant 0 : i32
    %c0_i32_1 = arith.constant 0 : i32
    return %c0_i32, %c0_i32_0 : i32, i32
  }
  func.func @transform_4(%arg0: i32) -> (i32, i32) {
    %c0_i32 = arith.constant 0 : i32
    %c0_i32_0 = arith.constant 0 : i32
    %c0_i32_1 = arith.constant 0 : i32
    return %c0_i32, %c0_i32_0 : i32, i32
  }
  func.func @transform_5(%arg0: i32) -> (i32, i32) {
    %c0_i32 = arith.constant 0 : i32
    %c0_i32_0 = arith.constant 0 : i32
    %c0_i32_1 = arith.constant 0 : i32
    return %c0_i32, %c0_i32_0 : i32, i32
  }
  func.func @transform_6(%arg0: i32) -> (i32, i32) {
    %c0_i32 = arith.constant 0 : i32
    %c0_i32_0 = arith.constant 0 : i32
    %c0_i32_1 = arith.constant 0 : i32
    return %c0_i32, %c0_i32_0 : i32, i32
  }
  func.func @transform_7(%arg0: i32) -> (i32, i32) {
    %c0_i32 = arith.constant 0 : i32
    %c0_i32_0 = arith.constant 0 : i32
    %c0_i32_1 = arith.constant 0 : i32
    return %c0_i32, %c0_i32_0 : i32, i32
  }
  func.func @transform_8(%arg0: i32) -> (i32, i32) {
    %c0_i32 = arith.constant 0 : i32
    %c0_i32_0 = arith.constant 0 : i32
    %c0_i32_1 = arith.constant 0 : i32
    return %c0_i32, %c0_i32_0 : i32, i32
  }
  func.func @transform_9(%arg0: i32) -> (i32, i32) {
    %c0_i32 = arith.constant 0 : i32
    %c0_i32_0 = arith.constant 0 : i32
    %c0_i32_1 = arith.constant 0 : i32
    return %c0_i32, %c0_i32_0 : i32, i32
  }
  func.func @transform_10(%arg0: i32) -> (i32, i32) {
    %c0_i32 = arith.constant 0 : i32
    %c0_i32_0 = arith.constant 0 : i32
    return %arg0, %c0_i32 : i32, i32
  }
  func.func @transform_11(%arg0: i32) -> (i32, i32) {
    %c0_i32 = arith.constant 0 : i32
    %c0_i32_0 = arith.constant 0 : i32
    return %arg0, %c0_i32 : i32, i32
  }
}

module attributes {stable_mosaic.version = 14 : i64} {
  func.func @_edge_body(%arg0: i32, %arg1: memref<2560x128xi32, #tpu.memory_space<vmem>>, %arg2: memref<2560x128xi32, #tpu.memory_space<vmem>>, %arg3: memref<2560x1xi32, #tpu.memory_space<vmem>>, %arg4: memref<1x128xf32, #tpu.memory_space<vmem>>, %arg5: memref<128x128xbf16, #tpu.memory_space<vmem>>, %arg6: memref<1x128xf32, #tpu.memory_space<vmem>>, %arg7: memref<128x128xbf16, #tpu.memory_space<vmem>>, %arg8: memref<1x128xf32, #tpu.memory_space<vmem>>, %arg9: memref<128x1xf32, #tpu.memory_space<vmem>>, %arg10: memref<1x1xf32, #tpu.memory_space<vmem>>, %arg11: memref<2560x128xf32, #tpu.memory_space<vmem>>, %arg12: memref<2560x128xf32, #tpu.memory_space<vmem>>) attributes {dimension_semantics = [#tpu.dimension_semantics<arbitrary>], iteration_bounds = array<i64: 64>, scalar_prefetch = 0 : i64, scratch_operands = 0 : i64, tpu.core_type = #tpu.core_type<tc>, window_params = [{transform_indices = @transform_0, window_bounds = array<i64: 2560, 128>}, {transform_indices = @transform_1, window_bounds = array<i64: 2560, 128>}, {transform_indices = @transform_2, window_bounds = array<i64: 2560, 1>}, {pipeline_mode = #tpu.pipeline_mode<synchronous>, transform_indices = @transform_3, window_bounds = array<i64: 1, 128>}, {pipeline_mode = #tpu.pipeline_mode<synchronous>, transform_indices = @transform_4, window_bounds = array<i64: 128, 128>}, {pipeline_mode = #tpu.pipeline_mode<synchronous>, transform_indices = @transform_5, window_bounds = array<i64: 1, 128>}, {pipeline_mode = #tpu.pipeline_mode<synchronous>, transform_indices = @transform_6, window_bounds = array<i64: 128, 128>}, {pipeline_mode = #tpu.pipeline_mode<synchronous>, transform_indices = @transform_7, window_bounds = array<i64: 1, 128>}, {pipeline_mode = #tpu.pipeline_mode<synchronous>, transform_indices = @transform_8, window_bounds = array<i64: 128, 1>}, {pipeline_mode = #tpu.pipeline_mode<synchronous>, transform_indices = @transform_9, window_bounds = array<i64: 1, 1>}, {transform_indices = @transform_10, window_bounds = array<i64: 2560, 128>}, {transform_indices = @transform_11, window_bounds = array<i64: 2560, 128>}]} {
    %get3A = arith.constant 0 : index
    %get3A_0 = arith.constant 0 : index
    %get3A_1 = vector.load %arg1[%get3A, %get3A_0] : memref<2560x128xi32, #tpu.memory_space<vmem>>, vector<2560x128xi32>
    %and3A = arith.constant 65535 : i32
    %and3A_2 = vector.broadcast %and3A : i32 to vector<2560x128xi32>
    %and3A_3 = arith.andi %get3A_1, %and3A_2 : vector<2560x128xi32>
    %convert_element_type3A = arith.trunci %and3A_3 : vector<2560x128xi32> to vector<2560x128xi16>
    %bitcast_convert_type3A = tpu.bitcast %convert_element_type3A : vector<2560x128xi16> -> vector<2560x128xbf16>
    %shift_right_logical3A = arith.constant 16 : i32
    %shift_right_logical3A_4 = vector.broadcast %shift_right_logical3A : i32 to vector<2560x128xi32>
    %shift_right_logical3A_5 = arith.shrui %get3A_1, %shift_right_logical3A_4 : vector<2560x128xi32>
    %convert_element_type3A_6 = arith.trunci %shift_right_logical3A_5 : vector<2560x128xi32> to vector<2560x128xi16>
    %bitcast_convert_type3A_7 = tpu.bitcast %convert_element_type3A_6 : vector<2560x128xi16> -> vector<2560x128xbf16>
    %get3A_8 = arith.constant 0 : index
    %get3A_9 = arith.constant 0 : index
    %get3A_10 = vector.load %arg2[%get3A_8, %get3A_9] : memref<2560x128xi32, #tpu.memory_space<vmem>>, vector<2560x128xi32>
    %and3A_11 = arith.constant 65535 : i32
    %and3A_12 = vector.broadcast %and3A_11 : i32 to vector<2560x128xi32>
    %and3A_13 = arith.andi %get3A_10, %and3A_12 : vector<2560x128xi32>
    %convert_element_type3A_14 = arith.trunci %and3A_13 : vector<2560x128xi32> to vector<2560x128xi16>
    %bitcast_convert_type3A_15 = tpu.bitcast %convert_element_type3A_14 : vector<2560x128xi16> -> vector<2560x128xbf16>
    %shift_right_logical3A_16 = arith.constant 16 : i32
    %shift_right_logical3A_17 = vector.broadcast %shift_right_logical3A_16 : i32 to vector<2560x128xi32>
    %shift_right_logical3A_18 = arith.shrui %get3A_10, %shift_right_logical3A_17 : vector<2560x128xi32>
    %convert_element_type3A_19 = arith.trunci %shift_right_logical3A_18 : vector<2560x128xi32> to vector<2560x128xi16>
    %bitcast_convert_type3A_20 = tpu.bitcast %convert_element_type3A_19 : vector<2560x128xi16> -> vector<2560x128xbf16>
    %slice3A = vector.extract_strided_slice %bitcast_convert_type3A {offsets = [0, 0], sizes = [2560, 64], strides = [1, 1]} : vector<2560x128xbf16> to vector<2560x64xbf16>
    %convert_element_type3A_21 = arith.extf %slice3A : vector<2560x64xbf16> to vector<2560x64xf32>
    %slice3A_22 = vector.extract_strided_slice %bitcast_convert_type3A_15 {offsets = [0, 0], sizes = [2560, 64], strides = [1, 1]} : vector<2560x128xbf16> to vector<2560x64xbf16>
    %convert_element_type3A_23 = arith.extf %slice3A_22 : vector<2560x64xbf16> to vector<2560x64xf32>
    %add3A = arith.addf %convert_element_type3A_21, %convert_element_type3A_23 : vector<2560x64xf32>
    %slice3A_24 = vector.extract_strided_slice %bitcast_convert_type3A_7 {offsets = [0, 0], sizes = [2560, 64], strides = [1, 1]} : vector<2560x128xbf16> to vector<2560x64xbf16>
    %convert_element_type3A_25 = arith.extf %slice3A_24 : vector<2560x64xbf16> to vector<2560x64xf32>
    %slice3A_26 = vector.extract_strided_slice %bitcast_convert_type3A_20 {offsets = [0, 0], sizes = [2560, 64], strides = [1, 1]} : vector<2560x128xbf16> to vector<2560x64xbf16>
    %convert_element_type3A_27 = arith.extf %slice3A_26 : vector<2560x64xbf16> to vector<2560x64xf32>
    %add3A_28 = arith.addf %convert_element_type3A_25, %convert_element_type3A_27 : vector<2560x64xf32>
    %slice3A_29 = vector.extract_strided_slice %bitcast_convert_type3A {offsets = [0, 64], sizes = [2560, 64], strides = [1, 1]} : vector<2560x128xbf16> to vector<2560x64xbf16>
    %convert_element_type3A_30 = arith.extf %slice3A_29 : vector<2560x64xbf16> to vector<2560x64xf32>
    %slice3A_31 = vector.extract_strided_slice %bitcast_convert_type3A_15 {offsets = [0, 64], sizes = [2560, 64], strides = [1, 1]} : vector<2560x128xbf16> to vector<2560x64xbf16>
    %convert_element_type3A_32 = arith.extf %slice3A_31 : vector<2560x64xbf16> to vector<2560x64xf32>
    %sub3A = arith.subf %convert_element_type3A_30, %convert_element_type3A_32 : vector<2560x64xf32>
    %slice3A_33 = vector.extract_strided_slice %bitcast_convert_type3A_7 {offsets = [0, 64], sizes = [2560, 64], strides = [1, 1]} : vector<2560x128xbf16> to vector<2560x64xbf16>
    %convert_element_type3A_34 = arith.extf %slice3A_33 : vector<2560x64xbf16> to vector<2560x64xf32>
    %slice3A_35 = vector.extract_strided_slice %bitcast_convert_type3A_20 {offsets = [0, 64], sizes = [2560, 64], strides = [1, 1]} : vector<2560x128xbf16> to vector<2560x64xbf16>
    %convert_element_type3A_36 = arith.extf %slice3A_35 : vector<2560x64xbf16> to vector<2560x64xf32>
    %sub3A_37 = arith.subf %convert_element_type3A_34, %convert_element_type3A_36 : vector<2560x64xf32>
    %concatenate3A = tpu.concatenate %add3A, %add3A_28 in 1 : vector<2560x64xf32>, vector<2560x64xf32> -> vector<2560x128xf32>
    %concatenate3A_38 = tpu.concatenate %sub3A, %sub3A_37 in 1 : vector<2560x64xf32>, vector<2560x64xf32> -> vector<2560x128xf32>
    %slice3A_39 = vector.extract_strided_slice %concatenate3A_38 {offsets = [0, 0], sizes = [2560, 16], strides = [1, 1]} : vector<2560x128xf32> to vector<2560x16xf32>
    %mul3A = arith.mulf %slice3A_39, %slice3A_39 : vector<2560x16xf32>
    %reduce_sum3A = arith.constant dense<0.000000e+00> : vector<2560xf32>
    %reduce_sum3A_40 = vector.multi_reduction <add>, %mul3A, %reduce_sum3A [1] : vector<2560x16xf32> to vector<2560xf32>
    %broadcast_in_dim3A = vector.shape_cast %reduce_sum3A_40 : vector<2560xf32> to vector<2560x1xf32>
    %sqrt3A = math.sqrt %broadcast_in_dim3A : vector<2560x1xf32>
    %get3A_41 = arith.constant 0 : index
    %get3A_42 = arith.constant 0 : index
    %get3A_43 = vector.load %arg4[%get3A_41, %get3A_42] : memref<1x128xf32, #tpu.memory_space<vmem>>, vector<1x128xf32>
    %mul3A_44 = vector.broadcast %sqrt3A : vector<2560x1xf32> to vector<2560x128xf32>
    %mul3A_45 = vector.broadcast %get3A_43 : vector<1x128xf32> to vector<2560x128xf32>
    %mul3A_46 = arith.mulf %mul3A_44, %mul3A_45 : vector<2560x128xf32>
    %add3A_47 = arith.addf %concatenate3A, %mul3A_46 : vector<2560x128xf32>
    %logistic3A = arith.negf %add3A_47 : vector<2560x128xf32>
    %logistic3A_48 = math.exp %logistic3A : vector<2560x128xf32>
    %logistic3A_49 = arith.constant 1.000000e+00 : f32
    %logistic3A_50 = vector.broadcast %logistic3A_49 : f32 to vector<2560x128xf32>
    %logistic3A_51 = arith.addf %logistic3A_50, %logistic3A_48 : vector<2560x128xf32>
    %logistic3A_52 = arith.divf %logistic3A_50, %logistic3A_51 : vector<2560x128xf32>
    %mul3A_53 = arith.mulf %add3A_47, %logistic3A_52 : vector<2560x128xf32>
    %convert_element_type3A_54 = arith.truncf %mul3A_53 : vector<2560x128xf32> to vector<2560x128xbf16>
    %get3A_55 = arith.constant 0 : index
    %get3A_56 = arith.constant 0 : index
    %get3A_57 = vector.load %arg5[%get3A_55, %get3A_56] : memref<128x128xbf16, #tpu.memory_space<vmem>>, vector<128x128xbf16>
    %dot_general3A = arith.constant dense<0.000000e+00> : vector<2560x128xf32>
    %dot_general3A_58 = tpu.matmul %convert_element_type3A_54, %get3A_57, %dot_general3A {dimension_numbers = #tpu.dot_dimension_numbers<[1], [0], [0], [1], [0, 0, 1, 1], [], []>, transpose_lhs_hint = false} : vector<2560x128xbf16>, vector<128x128xbf16>, vector<2560x128xf32> -> vector<2560x128xf32>
    %get3A_59 = arith.constant 0 : index
    %get3A_60 = arith.constant 0 : index
    %get3A_61 = vector.load %arg6[%get3A_59, %get3A_60] : memref<1x128xf32, #tpu.memory_space<vmem>>, vector<1x128xf32>
    %add3A_62 = vector.broadcast %get3A_61 : vector<1x128xf32> to vector<2560x128xf32>
    %add3A_63 = arith.addf %dot_general3A_58, %add3A_62 : vector<2560x128xf32>
    %convert_element_type3A_64 = arith.truncf %add3A_63 : vector<2560x128xf32> to vector<2560x128xbf16>
    %get3A_65 = arith.constant 0 : index
    %get3A_66 = arith.constant 0 : index
    %get3A_67 = vector.load %arg7[%get3A_65, %get3A_66] : memref<128x128xbf16, #tpu.memory_space<vmem>>, vector<128x128xbf16>
    %dot_general3A_68 = arith.constant dense<0.000000e+00> : vector<2560x128xf32>
    %dot_general3A_69 = tpu.matmul %convert_element_type3A_64, %get3A_67, %dot_general3A_68 {dimension_numbers = #tpu.dot_dimension_numbers<[1], [0], [0], [1], [0, 0, 1, 1], [], []>, transpose_lhs_hint = false} : vector<2560x128xbf16>, vector<128x128xbf16>, vector<2560x128xf32> -> vector<2560x128xf32>
    %get3A_70 = arith.constant 0 : index
    %get3A_71 = arith.constant 0 : index
    %get3A_72 = vector.load %arg8[%get3A_70, %get3A_71] : memref<1x128xf32, #tpu.memory_space<vmem>>, vector<1x128xf32>
    %add3A_73 = vector.broadcast %get3A_72 : vector<1x128xf32> to vector<2560x128xf32>
    %add3A_74 = arith.addf %dot_general3A_69, %add3A_73 : vector<2560x128xf32>
    %logistic3A_75 = arith.negf %add3A_74 : vector<2560x128xf32>
    %logistic3A_76 = math.exp %logistic3A_75 : vector<2560x128xf32>
    %logistic3A_77 = arith.constant 1.000000e+00 : f32
    %logistic3A_78 = vector.broadcast %logistic3A_77 : f32 to vector<2560x128xf32>
    %logistic3A_79 = arith.addf %logistic3A_78, %logistic3A_76 : vector<2560x128xf32>
    %logistic3A_80 = arith.divf %logistic3A_78, %logistic3A_79 : vector<2560x128xf32>
    %mul3A_81 = arith.mulf %add3A_74, %logistic3A_80 : vector<2560x128xf32>
    %get3A_82 = arith.constant 0 : index
    %get3A_83 = arith.constant 0 : index
    %get3A_84 = vector.load %arg9[%get3A_82, %get3A_83] : memref<128x1xf32, #tpu.memory_space<vmem>>, vector<128x1xf32>
    %dot_general3A_85 = arith.constant dense<0.000000e+00> : vector<2560x1xf32>
    %dot_general3A_86 = tpu.matmul %mul3A_81, %get3A_84, %dot_general3A_85 {dimension_numbers = #tpu.dot_dimension_numbers<[1], [0], [0], [1], [0, 0, 1, 1], [], []>, transpose_lhs_hint = false} : vector<2560x128xf32>, vector<128x1xf32>, vector<2560x1xf32> -> vector<2560x1xf32>
    %get3A_87 = arith.constant 0 : index
    %get3A_88 = arith.constant 0 : index
    %get3A_89 = vector.load %arg10[%get3A_87, %get3A_88] : memref<1x1xf32, #tpu.memory_space<vmem>>, vector<1x1xf32>
    %add3A_90 = vector.broadcast %get3A_89 : vector<1x1xf32> to vector<2560x1xf32>
    %add3A_91 = arith.addf %dot_general3A_86, %add3A_90 : vector<2560x1xf32>
    %tanh3A = math.tanh %add3A_91 : vector<2560x1xf32>
    %swap3A = arith.constant 0 : index
    %swap3A_92 = arith.constant 0 : index
    %swap3A_93 = vector.load %arg11[%swap3A, %swap3A_92] : memref<2560x128xf32, #tpu.memory_space<vmem>>, vector<2560x128xf32>
    tpu.vector_store %arg11[%swap3A, %swap3A_92], %add3A_63 {strides = array<i32>} : memref<2560x128xf32, #tpu.memory_space<vmem>>, vector<2560x128xf32>,
    %iota3A = tpu.iota {dimensions = array<i32: 1>} : vector<2560x128xi32>
    %shift_right_arithmetic3A = arith.constant 4 : i32
    %shift_right_arithmetic3A_94 = vector.broadcast %shift_right_arithmetic3A : i32 to vector<2560x128xi32>
    %shift_right_arithmetic3A_95 = arith.shrsi %iota3A, %shift_right_arithmetic3A_94 : vector<2560x128xi32>
    %get3A_96 = arith.constant 0 : index
    %get3A_97 = arith.constant 0 : index
    %get3A_98 = vector.load %arg3[%get3A_96, %get3A_97] : memref<2560x1xi32, #tpu.memory_space<vmem>>, vector<2560x1xi32>
    %eq3A = vector.broadcast %get3A_98 : vector<2560x1xi32> to vector<2560x128xi32>
    %eq3A_99 = arith.cmpi eq, %shift_right_arithmetic3A_95, %eq3A : vector<2560x128xi32>
    %convert_element_type3A_100 = arith.extui %eq3A_99 : vector<2560x128xi1> to vector<2560x128xi32>
    %convert_element_type3A_101 = arith.sitofp %convert_element_type3A_100 : vector<2560x128xi32> to vector<2560x128xf32>
    %mul3A_102 = vector.broadcast %tanh3A : vector<2560x1xf32> to vector<2560x128xf32>
    %mul3A_103 = arith.mulf %mul3A_102, %concatenate3A_38 : vector<2560x128xf32>
    %mul3A_104 = arith.mulf %mul3A_103, %convert_element_type3A_101 : vector<2560x128xf32>
    %swap3A_105 = arith.constant 0 : index
    %swap3A_106 = arith.constant 0 : index
    %swap3A_107 = vector.load %arg12[%swap3A_105, %swap3A_106] : memref<2560x128xf32, #tpu.memory_space<vmem>>, vector<2560x128xf32>
    tpu.vector_store %arg12[%swap3A_105, %swap3A_106], %mul3A_104 {strides = array<i32>} : memref<2560x128xf32, #tpu.memory_space<vmem>>, vector<2560x128xf32>,
    return
  }
  func.func @transform_0(%arg0: i32) -> (i32, i32) {
    %c0_i32 = arith.constant 0 : i32
    %c0_i32_0 = arith.constant 0 : i32
    return %arg0, %c0_i32 : i32, i32
  }
  func.func @transform_1(%arg0: i32) -> (i32, i32) {
    %c0_i32 = arith.constant 0 : i32
    %c0_i32_0 = arith.constant 0 : i32
    return %arg0, %c0_i32 : i32, i32
  }
  func.func @transform_2(%arg0: i32) -> (i32, i32) {
    %c0_i32 = arith.constant 0 : i32
    %c0_i32_0 = arith.constant 0 : i32
    return %arg0, %c0_i32 : i32, i32
  }
  func.func @transform_3(%arg0: i32) -> (i32, i32) {
    %c0_i32 = arith.constant 0 : i32
    %c0_i32_0 = arith.constant 0 : i32
    %c0_i32_1 = arith.constant 0 : i32
    return %c0_i32, %c0_i32_0 : i32, i32
  }
  func.func @transform_4(%arg0: i32) -> (i32, i32) {
    %c0_i32 = arith.constant 0 : i32
    %c0_i32_0 = arith.constant 0 : i32
    %c0_i32_1 = arith.constant 0 : i32
    return %c0_i32, %c0_i32_0 : i32, i32
  }
  func.func @transform_5(%arg0: i32) -> (i32, i32) {
    %c0_i32 = arith.constant 0 : i32
    %c0_i32_0 = arith.constant 0 : i32
    %c0_i32_1 = arith.constant 0 : i32
    return %c0_i32, %c0_i32_0 : i32, i32
  }
  func.func @transform_6(%arg0: i32) -> (i32, i32) {
    %c0_i32 = arith.constant 0 : i32
    %c0_i32_0 = arith.constant 0 : i32
    %c0_i32_1 = arith.constant 0 : i32
    return %c0_i32, %c0_i32_0 : i32, i32
  }
  func.func @transform_7(%arg0: i32) -> (i32, i32) {
    %c0_i32 = arith.constant 0 : i32
    %c0_i32_0 = arith.constant 0 : i32
    %c0_i32_1 = arith.constant 0 : i32
    return %c0_i32, %c0_i32_0 : i32, i32
  }
  func.func @transform_8(%arg0: i32) -> (i32, i32) {
    %c0_i32 = arith.constant 0 : i32
    %c0_i32_0 = arith.constant 0 : i32
    %c0_i32_1 = arith.constant 0 : i32
    return %c0_i32, %c0_i32_0 : i32, i32
  }
  func.func @transform_9(%arg0: i32) -> (i32, i32) {
    %c0_i32 = arith.constant 0 : i32
    %c0_i32_0 = arith.constant 0 : i32
    %c0_i32_1 = arith.constant 0 : i32
    return %c0_i32, %c0_i32_0 : i32, i32
  }
  func.func @transform_10(%arg0: i32) -> (i32, i32) {
    %c0_i32 = arith.constant 0 : i32
    %c0_i32_0 = arith.constant 0 : i32
    return %arg0, %c0_i32 : i32, i32
  }
  func.func @transform_11(%arg0: i32) -> (i32, i32) {
    %c0_i32 = arith.constant 0 : i32
    %c0_i32_0 = arith.constant 0 : i32
    return %arg0, %c0_i32 : i32, i32
  }
}

module attributes {stable_mosaic.version = 14 : i64} {
  func.func @_node_body(%arg0: i32, %arg1: memref<1000x128xf32, #tpu.memory_space<vmem>>, %arg2: memref<1000x3xf32, #tpu.memory_space<vmem>>, %arg3: memref<1000x128xf32, #tpu.memory_space<vmem>>, %arg4: memref<1000x128xf32, #tpu.memory_space<vmem>>, %arg5: memref<1000x128xf32, #tpu.memory_space<vmem>>, %arg6: memref<1000x128xf32, #tpu.memory_space<vmem>>, %arg7: memref<1000x16xf32, #tpu.memory_space<vmem>>, %arg8: memref<1000x16xf32, #tpu.memory_space<vmem>>, %arg9: memref<1000x16xf32, #tpu.memory_space<vmem>>, %arg10: memref<1000x16xf32, #tpu.memory_space<vmem>>, %arg11: memref<1000x1xf32, #tpu.memory_space<vmem>>, %arg12: memref<128x128xf32, #tpu.memory_space<vmem>>, %arg13: memref<128x128xf32, #tpu.memory_space<vmem>>, %arg14: memref<1x128xf32, #tpu.memory_space<vmem>>, %arg15: memref<128x128xf32, #tpu.memory_space<vmem>>, %arg16: memref<1x128xf32, #tpu.memory_space<vmem>>, %arg17: memref<1000x128xf32, #tpu.memory_space<vmem>>, %arg18: memref<1000x3xf32, #tpu.memory_space<vmem>>) attributes {dimension_semantics = [#tpu.dimension_semantics<arbitrary>], iteration_bounds = array<i64: 10>, scalar_prefetch = 0 : i64, scratch_operands = 0 : i64, tpu.core_type = #tpu.core_type<tc>, window_params = [{transform_indices = @transform_0, window_bounds = array<i64: 1000, 128>}, {transform_indices = @transform_1, window_bounds = array<i64: 1000, 3>}, {transform_indices = @transform_2, window_bounds = array<i64: 1000, 128>}, {transform_indices = @transform_3, window_bounds = array<i64: 1000, 128>}, {transform_indices = @transform_4, window_bounds = array<i64: 1000, 128>}, {transform_indices = @transform_5, window_bounds = array<i64: 1000, 128>}, {transform_indices = @transform_6, window_bounds = array<i64: 1000, 16>}, {transform_indices = @transform_7, window_bounds = array<i64: 1000, 16>}, {transform_indices = @transform_8, window_bounds = array<i64: 1000, 16>}, {transform_indices = @transform_9, window_bounds = array<i64: 1000, 16>}, {transform_indices = @transform_10, window_bounds = array<i64: 1000, 1>}, {pipeline_mode = #tpu.pipeline_mode<synchronous>, transform_indices = @transform_11, window_bounds = array<i64: 128, 128>}, {pipeline_mode = #tpu.pipeline_mode<synchronous>, transform_indices = @transform_12, window_bounds = array<i64: 128, 128>}, {pipeline_mode = #tpu.pipeline_mode<synchronous>, transform_indices = @transform_13, window_bounds = array<i64: 1, 128>}, {pipeline_mode = #tpu.pipeline_mode<synchronous>, transform_indices = @transform_14, window_bounds = array<i64: 128, 128>}, {pipeline_mode = #tpu.pipeline_mode<synchronous>, transform_indices = @transform_15, window_bounds = array<i64: 1, 128>}, {transform_indices = @transform_16, window_bounds = array<i64: 1000, 128>}, {transform_indices = @transform_17, window_bounds = array<i64: 1000, 3>}]} {
    %get3A = arith.constant 0 : index
    %get3A_0 = arith.constant 0 : index
    %get3A_1 = vector.load %arg3[%get3A, %get3A_0] : memref<1000x128xf32, #tpu.memory_space<vmem>>, vector<1000x128xf32>
    %get3A_2 = arith.constant 0 : index
    %get3A_3 = arith.constant 0 : index
    %get3A_4 = vector.load %arg4[%get3A_2, %get3A_3] : memref<1000x128xf32, #tpu.memory_space<vmem>>, vector<1000x128xf32>
    %add3A = arith.addf %get3A_1, %get3A_4 : vector<1000x128xf32>
    %get3A_5 = arith.constant 0 : index
    %get3A_6 = arith.constant 0 : index
    %get3A_7 = vector.load %arg5[%get3A_5, %get3A_6] : memref<1000x128xf32, #tpu.memory_space<vmem>>, vector<1000x128xf32>
    %add3A_8 = arith.addf %add3A, %get3A_7 : vector<1000x128xf32>
    %get3A_9 = arith.constant 0 : index
    %get3A_10 = arith.constant 0 : index
    %get3A_11 = vector.load %arg6[%get3A_9, %get3A_10] : memref<1000x128xf32, #tpu.memory_space<vmem>>, vector<1000x128xf32>
    %add3A_12 = arith.addf %add3A_8, %get3A_11 : vector<1000x128xf32>
    %get3A_13 = arith.constant 0 : index
    %get3A_14 = arith.constant 0 : index
    %get3A_15 = vector.load %arg11[%get3A_13, %get3A_14] : memref<1000x1xf32, #tpu.memory_space<vmem>>, vector<1000x1xf32>
    %max3A = arith.constant 1.000000e+00 : f32
    %max3A_16 = vector.broadcast %max3A : f32 to vector<1000x1xf32>
    %max3A_17 = arith.maximumf %get3A_15, %max3A_16 : vector<1000x1xf32>
    %div3A = vector.broadcast %max3A_17 : vector<1000x1xf32> to vector<1000x128xf32>
    %div3A_18 = arith.divf %add3A_12, %div3A : vector<1000x128xf32>
    %get3A_19 = arith.constant 0 : index
    %get3A_20 = arith.constant 0 : index
    %get3A_21 = vector.load %arg1[%get3A_19, %get3A_20] : memref<1000x128xf32, #tpu.memory_space<vmem>>, vector<1000x128xf32>
    %get3A_22 = arith.constant 0 : index
    %get3A_23 = arith.constant 0 : index
    %get3A_24 = vector.load %arg12[%get3A_22, %get3A_23] : memref<128x128xf32, #tpu.memory_space<vmem>>, vector<128x128xf32>
    %dot_general3A = arith.constant dense<0.000000e+00> : vector<1000x128xf32>
    %dot_general3A_25 = tpu.matmul %get3A_21, %get3A_24, %dot_general3A {dimension_numbers = #tpu.dot_dimension_numbers<[1], [0], [0], [1], [0, 0, 1, 1], [], []>, transpose_lhs_hint = false} : vector<1000x128xf32>, vector<128x128xf32>, vector<1000x128xf32> -> vector<1000x128xf32>
    %get3A_26 = arith.constant 0 : index
    %get3A_27 = arith.constant 0 : index
    %get3A_28 = vector.load %arg13[%get3A_26, %get3A_27] : memref<128x128xf32, #tpu.memory_space<vmem>>, vector<128x128xf32>
    %dot_general3A_29 = arith.constant dense<0.000000e+00> : vector<1000x128xf32>
    %dot_general3A_30 = tpu.matmul %div3A_18, %get3A_28, %dot_general3A_29 {dimension_numbers = #tpu.dot_dimension_numbers<[1], [0], [0], [1], [0, 0, 1, 1], [], []>, transpose_lhs_hint = false} : vector<1000x128xf32>, vector<128x128xf32>, vector<1000x128xf32> -> vector<1000x128xf32>
    %add3A_31 = arith.addf %dot_general3A_25, %dot_general3A_30 : vector<1000x128xf32>
    %get3A_32 = arith.constant 0 : index
    %get3A_33 = arith.constant 0 : index
    %get3A_34 = vector.load %arg14[%get3A_32, %get3A_33] : memref<1x128xf32, #tpu.memory_space<vmem>>, vector<1x128xf32>
    %add3A_35 = vector.broadcast %get3A_34 : vector<1x128xf32> to vector<1000x128xf32>
    %add3A_36 = arith.addf %add3A_31, %add3A_35 : vector<1000x128xf32>
    %logistic3A = arith.negf %add3A_36 : vector<1000x128xf32>
    %logistic3A_37 = math.exp %logistic3A : vector<1000x128xf32>
    %logistic3A_38 = arith.constant 1.000000e+00 : f32
    %logistic3A_39 = vector.broadcast %logistic3A_38 : f32 to vector<1000x128xf32>
    %logistic3A_40 = arith.addf %logistic3A_39, %logistic3A_37 : vector<1000x128xf32>
    %logistic3A_41 = arith.divf %logistic3A_39, %logistic3A_40 : vector<1000x128xf32>
    %mul3A = arith.mulf %add3A_36, %logistic3A_41 : vector<1000x128xf32>
    %get3A_42 = arith.constant 0 : index
    %get3A_43 = arith.constant 0 : index
    %get3A_44 = vector.load %arg15[%get3A_42, %get3A_43] : memref<128x128xf32, #tpu.memory_space<vmem>>, vector<128x128xf32>
    %dot_general3A_45 = arith.constant dense<0.000000e+00> : vector<1000x128xf32>
    %dot_general3A_46 = tpu.matmul %mul3A, %get3A_44, %dot_general3A_45 {dimension_numbers = #tpu.dot_dimension_numbers<[1], [0], [0], [1], [0, 0, 1, 1], [], []>, transpose_lhs_hint = false} : vector<1000x128xf32>, vector<128x128xf32>, vector<1000x128xf32> -> vector<1000x128xf32>
    %get3A_47 = arith.constant 0 : index
    %get3A_48 = arith.constant 0 : index
    %get3A_49 = vector.load %arg16[%get3A_47, %get3A_48] : memref<1x128xf32, #tpu.memory_space<vmem>>, vector<1x128xf32>
    %add3A_50 = vector.broadcast %get3A_49 : vector<1x128xf32> to vector<1000x128xf32>
    %add3A_51 = arith.addf %dot_general3A_46, %add3A_50 : vector<1000x128xf32>
    %get3A_52 = arith.constant 0 : index
    %get3A_53 = arith.constant 0 : index
    %get3A_54 = vector.load %arg1[%get3A_52, %get3A_53] : memref<1000x128xf32, #tpu.memory_space<vmem>>, vector<1000x128xf32>
    %add3A_55 = arith.addf %get3A_54, %add3A_51 : vector<1000x128xf32>
    %swap3A = arith.constant 0 : index
    %swap3A_56 = arith.constant 0 : index
    %swap3A_57 = vector.load %arg17[%swap3A, %swap3A_56] : memref<1000x128xf32, #tpu.memory_space<vmem>>, vector<1000x128xf32>
    tpu.vector_store %arg17[%swap3A, %swap3A_56], %add3A_55 {strides = array<i32>} : memref<1000x128xf32, #tpu.memory_space<vmem>>, vector<1000x128xf32>,
    %get3A_58 = arith.constant 0 : index
    %get3A_59 = arith.constant 0 : index
    %get3A_60 = vector.load %arg2[%get3A_58, %get3A_59] : memref<1000x3xf32, #tpu.memory_space<vmem>>, vector<1000x3xf32>
    %get3A_61 = arith.constant 0 : index
    %get3A_62 = arith.constant 0 : index
    %get3A_63 = vector.load %arg7[%get3A_61, %get3A_62] : memref<1000x16xf32, #tpu.memory_space<vmem>>, vector<1000x16xf32>
    %get3A_64 = arith.constant 0 : index
    %get3A_65 = arith.constant 0 : index
    %get3A_66 = vector.load %arg8[%get3A_64, %get3A_65] : memref<1000x16xf32, #tpu.memory_space<vmem>>, vector<1000x16xf32>
    %add3A_67 = arith.addf %get3A_63, %get3A_66 : vector<1000x16xf32>
    %get3A_68 = arith.constant 0 : index
    %get3A_69 = arith.constant 0 : index
    %get3A_70 = vector.load %arg9[%get3A_68, %get3A_69] : memref<1000x16xf32, #tpu.memory_space<vmem>>, vector<1000x16xf32>
    %add3A_71 = arith.addf %add3A_67, %get3A_70 : vector<1000x16xf32>
    %get3A_72 = arith.constant 0 : index
    %get3A_73 = arith.constant 0 : index
    %get3A_74 = vector.load %arg10[%get3A_72, %get3A_73] : memref<1000x16xf32, #tpu.memory_space<vmem>>, vector<1000x16xf32>
    %add3A_75 = arith.addf %add3A_71, %get3A_74 : vector<1000x16xf32>
    %slice3A = vector.extract_strided_slice %add3A_75 {offsets = [0, 0], sizes = [1000, 3], strides = [1, 1]} : vector<1000x16xf32> to vector<1000x3xf32>
    %add3A_76 = arith.addf %get3A_60, %slice3A : vector<1000x3xf32>
    %swap3A_77 = arith.constant 0 : index
    %swap3A_78 = arith.constant 0 : index
    %swap3A_79 = vector.load %arg18[%swap3A_77, %swap3A_78] : memref<1000x3xf32, #tpu.memory_space<vmem>>, vector<1000x3xf32>
    tpu.vector_store %arg18[%swap3A_77, %swap3A_78], %add3A_76 {strides = array<i32>} : memref<1000x3xf32, #tpu.memory_space<vmem>>, vector<1000x3xf32>,
    return
  }
  func.func @transform_0(%arg0: i32) -> (i32, i32) {
    %c0_i32 = arith.constant 0 : i32
    %c0_i32_0 = arith.constant 0 : i32
    return %arg0, %c0_i32 : i32, i32
  }
  func.func @transform_1(%arg0: i32) -> (i32, i32) {
    %c0_i32 = arith.constant 0 : i32
    %c0_i32_0 = arith.constant 0 : i32
    return %arg0, %c0_i32 : i32, i32
  }
  func.func @transform_2(%arg0: i32) -> (i32, i32) {
    %c0_i32 = arith.constant 0 : i32
    %c0_i32_0 = arith.constant 0 : i32
    return %arg0, %c0_i32 : i32, i32
  }
  func.func @transform_3(%arg0: i32) -> (i32, i32) {
    %c0_i32 = arith.constant 0 : i32
    %c0_i32_0 = arith.constant 0 : i32
    return %arg0, %c0_i32 : i32, i32
  }
  func.func @transform_4(%arg0: i32) -> (i32, i32) {
    %c0_i32 = arith.constant 0 : i32
    %c0_i32_0 = arith.constant 0 : i32
    return %arg0, %c0_i32 : i32, i32
  }
  func.func @transform_5(%arg0: i32) -> (i32, i32) {
    %c0_i32 = arith.constant 0 : i32
    %c0_i32_0 = arith.constant 0 : i32
    return %arg0, %c0_i32 : i32, i32
  }
  func.func @transform_6(%arg0: i32) -> (i32, i32) {
    %c0_i32 = arith.constant 0 : i32
    %c0_i32_0 = arith.constant 0 : i32
    return %arg0, %c0_i32 : i32, i32
  }
  func.func @transform_7(%arg0: i32) -> (i32, i32) {
    %c0_i32 = arith.constant 0 : i32
    %c0_i32_0 = arith.constant 0 : i32
    return %arg0, %c0_i32 : i32, i32
  }
  func.func @transform_8(%arg0: i32) -> (i32, i32) {
    %c0_i32 = arith.constant 0 : i32
    %c0_i32_0 = arith.constant 0 : i32
    return %arg0, %c0_i32 : i32, i32
  }
  func.func @transform_9(%arg0: i32) -> (i32, i32) {
    %c0_i32 = arith.constant 0 : i32
    %c0_i32_0 = arith.constant 0 : i32
    return %arg0, %c0_i32 : i32, i32
  }
  func.func @transform_10(%arg0: i32) -> (i32, i32) {
    %c0_i32 = arith.constant 0 : i32
    %c0_i32_0 = arith.constant 0 : i32
    return %arg0, %c0_i32 : i32, i32
  }
  func.func @transform_11(%arg0: i32) -> (i32, i32) {
    %c0_i32 = arith.constant 0 : i32
    %c0_i32_0 = arith.constant 0 : i32
    %c0_i32_1 = arith.constant 0 : i32
    return %c0_i32, %c0_i32_0 : i32, i32
  }
  func.func @transform_12(%arg0: i32) -> (i32, i32) {
    %c0_i32 = arith.constant 0 : i32
    %c0_i32_0 = arith.constant 0 : i32
    %c0_i32_1 = arith.constant 0 : i32
    return %c0_i32, %c0_i32_0 : i32, i32
  }
  func.func @transform_13(%arg0: i32) -> (i32, i32) {
    %c0_i32 = arith.constant 0 : i32
    %c0_i32_0 = arith.constant 0 : i32
    %c0_i32_1 = arith.constant 0 : i32
    return %c0_i32, %c0_i32_0 : i32, i32
  }
  func.func @transform_14(%arg0: i32) -> (i32, i32) {
    %c0_i32 = arith.constant 0 : i32
    %c0_i32_0 = arith.constant 0 : i32
    %c0_i32_1 = arith.constant 0 : i32
    return %c0_i32, %c0_i32_0 : i32, i32
  }
  func.func @transform_15(%arg0: i32) -> (i32, i32) {
    %c0_i32 = arith.constant 0 : i32
    %c0_i32_0 = arith.constant 0 : i32
    %c0_i32_1 = arith.constant 0 : i32
    return %c0_i32, %c0_i32_0 : i32, i32
  }
  func.func @transform_16(%arg0: i32) -> (i32, i32) {
    %c0_i32 = arith.constant 0 : i32
    %c0_i32_0 = arith.constant 0 : i32
    return %arg0, %c0_i32 : i32, i32
  }
  func.func @transform_17(%arg0: i32) -> (i32, i32) {
    %c0_i32 = arith.constant 0 : i32
    %c0_i32_0 = arith.constant 0 : i32
    return %arg0, %c0_i32 : i32, i32
  }
}

</mosaic_0001>

<sc_bundles>
// kernel: kernel.10.cloned.1.call-start
scs
__scs_entry_jumppad:
0x0: {  	(pc) =	sbr.rel $0x88, $3  }
0x1: {  	(tag) =	ssettag $0x0;
	lr =	simm.s32 $0x1  }
0x2: {  	[smem:$0x3F91] =	sst lr;
	_ =	strace $0xD0000000  }
0x3: {  	_ = 	snop  }
0x4: {  	_ = 	snop  }
0x5: {  	_ = 	snop  }
0x6: {  	_ = 	snop  }
0x7: {  	_ = 	snop  }
__scs_overlays_trampoline_lowered:
0x8: {  	[smem:$0x3FA0] =	sst s0  }
0x9: {  	[smem:$0x3FA1] =	sst s1  }
0xa: {  	[smem:$0x3FA2] =	sst s2  }
0xb: {  	[smem:$0x3FA3] =	sst s3  }
0xc: {  	[smem:$0x3FA4] =	sst s4  }
0xd: {  	[smem:$0x3FA5] =	sst s5  }
0xe: {  	[smem:$0x3FA6] =	sst s6  }
0xf: {  	[smem:$0x3FA7] =	sst s7  }
0x10: {  	[smem:$0x3FA8] =	sst s8  }
0x11: {  	[smem:$0x3FA9] =	sst s9;
	s0 =	simm.s32 @!p0 $0x0  }
0x12: {  	s1 =	sld [smem:$0x3F8F];
	s0 =	simm.s32 @p0 $0x1  }
0x13: {  	[smem:$0x3FAA] =	sst s0;
	s0 =	simm.s32 @!p1 $0x0  }
0x14: {  	s2 =	sld [smem:$0x3F8E];
	s0 =	simm.s32 @p1 $0x1  }
0x15: {  	[smem:$0x3FAB] =	sst s0;
	s0 =	simm.s32 @!p2 $0x0  }
0x16: {  	s3 =	sld [smem:$0x3FDB];
	s0 =	simm.s32 @p2 $0x1  }
0x17: {  	s4 =	simm.s32 $0x1BF5;
	[smem:$0x3FAD] =	sst s0  }
0x18: {  	s0 =	sld [smem:$0x3F90];
	_ =	swait.ge [sflag:s4], $0x0  }
0x19: {  	s7 =	sld [smem:$0x3F91]  }
0x1a: {  	s8 =	sadd.s32 $0xFFFFE003, lr  }
0x1b: {  	s9 =	sadd.s32 $0xFFFFFEF7, lr;
	s5 =	simm.s32 $0xFFFFFFFF;
	p2 =	slt.u32 s8, $0xFFFFF086  }
0x1c: {  	p1 =	slt.u32 s9, $0xF7A;
	s5 =	simm.s32 @!p2 $0x0  }
0x1d: {  	s5 =	simm.s32 @p1 $0x1;
	p0 =	seq.s32 s7, s2  }
0x1e: {  	s7 =	smul.u32 @!p0 $0xF7A, s2;
	p2 =	seq.s32 @!p0 s5, $0x0  }
0x1f: {  	s9 =	smul.u32 $0xF7A, s1;
	s8 =	simm.s32 @!p0 $0x1BF5;
	p2 =	por !p2, p0  }
0x20: {  	[sflag:s8] =	ssyncset.s32 @!p0 $0xFFFFF086;
	s6 =	sadd.s32 @!p0 s3, s7;
	s7 =	simm.s32 @!p0 $0x108  }
0x21: {  	s3 =	sadd.s32 s3, s9;
	s6 =	sadd.s32 @!p0 $0x88, s6;
	s7 =	simm.s32 @p2 $0x1082  }
0x22: {  	[simem:s7], [sflag:s8] =	dma.local @!p0 [hbm:s6], $0xF7A  }
0x23: {  	s9 =	sor.u32 $0xD0000000, s2;
	s6 =	simm.s32 $0x108;
	_ =	swait.ge @!p0 [sflag:s8], $0x0  }
0x24: {  	s3 =	sadd.s32 $0x88, s3;
	s6 =	simm.s32 @!p1 $0x1082;
	[sflag:s4] =	ssyncset.s32 $0xFFFFF086  }
0x25: {  	[simem:s6], [sflag:s4] =	dma.local [hbm:s3], $0xF7A  }
0x26: {  	[smem:$0x3F91] =	sst s1;
	(tag) =	ssettag s2;
	_ =	strace s9  }
0x27: {  	s1 =	sld [smem:$0x3FA1]  }
0x28: {  	s2 =	sld [smem:$0x3FA2]  }
0x29: {  	s4 =	sld [smem:$0x3FA4]  }
0x2a: {  	p0 =	seq.s32 s5, $0x0;
	s5 =	sld [smem:$0x3FA5]  }
0x2b: {  	s6 =	sld [smem:$0x3FA6]  }
0x2c: {  	s7 =	sld [smem:$0x3FA7]  }
0x2d: {  	s3 =	simm.s32 $0x108;
	s8 =	sld [smem:$0x3FA8]  }
0x2e: {  	s3 =	simm.s32 @!p0 $0x1082;
	s9 =	sld [smem:$0x3FA9]  }
0x2f: {  	lr =	sadd.s32 s0, s3;
	s0 =	sld [smem:$0x3FA0]  }
0x30: {  	s3 =	sld [smem:$0x3FA3]  }
0x31: {  	[smem:$0x3FAC] =	sst s10  }
0x32: {  	s10 =	sld [smem:$0x3FAA];
	_ =	sdelay $0x3  }
0x33: {  	p0 =	seq.s32 s10, $0x1;
	s10 =	sld [smem:$0x3FAC];
	_ =	sdelay $0x3  }
0x34: {  	[smem:$0x3FAC] =	sst s10  }
0x35: {  	s10 =	sld [smem:$0x3FAB];
	_ =	sdelay $0x3  }
0x36: {  	p1 =	seq.s32 s10, $0x1;
	s10 =	sld [smem:$0x3FAC];
	_ =	sdelay $0x3  }
0x37: {  	[smem:$0x3FAC] =	sst s10  }
0x38: {  	s10 =	sld [smem:$0x3FAD]  }
0x39: {  	_ = 	snop;
	(pc) =	sbr.ind lr, $3  }
0x3a: {  	_ = 	snop  }
0x3b: {  	_ = 	snop  }
0x3c: {  	p2 =	seq.s32 s10, $0x1;
	s10 =	sld [smem:$0x3FAC]  }
0x3d: {  	_ =	shalt  }
0x3e: {  	_ =	shalt  }
0x3f: {  	_ =	shalt  }
0x40: {  	_ =	shalt  }
0x41: {  	_ =	shalt  }
0x42: {  	_ =	shalt  }
0x43: {  	_ =	shalt  }
0x44: {  	_ =	shalt  }
0x45: {  	_ =	shalt  }
0x46: {  	_ =	shalt  }
0x47: {  	_ =	shalt  }
0x48: {  	_ =	shalt  }
0x49: {  	_ =	shalt  }
0x4a: {  	_ =	shalt  }
0x4b: {  	_ =	shalt  }
0x4c: {  	_ =	shalt  }
0x4d: {  	_ =	shalt  }
0x4e: {  	_ =	shalt  }
0x4f: {  	_ =	shalt  }
0x50: {  	_ =	shalt  }
0x51: {  	_ =	shalt  }
0x52: {  	_ =	shalt  }
0x53: {  	_ =	shalt  }
0x54: {  	_ =	shalt  }
0x55: {  	_ =	shalt  }
0x56: {  	_ =	shalt  }
0x57: {  	_ =	shalt  }
0x58: {  	_ =	shalt  }
0x59: {  	_ =	shalt  }
0x5a: {  	_ =	shalt  }
0x5b: {  	_ =	shalt  }
0x5c: {  	_ =	shalt  }
0x5d: {  	_ =	shalt  }
0x5e: {  	_ =	shalt  }
0x5f: {  	_ =	shalt  }
0x60: {  	_ =	shalt  }
0x61: {  	_ =	shalt  }
0x62: {  	_ =	shalt  }
0x63: {  	_ =	shalt  }
0x64: {  	_ =	shalt  }
0x65: {  	_ =	shalt  }
0x66: {  	_ =	shalt  }
0x67: {  	_ =	shalt  }
0x68: {  	_ =	shalt  }
0x69: {  	_ =	shalt  }
0x6a: {  	_ =	shalt  }
0x6b: {  	_ =	shalt  }
0x6c: {  	_ =	shalt  }
0x6d: {  	_ =	shalt  }
0x6e: {  	_ =	shalt  }
0x6f: {  	_ =	shalt  }
0x70: {  	_ =	shalt  }
0x71: {  	_ =	shalt  }
0x72: {  	_ =	shalt  }
0x73: {  	_ =	shalt  }
0x74: {  	_ =	shalt  }
0x75: {  	_ =	shalt  }
0x76: {  	_ =	shalt  }
0x77: {  	_ =	shalt  }
0x78: {  	_ =	shalt  }
0x79: {  	_ =	shalt  }
0x7a: {  	_ =	shalt  }
0x7b: {  	_ =	shalt  }
0x7c: {  	_ =	shalt  }
0x7d: {  	_ =	shalt  }
0x7e: {  	_ =	shalt  }
0x7f: {  	_ =	shalt  }
0x80: {  	_ =	shalt  }
0x81: {  	_ =	shalt  }
0x82: {  	_ =	shalt  }
0x83: {  	_ =	shalt  }
0x84: {  	_ =	shalt  }
0x85: {  	_ =	shalt  }
0x86: {  	_ =	shalt  }
0x87: {  	_ =	shalt  }
.Lfunc_end0:
.L_simem_size_0:
called_computation_lowered:
.L_overlay_start_0:
0x88: {  	s2 =	sld [smem:$0x3FD9]  }
0x89: {  	s3 =	sld [smem:$0x3FFE];
	_ =	sdelay $0x1  }
0x8a: {  	s1 =	srdreg.scid  }
0x8b: {  	s0 =	sand.u32 $0x1, s1  }
0x8c: {  	s17 =	sshll.u32 s0, $0xA;
	s2 =	sadd.s32 s3, s2  }
0x8d: {  	s2 =	sadd.s32 s2, s17  }
0x8e: {  	[smem:$0x3FB8] =	sst s2  }
0x8f: {  	_ = 	snop  }
0x90: {  	(tm) =	ssettm $0x1  }
0x91: {  	s18 =	sld [smem:$0x3FFB];
	_ =	sdelay $0x3  }
0x92: {  	_ =	strace s18  }
0x93: {  	s2 =	sld [smem:$0x3FFC];
	_ =	sdelay $0x3  }
0x94: {  	_ =	strace s2  }
0x95: {  	s2 =	sld [smem:$0x3FFD];
	_ =	sdelay $0x3  }
0x96: {  	_ =	strace s2  }
0x97: {  	_ =	strace $0x8FFFFFFF  }
0x98: {  	s19 =	sld [smem:$0x3FDB];
	_ =	sdelay $0x1  }
0x99: {  	s20 =	simm.s32 $_scs_section_size  }
0x9a: {  	s4 =	simm.s32 $_size__tile_overlayer_lowered;
	s5 =	simm.s32 $_tile_overlayer_lowered  }
0x9b: {  	s6 =	simm.s32 $0x1BFF;
	s21 =	sshll.u32 s5, $0x1;
	s3 =	sadd.s32 s20, s19  }
0x9c: {  	s22 =	simm.s32 $0x0;
	s4 =	sshll.u32 s4, $0x1;
	s5 =	sadd.s32 s21, s3  }
0x9d: {  	[timem:s22], [sflag:s6] =	dma.local [hbm:s5], s4  }
0x9e: {  	_ =	swait.ge [sflag:s6], s4  }
0x9f: {  	s4 =	ssub.s32 $0x0, s4;
	[sflag:s6] =	ssyncset.done $0x0  }
0xa0: {  	[sflag:s6] =	ssyncadd.s32 s4;
	_ =	sdelay $0x1  }
0xa1: {  	s23 =	simm.s32 $0x1B8B  }
0xa2: {  	_ =	swait.ge [sflag:s23], $0x1  }
0xa3: {  	[sflag:s23] =	ssyncset.done $0x0  }
0xa4: {  	[sflag:s23] =	ssyncadd.s32 $0xFFFFFFFF  }
0xa5: {  	s4 =	sld [smem:$0x0]  }
0xa6: {  	s5 =	sand.u32 $0xFFFFFFFE, s1  }
0xa7: {  	p0 =	sne.s32 s1, s5  }
0xa8: {  	s5 =	sshll.u32 @p0 s5, $0xE  }
0xa9: {  	s5 =	sadd.s32 @p0 $0x11B8D, s5;
	s6 =	sshll.u32 @p0 s4, $0x11  }
0xaa: {  	s5 =	sor.u32 @p0 s6, s5  }
0xab: {  	[sflag:s5] =	ssyncadd.remote.s32 @p0 $0x1;
	_ =	sdelay $0x1  }
0xac: {  	s5 =	simm.s32 @p0 $0x1B8D  }
0xad: {  	_ =	swait.eq @p0 [sflag:s5], $0x1  }
0xae: {  	[sflag:s5] =	ssyncadd.s32 @p0 $0xFFFFFFFF  }
0xaf: {  	s6 =	sshll.u32 @!p0 s1, $0xE  }
0xb0: {  	s6 =	sor.u32 @!p0 $0x4000, s6;
	s5 =	simm.s32 @!p0 $0x1B8D  }
0xb1: {  	s4 =	sshll.u32 @!p0 s4, $0x11;
	s6 =	sadd.s32 @!p0 $0x11B8D, s6;
	_ =	swait.eq @!p0 [sflag:s5], $0x1  }
0xb2: {  	s4 =	sor.u32 @!p0 s4, s6;
	[sflag:s5] =	ssyncadd.s32 @!p0 $0xFFFFFFFF  }
0xb3: {  	s25 =	simm.s32 $0x1B8E;
	s24 =	sld [smem:$0x3FFE];
	[sflag:s4] =	ssyncadd.remote.s32 @!p0 $0x1  }
0xb4: {  	s26 =	simm.s32 $execute0_lowered;
	[smem:$0x3FD2] =	sst s25  }
0xb5: {  	s5 =	sshll.u32 s26, $0x1;
	_ =	strace $0x80000049;
	[dreg:$0x1] =	wrdreg $0xFFFFFFFF  }
0xb6: {  	s28 =	simm.s32 $_size_execute0_lowered;
	s3 =	sadd.s32 s3, s5;
	[dreg:$0x0] =	wrdreg $0x0  }
0xb7: {  	s5 =	sshll.u32 s28, $0x1;
	[dreg:$0x2] =	wrdreg s3  }
0xb8: {  	[dreg:$0x3] =	wrdreg s5  }
0xb9: {  	[dreg:$0x4] =	wrdreg $0xC0  }
0xba: {  	_ =	task [dreg:s22], $0x5FFFF  }
0xbb: {  	[dreg:$0x1] =	wrdreg $0xFFFFFFFF  }
0xbc: {  	[dreg:$0x0] =	wrdreg $0x60  }
0xbd: {  	[dreg:$0x2] =	wrdreg s24  }
0xbe: {  	[dreg:$0x3] =	wrdreg $0x9  }
0xbf: {  	_ =	task.clear_ibuf [dreg:s22], $0x4FFFF;
	_ =	strace $0x90000049  }
0xc0: {  	s29 =	simm.s32 $0x9;
	_ =	strace $0x8000004B  }
0xc1: {  	_ =	swait.ge [sflag:s29], $0x1  }
0xc2: {  	[sflag:s29] =	ssyncadd.s32 $0xFFFFFFFF  }
0xc3: {  	_ =	strace $0x9000004B  }
0xc4: {  	_ =	sfence  }
0xc5: {  	s30 =	sld [smem:$0x0];
	_ =	sdelay $0x2  }
0xc6: {  	s31 =	sshll.u32 s1, $0xD;
	s1 =	sshrl.u32 s1, $0x2  }
0xc7: {  	s4 =	sand.u32 $0x4000, s31;
	s1 =	sadd.s32 s1, s30  }
0xc8: {  	s0 =	sor.u32 s4, s0;
	s1 =	sshll.u32 s1, $0x11  }
0xc9: {  	s0 =	sor.u32 s1, s0  }
0xca: {  	s0 =	sadd.s32 $0x8F2B, s0  }
0xcb: {  	[sflag:s0] =	ssyncadd.remote.s32 $0x1  }
0xcc: {  	_ =	sfence.sel $0xFFFF  }
0xcd: {  	[dreg:$0x0] =	wrdreg $0xFFFFFFFF;
	(pc) =	sbr.abs _section_cstart, $3  }
0xce: {  	[dreg:$0x1] =	wrdreg $0xFFFFFFFF  }
0xcf: {  	_ =	task.clear_ibuf [dreg:s22], $0x2FFFF;
	_ =	strace $0x9FFFFFFF  }
0xd0: {  	(tm) =	ssettm $0x7FFFFFFF  }
0xd1: {  	_ =	shalt  }
tec
execute0_lowered:
.L_overlay_start_1:
0x0: {  	(tag) =	ssettag $0x1  }
0x1: {  	s0 =	srdreg.scid;
	s11 =	stileid.u32  }
0x2: {  	s1 =	rddreg [dreg:$0x0];
	s2 =	simm.s32 $0x0;
	s28 =	simm.s32 $0x16800  }
0x3: {  	s29 =	simm.s32 $0x19000;
	s30 =	simm.s32 $0x1;
	s21 =	smul.u32 $0x28000, s11  }
0x4: {  	s0 =	sand.u32 $0x1, s0;
	s3 =	sshll.u32 s11, $0x1;
	s11 =	smul.u32 $0x140000, s11  }
0x5: {  	s31 =	simm.s32 $0x6;
	s4 =	sor.u32 s0, s3;
	s25 =	smul.u32 $0xA0000, s0  }
0x6: {  	[smem:$0x7FF] =	sst s2;
	s8 =	sadd.s32 $0x535E00, s1;
	s5 =	smul.u32 $0x280, s4  }
0x7: {  	_ =	strace $0x8000004A;
	s3 =	sadd.s32 $0x11A00, s1;
	s6 =	smul.u32 $0xA0000, s4  }
0x8: {  	s7 =	ssub.s32 $0x2, s0;
	s0 =	smul.u32 $0x14000, s0;
	s5 =	sadd.s32 s5, s1  }
0x9: {  	s4 =	sadd.s32 $0x38C00, s1;
	s6 =	sshrl.u32 s6, $0x3;
	s10 =	sadd.s32 $0x523E00, s5  }
0xa: {  	s17 =	sadd.s32 $0x12C00, s6;
	s5 =	sadd.s32 $0x530E00, s5;
	[dreg:$0xc] =	wrdreg s10  }
0xb: {  	s1 =	sadd.s32 $0x7B5E00, s1;
	[dreg:$0xd] =	wrdreg s5;
	s18 =	sadd.s32 s8, s17  }
0xc: {  	s20 =	sadd.s32 $0x13100, s6;
	s19 =	sadd.s32 s1, s17;
	[dreg:$0xe] =	wrdreg s18  }
0xd: {  	s9 =	sshrl.u32 s7, $0x1;
	s22 =	sadd.s32 s8, s20;
	[dreg:$0xf] =	wrdreg s19  }
0xe: {  	s23 =	sadd.s32 $0x13600, s6;
	s5 =	sadd.s32 s1, s20;
	[dreg:$0x10] =	wrdreg s22  }
0xf: {  	s12 =	sadd.s32 s21, s8;
	s24 =	sadd.s32 s8, s23;
	[dreg:$0x11] =	wrdreg s5  }
0x10: {  	s6 =	sadd.s32 $0x13B00, s6;
	s10 =	sadd.s32 s1, s23;
	[dreg:$0x12] =	wrdreg s24  }
0x11: {  	s7 =	ssub.s32 s7, s9;
	s26 =	sadd.s32 s8, s6;
	[dreg:$0x13] =	wrdreg s10  }
0x12: {  	s9 =	sadd.s32 s21, s1;
	s6 =	sadd.s32 s1, s6;
	[dreg:$0x14] =	wrdreg s26  }
0x13: {  	s5 =	sadd.s32 s25, s11;
	s10 =	sadd.s32 s0, s12;
	s0 =	sadd.s32 s0, s9  }
0x14: {  	[dreg:$0x15] =	wrdreg s6;
	s25 =	smax.u32 s7, $0x1;
	s6 =	simm.s32 $0x4  }
0x15: {  	s7 =	simm.s32 $0x9;
	s9 =	simm.s32 $0xA;
	[dreg:$0x2] =	wrdreg s10  }
0x16: {  	s11 =	sor.u32 $0xA000, s5;
	[dreg:$0x3] =	wrdreg s0;
	s15 =	sor.u32 $0x7800, s5  }
0x17: {  	s19 =	sor.u32 $0x5000, s5;
	s5 =	sor.u32 $0x2800, s5;
	[dreg:$0x16] =	wrdreg s25  }
0x18: {  	s25 =	simm.s32 $0x11800;
	s0 =	simm.s32 $0x7;
	s13 =	sshrl.u32 s11, $0x3  }
0x19: {  	s10 =	simm.s32 $0x0;
	s17 =	sshrl.u32 s15, $0x3;
	s14 =	sadd.s32 s13, s1  }
0x1a: {  	s21 =	sshrl.u32 s19, $0x3;
	s16 =	sadd.s32 s13, s8;
	[dreg:$0x4] =	wrdreg s14  }
0x1b: {  	s5 =	sshrl.u32 s5, $0x3;
	s18 =	sadd.s32 s17, s1;
	[dreg:$0x5] =	wrdreg s16  }
0x1c: {  	s19 =	simm.s32 $0x2800;
	s20 =	sadd.s32 s17, s8;
	[dreg:$0x6] =	wrdreg s18  }
0x1d: {  	s22 =	sadd.s32 s21, s1;
	s23 =	sadd.s32 s21, s8;
	[dreg:$0x7] =	wrdreg s20  }
0x1e: {  	s24 =	sadd.s32 s5, s1;
	s26 =	sadd.s32 s5, s8;
	[dreg:$0x8] =	wrdreg s22  }
0x1f: {  	s21 =	simm.s32 $0x7800;
	s1 =	simm.s32 $0x2;
	[dreg:$0x9] =	wrdreg s23  }
0x20: {  	s17 =	simm.s32 $0x3;
	s5 =	simm.s32 $0x8;
	[dreg:$0xa] =	wrdreg s24  }
0x21: {  	s8 =	simm.s32 $0x5;
	[dreg:$0xb] =	wrdreg s26;
	s16 =	simm.s32 $0xB  }
0x22: {  	s18 =	simm.s32 $0x50;
	s20 =	simm.s32 $0x5000;
	s22 =	simm.s32 $0xA000  }
0x23: {  	s23 =	simm.s32 $0xC800;
	s24 =	simm.s32 $0xF000;
	s26 =	simm.s32 $0x14000  }
.LBB2_1:
0x24: {  	s11 =	rddreg [dreg:$0xc]  }
0x25: {  	[tilespmem:s2], [sflag:$0xB] =	stream.linear.gather [hbm4b:s11+s2], $0x1400, $0x38;
	[tilespmem:$0x1B800] =	vst v63  }
0x26: {  	_ =	swait.ge [sflag:s16], $0x1400  }
0x27: {  	[sflag:s16] =	ssyncset.done $0x0  }
0x28: {  	s12 =	simm.s32 $0x1400;
	s15 =	rddreg [dreg:$0xd];
	[sflag:s16] =	ssyncadd.s32 $0xFFFFEC00  }
0x29: {  	[tilespmem:s12], [sflag:$0xB] =	stream.linear.gather [hbm4b:s15+s2], $0x1400, $0x38;
	[tilespmem:$0x1B800] =	vst v63  }
0x2a: {  	_ =	swait.ge [sflag:s16], $0x1400  }
0x2b: {  	[sflag:s16] =	ssyncset.done $0x0  }
0x2c: {  	s12 =	simm.s32 $0x0;
	[sflag:s16] =	ssyncadd.s32 $0xFFFFEC00  }
0x2d: {  	[tilespmem:s19], [sflag:$0x1] =	stream.indirect.gather [hbm4b:s3+s18], $0x80, s12, s18, $0xb8;
	[tilespmem:$0x1B800] =	vst v63  }
0x2e: {  	s13 =	simm.s32 $0x50  }
0x2f: {  	[tilespmem:s20], [sflag:$0x2] =	stream.indirect.gather [hbm4b:s3+s18], $0x80, s13, s18, $0xb8;
	[tilespmem:$0x1B800] =	vst v63  }
0x30: {  	s14 =	simm.s32 $0xA0  }
0x31: {  	[tilespmem:s21], [sflag:$0x3] =	stream.indirect.gather [hbm4b:s3+s18], $0x80, s14, s18, $0xb8;
	[tilespmem:$0x1B800] =	vst v63  }
0x32: {  	s15 =	simm.s32 $0xF0  }
0x33: {  	[tilespmem:s22], [sflag:$0x4] =	stream.indirect.gather [hbm4b:s3+s18], $0x80, s15, s18, $0xb8;
	[tilespmem:$0x1B800] =	vst v63  }
0x34: {  	s12 =	simm.s32 $0x140  }
0x35: {  	[tilespmem:s23], [sflag:$0x5] =	stream.indirect.gather [hbm4b:s3+s18], $0x80, s12, s18, $0xb8;
	[tilespmem:$0x1B800] =	vst v63  }
0x36: {  	s13 =	simm.s32 $0x1400  }
0x37: {  	[tilespmem:s24], [sflag:$0x6] =	stream.indirect.gather [hbm4b:s4+s18], $0x80, s13, s18, $0xb8;
	[tilespmem:$0x1B800] =	vst v63  }
0x38: {  	s14 =	simm.s32 $0x1450  }
0x39: {  	[tilespmem:s25], [sflag:$0x7] =	stream.indirect.gather [hbm4b:s4+s18], $0x80, s14, s18, $0xb8;
	[tilespmem:$0x1B800] =	vst v63  }
0x3a: {  	s15 =	simm.s32 $0x14A0  }
0x3b: {  	[tilespmem:s26], [sflag:$0x8] =	stream.indirect.gather [hbm4b:s4+s18], $0x80, s15, s18, $0xb8;
	[tilespmem:$0x1B800] =	vst v63  }
0x3c: {  	s12 =	simm.s32 $0x14F0  }
0x3d: {  	[tilespmem:s28], [sflag:$0x9] =	stream.indirect.gather [hbm4b:s4+s18], $0x80, s12, s18, $0xb8;
	[tilespmem:$0x1B800] =	vst v63  }
0x3e: {  	s13 =	simm.s32 $0x1540  }
0x3f: {  	[tilespmem:s29], [sflag:$0xA] =	stream.indirect.gather [hbm4b:s4+s18], $0x80, s13, s18, $0xb8;
	[tilespmem:$0x1B800] =	vst v63  }
0x40: {  	_ =	swait.ge [sflag:s30], $0x2800  }
0x41: {  	[sflag:s30] =	ssyncset.done $0x0  }
0x42: {  	[sflag:s30] =	ssyncadd.s32 $0xFFFFD800  }
0x43: {  	_ =	swait.ge [sflag:s31], $0x2800  }
0x44: {  	s14 =	rddreg [dreg:$0x2];
	[sflag:s31] =	ssyncset.done $0x0  }
0x45: {  	s15 =	rddreg [dreg:$0x3];
	[sflag:s31] =	ssyncadd.s32 $0xFFFFD800;
	s11 =	sadd.s32 $0x0, s14  }
0x46: {  	[hbm4b:s11+s2] =	stream.linear.scatter [tilespmem:s19], [sflag:$0x1], $0x2800, $0x38;
	[tilespmem:$0x1B800] =	vst v63  }
0x47: {  	s13 =	sadd.s32 $0x0, s15  }
0x48: {  	[hbm4b:s13+s2] =	stream.linear.scatter [tilespmem:s24], [sflag:$0x6], $0x2800, $0x38;
	[tilespmem:$0x1B800] =	vst v63  }
0x49: {  	_ =	swait.ge [sflag:s1], $0x2800  }
0x4a: {  	[sflag:s1] =	ssyncset.done $0x0  }
0x4b: {  	[sflag:s1] =	ssyncadd.s32 $0xFFFFD800  }
0x4c: {  	_ =	swait.ge [sflag:s0], $0x2800  }
0x4d: {  	s14 =	rddreg [dreg:$0xb];
	[sflag:s0] =	ssyncset.done $0x0  }
0x4e: {  	s15 =	rddreg [dreg:$0xa];
	[sflag:s0] =	ssyncadd.s32 $0xFFFFD800;
	s11 =	sadd.s32 $0x0, s14  }
0x4f: {  	[hbm4b:s11+s2] =	stream.linear.scatter [tilespmem:s20], [sflag:$0x2], $0x2800, $0x38;
	[tilespmem:$0x1B800] =	vst v63  }
0x50: {  	s13 =	sadd.s32 $0x0, s15  }
0x51: {  	[hbm4b:s13+s2] =	stream.linear.scatter [tilespmem:s25], [sflag:$0x7], $0x2800, $0x38;
	[tilespmem:$0x1B800] =	vst v63  }
0x52: {  	_ =	swait.ge [sflag:s17], $0x2800  }
0x53: {  	[sflag:s17] =	ssyncset.done $0x0  }
0x54: {  	[sflag:s17] =	ssyncadd.s32 $0xFFFFD800  }
0x55: {  	_ =	swait.ge [sflag:s5], $0x2800  }
0x56: {  	s14 =	rddreg [dreg:$0x9];
	[sflag:s5] =	ssyncset.done $0x0  }
0x57: {  	s15 =	rddreg [dreg:$0x8];
	[sflag:s5] =	ssyncadd.s32 $0xFFFFD800;
	s11 =	sadd.s32 $0x0, s14  }
0x58: {  	[hbm4b:s11+s2] =	stream.linear.scatter [tilespmem:s21], [sflag:$0x3], $0x2800, $0x38;
	[tilespmem:$0x1B800] =	vst v63  }
0x59: {  	s13 =	sadd.s32 $0x0, s15  }
0x5a: {  	[hbm4b:s13+s2] =	stream.linear.scatter [tilespmem:s26], [sflag:$0x8], $0x2800, $0x38;
	[tilespmem:$0x1B800] =	vst v63  }
0x5b: {  	_ =	swait.ge [sflag:s6], $0x2800  }
0x5c: {  	[sflag:s6] =	ssyncset.done $0x0  }
0x5d: {  	[sflag:s6] =	ssyncadd.s32 $0xFFFFD800  }
0x5e: {  	_ =	swait.ge [sflag:s7], $0x2800  }
0x5f: {  	s14 =	rddreg [dreg:$0x7];
	[sflag:s7] =	ssyncset.done $0x0  }
0x60: {  	s15 =	rddreg [dreg:$0x6];
	[sflag:s7] =	ssyncadd.s32 $0xFFFFD800;
	s11 =	sadd.s32 $0x0, s14  }
0x61: {  	[hbm4b:s11+s2] =	stream.linear.scatter [tilespmem:s22], [sflag:$0x4], $0x2800, $0x38;
	[tilespmem:$0x1B800] =	vst v63  }
0x62: {  	s12 =	sadd.s32 $0x0, s15  }
0x63: {  	[hbm4b:s12+s2] =	stream.linear.scatter [tilespmem:s28], [sflag:$0x9], $0x2800, $0x38;
	[tilespmem:$0x1B800] =	vst v63  }
0x64: {  	_ =	swait.ge [sflag:s8], $0x2800  }
0x65: {  	[sflag:s8] =	ssyncset.done $0x0  }
0x66: {  	[sflag:s8] =	ssyncadd.s32 $0xFFFFD800  }
0x67: {  	_ =	swait.ge [sflag:s9], $0x2800  }
0x68: {  	s13 =	rddreg [dreg:$0x5];
	[sflag:s9] =	ssyncset.done $0x0  }
0x69: {  	s14 =	rddreg [dreg:$0x4];
	[sflag:s9] =	ssyncadd.s32 $0xFFFFD800;
	s11 =	sadd.s32 $0x0, s13  }
0x6a: {  	[hbm4b:s11+s2] =	stream.linear.scatter [tilespmem:s23], [sflag:$0x5], $0x2800, $0x38;
	[tilespmem:$0x1B800] =	vst v63  }
0x6b: {  	s15 =	sadd.s32 $0x0, s14  }
0x6c: {  	[hbm4b:s15+s2] =	stream.linear.scatter [tilespmem:s29], [sflag:$0xA], $0x2800, $0x38;
	[tilespmem:$0x1B800] =	vst v63  }
0x6d: {  	_ =	swait.ge [sflag:s30], $0x2800  }
0x6e: {  	[sflag:s30] =	ssyncset.done $0x0  }
0x6f: {  	[sflag:s30] =	ssyncadd.s32 $0xFFFFD800  }
0x70: {  	_ =	swait.ge [sflag:s31], $0x2800  }
0x71: {  	[sflag:s31] =	ssyncset.done $0x0  }
0x72: {  	[sflag:s31] =	ssyncadd.s32 $0xFFFFD800  }
0x73: {  	_ =	swait.ge [sflag:s1], $0x2800  }
0x74: {  	[sflag:s1] =	ssyncset.done $0x0  }
0x75: {  	[sflag:s1] =	ssyncadd.s32 $0xFFFFD800  }
0x76: {  	_ =	swait.ge [sflag:s0], $0x2800  }
0x77: {  	[sflag:s0] =	ssyncset.done $0x0  }
0x78: {  	[sflag:s0] =	ssyncadd.s32 $0xFFFFD800  }
0x79: {  	_ =	swait.ge [sflag:s17], $0x2800  }
0x7a: {  	[sflag:s17] =	ssyncset.done $0x0  }
0x7b: {  	[sflag:s17] =	ssyncadd.s32 $0xFFFFD800  }
0x7c: {  	_ =	swait.ge [sflag:s5], $0x2800  }
0x7d: {  	[sflag:s5] =	ssyncset.done $0x0  }
0x7e: {  	[sflag:s5] =	ssyncadd.s32 $0xFFFFD800  }
0x7f: {  	_ =	swait.ge [sflag:s6], $0x2800  }
0x80: {  	[sflag:s6] =	ssyncset.done $0x0  }
0x81: {  	[sflag:s6] =	ssyncadd.s32 $0xFFFFD800  }
0x82: {  	_ =	swait.ge [sflag:s7], $0x2800  }
0x83: {  	[sflag:s7] =	ssyncset.done $0x0  }
0x84: {  	[sflag:s7] =	ssyncadd.s32 $0xFFFFD800  }
0x85: {  	_ =	swait.ge [sflag:s8], $0x2800  }
0x86: {  	[sflag:s8] =	ssyncset.done $0x0  }
0x87: {  	[sflag:s8] =	ssyncadd.s32 $0xFFFFD800  }
0x88: {  	s12 =	simm.s32 $0x640;
	_ =	swait.ge [sflag:s9], $0x2800  }
0x89: {  	s13 =	simm.s32 $0xC80;
	s11 =	simm.s32 $0x1900;
	[sflag:s9] =	ssyncset.done $0x0  }
.LBB2_2:
0x8a: {  	s15 =	sshra.s32 s12, $0x2;
	[sflag:s9] =	ssyncadd.s32 $0xFFFFD800;
	s12 =	smov.u32 s13  }
0x8b: {  	[tilespmem:s19], [sflag:$0x1] =	stream.indirect.gather [hbm4b:s3+s18], $0x80, s15, s18, $0xb8;
	[tilespmem:$0x1B800] =	vst v63  }
0x8c: {  	s14 =	sadd.s32 $0x640, s13;
	p0 =	sne.s32 s13, $0x44C0;
	s13 =	sadd.s32 $0x50, s15  }
0x8d: {  	[tilespmem:s20], [sflag:$0x2] =	stream.indirect.gather [hbm4b:s3+s18], $0x80, s13, s18, $0xb8;
	[tilespmem:$0x1B800] =	vst v63  }
0x8e: {  	s13 =	sadd.s32 $0xA0, s15  }
0x8f: {  	[tilespmem:s21], [sflag:$0x3] =	stream.indirect.gather [hbm4b:s3+s18], $0x80, s13, s18, $0xb8;
	[tilespmem:$0x1B800] =	vst v63  }
0x90: {  	s13 =	sadd.s32 $0xF0, s15  }
0x91: {  	[tilespmem:s22], [sflag:$0x4] =	stream.indirect.gather [hbm4b:s3+s18], $0x80, s13, s18, $0xb8;
	[tilespmem:$0x1B800] =	vst v63  }
0x92: {  	s13 =	sadd.s32 $0x140, s15  }
0x93: {  	[tilespmem:s23], [sflag:$0x5] =	stream.indirect.gather [hbm4b:s3+s18], $0x80, s13, s18, $0xb8;
	[tilespmem:$0x1B800] =	vst v63  }
0x94: {  	s13 =	sadd.s32 $0x1400, s15  }
0x95: {  	[tilespmem:s24], [sflag:$0x6] =	stream.indirect.gather [hbm4b:s4+s18], $0x80, s13, s18, $0xb8;
	[tilespmem:$0x1B800] =	vst v63  }
0x96: {  	s13 =	sadd.s32 $0x1450, s15  }
0x97: {  	[tilespmem:s25], [sflag:$0x7] =	stream.indirect.gather [hbm4b:s4+s18], $0x80, s13, s18, $0xb8;
	[tilespmem:$0x1B800] =	vst v63  }
0x98: {  	s13 =	sadd.s32 $0x14A0, s15  }
0x99: {  	[tilespmem:s26], [sflag:$0x8] =	stream.indirect.gather [hbm4b:s4+s18], $0x80, s13, s18, $0xb8;
	[tilespmem:$0x1B800] =	vst v63  }
0x9a: {  	s13 =	sadd.s32 $0x14F0, s15  }
0x9b: {  	[tilespmem:s28], [sflag:$0x9] =	stream.indirect.gather [hbm4b:s4+s18], $0x80, s13, s18, $0xb8;
	[tilespmem:$0x1B800] =	vst v63  }
0x9c: {  	s15 =	sadd.s32 $0x1540, s15  }
0x9d: {  	[tilespmem:s29], [sflag:$0xA] =	stream.indirect.gather [hbm4b:s4+s18], $0x80, s15, s18, $0xb8;
	[tilespmem:$0x1B800] =	vst v63  }
0x9e: {  	_ =	swait.ge [sflag:s30], $0x2800  }
0x9f: {  	[sflag:s30] =	ssyncset.done $0x0  }
0xa0: {  	[sflag:s30] =	ssyncadd.s32 $0xFFFFD800  }
0xa1: {  	_ =	swait.ge [sflag:s31], $0x2800  }
0xa2: {  	s13 =	rddreg [dreg:$0x2];
	[sflag:s31] =	ssyncset.done $0x0  }
0xa3: {  	s15 =	rddreg [dreg:$0x3];
	[sflag:s31] =	ssyncadd.s32 $0xFFFFD800;
	s13 =	sadd.s32 s11, s13  }
0xa4: {  	[hbm4b:s13+s2] =	stream.linear.scatter [tilespmem:s19], [sflag:$0x1], $0x2800, $0x38;
	[tilespmem:$0x1B800] =	vst v63  }
0xa5: {  	s15 =	sadd.s32 s11, s15  }
0xa6: {  	[hbm4b:s15+s2] =	stream.linear.scatter [tilespmem:s24], [sflag:$0x6], $0x2800, $0x38;
	[tilespmem:$0x1B800] =	vst v63  }
0xa7: {  	_ =	swait.ge [sflag:s1], $0x2800  }
0xa8: {  	[sflag:s1] =	ssyncset.done $0x0  }
0xa9: {  	[sflag:s1] =	ssyncadd.s32 $0xFFFFD800  }
0xaa: {  	_ =	swait.ge [sflag:s0], $0x2800  }
0xab: {  	s13 =	rddreg [dreg:$0xb];
	[sflag:s0] =	ssyncset.done $0x0  }
0xac: {  	s15 =	rddreg [dreg:$0xa];
	[sflag:s0] =	ssyncadd.s32 $0xFFFFD800;
	s13 =	sadd.s32 s11, s13  }
0xad: {  	[hbm4b:s13+s2] =	stream.linear.scatter [tilespmem:s20], [sflag:$0x2], $0x2800, $0x38;
	[tilespmem:$0x1B800] =	vst v63  }
0xae: {  	s15 =	sadd.s32 s11, s15  }
0xaf: {  	[hbm4b:s15+s2] =	stream.linear.scatter [tilespmem:s25], [sflag:$0x7], $0x2800, $0x38;
	[tilespmem:$0x1B800] =	vst v63  }
0xb0: {  	_ =	swait.ge [sflag:s17], $0x2800  }
0xb1: {  	[sflag:s17] =	ssyncset.done $0x0  }
0xb2: {  	[sflag:s17] =	ssyncadd.s32 $0xFFFFD800  }
0xb3: {  	_ =	swait.ge [sflag:s5], $0x2800  }
0xb4: {  	s13 =	rddreg [dreg:$0x9];
	[sflag:s5] =	ssyncset.done $0x0  }
0xb5: {  	s15 =	rddreg [dreg:$0x8];
	[sflag:s5] =	ssyncadd.s32 $0xFFFFD800;
	s13 =	sadd.s32 s11, s13  }
0xb6: {  	[hbm4b:s13+s2] =	stream.linear.scatter [tilespmem:s21], [sflag:$0x3], $0x2800, $0x38;
	[tilespmem:$0x1B800] =	vst v63  }
0xb7: {  	s15 =	sadd.s32 s11, s15  }
0xb8: {  	[hbm4b:s15+s2] =	stream.linear.scatter [tilespmem:s26], [sflag:$0x8], $0x2800, $0x38;
	[tilespmem:$0x1B800] =	vst v63  }
0xb9: {  	_ =	swait.ge [sflag:s6], $0x2800  }
0xba: {  	[sflag:s6] =	ssyncset.done $0x0  }
0xbb: {  	[sflag:s6] =	ssyncadd.s32 $0xFFFFD800  }
0xbc: {  	_ =	swait.ge [sflag:s7], $0x2800  }
0xbd: {  	s13 =	rddreg [dreg:$0x7];
	[sflag:s7] =	ssyncset.done $0x0  }
0xbe: {  	s15 =	rddreg [dreg:$0x6];
	[sflag:s7] =	ssyncadd.s32 $0xFFFFD800;
	s13 =	sadd.s32 s11, s13  }
0xbf: {  	[hbm4b:s13+s2] =	stream.linear.scatter [tilespmem:s22], [sflag:$0x4], $0x2800, $0x38;
	[tilespmem:$0x1B800] =	vst v63  }
0xc0: {  	s15 =	sadd.s32 s11, s15  }
0xc1: {  	[hbm4b:s15+s2] =	stream.linear.scatter [tilespmem:s28], [sflag:$0x9], $0x2800, $0x38;
	[tilespmem:$0x1B800] =	vst v63  }
0xc2: {  	_ =	swait.ge [sflag:s8], $0x2800  }
0xc3: {  	[sflag:s8] =	ssyncset.done $0x0  }
0xc4: {  	[sflag:s8] =	ssyncadd.s32 $0xFFFFD800  }
0xc5: {  	_ =	swait.ge [sflag:s9], $0x2800  }
0xc6: {  	s13 =	rddreg [dreg:$0x5];
	[sflag:s9] =	ssyncset.done $0x0  }
0xc7: {  	s15 =	rddreg [dreg:$0x4];
	[sflag:s9] =	ssyncadd.s32 $0xFFFFD800;
	s13 =	sadd.s32 s11, s13  }
0xc8: {  	[hbm4b:s13+s2] =	stream.linear.scatter [tilespmem:s23], [sflag:$0x5], $0x2800, $0x38;
	[tilespmem:$0x1B800] =	vst v63  }
0xc9: {  	s15 =	sadd.s32 s11, s15  }
0xca: {  	[hbm4b:s15+s2] =	stream.linear.scatter [tilespmem:s29], [sflag:$0xA], $0x2800, $0x38;
	[tilespmem:$0x1B800] =	vst v63  }
0xcb: {  	_ =	swait.ge [sflag:s30], $0x2800  }
0xcc: {  	[sflag:s30] =	ssyncset.done $0x0  }
0xcd: {  	[sflag:s30] =	ssyncadd.s32 $0xFFFFD800  }
0xce: {  	_ =	swait.ge [sflag:s31], $0x2800  }
0xcf: {  	[sflag:s31] =	ssyncset.done $0x0  }
0xd0: {  	[sflag:s31] =	ssyncadd.s32 $0xFFFFD800  }
0xd1: {  	_ =	swait.ge [sflag:s1], $0x2800  }
0xd2: {  	[sflag:s1] =	ssyncset.done $0x0  }
0xd3: {  	[sflag:s1] =	ssyncadd.s32 $0xFFFFD800  }
0xd4: {  	_ =	swait.ge [sflag:s0], $0x2800  }
0xd5: {  	[sflag:s0] =	ssyncset.done $0x0  }
0xd6: {  	[sflag:s0] =	ssyncadd.s32 $0xFFFFD800  }
0xd7: {  	_ =	swait.ge [sflag:s17], $0x2800  }
0xd8: {  	[sflag:s17] =	ssyncset.done $0x0  }
0xd9: {  	[sflag:s17] =	ssyncadd.s32 $0xFFFFD800  }
0xda: {  	_ =	swait.ge [sflag:s5], $0x2800  }
0xdb: {  	[sflag:s5] =	ssyncset.done $0x0  }
0xdc: {  	[sflag:s5] =	ssyncadd.s32 $0xFFFFD800  }
0xdd: {  	_ =	swait.ge [sflag:s6], $0x2800  }
0xde: {  	[sflag:s6] =	ssyncset.done $0x0  }
0xdf: {  	[sflag:s6] =	ssyncadd.s32 $0xFFFFD800  }
0xe0: {  	_ =	swait.ge [sflag:s7], $0x2800  }
0xe1: {  	[sflag:s7] =	ssyncset.done $0x0  }
0xe2: {  	[sflag:s7] =	ssyncadd.s32 $0xFFFFD800  }
.Ltmp0:
0xe3: {  	_ =	swait.ge [sflag:s8], $0x2800;
	(pc) =	sbr.rel @p0 .LBB2_2-.Ltmp0, $4  }
0xe4: {  	[sflag:s8] =	ssyncset.done $0x0  }
0xe5: {  	[sflag:s8] =	ssyncadd.s32 $0xFFFFD800  }
0xe6: {  	_ =	swait.ge [sflag:s9], $0x2800  }
0xe7: {  	s11 =	sadd.s32 $0x1900, s11;
	s13 =	smov.u32 s14;
	[sflag:s9] =	ssyncset.done $0x0  }
0xe8: {  	s12 =	sshra.s32 s12, $0x2;
	[sflag:s9] =	ssyncadd.s32 $0xFFFFD800  }
0xe9: {  	[tilespmem:s19], [sflag:$0x1] =	stream.indirect.gather [hbm4b:s3+s18], $0x80, s12, s18, $0xb8;
	[tilespmem:$0x1B800] =	vst v63  }
0xea: {  	s13 =	sadd.s32 $0x50, s12  }
0xeb: {  	[tilespmem:s20], [sflag:$0x2] =	stream.indirect.gather [hbm4b:s3+s18], $0x80, s13, s18, $0xb8;
	[tilespmem:$0x1B800] =	vst v63  }
0xec: {  	s15 =	sadd.s32 $0xA0, s12  }
0xed: {  	[tilespmem:s21], [sflag:$0x3] =	stream.indirect.gather [hbm4b:s3+s18], $0x80, s15, s18, $0xb8;
	[tilespmem:$0x1B800] =	vst v63  }
0xee: {  	s14 =	sadd.s32 $0xF0, s12  }
0xef: {  	[tilespmem:s22], [sflag:$0x4] =	stream.indirect.gather [hbm4b:s3+s18], $0x80, s14, s18, $0xb8;
	[tilespmem:$0x1B800] =	vst v63  }
0xf0: {  	s15 =	sadd.s32 $0x140, s12  }
0xf1: {  	[tilespmem:s23], [sflag:$0x5] =	stream.indirect.gather [hbm4b:s3+s18], $0x80, s15, s18, $0xb8;
	[tilespmem:$0x1B800] =	vst v63  }
0xf2: {  	s14 =	sadd.s32 $0x1400, s12  }
0xf3: {  	[tilespmem:s24], [sflag:$0x6] =	stream.indirect.gather [hbm4b:s4+s18], $0x80, s14, s18, $0xb8;
	[tilespmem:$0x1B800] =	vst v63  }
0xf4: {  	s15 =	sadd.s32 $0x1450, s12  }
0xf5: {  	[tilespmem:s25], [sflag:$0x7] =	stream.indirect.gather [hbm4b:s4+s18], $0x80, s15, s18, $0xb8;
	[tilespmem:$0x1B800] =	vst v63  }
0xf6: {  	s14 =	sadd.s32 $0x14A0, s12  }
0xf7: {  	[tilespmem:s26], [sflag:$0x8] =	stream.indirect.gather [hbm4b:s4+s18], $0x80, s14, s18, $0xb8;
	[tilespmem:$0x1B800] =	vst v63  }
0xf8: {  	s15 =	sadd.s32 $0x14F0, s12  }
0xf9: {  	[tilespmem:s28], [sflag:$0x9] =	stream.indirect.gather [hbm4b:s4+s18], $0x80, s15, s18, $0xb8;
	[tilespmem:$0x1B800] =	vst v63  }
0xfa: {  	s12 =	sadd.s32 $0x1540, s12  }
0xfb: {  	[tilespmem:s29], [sflag:$0xA] =	stream.indirect.gather [hbm4b:s4+s18], $0x80, s12, s18, $0xb8;
	[tilespmem:$0x1B800] =	vst v63  }
0xfc: {  	_ =	swait.ge [sflag:s30], $0x2800  }
0xfd: {  	[sflag:s30] =	ssyncset.done $0x0  }
0xfe: {  	[sflag:s30] =	ssyncadd.s32 $0xFFFFD800  }
0xff: {  	_ =	swait.ge [sflag:s31], $0x2800  }
0x100: {  	s14 =	rddreg [dreg:$0x2];
	[sflag:s31] =	ssyncset.done $0x0  }
0x101: {  	s15 =	rddreg [dreg:$0x3];
	[sflag:s31] =	ssyncadd.s32 $0xFFFFD800;
	s12 =	sadd.s32 s11, s14  }
0x102: {  	[hbm4b:s12+s2] =	stream.linear.scatter [tilespmem:s19], [sflag:$0x1], $0x2800, $0x38;
	[tilespmem:$0x1B800] =	vst v63  }
0x103: {  	s13 =	sadd.s32 s11, s15  }
0x104: {  	[hbm4b:s13+s2] =	stream.linear.scatter [tilespmem:s24], [sflag:$0x6], $0x2800, $0x38;
	[tilespmem:$0x1B800] =	vst v63  }
0x105: {  	_ =	swait.ge [sflag:s1], $0x2800  }
0x106: {  	[sflag:s1] =	ssyncset.done $0x0  }
0x107: {  	[sflag:s1] =	ssyncadd.s32 $0xFFFFD800  }
0x108: {  	_ =	swait.ge [sflag:s0], $0x2800  }
0x109: {  	s14 =	rddreg [dreg:$0xb];
	[sflag:s0] =	ssyncset.done $0x0  }
0x10a: {  	s15 =	rddreg [dreg:$0xa];
	[sflag:s0] =	ssyncadd.s32 $0xFFFFD800;
	s12 =	sadd.s32 s11, s14  }
0x10b: {  	[hbm4b:s12+s2] =	stream.linear.scatter [tilespmem:s20], [sflag:$0x2], $0x2800, $0x38;
	[tilespmem:$0x1B800] =	vst v63  }
0x10c: {  	s13 =	sadd.s32 s11, s15  }
0x10d: {  	[hbm4b:s13+s2] =	stream.linear.scatter [tilespmem:s25], [sflag:$0x7], $0x2800, $0x38;
	[tilespmem:$0x1B800] =	vst v63  }
0x10e: {  	_ =	swait.ge [sflag:s17], $0x2800  }
0x10f: {  	[sflag:s17] =	ssyncset.done $0x0  }
0x110: {  	[sflag:s17] =	ssyncadd.s32 $0xFFFFD800  }
0x111: {  	_ =	swait.ge [sflag:s5], $0x2800  }
0x112: {  	s14 =	rddreg [dreg:$0x9];
	[sflag:s5] =	ssyncset.done $0x0  }
0x113: {  	s15 =	rddreg [dreg:$0x8];
	[sflag:s5] =	ssyncadd.s32 $0xFFFFD800;
	s12 =	sadd.s32 s11, s14  }
0x114: {  	[hbm4b:s12+s2] =	stream.linear.scatter [tilespmem:s21], [sflag:$0x3], $0x2800, $0x38;
	[tilespmem:$0x1B800] =	vst v63  }
0x115: {  	s13 =	sadd.s32 s11, s15  }
0x116: {  	[hbm4b:s13+s2] =	stream.linear.scatter [tilespmem:s26], [sflag:$0x8], $0x2800, $0x38;
	[tilespmem:$0x1B800] =	vst v63  }
0x117: {  	_ =	swait.ge [sflag:s6], $0x2800  }
0x118: {  	[sflag:s6] =	ssyncset.done $0x0  }
0x119: {  	[sflag:s6] =	ssyncadd.s32 $0xFFFFD800  }
0x11a: {  	_ =	swait.ge [sflag:s7], $0x2800  }
0x11b: {  	s14 =	rddreg [dreg:$0x7];
	[sflag:s7] =	ssyncset.done $0x0  }
0x11c: {  	s15 =	rddreg [dreg:$0x6];
	[sflag:s7] =	ssyncadd.s32 $0xFFFFD800;
	s12 =	sadd.s32 s11, s14  }
0x11d: {  	[hbm4b:s12+s2] =	stream.linear.scatter [tilespmem:s22], [sflag:$0x4], $0x2800, $0x38;
	[tilespmem:$0x1B800] =	vst v63  }
0x11e: {  	s13 =	sadd.s32 s11, s15  }
0x11f: {  	[hbm4b:s13+s2] =	stream.linear.scatter [tilespmem:s28], [sflag:$0x9], $0x2800, $0x38;
	[tilespmem:$0x1B800] =	vst v63  }
0x120: {  	_ =	swait.ge [sflag:s8], $0x2800  }
0x121: {  	[sflag:s8] =	ssyncset.done $0x0  }
0x122: {  	[sflag:s8] =	ssyncadd.s32 $0xFFFFD800  }
0x123: {  	_ =	swait.ge [sflag:s9], $0x2800  }
0x124: {  	s14 =	rddreg [dreg:$0x5];
	[sflag:s9] =	ssyncset.done $0x0  }
0x125: {  	s15 =	rddreg [dreg:$0x4];
	[sflag:s9] =	ssyncadd.s32 $0xFFFFD800;
	s12 =	sadd.s32 s11, s14  }
0x126: {  	[hbm4b:s12+s2] =	stream.linear.scatter [tilespmem:s23], [sflag:$0x5], $0x2800, $0x38;
	[tilespmem:$0x1B800] =	vst v63  }
0x127: {  	s14 =	sadd.s32 s11, s15  }
0x128: {  	[hbm4b:s14+s2] =	stream.linear.scatter [tilespmem:s29], [sflag:$0xA], $0x2800, $0x38;
	[tilespmem:$0x1B800] =	vst v63  }
0x129: {  	_ =	swait.ge [sflag:s30], $0x2800  }
0x12a: {  	[sflag:s30] =	ssyncset.done $0x0  }
0x12b: {  	[sflag:s30] =	ssyncadd.s32 $0xFFFFD800  }
0x12c: {  	_ =	swait.ge [sflag:s31], $0x2800  }
0x12d: {  	[sflag:s31] =	ssyncset.done $0x0  }
0x12e: {  	[sflag:s31] =	ssyncadd.s32 $0xFFFFD800  }
0x12f: {  	_ =	swait.ge [sflag:s1], $0x2800  }
0x130: {  	[sflag:s1] =	ssyncset.done $0x0  }
0x131: {  	[sflag:s1] =	ssyncadd.s32 $0xFFFFD800  }
0x132: {  	_ =	swait.ge [sflag:s0], $0x2800  }
0x133: {  	[sflag:s0] =	ssyncset.done $0x0  }
0x134: {  	[sflag:s0] =	ssyncadd.s32 $0xFFFFD800  }
0x135: {  	_ =	swait.ge [sflag:s17], $0x2800  }
0x136: {  	[sflag:s17] =	ssyncset.done $0x0  }
0x137: {  	[sflag:s17] =	ssyncadd.s32 $0xFFFFD800  }
0x138: {  	_ =	swait.ge [sflag:s5], $0x2800  }
0x139: {  	[sflag:s5] =	ssyncset.done $0x0  }
0x13a: {  	[sflag:s5] =	ssyncadd.s32 $0xFFFFD800  }
0x13b: {  	_ =	swait.ge [sflag:s6], $0x2800  }
0x13c: {  	[sflag:s6] =	ssyncset.done $0x0  }
0x13d: {  	[sflag:s6] =	ssyncadd.s32 $0xFFFFD800  }
0x13e: {  	_ =	swait.ge [sflag:s7], $0x2800  }
0x13f: {  	[sflag:s7] =	ssyncset.done $0x0  }
0x140: {  	[sflag:s7] =	ssyncadd.s32 $0xFFFFD800  }
0x141: {  	_ =	swait.ge [sflag:s8], $0x2800  }
0x142: {  	[sflag:s8] =	ssyncset.done $0x0  }
0x143: {  	[sflag:s8] =	ssyncadd.s32 $0xFFFFD800  }
0x144: {  	_ =	swait.ge [sflag:s9], $0x2800  }
0x145: {  	[sflag:s9] =	ssyncset.done $0x0  }
0x146: {  	s15 =	simm.s32 $0x12C0;
	[sflag:s9] =	ssyncadd.s32 $0xFFFFD800  }
0x147: {  	[tilespmem:s19], [sflag:$0x1] =	stream.indirect.gather [hbm4b:s3+s18], $0x80, s15, s18, $0xb8;
	[tilespmem:$0x1B800] =	vst v63  }
0x148: {  	s12 =	simm.s32 $0x1310  }
0x149: {  	[tilespmem:s20], [sflag:$0x2] =	stream.indirect.gather [hbm4b:s3+s18], $0x80, s12, s18, $0xb8;
	[tilespmem:$0x1B800] =	vst v63  }
0x14a: {  	s13 =	simm.s32 $0x1360  }
0x14b: {  	[tilespmem:s21], [sflag:$0x3] =	stream.indirect.gather [hbm4b:s3+s18], $0x80, s13, s18, $0xb8;
	[tilespmem:$0x1B800] =	vst v63  }
0x14c: {  	s14 =	simm.s32 $0x13B0  }
0x14d: {  	[tilespmem:s22], [sflag:$0x4] =	stream.indirect.gather [hbm4b:s3+s18], $0x80, s14, s18, $0xb8;
	[tilespmem:$0x1B800] =	vst v63  }
0x14e: {  	s15 =	simm.s32 $0x26C0  }
0x14f: {  	[tilespmem:s24], [sflag:$0x6] =	stream.indirect.gather [hbm4b:s4+s18], $0x80, s15, s18, $0xb8;
	[tilespmem:$0x1B800] =	vst v63  }
0x150: {  	s12 =	simm.s32 $0x2710  }
0x151: {  	[tilespmem:s25], [sflag:$0x7] =	stream.indirect.gather [hbm4b:s4+s18], $0x80, s12, s18, $0xb8;
	[tilespmem:$0x1B800] =	vst v63  }
0x152: {  	s13 =	simm.s32 $0x2760  }
0x153: {  	[tilespmem:s26], [sflag:$0x8] =	stream.indirect.gather [hbm4b:s4+s18], $0x80, s13, s18, $0xb8;
	[tilespmem:$0x1B800] =	vst v63  }
0x154: {  	s14 =	simm.s32 $0x27B0  }
0x155: {  	[tilespmem:s28], [sflag:$0x9] =	stream.indirect.gather [hbm4b:s4+s18], $0x80, s14, s18, $0xb8;
	[tilespmem:$0x1B800] =	vst v63  }
0x156: {  	_ =	swait.ge [sflag:s30], $0x2800  }
0x157: {  	[sflag:s30] =	ssyncset.done $0x0  }
0x158: {  	[sflag:s30] =	ssyncadd.s32 $0xFFFFD800  }
0x159: {  	_ =	swait.ge [sflag:s31], $0x2800  }
0x15a: {  	[sflag:s31] =	ssyncset.done $0x0  }
0x15b: {  	s15 =	rddreg [dreg:$0xe];
	[sflag:s31] =	ssyncadd.s32 $0xFFFFD800  }
0x15c: {  	[hbm4b:s15+s2] =	stream.linear.scatter [tilespmem:s19], [sflag:$0x1], $0x2800, $0x38;
	[tilespmem:$0x1B800] =	vst v63  }
0x15d: {  	s12 =	rddreg [dreg:$0xf]  }
0x15e: {  	[hbm4b:s12+s2] =	stream.linear.scatter [tilespmem:s24], [sflag:$0x6], $0x2800, $0x38;
	[tilespmem:$0x1B800] =	vst v63  }
0x15f: {  	_ =	swait.ge [sflag:s1], $0x2800  }
0x160: {  	[sflag:s1] =	ssyncset.done $0x0  }
0x161: {  	[sflag:s1] =	ssyncadd.s32 $0xFFFFD800  }
0x162: {  	_ =	swait.ge [sflag:s0], $0x2800  }
0x163: {  	[sflag:s0] =	ssyncset.done $0x0  }
0x164: {  	s13 =	rddreg [dreg:$0x10];
	[sflag:s0] =	ssyncadd.s32 $0xFFFFD800  }
0x165: {  	[hbm4b:s13+s2] =	stream.linear.scatter [tilespmem:s20], [sflag:$0x2], $0x2800, $0x38;
	[tilespmem:$0x1B800] =	vst v63  }
0x166: {  	s14 =	rddreg [dreg:$0x11]  }
0x167: {  	[hbm4b:s14+s2] =	stream.linear.scatter [tilespmem:s25], [sflag:$0x7], $0x2800, $0x38;
	[tilespmem:$0x1B800] =	vst v63  }
0x168: {  	_ =	swait.ge [sflag:s17], $0x2800  }
0x169: {  	[sflag:s17] =	ssyncset.done $0x0  }
0x16a: {  	[sflag:s17] =	ssyncadd.s32 $0xFFFFD800  }
0x16b: {  	_ =	swait.ge [sflag:s5], $0x2800  }
0x16c: {  	[sflag:s5] =	ssyncset.done $0x0  }
0x16d: {  	s15 =	rddreg [dreg:$0x12];
	[sflag:s5] =	ssyncadd.s32 $0xFFFFD800  }
0x16e: {  	[hbm4b:s15+s2] =	stream.linear.scatter [tilespmem:s21], [sflag:$0x3], $0x2800, $0x38;
	[tilespmem:$0x1B800] =	vst v63  }
0x16f: {  	s12 =	rddreg [dreg:$0x13]  }
0x170: {  	[hbm4b:s12+s2] =	stream.linear.scatter [tilespmem:s26], [sflag:$0x8], $0x2800, $0x38;
	[tilespmem:$0x1B800] =	vst v63  }
0x171: {  	_ =	swait.ge [sflag:s6], $0x2800  }
0x172: {  	[sflag:s6] =	ssyncset.done $0x0  }
0x173: {  	[sflag:s6] =	ssyncadd.s32 $0xFFFFD800  }
0x174: {  	_ =	swait.ge [sflag:s7], $0x2800  }
0x175: {  	[sflag:s7] =	ssyncset.done $0x0  }
0x176: {  	s13 =	rddreg [dreg:$0x14];
	[sflag:s7] =	ssyncadd.s32 $0xFFFFD800  }
0x177: {  	[hbm4b:s13+s2] =	stream.linear.scatter [tilespmem:s22], [sflag:$0x4], $0x2800, $0x38;
	[tilespmem:$0x1B800] =	vst v63  }
0x178: {  	s14 =	rddreg [dreg:$0x15]  }
0x179: {  	[hbm4b:s14+s2] =	stream.linear.scatter [tilespmem:s28], [sflag:$0x9], $0x2800, $0x38;
	[tilespmem:$0x1B800] =	vst v63  }
0x17a: {  	_ =	swait.ge [sflag:s30], $0x2800  }
0x17b: {  	[sflag:s30] =	ssyncset.done $0x0  }
0x17c: {  	[sflag:s30] =	ssyncadd.s32 $0xFFFFD800  }
0x17d: {  	_ =	swait.ge [sflag:s31], $0x2800  }
0x17e: {  	[sflag:s31] =	ssyncset.done $0x0  }
0x17f: {  	[sflag:s31] =	ssyncadd.s32 $0xFFFFD800  }
0x180: {  	_ =	swait.ge [sflag:s1], $0x2800  }
0x181: {  	[sflag:s1] =	ssyncset.done $0x0  }
0x182: {  	[sflag:s1] =	ssyncadd.s32 $0xFFFFD800  }
0x183: {  	_ =	swait.ge [sflag:s0], $0x2800  }
0x184: {  	[sflag:s0] =	ssyncset.done $0x0  }
0x185: {  	[sflag:s0] =	ssyncadd.s32 $0xFFFFD800  }
0x186: {  	_ =	swait.ge [sflag:s17], $0x2800  }
0x187: {  	[sflag:s17] =	ssyncset.done $0x0  }
0x188: {  	[sflag:s17] =	ssyncadd.s32 $0xFFFFD800  }
0x189: {  	_ =	swait.ge [sflag:s5], $0x2800  }
0x18a: {  	[sflag:s5] =	ssyncset.done $0x0  }
0x18b: {  	[sflag:s5] =	ssyncadd.s32 $0xFFFFD800  }
0x18c: {  	_ =	swait.ge [sflag:s6], $0x2800  }
0x18d: {  	[sflag:s6] =	ssyncset.done $0x0  }
0x18e: {  	[sflag:s6] =	ssyncadd.s32 $0xFFFFD800  }
0x18f: {  	_ =	swait.ge [sflag:s7], $0x2800  }
0x190: {  	s10 =	sadd.s32 $0x1, s10;
	s15 =	rddreg [dreg:$0x16]  }
0x191: {  	p0 =	sne.s32 s10, s15  }
.Ltmp1:
0x192: {  	_ = 	snop;
	(pc) =	sbr.rel @p0 .LBB2_1-.Ltmp1, $3  }
0x193: {  	_ =	sdelay $0x1  }
0x194: {  	[sflag:s7] =	ssyncset.done $0x0  }
0x195: {  	[sflag:s7] =	ssyncadd.s32 $0xFFFFD800  }
0x196: {  	_ =	sfence.sel $0x180000  }
0x197: {  	[bflag:$0x0] =	sbarrier.arrive $0xFFFF  }
0x198: {  	_ =	strace $0x9000004A  }
0x199: {  	s0 =	stileid.u32;
	[bflag:$0x2] =	sbarrier.arrive $0xFFFF  }
0x19a: {  	p0 =	sne.s32 s0, $0x0;
	s0 =	rddreg [dreg:$0x1]  }
0x19b: {  	s0 =	sadd.s32 @!p0 $0x100000, s0  }
0x19c: {  	[sflag:s0] =	ssyncadd.tile.s32 @!p0 $0x1;
	_ =	shalt  }
.Lfunc_end2:
_tile_overlayer_lowered:
.L_overlay_start_2:
0x19d: {  	(tag) =	ssettag $0x2  }
0x19e: {  	s0 =	rddreg [dreg:$0x0];
	s2 =	stileid.u32  }
0x19f: {  	s1 =	rddreg [dreg:$0x1];
	p0 =	sne.s32 s2, $0x0  }
0x1a0: {  	s3 =	rddreg [dreg:$0x2];
	[bflag:$0x3] =	sbarrier.arrive $0xFFFF;
	s2 =	simm.s32 @!p0 $0x1C0B  }
0x1a1: {  	[timem:s3], [sflag:s2] =	dma.local @!p0 [hbm:s0], s1  }
0x1a2: {  	s0 =	simm.s32 @!p0 $0xB  }
0x1a3: {  	_ =	swait.ge @!p0 [sflag:s0], s1  }
0x1a4: {  	s1 =	ssub.s32 @!p0 $0x0, s1;
	[sflag:s0] =	ssyncset.done @!p0 $0x0  }
0x1a5: {  	[sflag:s0] =	ssyncadd.s32 @!p0 s1  }
0x1a6: {  	[bflag:$0x3] =	sbarrier.arrive $0xFFFF  }
0x1a7: {  	_ =	shalt  }

// kernel: kernel.13.cloned.1.call-start
scs
__scs_entry_jumppad:
0x0: {  	(pc) =	sbr.rel $0x88, $3  }
0x1: {  	(tag) =	ssettag $0x0;
	lr =	simm.s32 $0x1  }
0x2: {  	[smem:$0x3F91] =	sst lr;
	_ =	strace $0xD0000000  }
0x3: {  	_ = 	snop  }
0x4: {  	_ = 	snop  }
0x5: {  	_ = 	snop  }
0x6: {  	_ = 	snop  }
0x7: {  	_ = 	snop  }
__scs_overlays_trampoline_lowered:
0x8: {  	[smem:$0x3FA0] =	sst s0  }
0x9: {  	[smem:$0x3FA1] =	sst s1  }
0xa: {  	[smem:$0x3FA2] =	sst s2  }
0xb: {  	[smem:$0x3FA3] =	sst s3  }
0xc: {  	[smem:$0x3FA4] =	sst s4  }
0xd: {  	[smem:$0x3FA5] =	sst s5  }
0xe: {  	[smem:$0x3FA6] =	sst s6  }
0xf: {  	[smem:$0x3FA7] =	sst s7  }
0x10: {  	[smem:$0x3FA8] =	sst s8  }
0x11: {  	[smem:$0x3FA9] =	sst s9;
	s0 =	simm.s32 @!p0 $0x0  }
0x12: {  	s1 =	sld [smem:$0x3F8F];
	s0 =	simm.s32 @p0 $0x1  }
0x13: {  	[smem:$0x3FAA] =	sst s0;
	s0 =	simm.s32 @!p1 $0x0  }
0x14: {  	s2 =	sld [smem:$0x3F8E];
	s0 =	simm.s32 @p1 $0x1  }
0x15: {  	[smem:$0x3FAB] =	sst s0;
	s0 =	simm.s32 @!p2 $0x0  }
0x16: {  	s3 =	sld [smem:$0x3FDB];
	s0 =	simm.s32 @p2 $0x1  }
0x17: {  	s4 =	simm.s32 $0x1BF5;
	[smem:$0x3FAD] =	sst s0  }
0x18: {  	s0 =	sld [smem:$0x3F90];
	_ =	swait.ge [sflag:s4], $0x0  }
0x19: {  	s7 =	sld [smem:$0x3F91]  }
0x1a: {  	s8 =	sadd.s32 $0xFFFFE003, lr  }
0x1b: {  	s9 =	sadd.s32 $0xFFFFFEF7, lr;
	s5 =	simm.s32 $0xFFFFFFFF;
	p2 =	slt.u32 s8, $0xFFFFF086  }
0x1c: {  	p1 =	slt.u32 s9, $0xF7A;
	s5 =	simm.s32 @!p2 $0x0  }
0x1d: {  	s5 =	simm.s32 @p1 $0x1;
	p0 =	seq.s32 s7, s2  }
0x1e: {  	s7 =	smul.u32 @!p0 $0xF7A, s2;
	p2 =	seq.s32 @!p0 s5, $0x0  }
0x1f: {  	s9 =	smul.u32 $0xF7A, s1;
	s8 =	simm.s32 @!p0 $0x1BF5;
	p2 =	por !p2, p0  }
0x20: {  	[sflag:s8] =	ssyncset.s32 @!p0 $0xFFFFF086;
	s6 =	sadd.s32 @!p0 s3, s7;
	s7 =	simm.s32 @!p0 $0x108  }
0x21: {  	s3 =	sadd.s32 s3, s9;
	s6 =	sadd.s32 @!p0 $0x88, s6;
	s7 =	simm.s32 @p2 $0x1082  }
0x22: {  	[simem:s7], [sflag:s8] =	dma.local @!p0 [hbm:s6], $0xF7A  }
0x23: {  	s9 =	sor.u32 $0xD0000000, s2;
	s6 =	simm.s32 $0x108;
	_ =	swait.ge @!p0 [sflag:s8], $0x0  }
0x24: {  	s3 =	sadd.s32 $0x88, s3;
	s6 =	simm.s32 @!p1 $0x1082;
	[sflag:s4] =	ssyncset.s32 $0xFFFFF086  }
0x25: {  	[simem:s6], [sflag:s4] =	dma.local [hbm:s3], $0xF7A  }
0x26: {  	[smem:$0x3F91] =	sst s1;
	(tag) =	ssettag s2;
	_ =	strace s9  }
0x27: {  	s1 =	sld [smem:$0x3FA1]  }
0x28: {  	s2 =	sld [smem:$0x3FA2]  }
0x29: {  	s4 =	sld [smem:$0x3FA4]  }
0x2a: {  	p0 =	seq.s32 s5, $0x0;
	s5 =	sld [smem:$0x3FA5]  }
0x2b: {  	s6 =	sld [smem:$0x3FA6]  }
0x2c: {  	s7 =	sld [smem:$0x3FA7]  }
0x2d: {  	s3 =	simm.s32 $0x108;
	s8 =	sld [smem:$0x3FA8]  }
0x2e: {  	s3 =	simm.s32 @!p0 $0x1082;
	s9 =	sld [smem:$0x3FA9]  }
0x2f: {  	lr =	sadd.s32 s0, s3;
	s0 =	sld [smem:$0x3FA0]  }
0x30: {  	s3 =	sld [smem:$0x3FA3]  }
0x31: {  	[smem:$0x3FAC] =	sst s10  }
0x32: {  	s10 =	sld [smem:$0x3FAA];
	_ =	sdelay $0x3  }
0x33: {  	p0 =	seq.s32 s10, $0x1;
	s10 =	sld [smem:$0x3FAC];
	_ =	sdelay $0x3  }
0x34: {  	[smem:$0x3FAC] =	sst s10  }
0x35: {  	s10 =	sld [smem:$0x3FAB];
	_ =	sdelay $0x3  }
0x36: {  	p1 =	seq.s32 s10, $0x1;
	s10 =	sld [smem:$0x3FAC];
	_ =	sdelay $0x3  }
0x37: {  	[smem:$0x3FAC] =	sst s10  }
0x38: {  	s10 =	sld [smem:$0x3FAD]  }
0x39: {  	_ = 	snop;
	(pc) =	sbr.ind lr, $3  }
0x3a: {  	_ = 	snop  }
0x3b: {  	_ = 	snop  }
0x3c: {  	p2 =	seq.s32 s10, $0x1;
	s10 =	sld [smem:$0x3FAC]  }
0x3d: {  	_ =	shalt  }
0x3e: {  	_ =	shalt  }
0x3f: {  	_ =	shalt  }
0x40: {  	_ =	shalt  }
0x41: {  	_ =	shalt  }
0x42: {  	_ =	shalt  }
0x43: {  	_ =	shalt  }
0x44: {  	_ =	shalt  }
0x45: {  	_ =	shalt  }
0x46: {  	_ =	shalt  }
0x47: {  	_ =	shalt  }
0x48: {  	_ =	shalt  }
0x49: {  	_ =	shalt  }
0x4a: {  	_ =	shalt  }
0x4b: {  	_ =	shalt  }
0x4c: {  	_ =	shalt  }
0x4d: {  	_ =	shalt  }
0x4e: {  	_ =	shalt  }
0x4f: {  	_ =	shalt  }
0x50: {  	_ =	shalt  }
0x51: {  	_ =	shalt  }
0x52: {  	_ =	shalt  }
0x53: {  	_ =	shalt  }
0x54: {  	_ =	shalt  }
0x55: {  	_ =	shalt  }
0x56: {  	_ =	shalt  }
0x57: {  	_ =	shalt  }
0x58: {  	_ =	shalt  }
0x59: {  	_ =	shalt  }
0x5a: {  	_ =	shalt  }
0x5b: {  	_ =	shalt  }
0x5c: {  	_ =	shalt  }
0x5d: {  	_ =	shalt  }
0x5e: {  	_ =	shalt  }
0x5f: {  	_ =	shalt  }
0x60: {  	_ =	shalt  }
0x61: {  	_ =	shalt  }
0x62: {  	_ =	shalt  }
0x63: {  	_ =	shalt  }
0x64: {  	_ =	shalt  }
0x65: {  	_ =	shalt  }
0x66: {  	_ =	shalt  }
0x67: {  	_ =	shalt  }
0x68: {  	_ =	shalt  }
0x69: {  	_ =	shalt  }
0x6a: {  	_ =	shalt  }
0x6b: {  	_ =	shalt  }
0x6c: {  	_ =	shalt  }
0x6d: {  	_ =	shalt  }
0x6e: {  	_ =	shalt  }
0x6f: {  	_ =	shalt  }
0x70: {  	_ =	shalt  }
0x71: {  	_ =	shalt  }
0x72: {  	_ =	shalt  }
0x73: {  	_ =	shalt  }
0x74: {  	_ =	shalt  }
0x75: {  	_ =	shalt  }
0x76: {  	_ =	shalt  }
0x77: {  	_ =	shalt  }
0x78: {  	_ =	shalt  }
0x79: {  	_ =	shalt  }
0x7a: {  	_ =	shalt  }
0x7b: {  	_ =	shalt  }
0x7c: {  	_ =	shalt  }
0x7d: {  	_ =	shalt  }
0x7e: {  	_ =	shalt  }
0x7f: {  	_ =	shalt  }
0x80: {  	_ =	shalt  }
0x81: {  	_ =	shalt  }
0x82: {  	_ =	shalt  }
0x83: {  	_ =	shalt  }
0x84: {  	_ =	shalt  }
0x85: {  	_ =	shalt  }
0x86: {  	_ =	shalt  }
0x87: {  	_ =	shalt  }
.Lfunc_end0:
.L_simem_size_0:
called_computation.1_lowered:
.L_overlay_start_0:
0x88: {  	s2 =	sld [smem:$0x3FD9]  }
0x89: {  	s3 =	sld [smem:$0x3FFE];
	_ =	sdelay $0x1  }
0x8a: {  	s1 =	srdreg.scid  }
0x8b: {  	s0 =	sand.u32 $0x1, s1  }
0x8c: {  	s17 =	sshll.u32 s0, $0xA;
	s2 =	sadd.s32 s3, s2  }
0x8d: {  	s2 =	sadd.s32 s2, s17  }
0x8e: {  	[smem:$0x3FB8] =	sst s2  }
0x8f: {  	_ = 	snop  }
0x90: {  	(tm) =	ssettm $0x1  }
0x91: {  	s18 =	sld [smem:$0x3FFB];
	_ =	sdelay $0x3  }
0x92: {  	_ =	strace s18  }
0x93: {  	s2 =	sld [smem:$0x3FFC];
	_ =	sdelay $0x3  }
0x94: {  	_ =	strace s2  }
0x95: {  	s2 =	sld [smem:$0x3FFD];
	_ =	sdelay $0x3  }
0x96: {  	_ =	strace s2  }
0x97: {  	_ =	strace $0x8FFFFFFF  }
0x98: {  	s19 =	sld [smem:$0x3FDB];
	_ =	sdelay $0x1  }
0x99: {  	s20 =	simm.s32 $_scs_section_size  }
0x9a: {  	s4 =	simm.s32 $_size__tile_overlayer_lowered;
	s5 =	simm.s32 $_tile_overlayer_lowered  }
0x9b: {  	s6 =	simm.s32 $0x1BFF;
	s21 =	sshll.u32 s5, $0x1;
	s3 =	sadd.s32 s20, s19  }
0x9c: {  	s22 =	simm.s32 $0x0;
	s4 =	sshll.u32 s4, $0x1;
	s5 =	sadd.s32 s21, s3  }
0x9d: {  	[timem:s22], [sflag:s6] =	dma.local [hbm:s5], s4  }
0x9e: {  	_ =	swait.ge [sflag:s6], s4  }
0x9f: {  	s4 =	ssub.s32 $0x0, s4;
	[sflag:s6] =	ssyncset.done $0x0  }
0xa0: {  	[sflag:s6] =	ssyncadd.s32 s4;
	_ =	sdelay $0x1  }
0xa1: {  	s23 =	simm.s32 $0x1B8B  }
0xa2: {  	_ =	swait.ge [sflag:s23], $0x1  }
0xa3: {  	[sflag:s23] =	ssyncset.done $0x0  }
0xa4: {  	[sflag:s23] =	ssyncadd.s32 $0xFFFFFFFF  }
0xa5: {  	s4 =	sld [smem:$0x0]  }
0xa6: {  	s5 =	sand.u32 $0xFFFFFFFE, s1  }
0xa7: {  	p0 =	sne.s32 s1, s5  }
0xa8: {  	s5 =	sshll.u32 @p0 s5, $0xE  }
0xa9: {  	s5 =	sadd.s32 @p0 $0x11B8D, s5;
	s6 =	sshll.u32 @p0 s4, $0x11  }
0xaa: {  	s5 =	sor.u32 @p0 s6, s5  }
0xab: {  	[sflag:s5] =	ssyncadd.remote.s32 @p0 $0x1;
	_ =	sdelay $0x1  }
0xac: {  	s5 =	simm.s32 @p0 $0x1B8D  }
0xad: {  	_ =	swait.eq @p0 [sflag:s5], $0x1  }
0xae: {  	[sflag:s5] =	ssyncadd.s32 @p0 $0xFFFFFFFF  }
0xaf: {  	s6 =	sshll.u32 @!p0 s1, $0xE  }
0xb0: {  	s6 =	sor.u32 @!p0 $0x4000, s6;
	s5 =	simm.s32 @!p0 $0x1B8D  }
0xb1: {  	s4 =	sshll.u32 @!p0 s4, $0x11;
	s6 =	sadd.s32 @!p0 $0x11B8D, s6;
	_ =	swait.eq @!p0 [sflag:s5], $0x1  }
0xb2: {  	s4 =	sor.u32 @!p0 s4, s6;
	[sflag:s5] =	ssyncadd.s32 @!p0 $0xFFFFFFFF  }
0xb3: {  	s25 =	simm.s32 $0x1B8E;
	s24 =	sld [smem:$0x3FFE];
	[sflag:s4] =	ssyncadd.remote.s32 @!p0 $0x1  }
0xb4: {  	s26 =	simm.s32 $execute0_lowered;
	[smem:$0x3FD2] =	sst s25  }
0xb5: {  	s5 =	sshll.u32 s26, $0x1;
	_ =	strace $0x8000004F;
	[dreg:$0x1] =	wrdreg $0xFFFFFFFF  }
0xb6: {  	s28 =	simm.s32 $_size_execute0_lowered;
	s3 =	sadd.s32 s3, s5;
	[dreg:$0x0] =	wrdreg $0x0  }
0xb7: {  	s5 =	sshll.u32 s28, $0x1;
	[dreg:$0x2] =	wrdreg s3  }
0xb8: {  	[dreg:$0x3] =	wrdreg s5  }
0xb9: {  	[dreg:$0x4] =	wrdreg $0xC0  }
0xba: {  	_ =	task [dreg:s22], $0x5FFFF  }
0xbb: {  	[dreg:$0x1] =	wrdreg $0xFFFFFFFF  }
0xbc: {  	[dreg:$0x0] =	wrdreg $0x60  }
0xbd: {  	[dreg:$0x2] =	wrdreg s24  }
0xbe: {  	[dreg:$0x3] =	wrdreg $0x0  }
0xbf: {  	[dreg:$0x4] =	wrdreg $0x140000  }
0xc0: {  	[dreg:$0x5] =	wrdreg $0x9  }
0xc1: {  	_ =	task.clear_ibuf [dreg:s22], $0x6FFFF;
	_ =	strace $0x9000004F  }
0xc2: {  	s29 =	simm.s32 $0x9;
	_ =	strace $0x80000051  }
0xc3: {  	_ =	swait.ge [sflag:s29], $0x1  }
0xc4: {  	[sflag:s29] =	ssyncadd.s32 $0xFFFFFFFF  }
0xc5: {  	_ =	strace $0x90000051  }
0xc6: {  	_ =	sfence  }
0xc7: {  	s30 =	sld [smem:$0x0];
	_ =	sdelay $0x2  }
0xc8: {  	s31 =	sshll.u32 s1, $0xD;
	s1 =	sshrl.u32 s1, $0x2  }
0xc9: {  	s4 =	sand.u32 $0x4000, s31;
	s1 =	sadd.s32 s1, s30  }
0xca: {  	s0 =	sor.u32 s4, s0;
	s1 =	sshll.u32 s1, $0x11  }
0xcb: {  	s0 =	sor.u32 s1, s0  }
0xcc: {  	s0 =	sadd.s32 $0x8F2B, s0  }
0xcd: {  	[sflag:s0] =	ssyncadd.remote.s32 $0x1  }
0xce: {  	_ =	sfence.sel $0xFFFF  }
0xcf: {  	[dreg:$0x0] =	wrdreg $0xFFFFFFFF;
	(pc) =	sbr.abs _section_cstart, $3  }
0xd0: {  	[dreg:$0x1] =	wrdreg $0xFFFFFFFF  }
0xd1: {  	_ =	task.clear_ibuf [dreg:s22], $0x2FFFF;
	_ =	strace $0x9FFFFFFF  }
0xd2: {  	(tm) =	ssettm $0x7FFFFFFF  }
0xd3: {  	_ =	shalt  }
tec
execute0_lowered:
.L_overlay_start_1:
0x0: {  	(tag) =	ssettag $0x1  }
0x1: {  	s0 =	rddreg [dreg:$0x0]  }
0x2: {  	s1 =	rddreg [dreg:$0x1];
	s17 =	stileid.u32  }
0x3: {  	s2 =	rddreg [dreg:$0x2];
	s11 =	smul.u32 $0x2800, s17  }
0x4: {  	s3 =	simm.s32 $0x0;
	s4 =	srdreg.scid;
	s12 =	smul.u32 $0x500, s17  }
0x5: {  	s30 =	simm.s32 $0x16800;
	s5 =	sadd.s32 $0x1161800, s0;
	s16 =	smul.u32 $0xA000, s17  }
0x6: {  	s31 =	simm.s32 $0x7;
	s6 =	sadd.s32 $0x13E1800, s0;
	s26 =	smul.u32 $0x50000, s17  }
0x7: {  	s4 =	sand.u32 $0x1, s4;
	s7 =	sadd.s32 $0x530E00, s0;
	s20 =	smul.u32 $0x28000, s17  }
0x8: {  	[smem:$0x7FF] =	sst s3;
	s9 =	sadd.s32 $0x528E00, s0;
	s8 =	smul.u32 $0x28000, s4  }
0x9: {  	s10 =	sshll.u32 s17, $0x7;
	_ =	strace $0x80000050;
	s14 =	smul.u32 $0x5000, s4  }
0xa: {  	s13 =	sshll.u32 s4, $0x6;
	s23 =	ssub.s32 $0x2, s4;
	s21 =	smul.u32 $0x14000, s4  }
0xb: {  	s10 =	sor.u32 s13, s10;
	s15 =	sshrl.u32 s23, $0x1;
	s24 =	sshrl.u32 s16, $0x2  }
0xc: {  	s19 =	sshrl.u32 s26, $0x2;
	s8 =	sadd.s32 s11, s8;
	s10 =	smul.u32 $0x50, s10  }
0xd: {  	s14 =	sadd.s32 s12, s14;
	s13 =	ssub.s32 s23, s15;
	s22 =	sadd.s32 s24, s2  }
0xe: {  	s8 =	sadd.s32 s8, s0;
	s0 =	sadd.s32 s14, s0;
	s23 =	smax.u32 s13, $0x1  }
0xf: {  	s10 =	sadd.s32 $0x13B0, s10;
	s8 =	sadd.s32 $0xA9A000, s8;
	[dreg:$0xa] =	wrdreg s23  }
0x10: {  	s0 =	sadd.s32 $0xA90000, s0;
	s25 =	sshrl.u32 s10, $0x3;
	[dreg:$0x8] =	wrdreg s8  }
0x11: {  	s10 =	sshll.u32 s10, $0x4;
	[dreg:$0x9] =	wrdreg s0;
	s28 =	sadd.s32 s7, s25  }
0x12: {  	s13 =	simm.s32 $0x5;
	s29 =	sadd.s32 s5, s10;
	[dreg:$0x4] =	wrdreg s28  }
0x13: {  	s18 =	sadd.s32 s9, s25;
	s10 =	sadd.s32 s6, s10;
	[dreg:$0x5] =	wrdreg s29  }
0x14: {  	s25 =	smul.u32 $0x1400, s4;
	s5 =	sadd.s32 s20, s5;
	[dreg:$0x6] =	wrdreg s18  }
0x15: {  	s4 =	smul.u32 $0x280, s4;
	s6 =	sadd.s32 s20, s6;
	[dreg:$0x7] =	wrdreg s10  }
0x16: {  	s10 =	sadd.s32 s19, s1;
	s28 =	sadd.s32 s12, s7;
	s17 =	sadd.s32 s21, s5  }
0x17: {  	s19 =	sadd.s32 s21, s6;
	s21 =	sadd.s32 s12, s9;
	s6 =	simm.s32 $0x19000  }
0x18: {  	s12 =	simm.s32 $0x50;
	s24 =	sadd.s32 $0x2800, s10;
	s26 =	sadd.s32 $0x5000, s10  }
0x19: {  	s8 =	sadd.s32 s25, s11;
	s29 =	sadd.s32 $0x7800, s10;
	[dreg:$0xb] =	wrdreg s24  }
0x1a: {  	s14 =	sadd.s32 s4, s28;
	s20 =	sadd.s32 s4, s21;
	[dreg:$0xc] =	wrdreg s26  }
0x1b: {  	s25 =	sadd.s32 $0xA000, s10;
	s28 =	sadd.s32 $0xF000, s10;
	[dreg:$0xd] =	wrdreg s29  }
0x1c: {  	s4 =	simm.s32 $0x1E080;
	s11 =	simm.s32 $0x1;
	[dreg:$0xe] =	wrdreg s14  }
0x1d: {  	s15 =	sor.u32 $0xA0, s8;
	s16 =	sor.u32 $0x50, s8;
	[dreg:$0x11] =	wrdreg s25  }
0x1e: {  	s26 =	sadd.s32 $0xC800, s10;
	[dreg:$0x13] =	wrdreg s28;
	s29 =	sadd.s32 $0x11800, s10  }
0x1f: {  	s8 =	simm.s32 $0x1B800;
	s14 =	simm.s32 $0x2;
	s25 =	simm.s32 $0x0  }
0x20: {  	s0 =	sshrl.u32 s15, $0x3;
	s18 =	sshrl.u32 s16, $0x3;
	[dreg:$0x12] =	wrdreg s26  }
0x21: {  	[dreg:$0x14] =	wrdreg s29;
	s15 =	simm.s32 $0x6;
	s16 =	simm.s32 $0x3  }
0x22: {  	s5 =	sadd.s32 s0, s7;
	s23 =	sadd.s32 s18, s7;
	s24 =	sadd.s32 s18, s9  }
0x23: {  	s7 =	simm.s32 $0x1E100;
	[dreg:$0xf] =	wrdreg s23;
	s23 =	sadd.s32 s0, s9  }
0x24: {  	v0 =	vimm.f32 $0.0e+00;
	[dreg:$0x10] =	wrdreg s24;
	s0 =	simm.s32 $0x1E000;
	s9 =	simm.s32 $0x4  }
.LBB2_1:
0x25: {  	s18 =	simm.s32 $0x0;
	s21 =	simm.s32 $0x200  }
.LBB2_2:
0x26: {  	p0 =	sne.s32 s21, $0x9E00;
	[tilespmem:s18+$0x16870] =	vst v0  }
0x27: {  	[tilespmem:s18+$0x16800] =	vst v0  }
0x28: {  	[tilespmem:s18+$0x16810] =	vst v0  }
.Ltmp0:
0x29: {  	[tilespmem:s18+$0x16820] =	vst v0;
	(pc) =	sbr.rel @p0 .LBB2_2-.Ltmp0, $4  }
0x2a: {  	[tilespmem:s18+$0x16830] =	vst v0  }
0x2b: {  	[tilespmem:s18+$0x16840] =	vst v0  }
0x2c: {  	[tilespmem:s18+$0x16850] =	vst v0  }
0x2d: {  	[tilespmem:s18+$0x16860] =	vst v0;
	s18 =	sshra.s32 s21, $0x2;
	s21 =	sadd.s32 $0x200, s21  }
0x2e: {  	[tilespmem:s18+$0x16870] =	vst v0  }
0x2f: {  	[tilespmem:s18+$0x16800] =	vst v0  }
0x30: {  	[tilespmem:s18+$0x16810] =	vst v0  }
0x31: {  	[tilespmem:s18+$0x16820] =	vst v0  }
0x32: {  	[tilespmem:s18+$0x16830] =	vst v0  }
0x33: {  	[tilespmem:s18+$0x16840] =	vst v0  }
0x34: {  	[tilespmem:s18+$0x16850] =	vst v0  }
0x35: {  	[tilespmem:s18+$0x16860] =	vst v0  }
0x36: {  	[spmem:s10] =	stream.linear.scatter [tilespmem:s30], [sflag:$0x7], $0x2800, $0x38;
	[tilespmem:$0x1E180] =	vst v63  }
0x37: {  	_ =	swait.ge [sflag:s31], $0x2800  }
0x38: {  	[sflag:s31] =	ssyncset.done $0x0  }
0x39: {  	s21 =	rddreg [dreg:$0xb];
	[sflag:s31] =	ssyncadd.s32 $0xFFFFD800  }
0x3a: {  	[spmem:s21] =	stream.linear.scatter [tilespmem:s30], [sflag:$0x7], $0x2800, $0x38;
	[tilespmem:$0x1E180] =	vst v63  }
0x3b: {  	_ =	swait.ge [sflag:s31], $0x2800  }
0x3c: {  	[sflag:s31] =	ssyncset.done $0x0  }
0x3d: {  	s24 =	rddreg [dreg:$0xc];
	[sflag:s31] =	ssyncadd.s32 $0xFFFFD800  }
0x3e: {  	[spmem:s24] =	stream.linear.scatter [tilespmem:s30], [sflag:$0x7], $0x2800, $0x38;
	[tilespmem:$0x1E180] =	vst v63  }
0x3f: {  	_ =	swait.ge [sflag:s31], $0x2800  }
0x40: {  	[sflag:s31] =	ssyncset.done $0x0  }
0x41: {  	s26 =	rddreg [dreg:$0xd];
	[sflag:s31] =	ssyncadd.s32 $0xFFFFD800  }
0x42: {  	[spmem:s26] =	stream.linear.scatter [tilespmem:s30], [sflag:$0x7], $0x2800, $0x38;
	[tilespmem:$0x1E180] =	vst v63  }
0x43: {  	_ =	swait.ge [sflag:s31], $0x2800  }
0x44: {  	[sflag:s31] =	ssyncset.done $0x0  }
0x45: {  	s29 =	rddreg [dreg:$0x11];
	[sflag:s31] =	ssyncadd.s32 $0xFFFFD800  }
0x46: {  	[spmem:s29] =	stream.linear.scatter [tilespmem:s30], [sflag:$0x7], $0x2800, $0x38;
	[tilespmem:$0x1E180] =	vst v63  }
0x47: {  	_ =	swait.ge [sflag:s31], $0x2800  }
0x48: {  	[sflag:s31] =	ssyncset.done $0x0  }
0x49: {  	s21 =	rddreg [dreg:$0x12];
	[sflag:s31] =	ssyncadd.s32 $0xFFFFD800  }
0x4a: {  	[spmem:s21] =	stream.linear.scatter [tilespmem:s30], [sflag:$0x7], $0x2800, $0x38;
	[tilespmem:$0x1E180] =	vst v63  }
0x4b: {  	_ =	swait.ge [sflag:s31], $0x2800  }
0x4c: {  	[sflag:s31] =	ssyncset.done $0x0  }
0x4d: {  	s24 =	rddreg [dreg:$0x13];
	[sflag:s31] =	ssyncadd.s32 $0xFFFFD800  }
0x4e: {  	[spmem:s24] =	stream.linear.scatter [tilespmem:s30], [sflag:$0x7], $0x2800, $0x38;
	[tilespmem:$0x1E180] =	vst v63  }
0x4f: {  	_ =	swait.ge [sflag:s31], $0x2800  }
0x50: {  	[sflag:s31] =	ssyncset.done $0x0  }
0x51: {  	s26 =	rddreg [dreg:$0x14];
	[sflag:s31] =	ssyncadd.s32 $0xFFFFD800  }
0x52: {  	[spmem:s26] =	stream.linear.scatter [tilespmem:s30], [sflag:$0x7], $0x2800, $0x38;
	[tilespmem:$0x1E180] =	vst v63  }
0x53: {  	_ =	swait.ge [sflag:s31], $0x2800  }
0x54: {  	[sflag:s31] =	ssyncset.done $0x0  }
0x55: {  	[sflag:s31] =	ssyncadd.s32 $0xFFFFD800  }
0x56: {  	[spmem:s22] =	stream.linear.scatter [tilespmem:s30], [sflag:$0x7], $0x2800, $0x38;
	[tilespmem:$0x1E180] =	vst v63  }
0x57: {  	_ =	swait.ge [sflag:s31], $0x2800  }
0x58: {  	[sflag:s31] =	ssyncset.done $0x0  }
0x59: {  	[sflag:s31] =	ssyncadd.s32 $0xFFFFD800  }
0x5a: {  	[bflag:$0x0] =	sbarrier.arrive $0xFFFF  }
0x5b: {  	s24 =	smov.u32 s22;
	s22 =	rddreg [dreg:$0xe]  }
0x5c: {  	[tilespmem:s0], [sflag:$0x4] =	stream.linear.gather [hbm4b:s22+s3], $0x50, $0x38;
	[tilespmem:$0x1E180] =	vst v63  }
0x5d: {  	s29 =	sadd.s32 $0x0, s17  }
0x5e: {  	[tilespmem:s30], [sflag:$0x1] =	stream.linear.gather [hbm4b:s29+s3], $0x2800, $0x38;
	[tilespmem:$0x1E180] =	vst v63  }
0x5f: {  	s28 =	rddreg [dreg:$0xf]  }
0x60: {  	[tilespmem:s4], [sflag:$0x5] =	stream.linear.gather [hbm4b:s28+s3], $0x50, $0x38;
	[tilespmem:$0x1E180] =	vst v63  }
0x61: {  	s21 =	sadd.s32 $0x500, s29  }
0x62: {  	[tilespmem:s6], [sflag:$0x2] =	stream.linear.gather [hbm4b:s21+s3], $0x2800, $0x38;
	[tilespmem:$0x1E180] =	vst v63  }
0x63: {  	_ = 	snop  }
0x64: {  	[tilespmem:s7], [sflag:$0x6] =	stream.linear.gather [hbm4b:s5+s3], $0x50, $0x38;
	[tilespmem:$0x1E180] =	vst v63  }
0x65: {  	s18 =	sadd.s32 $0xA00, s29  }
0x66: {  	[tilespmem:s8], [sflag:$0x3] =	stream.linear.gather [hbm4b:s18+s3], $0x2800, $0x38;
	[tilespmem:$0x1E180] =	vst v63  }
0x67: {  	_ =	swait.ge [sflag:s9], $0x50  }
0x68: {  	[sflag:s9] =	ssyncset.done $0x0  }
0x69: {  	[sflag:s9] =	ssyncadd.s32 $0xFFFFFFB0  }
0x6a: {  	_ =	swait.ge [sflag:s11], $0x2800  }
0x6b: {  	[sflag:s11] =	ssyncset.done $0x0  }
0x6c: {  	[sflag:s11] =	ssyncadd.s32 $0xFFFFD800  }
0x6d: {  	[spmem:s1] =	stream.indirect.scatter.add.f32 [tilespmem:s30], [sflag:$0x1], $0x80, s0, s12, $0xb8;
	[tilespmem:$0x1E180] =	vst v63  }
0x6e: {  	_ =	swait.ge [sflag:s13], $0x50  }
0x6f: {  	[sflag:s13] =	ssyncset.done $0x0  }
0x70: {  	[sflag:s13] =	ssyncadd.s32 $0xFFFFFFB0  }
0x71: {  	_ =	swait.ge [sflag:s14], $0x2800  }
0x72: {  	[sflag:s14] =	ssyncset.done $0x0  }
0x73: {  	[sflag:s14] =	ssyncadd.s32 $0xFFFFD800  }
0x74: {  	[spmem:s1] =	stream.indirect.scatter.add.f32 [tilespmem:s6], [sflag:$0x2], $0x80, s4, s12, $0xb8;
	[tilespmem:$0x1E180] =	vst v63  }
0x75: {  	_ =	swait.ge [sflag:s15], $0x50  }
0x76: {  	[sflag:s15] =	ssyncset.done $0x0  }
0x77: {  	[sflag:s15] =	ssyncadd.s32 $0xFFFFFFB0  }
0x78: {  	_ =	swait.ge [sflag:s16], $0x2800  }
0x79: {  	[sflag:s16] =	ssyncset.done $0x0  }
0x7a: {  	[sflag:s16] =	ssyncadd.s32 $0xFFFFD800  }
0x7b: {  	[spmem:s1] =	stream.indirect.scatter.add.f32 [tilespmem:s8], [sflag:$0x3], $0x80, s7, s12, $0xb8;
	[tilespmem:$0x1E180] =	vst v63  }
0x7c: {  	_ =	swait.ge [sflag:s11], $0x2800  }
0x7d: {  	[sflag:s11] =	ssyncset.done $0x0  }
0x7e: {  	[sflag:s11] =	ssyncadd.s32 $0xFFFFD800  }
0x7f: {  	_ =	swait.ge [sflag:s14], $0x2800  }
0x80: {  	[sflag:s14] =	ssyncset.done $0x0  }
0x81: {  	[sflag:s14] =	ssyncadd.s32 $0xFFFFD800  }
0x82: {  	s26 =	simm.s32 $0xF00;
	s28 =	sadd.s32 $0x1E, s28;
	_ =	swait.ge [sflag:s16], $0x2800  }
0x83: {  	s21 =	smov.u32 s5;
	s18 =	smov.u32 s22;
	[sflag:s16] =	ssyncset.done $0x0  }
.LBB2_4:
0x84: {  	[sflag:s16] =	ssyncadd.s32 $0xFFFFD800;
	s18 =	sadd.s32 $0x1E, s18;
	s21 =	sadd.s32 $0x1E, s21  }
0x85: {  	[tilespmem:s0], [sflag:$0x4] =	stream.linear.gather [hbm4b:s18+s3], $0x50, $0x38;
	[tilespmem:$0x1E180] =	vst v63  }
0x86: {  	s29 =	sadd.s32 s26, s17;
	p0 =	sne.s32 s26, $0x12C00;
	s26 =	sadd.s32 $0xF00, s26  }
0x87: {  	[tilespmem:s30], [sflag:$0x1] =	stream.linear.gather [hbm4b:s29+s3], $0x2800, $0x38;
	[tilespmem:$0x1E180] =	vst v63  }
0x88: {  	_ = 	snop  }
0x89: {  	[tilespmem:s4], [sflag:$0x5] =	stream.linear.gather [hbm4b:s28+s3], $0x50, $0x38;
	[tilespmem:$0x1E180] =	vst v63  }
0x8a: {  	s22 =	sadd.s32 $0x500, s29  }
0x8b: {  	[tilespmem:s6], [sflag:$0x2] =	stream.linear.gather [hbm4b:s22+s3], $0x2800, $0x38;
	[tilespmem:$0x1E180] =	vst v63  }
0x8c: {  	_ = 	snop  }
0x8d: {  	[tilespmem:s7], [sflag:$0x6] =	stream.linear.gather [hbm4b:s21+s3], $0x50, $0x38;
	[tilespmem:$0x1E180] =	vst v63  }
0x8e: {  	s22 =	sadd.s32 $0xA00, s29  }
0x8f: {  	[tilespmem:s8], [sflag:$0x3] =	stream.linear.gather [hbm4b:s22+s3], $0x2800, $0x38;
	[tilespmem:$0x1E180] =	vst v63  }
0x90: {  	_ =	swait.ge [sflag:s9], $0x50  }
0x91: {  	[sflag:s9] =	ssyncset.done $0x0  }
0x92: {  	[sflag:s9] =	ssyncadd.s32 $0xFFFFFFB0  }
0x93: {  	_ =	swait.ge [sflag:s11], $0x2800  }
0x94: {  	[sflag:s11] =	ssyncset.done $0x0  }
0x95: {  	[sflag:s11] =	ssyncadd.s32 $0xFFFFD800  }
0x96: {  	[spmem:s1] =	stream.indirect.scatter.add.f32 [tilespmem:s30], [sflag:$0x1], $0x80, s0, s12, $0xb8;
	[tilespmem:$0x1E180] =	vst v63  }
0x97: {  	_ =	swait.ge [sflag:s13], $0x50  }
0x98: {  	[sflag:s13] =	ssyncset.done $0x0  }
0x99: {  	[sflag:s13] =	ssyncadd.s32 $0xFFFFFFB0  }
0x9a: {  	_ =	swait.ge [sflag:s14], $0x2800  }
0x9b: {  	[sflag:s14] =	ssyncset.done $0x0  }
0x9c: {  	[sflag:s14] =	ssyncadd.s32 $0xFFFFD800  }
0x9d: {  	[spmem:s1] =	stream.indirect.scatter.add.f32 [tilespmem:s6], [sflag:$0x2], $0x80, s4, s12, $0xb8;
	[tilespmem:$0x1E180] =	vst v63  }
0x9e: {  	_ =	swait.ge [sflag:s15], $0x50  }
0x9f: {  	[sflag:s15] =	ssyncset.done $0x0  }
0xa0: {  	[sflag:s15] =	ssyncadd.s32 $0xFFFFFFB0  }
0xa1: {  	_ =	swait.ge [sflag:s16], $0x2800  }
0xa2: {  	[sflag:s16] =	ssyncset.done $0x0  }
0xa3: {  	[sflag:s16] =	ssyncadd.s32 $0xFFFFD800  }
0xa4: {  	[spmem:s1] =	stream.indirect.scatter.add.f32 [tilespmem:s8], [sflag:$0x3], $0x80, s7, s12, $0xb8;
	[tilespmem:$0x1E180] =	vst v63  }
0xa5: {  	_ =	swait.ge [sflag:s11], $0x2800  }
0xa6: {  	[sflag:s11] =	ssyncset.done $0x0  }
0xa7: {  	[sflag:s11] =	ssyncadd.s32 $0xFFFFD800  }
.Ltmp1:
0xa8: {  	_ =	swait.ge [sflag:s14], $0x2800;
	(pc) =	sbr.rel @p0 .LBB2_4-.Ltmp1, $4  }
0xa9: {  	[sflag:s14] =	ssyncset.done $0x0  }
0xaa: {  	[sflag:s14] =	ssyncadd.s32 $0xFFFFD800  }
0xab: {  	_ =	swait.ge [sflag:s16], $0x2800  }
0xac: {  	s28 =	sadd.s32 $0x1E, s28;
	[sflag:s16] =	ssyncset.done $0x0  }
0xad: {  	[sflag:s16] =	ssyncadd.s32 $0xFFFFD800;
	s18 =	simm.s32 $0x0;
	s21 =	rddreg [dreg:$0x4]  }
0xae: {  	[tilespmem:s0], [sflag:$0x4] =	stream.linear.gather [hbm4b:s21+s18], $0x50, $0x38;
	[tilespmem:$0x1E180] =	vst v63  }
0xaf: {  	s22 =	rddreg [dreg:$0x5]  }
0xb0: {  	[tilespmem:s30], [sflag:$0x1] =	stream.linear.gather [hbm4b:s22+s18], $0x2800, $0x38;
	[tilespmem:$0x1E180] =	vst v63  }
0xb1: {  	_ =	swait.ge [sflag:s9], $0x50  }
0xb2: {  	[sflag:s9] =	ssyncset.done $0x0  }
0xb3: {  	[sflag:s9] =	ssyncadd.s32 $0xFFFFFFB0  }
0xb4: {  	_ =	swait.ge [sflag:s11], $0x2800  }
0xb5: {  	[sflag:s11] =	ssyncset.done $0x0  }
0xb6: {  	[sflag:s11] =	ssyncadd.s32 $0xFFFFD800  }
0xb7: {  	[spmem:s1] =	stream.indirect.scatter.add.f32 [tilespmem:s30], [sflag:$0x1], $0x80, s0, s12, $0xb8;
	[tilespmem:$0x1E180] =	vst v63  }
0xb8: {  	_ =	swait.ge [sflag:s11], $0x2800  }
0xb9: {  	[sflag:s11] =	ssyncset.done $0x0  }
0xba: {  	[sflag:s11] =	ssyncadd.s32 $0xFFFFD800  }
0xbb: {  	[tilespmem:s0], [sflag:$0x4] =	stream.linear.gather [hbm4b:s20+s3], $0x50, $0x38;
	[tilespmem:$0x1E180] =	vst v63  }
0xbc: {  	s26 =	sadd.s32 $0x0, s19  }
0xbd: {  	[tilespmem:s30], [sflag:$0x1] =	stream.linear.gather [hbm4b:s26+s3], $0x2800, $0x38;
	[tilespmem:$0x1E180] =	vst v63  }
0xbe: {  	s22 =	rddreg [dreg:$0x10]  }
0xbf: {  	[tilespmem:s4], [sflag:$0x5] =	stream.linear.gather [hbm4b:s22+s3], $0x50, $0x38;
	[tilespmem:$0x1E180] =	vst v63  }
0xc0: {  	s29 =	sadd.s32 $0x500, s26  }
0xc1: {  	[tilespmem:s6], [sflag:$0x2] =	stream.linear.gather [hbm4b:s29+s3], $0x2800, $0x38;
	[tilespmem:$0x1E180] =	vst v63  }
0xc2: {  	_ = 	snop  }
0xc3: {  	[tilespmem:s7], [sflag:$0x6] =	stream.linear.gather [hbm4b:s23+s3], $0x50, $0x38;
	[tilespmem:$0x1E180] =	vst v63  }
0xc4: {  	s18 =	sadd.s32 $0xA00, s26  }
0xc5: {  	[tilespmem:s8], [sflag:$0x3] =	stream.linear.gather [hbm4b:s18+s3], $0x2800, $0x38;
	[tilespmem:$0x1E180] =	vst v63  }
0xc6: {  	_ =	swait.ge [sflag:s9], $0x50  }
0xc7: {  	[sflag:s9] =	ssyncset.done $0x0  }
0xc8: {  	[sflag:s9] =	ssyncadd.s32 $0xFFFFFFB0  }
0xc9: {  	_ =	swait.ge [sflag:s11], $0x2800  }
0xca: {  	[sflag:s11] =	ssyncset.done $0x0  }
0xcb: {  	[sflag:s11] =	ssyncadd.s32 $0xFFFFD800  }
0xcc: {  	[spmem:s2] =	stream.indirect.scatter.add.f32 [tilespmem:s30], [sflag:$0x1], $0x80, s0, s12, $0xb8;
	[tilespmem:$0x1E180] =	vst v63  }
0xcd: {  	_ =	swait.ge [sflag:s13], $0x50  }
0xce: {  	[sflag:s13] =	ssyncset.done $0x0  }
0xcf: {  	[sflag:s13] =	ssyncadd.s32 $0xFFFFFFB0  }
0xd0: {  	_ =	swait.ge [sflag:s14], $0x2800  }
0xd1: {  	[sflag:s14] =	ssyncset.done $0x0  }
0xd2: {  	[sflag:s14] =	ssyncadd.s32 $0xFFFFD800  }
0xd3: {  	[spmem:s2] =	stream.indirect.scatter.add.f32 [tilespmem:s6], [sflag:$0x2], $0x80, s4, s12, $0xb8;
	[tilespmem:$0x1E180] =	vst v63  }
0xd4: {  	_ =	swait.ge [sflag:s15], $0x50  }
0xd5: {  	[sflag:s15] =	ssyncset.done $0x0  }
0xd6: {  	[sflag:s15] =	ssyncadd.s32 $0xFFFFFFB0  }
0xd7: {  	_ =	swait.ge [sflag:s16], $0x2800  }
0xd8: {  	[sflag:s16] =	ssyncset.done $0x0  }
0xd9: {  	[sflag:s16] =	ssyncadd.s32 $0xFFFFD800  }
0xda: {  	[spmem:s2] =	stream.indirect.scatter.add.f32 [tilespmem:s8], [sflag:$0x3], $0x80, s7, s12, $0xb8;
	[tilespmem:$0x1E180] =	vst v63  }
0xdb: {  	_ =	swait.ge [sflag:s11], $0x2800  }
0xdc: {  	[sflag:s11] =	ssyncset.done $0x0  }
0xdd: {  	[sflag:s11] =	ssyncadd.s32 $0xFFFFD800  }
0xde: {  	_ =	swait.ge [sflag:s14], $0x2800  }
0xdf: {  	[sflag:s14] =	ssyncset.done $0x0  }
0xe0: {  	[sflag:s14] =	ssyncadd.s32 $0xFFFFD800  }
0xe1: {  	s21 =	smov.u32 s23;
	s28 =	sadd.s32 $0x1E, s22;
	_ =	swait.ge [sflag:s16], $0x2800  }
0xe2: {  	s26 =	simm.s32 $0xF00;
	s18 =	smov.u32 s20;
	[sflag:s16] =	ssyncset.done $0x0  }
.LBB2_6:
0xe3: {  	[sflag:s16] =	ssyncadd.s32 $0xFFFFD800;
	s18 =	sadd.s32 $0x1E, s18;
	s21 =	sadd.s32 $0x1E, s21  }
0xe4: {  	[tilespmem:s0], [sflag:$0x4] =	stream.linear.gather [hbm4b:s18+s3], $0x50, $0x38;
	[tilespmem:$0x1E180] =	vst v63  }
0xe5: {  	s22 =	sadd.s32 s26, s19;
	p0 =	sne.s32 s26, $0x12C00;
	s26 =	sadd.s32 $0xF00, s26  }
0xe6: {  	[tilespmem:s30], [sflag:$0x1] =	stream.linear.gather [hbm4b:s22+s3], $0x2800, $0x38;
	[tilespmem:$0x1E180] =	vst v63  }
0xe7: {  	_ = 	snop  }
0xe8: {  	[tilespmem:s4], [sflag:$0x5] =	stream.linear.gather [hbm4b:s28+s3], $0x50, $0x38;
	[tilespmem:$0x1E180] =	vst v63  }
0xe9: {  	s29 =	sadd.s32 $0x500, s22  }
0xea: {  	[tilespmem:s6], [sflag:$0x2] =	stream.linear.gather [hbm4b:s29+s3], $0x2800, $0x38;
	[tilespmem:$0x1E180] =	vst v63  }
0xeb: {  	_ = 	snop  }
0xec: {  	[tilespmem:s7], [sflag:$0x6] =	stream.linear.gather [hbm4b:s21+s3], $0x50, $0x38;
	[tilespmem:$0x1E180] =	vst v63  }
0xed: {  	s22 =	sadd.s32 $0xA00, s22  }
0xee: {  	[tilespmem:s8], [sflag:$0x3] =	stream.linear.gather [hbm4b:s22+s3], $0x2800, $0x38;
	[tilespmem:$0x1E180] =	vst v63  }
0xef: {  	_ =	swait.ge [sflag:s9], $0x50  }
0xf0: {  	[sflag:s9] =	ssyncset.done $0x0  }
0xf1: {  	[sflag:s9] =	ssyncadd.s32 $0xFFFFFFB0  }
0xf2: {  	_ =	swait.ge [sflag:s11], $0x2800  }
0xf3: {  	[sflag:s11] =	ssyncset.done $0x0  }
0xf4: {  	[sflag:s11] =	ssyncadd.s32 $0xFFFFD800  }
0xf5: {  	[spmem:s2] =	stream.indirect.scatter.add.f32 [tilespmem:s30], [sflag:$0x1], $0x80, s0, s12, $0xb8;
	[tilespmem:$0x1E180] =	vst v63  }
0xf6: {  	_ =	swait.ge [sflag:s13], $0x50  }
0xf7: {  	[sflag:s13] =	ssyncset.done $0x0  }
0xf8: {  	[sflag:s13] =	ssyncadd.s32 $0xFFFFFFB0  }
0xf9: {  	_ =	swait.ge [sflag:s14], $0x2800  }
0xfa: {  	[sflag:s14] =	ssyncset.done $0x0  }
0xfb: {  	[sflag:s14] =	ssyncadd.s32 $0xFFFFD800  }
0xfc: {  	[spmem:s2] =	stream.indirect.scatter.add.f32 [tilespmem:s6], [sflag:$0x2], $0x80, s4, s12, $0xb8;
	[tilespmem:$0x1E180] =	vst v63  }
0xfd: {  	_ =	swait.ge [sflag:s15], $0x50  }
0xfe: {  	[sflag:s15] =	ssyncset.done $0x0  }
0xff: {  	[sflag:s15] =	ssyncadd.s32 $0xFFFFFFB0  }
0x100: {  	_ =	swait.ge [sflag:s16], $0x2800  }
0x101: {  	[sflag:s16] =	ssyncset.done $0x0  }
0x102: {  	[sflag:s16] =	ssyncadd.s32 $0xFFFFD800  }
0x103: {  	[spmem:s2] =	stream.indirect.scatter.add.f32 [tilespmem:s8], [sflag:$0x3], $0x80, s7, s12, $0xb8;
	[tilespmem:$0x1E180] =	vst v63  }
0x104: {  	_ =	swait.ge [sflag:s11], $0x2800  }
0x105: {  	[sflag:s11] =	ssyncset.done $0x0  }
0x106: {  	[sflag:s11] =	ssyncadd.s32 $0xFFFFD800  }
.Ltmp2:
0x107: {  	_ =	swait.ge [sflag:s14], $0x2800;
	(pc) =	sbr.rel @p0 .LBB2_6-.Ltmp2, $4  }
0x108: {  	[sflag:s14] =	ssyncset.done $0x0  }
0x109: {  	[sflag:s14] =	ssyncadd.s32 $0xFFFFD800  }
0x10a: {  	_ =	swait.ge [sflag:s16], $0x2800  }
0x10b: {  	s28 =	sadd.s32 $0x1E, s28;
	[sflag:s16] =	ssyncset.done $0x0  }
0x10c: {  	[sflag:s16] =	ssyncadd.s32 $0xFFFFD800;
	s18 =	rddreg [dreg:$0x6]  }
0x10d: {  	[tilespmem:s0], [sflag:$0x4] =	stream.linear.gather [hbm4b:s18+s3], $0x50, $0x38;
	[tilespmem:$0x1E180] =	vst v63  }
0x10e: {  	s21 =	rddreg [dreg:$0x7]  }
0x10f: {  	[tilespmem:s30], [sflag:$0x1] =	stream.linear.gather [hbm4b:s21+s3], $0x2800, $0x38;
	[tilespmem:$0x1E180] =	vst v63  }
0x110: {  	_ =	swait.ge [sflag:s9], $0x50  }
0x111: {  	[sflag:s9] =	ssyncset.done $0x0  }
0x112: {  	[sflag:s9] =	ssyncadd.s32 $0xFFFFFFB0  }
0x113: {  	_ =	swait.ge [sflag:s11], $0x2800  }
0x114: {  	[sflag:s11] =	ssyncset.done $0x0  }
0x115: {  	[sflag:s11] =	ssyncadd.s32 $0xFFFFD800  }
0x116: {  	[spmem:s2] =	stream.indirect.scatter.add.f32 [tilespmem:s30], [sflag:$0x1], $0x80, s0, s12, $0xb8;
	[tilespmem:$0x1E180] =	vst v63  }
0x117: {  	_ =	swait.ge [sflag:s11], $0x2800  }
0x118: {  	[sflag:s11] =	ssyncset.done $0x0  }
0x119: {  	s22 =	stileid.u32;
	[sflag:s11] =	ssyncadd.s32 $0xFFFFD800  }
0x11a: {  	s18 =	sshll.u32 s22, $0x6;
	[bflag:$0x0] =	sbarrier.arrive $0xFFFF  }
0x11b: {  	s18 =	sor.u32 $0x1C07, s18;
	s21 =	sshrl.u32 s10, $0x3;
	s22 =	rddreg [dreg:$0x8]  }
0x11c: {  	[hbm:s22], [sflag:s18] =	dma.local [spmem:s21], $0x2800  }
0x11d: {  	_ =	swait.ge [sflag:s31], $0x2800  }
0x11e: {  	[sflag:s31] =	ssyncset.done $0x0  }
0x11f: {  	s26 =	sshrl.u32 s24, $0x3;
	s28 =	rddreg [dreg:$0x9];
	[sflag:s31] =	ssyncadd.s32 $0xFFFFD800  }
0x120: {  	[hbm:s28], [sflag:s18] =	dma.local [spmem:s26], $0x500  }
0x121: {  	_ =	swait.ge [sflag:s31], $0x500  }
0x122: {  	s25 =	sadd.s32 $0x1, s25;
	s29 =	rddreg [dreg:$0xa]  }
0x123: {  	p0 =	sne.s32 s25, s29  }
.Ltmp3:
0x124: {  	_ = 	snop;
	(pc) =	sbr.rel @p0 .LBB2_1-.Ltmp3, $3  }
0x125: {  	_ =	sdelay $0x1  }
0x126: {  	[sflag:s31] =	ssyncset.done $0x0  }
0x127: {  	s22 =	smov.u32 s24;
	[sflag:s31] =	ssyncadd.s32 $0xFFFFFB00  }
0x128: {  	_ =	sfence.sel $0x180000  }
0x129: {  	[bflag:$0x0] =	sbarrier.arrive $0xFFFF  }
0x12a: {  	_ =	strace $0x90000050  }
0x12b: {  	s0 =	stileid.u32;
	[bflag:$0x2] =	sbarrier.arrive $0xFFFF  }
0x12c: {  	p0 =	sne.s32 s0, $0x0;
	s0 =	rddreg [dreg:$0x3]  }
0x12d: {  	s0 =	sadd.s32 @!p0 $0x100000, s0  }
0x12e: {  	[sflag:s0] =	ssyncadd.tile.s32 @!p0 $0x1;
	_ =	shalt  }
.Lfunc_end2:
_tile_overlayer_lowered:
.L_overlay_start_2:
0x12f: {  	(tag) =	ssettag $0x2  }
0x130: {  	s0 =	rddreg [dreg:$0x0];
	s2 =	stileid.u32  }
0x131: {  	s1 =	rddreg [dreg:$0x1];
	p0 =	sne.s32 s2, $0x0  }
0x132: {  	s3 =	rddreg [dreg:$0x2];
	[bflag:$0x3] =	sbarrier.arrive $0xFFFF;
	s2 =	simm.s32 @!p0 $0x1C07  }
0x133: {  	[timem:s3], [sflag:s2] =	dma.local @!p0 [hbm:s0], s1  }
0x134: {  	s0 =	simm.s32 @!p0 $0x7  }
0x135: {  	_ =	swait.ge @!p0 [sflag:s0], s1  }
0x136: {  	s1 =	ssub.s32 @!p0 $0x0, s1;
	[sflag:s0] =	ssyncset.done @!p0 $0x0  }
0x137: {  	[sflag:s0] =	ssyncadd.s32 @!p0 s1  }
0x138: {  	[bflag:$0x3] =	sbarrier.arrive $0xFFFF  }
0x139: {  	_ =	shalt  }

// kernel: kernel.16.cloned.1.call-start
scs
__scs_entry_jumppad:
0x0: {  	(pc) =	sbr.rel $0x88, $3  }
0x1: {  	(tag) =	ssettag $0x0;
	lr =	simm.s32 $0x1  }
0x2: {  	[smem:$0x3F91] =	sst lr;
	_ =	strace $0xD0000000  }
0x3: {  	_ = 	snop  }
0x4: {  	_ = 	snop  }
0x5: {  	_ = 	snop  }
0x6: {  	_ = 	snop  }
0x7: {  	_ = 	snop  }
__scs_overlays_trampoline_lowered:
0x8: {  	[smem:$0x3FA0] =	sst s0  }
0x9: {  	[smem:$0x3FA1] =	sst s1  }
0xa: {  	[smem:$0x3FA2] =	sst s2  }
0xb: {  	[smem:$0x3FA3] =	sst s3  }
0xc: {  	[smem:$0x3FA4] =	sst s4  }
0xd: {  	[smem:$0x3FA5] =	sst s5  }
0xe: {  	[smem:$0x3FA6] =	sst s6  }
0xf: {  	[smem:$0x3FA7] =	sst s7  }
0x10: {  	[smem:$0x3FA8] =	sst s8  }
0x11: {  	[smem:$0x3FA9] =	sst s9;
	s0 =	simm.s32 @!p0 $0x0  }
0x12: {  	s1 =	sld [smem:$0x3F8F];
	s0 =	simm.s32 @p0 $0x1  }
0x13: {  	[smem:$0x3FAA] =	sst s0;
	s0 =	simm.s32 @!p1 $0x0  }
0x14: {  	s2 =	sld [smem:$0x3F8E];
	s0 =	simm.s32 @p1 $0x1  }
0x15: {  	[smem:$0x3FAB] =	sst s0;
	s0 =	simm.s32 @!p2 $0x0  }
0x16: {  	s3 =	sld [smem:$0x3FDB];
	s0 =	simm.s32 @p2 $0x1  }
0x17: {  	s4 =	simm.s32 $0x1BF5;
	[smem:$0x3FAD] =	sst s0  }
0x18: {  	s0 =	sld [smem:$0x3F90];
	_ =	swait.ge [sflag:s4], $0x0  }
0x19: {  	s7 =	sld [smem:$0x3F91]  }
0x1a: {  	s8 =	sadd.s32 $0xFFFFE003, lr  }
0x1b: {  	s9 =	sadd.s32 $0xFFFFFEF7, lr;
	s5 =	simm.s32 $0xFFFFFFFF;
	p2 =	slt.u32 s8, $0xFFFFF086  }
0x1c: {  	p1 =	slt.u32 s9, $0xF7A;
	s5 =	simm.s32 @!p2 $0x0  }
0x1d: {  	s5 =	simm.s32 @p1 $0x1;
	p0 =	seq.s32 s7, s2  }
0x1e: {  	s7 =	smul.u32 @!p0 $0xF7A, s2;
	p2 =	seq.s32 @!p0 s5, $0x0  }
0x1f: {  	s9 =	smul.u32 $0xF7A, s1;
	s8 =	simm.s32 @!p0 $0x1BF5;
	p2 =	por !p2, p0  }
0x20: {  	[sflag:s8] =	ssyncset.s32 @!p0 $0xFFFFF086;
	s6 =	sadd.s32 @!p0 s3, s7;
	s7 =	simm.s32 @!p0 $0x108  }
0x21: {  	s3 =	sadd.s32 s3, s9;
	s6 =	sadd.s32 @!p0 $0x88, s6;
	s7 =	simm.s32 @p2 $0x1082  }
0x22: {  	[simem:s7], [sflag:s8] =	dma.local @!p0 [hbm:s6], $0xF7A  }
0x23: {  	s9 =	sor.u32 $0xD0000000, s2;
	s6 =	simm.s32 $0x108;
	_ =	swait.ge @!p0 [sflag:s8], $0x0  }
0x24: {  	s3 =	sadd.s32 $0x88, s3;
	s6 =	simm.s32 @!p1 $0x1082;
	[sflag:s4] =	ssyncset.s32 $0xFFFFF086  }
0x25: {  	[simem:s6], [sflag:s4] =	dma.local [hbm:s3], $0xF7A  }
0x26: {  	[smem:$0x3F91] =	sst s1;
	(tag) =	ssettag s2;
	_ =	strace s9  }
0x27: {  	s1 =	sld [smem:$0x3FA1]  }
0x28: {  	s2 =	sld [smem:$0x3FA2]  }
0x29: {  	s4 =	sld [smem:$0x3FA4]  }
0x2a: {  	p0 =	seq.s32 s5, $0x0;
	s5 =	sld [smem:$0x3FA5]  }
0x2b: {  	s6 =	sld [smem:$0x3FA6]  }
0x2c: {  	s7 =	sld [smem:$0x3FA7]  }
0x2d: {  	s3 =	simm.s32 $0x108;
	s8 =	sld [smem:$0x3FA8]  }
0x2e: {  	s3 =	simm.s32 @!p0 $0x1082;
	s9 =	sld [smem:$0x3FA9]  }
0x2f: {  	lr =	sadd.s32 s0, s3;
	s0 =	sld [smem:$0x3FA0]  }
0x30: {  	s3 =	sld [smem:$0x3FA3]  }
0x31: {  	[smem:$0x3FAC] =	sst s10  }
0x32: {  	s10 =	sld [smem:$0x3FAA];
	_ =	sdelay $0x3  }
0x33: {  	p0 =	seq.s32 s10, $0x1;
	s10 =	sld [smem:$0x3FAC];
	_ =	sdelay $0x3  }
0x34: {  	[smem:$0x3FAC] =	sst s10  }
0x35: {  	s10 =	sld [smem:$0x3FAB];
	_ =	sdelay $0x3  }
0x36: {  	p1 =	seq.s32 s10, $0x1;
	s10 =	sld [smem:$0x3FAC];
	_ =	sdelay $0x3  }
0x37: {  	[smem:$0x3FAC] =	sst s10  }
0x38: {  	s10 =	sld [smem:$0x3FAD]  }
0x39: {  	_ = 	snop;
	(pc) =	sbr.ind lr, $3  }
0x3a: {  	_ = 	snop  }
0x3b: {  	_ = 	snop  }
0x3c: {  	p2 =	seq.s32 s10, $0x1;
	s10 =	sld [smem:$0x3FAC]  }
0x3d: {  	_ =	shalt  }
0x3e: {  	_ =	shalt  }
0x3f: {  	_ =	shalt  }
0x40: {  	_ =	shalt  }
0x41: {  	_ =	shalt  }
0x42: {  	_ =	shalt  }
0x43: {  	_ =	shalt  }
0x44: {  	_ =	shalt  }
0x45: {  	_ =	shalt  }
0x46: {  	_ =	shalt  }
0x47: {  	_ =	shalt  }
0x48: {  	_ =	shalt  }
0x49: {  	_ =	shalt  }
0x4a: {  	_ =	shalt  }
0x4b: {  	_ =	shalt  }
0x4c: {  	_ =	shalt  }
0x4d: {  	_ =	shalt  }
0x4e: {  	_ =	shalt  }
0x4f: {  	_ =	shalt  }
0x50: {  	_ =	shalt  }
0x51: {  	_ =	shalt  }
0x52: {  	_ =	shalt  }
0x53: {  	_ =	shalt  }
0x54: {  	_ =	shalt  }
0x55: {  	_ =	shalt  }
0x56: {  	_ =	shalt  }
0x57: {  	_ =	shalt  }
0x58: {  	_ =	shalt  }
0x59: {  	_ =	shalt  }
0x5a: {  	_ =	shalt  }
0x5b: {  	_ =	shalt  }
0x5c: {  	_ =	shalt  }
0x5d: {  	_ =	shalt  }
0x5e: {  	_ =	shalt  }
0x5f: {  	_ =	shalt  }
0x60: {  	_ =	shalt  }
0x61: {  	_ =	shalt  }
0x62: {  	_ =	shalt  }
0x63: {  	_ =	shalt  }
0x64: {  	_ =	shalt  }
0x65: {  	_ =	shalt  }
0x66: {  	_ =	shalt  }
0x67: {  	_ =	shalt  }
0x68: {  	_ =	shalt  }
0x69: {  	_ =	shalt  }
0x6a: {  	_ =	shalt  }
0x6b: {  	_ =	shalt  }
0x6c: {  	_ =	shalt  }
0x6d: {  	_ =	shalt  }
0x6e: {  	_ =	shalt  }
0x6f: {  	_ =	shalt  }
0x70: {  	_ =	shalt  }
0x71: {  	_ =	shalt  }
0x72: {  	_ =	shalt  }
0x73: {  	_ =	shalt  }
0x74: {  	_ =	shalt  }
0x75: {  	_ =	shalt  }
0x76: {  	_ =	shalt  }
0x77: {  	_ =	shalt  }
0x78: {  	_ =	shalt  }
0x79: {  	_ =	shalt  }
0x7a: {  	_ =	shalt  }
0x7b: {  	_ =	shalt  }
0x7c: {  	_ =	shalt  }
0x7d: {  	_ =	shalt  }
0x7e: {  	_ =	shalt  }
0x7f: {  	_ =	shalt  }
0x80: {  	_ =	shalt  }
0x81: {  	_ =	shalt  }
0x82: {  	_ =	shalt  }
0x83: {  	_ =	shalt  }
0x84: {  	_ =	shalt  }
0x85: {  	_ =	shalt  }
0x86: {  	_ =	shalt  }
0x87: {  	_ =	shalt  }
.Lfunc_end0:
.L_simem_size_0:
called_computation.2_lowered:
.L_overlay_start_0:
0x88: {  	s2 =	sld [smem:$0x3FD9]  }
0x89: {  	s3 =	sld [smem:$0x3FFE];
	_ =	sdelay $0x1  }
0x8a: {  	s1 =	srdreg.scid  }
0x8b: {  	s0 =	sand.u32 $0x1, s1  }
0x8c: {  	s16 =	sshll.u32 s0, $0xA;
	s2 =	sadd.s32 s3, s2  }
0x8d: {  	s2 =	sadd.s32 s2, s16  }
0x8e: {  	[smem:$0x3FB8] =	sst s2  }
0x8f: {  	_ = 	snop  }
0x90: {  	(tm) =	ssettm $0x1  }
0x91: {  	s17 =	sld [smem:$0x3FFB];
	_ =	sdelay $0x3  }
0x92: {  	_ =	strace s17  }
0x93: {  	s2 =	sld [smem:$0x3FFC];
	_ =	sdelay $0x3  }
0x94: {  	_ =	strace s2  }
0x95: {  	s2 =	sld [smem:$0x3FFD];
	_ =	sdelay $0x3  }
0x96: {  	_ =	strace s2  }
0x97: {  	_ =	strace $0x8FFFFFFF  }
0x98: {  	s18 =	sld [smem:$0x3FDB];
	_ =	sdelay $0x1  }
0x99: {  	s19 =	simm.s32 $_scs_section_size  }
0x9a: {  	s4 =	simm.s32 $_size__tile_overlayer_lowered;
	s5 =	simm.s32 $_tile_overlayer_lowered  }
0x9b: {  	s22 =	simm.s32 $0x1BFF;
	s21 =	sshll.u32 s5, $0x1;
	s2 =	sadd.s32 s19, s18  }
0x9c: {  	s6 =	simm.s32 $0x0;
	s20 =	sshll.u32 s4, $0x1;
	s4 =	sadd.s32 s21, s2  }
0x9d: {  	[timem:s6], [sflag:s22] =	dma.local [hbm:s4], s20  }
0x9e: {  	_ =	swait.ge [sflag:s22], s20  }
0x9f: {  	s3 =	ssub.s32 $0x0, s20;
	[sflag:s22] =	ssyncset.done $0x0  }
0xa0: {  	[sflag:s22] =	ssyncadd.s32 s3;
	_ =	sdelay $0x1  }
0xa1: {  	s23 =	simm.s32 $0x1B8B  }
0xa2: {  	_ =	swait.ge [sflag:s23], $0x1  }
0xa3: {  	[sflag:s23] =	ssyncset.done $0x0  }
0xa4: {  	s25 =	simm.s32 $0x1B8E;
	s24 =	sld [smem:$0x3FFE];
	[sflag:s23] =	ssyncadd.s32 $0xFFFFFFFF  }
0xa5: {  	s26 =	simm.s32 $execute0_lowered;
	[smem:$0x3FD2] =	sst s25  }
0xa6: {  	s4 =	sshll.u32 s26, $0x1;
	_ =	strace $0x80000046;
	[dreg:$0x1] =	wrdreg $0xFFFFFFFF  }
0xa7: {  	s28 =	simm.s32 $_size_execute0_lowered;
	s2 =	sadd.s32 s2, s4;
	[dreg:$0x0] =	wrdreg $0x0  }
0xa8: {  	s4 =	sshll.u32 s28, $0x1;
	[dreg:$0x2] =	wrdreg s2  }
0xa9: {  	[dreg:$0x3] =	wrdreg s4  }
0xaa: {  	[dreg:$0x4] =	wrdreg $0xC0  }
0xab: {  	_ =	task [dreg:s6], $0x5FFFF  }
0xac: {  	[dreg:$0x1] =	wrdreg $0xFFFFFFFF  }
0xad: {  	[dreg:$0x0] =	wrdreg $0x60  }
0xae: {  	[dreg:$0x2] =	wrdreg s24  }
0xaf: {  	[dreg:$0x3] =	wrdreg $0xA  }
0xb0: {  	_ =	task.clear_ibuf [dreg:s6], $0x4FFFF;
	_ =	strace $0x90000046  }
0xb1: {  	s29 =	simm.s32 $0xA;
	_ =	strace $0x80000048  }
0xb2: {  	_ =	swait.ge [sflag:s29], $0x1  }
0xb3: {  	[sflag:s29] =	ssyncadd.s32 $0xFFFFFFFF  }
0xb4: {  	_ =	strace $0x90000048  }
0xb5: {  	_ =	sfence  }
0xb6: {  	s30 =	sld [smem:$0x0];
	_ =	sdelay $0x2  }
0xb7: {  	s31 =	sshll.u32 s1, $0xD;
	s1 =	sshrl.u32 s1, $0x2  }
0xb8: {  	s3 =	sand.u32 $0x4000, s31;
	s1 =	sadd.s32 s1, s30  }
0xb9: {  	s0 =	sor.u32 s3, s0;
	s1 =	sshll.u32 s1, $0x11  }
0xba: {  	s0 =	sor.u32 s1, s0  }
0xbb: {  	s0 =	sadd.s32 $0x8F2B, s0  }
0xbc: {  	[sflag:s0] =	ssyncadd.remote.s32 $0x1  }
0xbd: {  	_ =	sfence.sel $0xFFFF  }
0xbe: {  	[dreg:$0x0] =	wrdreg $0xFFFFFFFF;
	(pc) =	sbr.abs _section_cstart, $3  }
0xbf: {  	[dreg:$0x1] =	wrdreg $0xFFFFFFFF  }
0xc0: {  	_ =	task.clear_ibuf [dreg:s6], $0x2FFFF;
	_ =	strace $0x9FFFFFFF  }
0xc1: {  	(tm) =	ssettm $0x7FFFFFFF  }
tec
execute0_lowered:
.L_overlay_start_1:
0x0: {  	(tag) =	ssettag $0x1  }
0x1: {  	s0 =	srdreg.scid;
	s11 =	stileid.u32  }
0x2: {  	s1 =	rddreg [dreg:$0x0];
	s2 =	simm.s32 $0x0;
	s28 =	simm.s32 $0x3  }
0x3: {  	s29 =	simm.s32 $0x8;
	s30 =	simm.s32 $0x4;
	s31 =	simm.s32 $0x9  }
0x4: {  	s0 =	sand.u32 $0x1, s0;
	s3 =	sshll.u32 s11, $0x1;
	s10 =	smul.u32 $0x26200, s11  }
0x5: {  	[smem:$0x7FF] =	sst s2;
	s4 =	sadd.s32 $0x38C00, s1;
	s22 =	smul.u32 $0x131000, s11  }
0x6: {  	s8 =	sadd.s32 $0x5FE00, s1;
	s5 =	sor.u32 s0, s3;
	s24 =	smul.u32 $0x98800, s0  }
0x7: {  	_ =	strace $0x80000047;
	s7 =	ssub.s32 $0x2, s0;
	s0 =	smul.u32 $0x13100, s0  }
0x8: {  	s3 =	sadd.s32 $0x11A00, s1;
	s6 =	smul.u32 $0x262, s5;
	s9 =	sshrl.u32 s7, $0x1  }
0x9: {  	s5 =	smul.u32 $0x98800, s5;
	s26 =	sadd.s32 s10, s8;
	s7 =	ssub.s32 s7, s9  }
0xa: {  	s9 =	sadd.s32 s24, s22;
	s6 =	sadd.s32 s6, s1;
	s1 =	sadd.s32 $0x2C1E00, s1  }
0xb: {  	s5 =	sshrl.u32 s5, $0x3;
	s11 =	sadd.s32 $0xA000, s9;
	s14 =	sadd.s32 $0x7800, s9  }
0xc: {  	s18 =	sadd.s32 $0x5000, s9;
	s9 =	sadd.s32 $0x2800, s9;
	s23 =	sadd.s32 $0x7E00, s6  }
0xd: {  	s6 =	sadd.s32 $0xCC00, s6;
	s5 =	sadd.s32 $0x12C00, s5;
	[dreg:$0xc] =	wrdreg s23  }
0xe: {  	s10 =	sadd.s32 s10, s1;
	[dreg:$0xd] =	wrdreg s6;
	s25 =	sadd.s32 s8, s5  }
0xf: {  	s12 =	sshrl.u32 s11, $0x3;
	s6 =	sadd.s32 s0, s26;
	[dreg:$0xe] =	wrdreg s25  }
0x10: {  	s16 =	sshrl.u32 s14, $0x3;
	s0 =	sadd.s32 s0, s10;
	[dreg:$0x2] =	wrdreg s6  }
0x11: {  	s20 =	sshrl.u32 s18, $0x3;
	s13 =	sadd.s32 s12, s1;
	[dreg:$0x3] =	wrdreg s0  }
0x12: {  	s14 =	simm.s32 $0x4F00;
	s15 =	sadd.s32 s12, s8;
	[dreg:$0x4] =	wrdreg s13  }
0x13: {  	s18 =	simm.s32 $0xEF00;
	s17 =	sadd.s32 s16, s1;
	[dreg:$0x5] =	wrdreg s15  }
0x14: {  	s11 =	simm.s32 $0x0;
	s19 =	sadd.s32 s16, s8;
	[dreg:$0x6] =	wrdreg s17  }
0x15: {  	s21 =	sadd.s32 s20, s1;
	s22 =	sadd.s32 s20, s8;
	[dreg:$0x7] =	wrdreg s19  }
0x16: {  	s23 =	sshrl.u32 s9, $0x3;
	s5 =	sadd.s32 s1, s5;
	[dreg:$0x8] =	wrdreg s21  }
0x17: {  	s10 =	simm.s32 $0xB;
	s12 =	simm.s32 $0x50;
	[dreg:$0xf] =	wrdreg s5  }
0x18: {  	s16 =	simm.s32 $0x9F00;
	s20 =	simm.s32 $0x13F00;
	[dreg:$0x9] =	wrdreg s22  }
0x19: {  	s24 =	sadd.s32 s23, s1;
	s25 =	smax.u32 s7, $0x1;
	s26 =	sadd.s32 s23, s8  }
0x1a: {  	s13 =	simm.s32 $0x2700;
	s15 =	simm.s32 $0x7700;
	s17 =	simm.s32 $0xC700  }
0x1b: {  	s19 =	simm.s32 $0x11700;
	s21 =	simm.s32 $0x16700;
	[dreg:$0x10] =	wrdreg s25  }
0x1c: {  	s22 =	simm.s32 $0x18F00;
	s23 =	simm.s32 $0x1;
	[dreg:$0xa] =	wrdreg s24  }
0x1d: {  	s1 =	simm.s32 $0x5;
	s0 =	simm.s32 $0xA;
	[dreg:$0xb] =	wrdreg s26  }
0x1e: {  	s24 =	simm.s32 $0x6;
	s25 =	simm.s32 $0x2;
	s26 =	simm.s32 $0x7  }
.LBB2_1:
0x1f: {  	s5 =	rddreg [dreg:$0xc]  }
0x20: {  	[tilespmem:s2], [sflag:$0xB] =	stream.linear.gather [hbm4b:s5+s2], $0x1310, $0x38;
	[tilespmem:$0x1B700] =	vst v63  }
0x21: {  	_ =	swait.ge [sflag:s10], $0x1310  }
0x22: {  	[sflag:s10] =	ssyncset.done $0x0  }
0x23: {  	s6 =	simm.s32 $0x1380;
	s9 =	rddreg [dreg:$0xd];
	[sflag:s10] =	ssyncadd.s32 $0xFFFFECF0  }
0x24: {  	[tilespmem:s6], [sflag:$0xB] =	stream.linear.gather [hbm4b:s9+s2], $0x1310, $0x38;
	[tilespmem:$0x1B700] =	vst v63  }
0x25: {  	_ =	swait.ge [sflag:s10], $0x1310  }
0x26: {  	[sflag:s10] =	ssyncset.done $0x0  }
0x27: {  	s6 =	simm.s32 $0x0;
	[sflag:s10] =	ssyncadd.s32 $0xFFFFECF0  }
0x28: {  	[tilespmem:s13], [sflag:$0x1] =	stream.indirect.gather [hbm4b:s3+s12], $0x80, s6, s12, $0xb8;
	[tilespmem:$0x1B700] =	vst v63  }
0x29: {  	s7 =	simm.s32 $0x50  }
0x2a: {  	[tilespmem:s14], [sflag:$0x2] =	stream.indirect.gather [hbm4b:s3+s12], $0x80, s7, s12, $0xb8;
	[tilespmem:$0x1B700] =	vst v63  }
0x2b: {  	s8 =	simm.s32 $0xA0  }
0x2c: {  	[tilespmem:s15], [sflag:$0x3] =	stream.indirect.gather [hbm4b:s3+s12], $0x80, s8, s12, $0xb8;
	[tilespmem:$0x1B700] =	vst v63  }
0x2d: {  	s9 =	simm.s32 $0xF0  }
0x2e: {  	[tilespmem:s16], [sflag:$0x4] =	stream.indirect.gather [hbm4b:s3+s12], $0x80, s9, s12, $0xb8;
	[tilespmem:$0x1B700] =	vst v63  }
0x2f: {  	s6 =	simm.s32 $0x140  }
0x30: {  	[tilespmem:s17], [sflag:$0x5] =	stream.indirect.gather [hbm4b:s3+s12], $0x80, s6, s12, $0xb8;
	[tilespmem:$0x1B700] =	vst v63  }
0x31: {  	s7 =	simm.s32 $0x1380  }
0x32: {  	[tilespmem:s18], [sflag:$0x6] =	stream.indirect.gather [hbm4b:s4+s12], $0x80, s7, s12, $0xb8;
	[tilespmem:$0x1B700] =	vst v63  }
0x33: {  	s8 =	simm.s32 $0x13D0  }
0x34: {  	[tilespmem:s19], [sflag:$0x7] =	stream.indirect.gather [hbm4b:s4+s12], $0x80, s8, s12, $0xb8;
	[tilespmem:$0x1B700] =	vst v63  }
0x35: {  	s9 =	simm.s32 $0x1420  }
0x36: {  	[tilespmem:s20], [sflag:$0x8] =	stream.indirect.gather [hbm4b:s4+s12], $0x80, s9, s12, $0xb8;
	[tilespmem:$0x1B700] =	vst v63  }
0x37: {  	s6 =	simm.s32 $0x1470  }
0x38: {  	[tilespmem:s21], [sflag:$0x9] =	stream.indirect.gather [hbm4b:s4+s12], $0x80, s6, s12, $0xb8;
	[tilespmem:$0x1B700] =	vst v63  }
0x39: {  	s7 =	simm.s32 $0x14C0  }
0x3a: {  	[tilespmem:s22], [sflag:$0xA] =	stream.indirect.gather [hbm4b:s4+s12], $0x80, s7, s12, $0xb8;
	[tilespmem:$0x1B700] =	vst v63  }
0x3b: {  	_ =	swait.ge [sflag:s23], $0x2800  }
0x3c: {  	[sflag:s23] =	ssyncset.done $0x0  }
0x3d: {  	[sflag:s23] =	ssyncadd.s32 $0xFFFFD800  }
0x3e: {  	_ =	swait.ge [sflag:s24], $0x2800  }
0x3f: {  	s8 =	rddreg [dreg:$0x2];
	[sflag:s24] =	ssyncset.done $0x0  }
0x40: {  	s9 =	rddreg [dreg:$0x3];
	[sflag:s24] =	ssyncadd.s32 $0xFFFFD800;
	s5 =	sadd.s32 $0x0, s8  }
0x41: {  	[hbm4b:s5+s2] =	stream.linear.scatter [tilespmem:s13], [sflag:$0x1], $0x2800, $0x38;
	[tilespmem:$0x1B700] =	vst v63  }
0x42: {  	s7 =	sadd.s32 $0x0, s9  }
0x43: {  	[hbm4b:s7+s2] =	stream.linear.scatter [tilespmem:s18], [sflag:$0x6], $0x2800, $0x38;
	[tilespmem:$0x1B700] =	vst v63  }
0x44: {  	_ =	swait.ge [sflag:s25], $0x2800  }
0x45: {  	[sflag:s25] =	ssyncset.done $0x0  }
0x46: {  	[sflag:s25] =	ssyncadd.s32 $0xFFFFD800  }
0x47: {  	_ =	swait.ge [sflag:s26], $0x2800  }
0x48: {  	s8 =	rddreg [dreg:$0xb];
	[sflag:s26] =	ssyncset.done $0x0  }
0x49: {  	s9 =	rddreg [dreg:$0xa];
	[sflag:s26] =	ssyncadd.s32 $0xFFFFD800;
	s5 =	sadd.s32 $0x0, s8  }
0x4a: {  	[hbm4b:s5+s2] =	stream.linear.scatter [tilespmem:s14], [sflag:$0x2], $0x2800, $0x38;
	[tilespmem:$0x1B700] =	vst v63  }
0x4b: {  	s7 =	sadd.s32 $0x0, s9  }
0x4c: {  	[hbm4b:s7+s2] =	stream.linear.scatter [tilespmem:s19], [sflag:$0x7], $0x2800, $0x38;
	[tilespmem:$0x1B700] =	vst v63  }
0x4d: {  	_ =	swait.ge [sflag:s28], $0x2800  }
0x4e: {  	[sflag:s28] =	ssyncset.done $0x0  }
0x4f: {  	[sflag:s28] =	ssyncadd.s32 $0xFFFFD800  }
0x50: {  	_ =	swait.ge [sflag:s29], $0x2800  }
0x51: {  	s8 =	rddreg [dreg:$0x9];
	[sflag:s29] =	ssyncset.done $0x0  }
0x52: {  	s9 =	rddreg [dreg:$0x8];
	[sflag:s29] =	ssyncadd.s32 $0xFFFFD800;
	s5 =	sadd.s32 $0x0, s8  }
0x53: {  	[hbm4b:s5+s2] =	stream.linear.scatter [tilespmem:s15], [sflag:$0x3], $0x2800, $0x38;
	[tilespmem:$0x1B700] =	vst v63  }
0x54: {  	s7 =	sadd.s32 $0x0, s9  }
0x55: {  	[hbm4b:s7+s2] =	stream.linear.scatter [tilespmem:s20], [sflag:$0x8], $0x2800, $0x38;
	[tilespmem:$0x1B700] =	vst v63  }
0x56: {  	_ =	swait.ge [sflag:s30], $0x2800  }
0x57: {  	[sflag:s30] =	ssyncset.done $0x0  }
0x58: {  	[sflag:s30] =	ssyncadd.s32 $0xFFFFD800  }
0x59: {  	_ =	swait.ge [sflag:s31], $0x2800  }
0x5a: {  	s8 =	rddreg [dreg:$0x7];
	[sflag:s31] =	ssyncset.done $0x0  }
0x5b: {  	s9 =	rddreg [dreg:$0x6];
	[sflag:s31] =	ssyncadd.s32 $0xFFFFD800;
	s5 =	sadd.s32 $0x0, s8  }
0x5c: {  	[hbm4b:s5+s2] =	stream.linear.scatter [tilespmem:s16], [sflag:$0x4], $0x2800, $0x38;
	[tilespmem:$0x1B700] =	vst v63  }
0x5d: {  	s6 =	sadd.s32 $0x0, s9  }
0x5e: {  	[hbm4b:s6+s2] =	stream.linear.scatter [tilespmem:s21], [sflag:$0x9], $0x2800, $0x38;
	[tilespmem:$0x1B700] =	vst v63  }
0x5f: {  	_ =	swait.ge [sflag:s1], $0x2800  }
0x60: {  	[sflag:s1] =	ssyncset.done $0x0  }
0x61: {  	[sflag:s1] =	ssyncadd.s32 $0xFFFFD800  }
0x62: {  	_ =	swait.ge [sflag:s0], $0x2800  }
0x63: {  	s7 =	rddreg [dreg:$0x5];
	[sflag:s0] =	ssyncset.done $0x0  }
0x64: {  	s8 =	rddreg [dreg:$0x4];
	[sflag:s0] =	ssyncadd.s32 $0xFFFFD800;
	s5 =	sadd.s32 $0x0, s7  }
0x65: {  	[hbm4b:s5+s2] =	stream.linear.scatter [tilespmem:s17], [sflag:$0x5], $0x2800, $0x38;
	[tilespmem:$0x1B700] =	vst v63  }
0x66: {  	s9 =	sadd.s32 $0x0, s8  }
0x67: {  	[hbm4b:s9+s2] =	stream.linear.scatter [tilespmem:s22], [sflag:$0xA], $0x2800, $0x38;
	[tilespmem:$0x1B700] =	vst v63  }
0x68: {  	_ =	swait.ge [sflag:s23], $0x2800  }
0x69: {  	[sflag:s23] =	ssyncset.done $0x0  }
0x6a: {  	[sflag:s23] =	ssyncadd.s32 $0xFFFFD800  }
0x6b: {  	_ =	swait.ge [sflag:s24], $0x2800  }
0x6c: {  	[sflag:s24] =	ssyncset.done $0x0  }
0x6d: {  	[sflag:s24] =	ssyncadd.s32 $0xFFFFD800  }
0x6e: {  	_ =	swait.ge [sflag:s25], $0x2800  }
0x6f: {  	[sflag:s25] =	ssyncset.done $0x0  }
0x70: {  	[sflag:s25] =	ssyncadd.s32 $0xFFFFD800  }
0x71: {  	_ =	swait.ge [sflag:s26], $0x2800  }
0x72: {  	[sflag:s26] =	ssyncset.done $0x0  }
0x73: {  	[sflag:s26] =	ssyncadd.s32 $0xFFFFD800  }
0x74: {  	_ =	swait.ge [sflag:s28], $0x2800  }
0x75: {  	[sflag:s28] =	ssyncset.done $0x0  }
0x76: {  	[sflag:s28] =	ssyncadd.s32 $0xFFFFD800  }
0x77: {  	_ =	swait.ge [sflag:s29], $0x2800  }
0x78: {  	[sflag:s29] =	ssyncset.done $0x0  }
0x79: {  	[sflag:s29] =	ssyncadd.s32 $0xFFFFD800  }
0x7a: {  	_ =	swait.ge [sflag:s30], $0x2800  }
0x7b: {  	[sflag:s30] =	ssyncset.done $0x0  }
0x7c: {  	[sflag:s30] =	ssyncadd.s32 $0xFFFFD800  }
0x7d: {  	_ =	swait.ge [sflag:s31], $0x2800  }
0x7e: {  	[sflag:s31] =	ssyncset.done $0x0  }
0x7f: {  	[sflag:s31] =	ssyncadd.s32 $0xFFFFD800  }
0x80: {  	_ =	swait.ge [sflag:s1], $0x2800  }
0x81: {  	[sflag:s1] =	ssyncset.done $0x0  }
0x82: {  	[sflag:s1] =	ssyncadd.s32 $0xFFFFD800  }
0x83: {  	s6 =	simm.s32 $0x640;
	_ =	swait.ge [sflag:s0], $0x2800  }
0x84: {  	s7 =	simm.s32 $0xC80;
	s5 =	simm.s32 $0x1900;
	[sflag:s0] =	ssyncset.done $0x0  }
.LBB2_2:
0x85: {  	s9 =	sshra.s32 s6, $0x2;
	[sflag:s0] =	ssyncadd.s32 $0xFFFFD800;
	s6 =	smov.u32 s7  }
0x86: {  	[tilespmem:s13], [sflag:$0x1] =	stream.indirect.gather [hbm4b:s3+s12], $0x80, s9, s12, $0xb8;
	[tilespmem:$0x1B700] =	vst v63  }
0x87: {  	s8 =	sadd.s32 $0x640, s7;
	p0 =	sne.s32 s7, $0x44C0;
	s7 =	sadd.s32 $0x50, s9  }
0x88: {  	[tilespmem:s14], [sflag:$0x2] =	stream.indirect.gather [hbm4b:s3+s12], $0x80, s7, s12, $0xb8;
	[tilespmem:$0x1B700] =	vst v63  }
0x89: {  	s7 =	sadd.s32 $0xA0, s9  }
0x8a: {  	[tilespmem:s15], [sflag:$0x3] =	stream.indirect.gather [hbm4b:s3+s12], $0x80, s7, s12, $0xb8;
	[tilespmem:$0x1B700] =	vst v63  }
0x8b: {  	s7 =	sadd.s32 $0xF0, s9  }
0x8c: {  	[tilespmem:s16], [sflag:$0x4] =	stream.indirect.gather [hbm4b:s3+s12], $0x80, s7, s12, $0xb8;
	[tilespmem:$0x1B700] =	vst v63  }
0x8d: {  	s7 =	sadd.s32 $0x140, s9  }
0x8e: {  	[tilespmem:s17], [sflag:$0x5] =	stream.indirect.gather [hbm4b:s3+s12], $0x80, s7, s12, $0xb8;
	[tilespmem:$0x1B700] =	vst v63  }
0x8f: {  	s7 =	sadd.s32 $0x1380, s9  }
0x90: {  	[tilespmem:s18], [sflag:$0x6] =	stream.indirect.gather [hbm4b:s4+s12], $0x80, s7, s12, $0xb8;
	[tilespmem:$0x1B700] =	vst v63  }
0x91: {  	s7 =	sadd.s32 $0x13D0, s9  }
0x92: {  	[tilespmem:s19], [sflag:$0x7] =	stream.indirect.gather [hbm4b:s4+s12], $0x80, s7, s12, $0xb8;
	[tilespmem:$0x1B700] =	vst v63  }
0x93: {  	s7 =	sadd.s32 $0x1420, s9  }
0x94: {  	[tilespmem:s20], [sflag:$0x8] =	stream.indirect.gather [hbm4b:s4+s12], $0x80, s7, s12, $0xb8;
	[tilespmem:$0x1B700] =	vst v63  }
0x95: {  	s7 =	sadd.s32 $0x1470, s9  }
0x96: {  	[tilespmem:s21], [sflag:$0x9] =	stream.indirect.gather [hbm4b:s4+s12], $0x80, s7, s12, $0xb8;
	[tilespmem:$0x1B700] =	vst v63  }
0x97: {  	s9 =	sadd.s32 $0x14C0, s9  }
0x98: {  	[tilespmem:s22], [sflag:$0xA] =	stream.indirect.gather [hbm4b:s4+s12], $0x80, s9, s12, $0xb8;
	[tilespmem:$0x1B700] =	vst v63  }
0x99: {  	_ =	swait.ge [sflag:s23], $0x2800  }
0x9a: {  	[sflag:s23] =	ssyncset.done $0x0  }
0x9b: {  	[sflag:s23] =	ssyncadd.s32 $0xFFFFD800  }
0x9c: {  	_ =	swait.ge [sflag:s24], $0x2800  }
0x9d: {  	s7 =	rddreg [dreg:$0x2];
	[sflag:s24] =	ssyncset.done $0x0  }
0x9e: {  	s9 =	rddreg [dreg:$0x3];
	[sflag:s24] =	ssyncadd.s32 $0xFFFFD800;
	s7 =	sadd.s32 s5, s7  }
0x9f: {  	[hbm4b:s7+s2] =	stream.linear.scatter [tilespmem:s13], [sflag:$0x1], $0x2800, $0x38;
	[tilespmem:$0x1B700] =	vst v63  }
0xa0: {  	s9 =	sadd.s32 s5, s9  }
0xa1: {  	[hbm4b:s9+s2] =	stream.linear.scatter [tilespmem:s18], [sflag:$0x6], $0x2800, $0x38;
	[tilespmem:$0x1B700] =	vst v63  }
0xa2: {  	_ =	swait.ge [sflag:s25], $0x2800  }
0xa3: {  	[sflag:s25] =	ssyncset.done $0x0  }
0xa4: {  	[sflag:s25] =	ssyncadd.s32 $0xFFFFD800  }
0xa5: {  	_ =	swait.ge [sflag:s26], $0x2800  }
0xa6: {  	s7 =	rddreg [dreg:$0xb];
	[sflag:s26] =	ssyncset.done $0x0  }
0xa7: {  	s9 =	rddreg [dreg:$0xa];
	[sflag:s26] =	ssyncadd.s32 $0xFFFFD800;
	s7 =	sadd.s32 s5, s7  }
0xa8: {  	[hbm4b:s7+s2] =	stream.linear.scatter [tilespmem:s14], [sflag:$0x2], $0x2800, $0x38;
	[tilespmem:$0x1B700] =	vst v63  }
0xa9: {  	s9 =	sadd.s32 s5, s9  }
0xaa: {  	[hbm4b:s9+s2] =	stream.linear.scatter [tilespmem:s19], [sflag:$0x7], $0x2800, $0x38;
	[tilespmem:$0x1B700] =	vst v63  }
0xab: {  	_ =	swait.ge [sflag:s28], $0x2800  }
0xac: {  	[sflag:s28] =	ssyncset.done $0x0  }
0xad: {  	[sflag:s28] =	ssyncadd.s32 $0xFFFFD800  }
0xae: {  	_ =	swait.ge [sflag:s29], $0x2800  }
0xaf: {  	s7 =	rddreg [dreg:$0x9];
	[sflag:s29] =	ssyncset.done $0x0  }
0xb0: {  	s9 =	rddreg [dreg:$0x8];
	[sflag:s29] =	ssyncadd.s32 $0xFFFFD800;
	s7 =	sadd.s32 s5, s7  }
0xb1: {  	[hbm4b:s7+s2] =	stream.linear.scatter [tilespmem:s15], [sflag:$0x3], $0x2800, $0x38;
	[tilespmem:$0x1B700] =	vst v63  }
0xb2: {  	s9 =	sadd.s32 s5, s9  }
0xb3: {  	[hbm4b:s9+s2] =	stream.linear.scatter [tilespmem:s20], [sflag:$0x8], $0x2800, $0x38;
	[tilespmem:$0x1B700] =	vst v63  }
0xb4: {  	_ =	swait.ge [sflag:s30], $0x2800  }
0xb5: {  	[sflag:s30] =	ssyncset.done $0x0  }
0xb6: {  	[sflag:s30] =	ssyncadd.s32 $0xFFFFD800  }
0xb7: {  	_ =	swait.ge [sflag:s31], $0x2800  }
0xb8: {  	s7 =	rddreg [dreg:$0x7];
	[sflag:s31] =	ssyncset.done $0x0  }
0xb9: {  	s9 =	rddreg [dreg:$0x6];
	[sflag:s31] =	ssyncadd.s32 $0xFFFFD800;
	s7 =	sadd.s32 s5, s7  }
0xba: {  	[hbm4b:s7+s2] =	stream.linear.scatter [tilespmem:s16], [sflag:$0x4], $0x2800, $0x38;
	[tilespmem:$0x1B700] =	vst v63  }
0xbb: {  	s9 =	sadd.s32 s5, s9  }
0xbc: {  	[hbm4b:s9+s2] =	stream.linear.scatter [tilespmem:s21], [sflag:$0x9], $0x2800, $0x38;
	[tilespmem:$0x1B700] =	vst v63  }
0xbd: {  	_ =	swait.ge [sflag:s1], $0x2800  }
0xbe: {  	[sflag:s1] =	ssyncset.done $0x0  }
0xbf: {  	[sflag:s1] =	ssyncadd.s32 $0xFFFFD800  }
0xc0: {  	_ =	swait.ge [sflag:s0], $0x2800  }
0xc1: {  	s7 =	rddreg [dreg:$0x5];
	[sflag:s0] =	ssyncset.done $0x0  }
0xc2: {  	s9 =	rddreg [dreg:$0x4];
	[sflag:s0] =	ssyncadd.s32 $0xFFFFD800;
	s7 =	sadd.s32 s5, s7  }
0xc3: {  	[hbm4b:s7+s2] =	stream.linear.scatter [tilespmem:s17], [sflag:$0x5], $0x2800, $0x38;
	[tilespmem:$0x1B700] =	vst v63  }
0xc4: {  	s9 =	sadd.s32 s5, s9  }
0xc5: {  	[hbm4b:s9+s2] =	stream.linear.scatter [tilespmem:s22], [sflag:$0xA], $0x2800, $0x38;
	[tilespmem:$0x1B700] =	vst v63  }
0xc6: {  	_ =	swait.ge [sflag:s23], $0x2800  }
0xc7: {  	[sflag:s23] =	ssyncset.done $0x0  }
0xc8: {  	[sflag:s23] =	ssyncadd.s32 $0xFFFFD800  }
0xc9: {  	_ =	swait.ge [sflag:s24], $0x2800  }
0xca: {  	[sflag:s24] =	ssyncset.done $0x0  }
0xcb: {  	[sflag:s24] =	ssyncadd.s32 $0xFFFFD800  }
0xcc: {  	_ =	swait.ge [sflag:s25], $0x2800  }
0xcd: {  	[sflag:s25] =	ssyncset.done $0x0  }
0xce: {  	[sflag:s25] =	ssyncadd.s32 $0xFFFFD800  }
0xcf: {  	_ =	swait.ge [sflag:s26], $0x2800  }
0xd0: {  	[sflag:s26] =	ssyncset.done $0x0  }
0xd1: {  	[sflag:s26] =	ssyncadd.s32 $0xFFFFD800  }
0xd2: {  	_ =	swait.ge [sflag:s28], $0x2800  }
0xd3: {  	[sflag:s28] =	ssyncset.done $0x0  }
0xd4: {  	[sflag:s28] =	ssyncadd.s32 $0xFFFFD800  }
0xd5: {  	_ =	swait.ge [sflag:s29], $0x2800  }
0xd6: {  	[sflag:s29] =	ssyncset.done $0x0  }
0xd7: {  	[sflag:s29] =	ssyncadd.s32 $0xFFFFD800  }
0xd8: {  	_ =	swait.ge [sflag:s30], $0x2800  }
0xd9: {  	[sflag:s30] =	ssyncset.done $0x0  }
0xda: {  	[sflag:s30] =	ssyncadd.s32 $0xFFFFD800  }
0xdb: {  	_ =	swait.ge [sflag:s31], $0x2800  }
0xdc: {  	[sflag:s31] =	ssyncset.done $0x0  }
0xdd: {  	[sflag:s31] =	ssyncadd.s32 $0xFFFFD800  }
.Ltmp0:
0xde: {  	_ =	swait.ge [sflag:s1], $0x2800;
	(pc) =	sbr.rel @p0 .LBB2_2-.Ltmp0, $4  }
0xdf: {  	[sflag:s1] =	ssyncset.done $0x0  }
0xe0: {  	[sflag:s1] =	ssyncadd.s32 $0xFFFFD800  }
0xe1: {  	_ =	swait.ge [sflag:s0], $0x2800  }
0xe2: {  	s5 =	sadd.s32 $0x1900, s5;
	s7 =	smov.u32 s8;
	[sflag:s0] =	ssyncset.done $0x0  }
0xe3: {  	s6 =	sshra.s32 s6, $0x2;
	[sflag:s0] =	ssyncadd.s32 $0xFFFFD800  }
0xe4: {  	[tilespmem:s13], [sflag:$0x1] =	stream.indirect.gather [hbm4b:s3+s12], $0x80, s6, s12, $0xb8;
	[tilespmem:$0x1B700] =	vst v63  }
0xe5: {  	s7 =	sadd.s32 $0x50, s6  }
0xe6: {  	[tilespmem:s14], [sflag:$0x2] =	stream.indirect.gather [hbm4b:s3+s12], $0x80, s7, s12, $0xb8;
	[tilespmem:$0x1B700] =	vst v63  }
0xe7: {  	s9 =	sadd.s32 $0xA0, s6  }
0xe8: {  	[tilespmem:s15], [sflag:$0x3] =	stream.indirect.gather [hbm4b:s3+s12], $0x80, s9, s12, $0xb8;
	[tilespmem:$0x1B700] =	vst v63  }
0xe9: {  	s8 =	sadd.s32 $0xF0, s6  }
0xea: {  	[tilespmem:s16], [sflag:$0x4] =	stream.indirect.gather [hbm4b:s3+s12], $0x80, s8, s12, $0xb8;
	[tilespmem:$0x1B700] =	vst v63  }
0xeb: {  	s9 =	sadd.s32 $0x140, s6  }
0xec: {  	[tilespmem:s17], [sflag:$0x5] =	stream.indirect.gather [hbm4b:s3+s12], $0x80, s9, s12, $0xb8;
	[tilespmem:$0x1B700] =	vst v63  }
0xed: {  	s8 =	sadd.s32 $0x1380, s6  }
0xee: {  	[tilespmem:s18], [sflag:$0x6] =	stream.indirect.gather [hbm4b:s4+s12], $0x80, s8, s12, $0xb8;
	[tilespmem:$0x1B700] =	vst v63  }
0xef: {  	s9 =	sadd.s32 $0x13D0, s6  }
0xf0: {  	[tilespmem:s19], [sflag:$0x7] =	stream.indirect.gather [hbm4b:s4+s12], $0x80, s9, s12, $0xb8;
	[tilespmem:$0x1B700] =	vst v63  }
0xf1: {  	s8 =	sadd.s32 $0x1420, s6  }
0xf2: {  	[tilespmem:s20], [sflag:$0x8] =	stream.indirect.gather [hbm4b:s4+s12], $0x80, s8, s12, $0xb8;
	[tilespmem:$0x1B700] =	vst v63  }
0xf3: {  	s9 =	sadd.s32 $0x1470, s6  }
0xf4: {  	[tilespmem:s21], [sflag:$0x9] =	stream.indirect.gather [hbm4b:s4+s12], $0x80, s9, s12, $0xb8;
	[tilespmem:$0x1B700] =	vst v63  }
0xf5: {  	s6 =	sadd.s32 $0x14C0, s6  }
0xf6: {  	[tilespmem:s22], [sflag:$0xA] =	stream.indirect.gather [hbm4b:s4+s12], $0x80, s6, s12, $0xb8;
	[tilespmem:$0x1B700] =	vst v63  }
0xf7: {  	_ =	swait.ge [sflag:s23], $0x2800  }
0xf8: {  	[sflag:s23] =	ssyncset.done $0x0  }
0xf9: {  	[sflag:s23] =	ssyncadd.s32 $0xFFFFD800  }
0xfa: {  	_ =	swait.ge [sflag:s24], $0x2800  }
0xfb: {  	s8 =	rddreg [dreg:$0x2];
	[sflag:s24] =	ssyncset.done $0x0  }
0xfc: {  	s9 =	rddreg [dreg:$0x3];
	[sflag:s24] =	ssyncadd.s32 $0xFFFFD800;
	s6 =	sadd.s32 s5, s8  }
0xfd: {  	[hbm4b:s6+s2] =	stream.linear.scatter [tilespmem:s13], [sflag:$0x1], $0x2800, $0x38;
	[tilespmem:$0x1B700] =	vst v63  }
0xfe: {  	s7 =	sadd.s32 s5, s9  }
0xff: {  	[hbm4b:s7+s2] =	stream.linear.scatter [tilespmem:s18], [sflag:$0x6], $0x2800, $0x38;
	[tilespmem:$0x1B700] =	vst v63  }
0x100: {  	_ =	swait.ge [sflag:s25], $0x2800  }
0x101: {  	[sflag:s25] =	ssyncset.done $0x0  }
0x102: {  	[sflag:s25] =	ssyncadd.s32 $0xFFFFD800  }
0x103: {  	_ =	swait.ge [sflag:s26], $0x2800  }
0x104: {  	s8 =	rddreg [dreg:$0xb];
	[sflag:s26] =	ssyncset.done $0x0  }
0x105: {  	s9 =	rddreg [dreg:$0xa];
	[sflag:s26] =	ssyncadd.s32 $0xFFFFD800;
	s6 =	sadd.s32 s5, s8  }
0x106: {  	[hbm4b:s6+s2] =	stream.linear.scatter [tilespmem:s14], [sflag:$0x2], $0x2800, $0x38;
	[tilespmem:$0x1B700] =	vst v63  }
0x107: {  	s7 =	sadd.s32 s5, s9  }
0x108: {  	[hbm4b:s7+s2] =	stream.linear.scatter [tilespmem:s19], [sflag:$0x7], $0x2800, $0x38;
	[tilespmem:$0x1B700] =	vst v63  }
0x109: {  	_ =	swait.ge [sflag:s28], $0x2800  }
0x10a: {  	[sflag:s28] =	ssyncset.done $0x0  }
0x10b: {  	[sflag:s28] =	ssyncadd.s32 $0xFFFFD800  }
0x10c: {  	_ =	swait.ge [sflag:s29], $0x2800  }
0x10d: {  	s8 =	rddreg [dreg:$0x9];
	[sflag:s29] =	ssyncset.done $0x0  }
0x10e: {  	s9 =	rddreg [dreg:$0x8];
	[sflag:s29] =	ssyncadd.s32 $0xFFFFD800;
	s6 =	sadd.s32 s5, s8  }
0x10f: {  	[hbm4b:s6+s2] =	stream.linear.scatter [tilespmem:s15], [sflag:$0x3], $0x2800, $0x38;
	[tilespmem:$0x1B700] =	vst v63  }
0x110: {  	s7 =	sadd.s32 s5, s9  }
0x111: {  	[hbm4b:s7+s2] =	stream.linear.scatter [tilespmem:s20], [sflag:$0x8], $0x2800, $0x38;
	[tilespmem:$0x1B700] =	vst v63  }
0x112: {  	_ =	swait.ge [sflag:s30], $0x2800  }
0x113: {  	[sflag:s30] =	ssyncset.done $0x0  }
0x114: {  	[sflag:s30] =	ssyncadd.s32 $0xFFFFD800  }
0x115: {  	_ =	swait.ge [sflag:s31], $0x2800  }
0x116: {  	s8 =	rddreg [dreg:$0x7];
	[sflag:s31] =	ssyncset.done $0x0  }
0x117: {  	s9 =	rddreg [dreg:$0x6];
	[sflag:s31] =	ssyncadd.s32 $0xFFFFD800;
	s6 =	sadd.s32 s5, s8  }
0x118: {  	[hbm4b:s6+s2] =	stream.linear.scatter [tilespmem:s16], [sflag:$0x4], $0x2800, $0x38;
	[tilespmem:$0x1B700] =	vst v63  }
0x119: {  	s7 =	sadd.s32 s5, s9  }
0x11a: {  	[hbm4b:s7+s2] =	stream.linear.scatter [tilespmem:s21], [sflag:$0x9], $0x2800, $0x38;
	[tilespmem:$0x1B700] =	vst v63  }
0x11b: {  	_ =	swait.ge [sflag:s1], $0x2800  }
0x11c: {  	[sflag:s1] =	ssyncset.done $0x0  }
0x11d: {  	[sflag:s1] =	ssyncadd.s32 $0xFFFFD800  }
0x11e: {  	_ =	swait.ge [sflag:s0], $0x2800  }
0x11f: {  	s8 =	rddreg [dreg:$0x5];
	[sflag:s0] =	ssyncset.done $0x0  }
0x120: {  	s9 =	rddreg [dreg:$0x4];
	[sflag:s0] =	ssyncadd.s32 $0xFFFFD800;
	s6 =	sadd.s32 s5, s8  }
0x121: {  	[hbm4b:s6+s2] =	stream.linear.scatter [tilespmem:s17], [sflag:$0x5], $0x2800, $0x38;
	[tilespmem:$0x1B700] =	vst v63  }
0x122: {  	s8 =	sadd.s32 s5, s9  }
0x123: {  	[hbm4b:s8+s2] =	stream.linear.scatter [tilespmem:s22], [sflag:$0xA], $0x2800, $0x38;
	[tilespmem:$0x1B700] =	vst v63  }
0x124: {  	_ =	swait.ge [sflag:s23], $0x2800  }
0x125: {  	[sflag:s23] =	ssyncset.done $0x0  }
0x126: {  	[sflag:s23] =	ssyncadd.s32 $0xFFFFD800  }
0x127: {  	_ =	swait.ge [sflag:s24], $0x2800  }
0x128: {  	[sflag:s24] =	ssyncset.done $0x0  }
0x129: {  	[sflag:s24] =	ssyncadd.s32 $0xFFFFD800  }
0x12a: {  	_ =	swait.ge [sflag:s25], $0x2800  }
0x12b: {  	[sflag:s25] =	ssyncset.done $0x0  }
0x12c: {  	[sflag:s25] =	ssyncadd.s32 $0xFFFFD800  }
0x12d: {  	_ =	swait.ge [sflag:s26], $0x2800  }
0x12e: {  	[sflag:s26] =	ssyncset.done $0x0  }
0x12f: {  	[sflag:s26] =	ssyncadd.s32 $0xFFFFD800  }
0x130: {  	_ =	swait.ge [sflag:s28], $0x2800  }
0x131: {  	[sflag:s28] =	ssyncset.done $0x0  }
0x132: {  	[sflag:s28] =	ssyncadd.s32 $0xFFFFD800  }
0x133: {  	_ =	swait.ge [sflag:s29], $0x2800  }
0x134: {  	[sflag:s29] =	ssyncset.done $0x0  }
0x135: {  	[sflag:s29] =	ssyncadd.s32 $0xFFFFD800  }
0x136: {  	_ =	swait.ge [sflag:s30], $0x2800  }
0x137: {  	[sflag:s30] =	ssyncset.done $0x0  }
0x138: {  	[sflag:s30] =	ssyncadd.s32 $0xFFFFD800  }
0x139: {  	_ =	swait.ge [sflag:s31], $0x2800  }
0x13a: {  	[sflag:s31] =	ssyncset.done $0x0  }
0x13b: {  	[sflag:s31] =	ssyncadd.s32 $0xFFFFD800  }
0x13c: {  	_ =	swait.ge [sflag:s1], $0x2800  }
0x13d: {  	[sflag:s1] =	ssyncset.done $0x0  }
0x13e: {  	[sflag:s1] =	ssyncadd.s32 $0xFFFFD800  }
0x13f: {  	_ =	swait.ge [sflag:s0], $0x2800  }
0x140: {  	[sflag:s0] =	ssyncset.done $0x0  }
0x141: {  	s9 =	simm.s32 $0x12C0;
	[sflag:s0] =	ssyncadd.s32 $0xFFFFD800  }
0x142: {  	[tilespmem:s13], [sflag:$0x1] =	stream.indirect.gather [hbm4b:s3+s12], $0x80, s9, s12, $0xb8;
	[tilespmem:$0x1B700] =	vst v63  }
0x143: {  	s6 =	simm.s32 $0x2640  }
0x144: {  	[tilespmem:s18], [sflag:$0x6] =	stream.indirect.gather [hbm4b:s4+s12], $0x80, s6, s12, $0xb8;
	[tilespmem:$0x1B700] =	vst v63  }
0x145: {  	_ =	swait.ge [sflag:s23], $0x2800  }
0x146: {  	[sflag:s23] =	ssyncset.done $0x0  }
0x147: {  	[sflag:s23] =	ssyncadd.s32 $0xFFFFD800  }
0x148: {  	_ =	swait.ge [sflag:s24], $0x2800  }
0x149: {  	[sflag:s24] =	ssyncset.done $0x0  }
0x14a: {  	s7 =	rddreg [dreg:$0xe];
	[sflag:s24] =	ssyncadd.s32 $0xFFFFD800  }
0x14b: {  	[hbm4b:s7+s2] =	stream.linear.scatter [tilespmem:s13], [sflag:$0x1], $0x2800, $0x38;
	[tilespmem:$0x1B700] =	vst v63  }
0x14c: {  	s8 =	rddreg [dreg:$0xf]  }
0x14d: {  	[hbm4b:s8+s2] =	stream.linear.scatter [tilespmem:s18], [sflag:$0x6], $0x2800, $0x38;
	[tilespmem:$0x1B700] =	vst v63  }
0x14e: {  	_ =	swait.ge [sflag:s23], $0x2800  }
0x14f: {  	[sflag:s23] =	ssyncset.done $0x0  }
0x150: {  	[sflag:s23] =	ssyncadd.s32 $0xFFFFD800  }
0x151: {  	_ =	swait.ge [sflag:s24], $0x2800  }
0x152: {  	s11 =	sadd.s32 $0x1, s11;
	s9 =	rddreg [dreg:$0x10]  }
0x153: {  	p0 =	sne.s32 s11, s9  }
.Ltmp1:
0x154: {  	_ = 	snop;
	(pc) =	sbr.rel @p0 .LBB2_1-.Ltmp1, $3  }
0x155: {  	_ =	sdelay $0x1  }
0x156: {  	[sflag:s24] =	ssyncset.done $0x0  }
0x157: {  	[sflag:s24] =	ssyncadd.s32 $0xFFFFD800  }
0x158: {  	_ =	sfence.sel $0x180000  }
0x159: {  	[bflag:$0x0] =	sbarrier.arrive $0xFFFF  }
0x15a: {  	_ =	strace $0x90000047  }
0x15b: {  	s0 =	stileid.u32;
	[bflag:$0x2] =	sbarrier.arrive $0xFFFF  }
0x15c: {  	p0 =	sne.s32 s0, $0x0;
	s0 =	rddreg [dreg:$0x1]  }
0x15d: {  	s0 =	sadd.s32 @!p0 $0x100000, s0  }
0x15e: {  	[sflag:s0] =	ssyncadd.tile.s32 @!p0 $0x1;
	_ =	shalt  }
.Lfunc_end2:
_tile_overlayer_lowered:
.L_overlay_start_2:
0x15f: {  	(tag) =	ssettag $0x2  }
0x160: {  	s0 =	rddreg [dreg:$0x0];
	s2 =	stileid.u32  }
0x161: {  	s1 =	rddreg [dreg:$0x1];
	p0 =	sne.s32 s2, $0x0  }
0x162: {  	s3 =	rddreg [dreg:$0x2];
	[bflag:$0x3] =	sbarrier.arrive $0xFFFF;
	s2 =	simm.s32 @!p0 $0x1C0B  }
0x163: {  	[timem:s3], [sflag:s2] =	dma.local @!p0 [hbm:s0], s1  }
0x164: {  	s0 =	simm.s32 @!p0 $0xB  }
0x165: {  	_ =	swait.ge @!p0 [sflag:s0], s1  }
0x166: {  	s1 =	ssub.s32 @!p0 $0x0, s1;
	[sflag:s0] =	ssyncset.done @!p0 $0x0  }
0x167: {  	[sflag:s0] =	ssyncadd.s32 @!p0 s1  }
0x168: {  	[bflag:$0x3] =	sbarrier.arrive $0xFFFF  }
0x169: {  	_ =	shalt  }

// kernel: kernel.19.cloned.1.call-start
scs
__scs_entry_jumppad:
0x0: {  	(pc) =	sbr.rel $0x88, $3  }
0x1: {  	(tag) =	ssettag $0x0;
	lr =	simm.s32 $0x1  }
0x2: {  	[smem:$0x3F91] =	sst lr;
	_ =	strace $0xD0000000  }
0x3: {  	_ = 	snop  }
0x4: {  	_ = 	snop  }
0x5: {  	_ = 	snop  }
0x6: {  	_ = 	snop  }
0x7: {  	_ = 	snop  }
__scs_overlays_trampoline_lowered:
0x8: {  	[smem:$0x3FA0] =	sst s0  }
0x9: {  	[smem:$0x3FA1] =	sst s1  }
0xa: {  	[smem:$0x3FA2] =	sst s2  }
0xb: {  	[smem:$0x3FA3] =	sst s3  }
0xc: {  	[smem:$0x3FA4] =	sst s4  }
0xd: {  	[smem:$0x3FA5] =	sst s5  }
0xe: {  	[smem:$0x3FA6] =	sst s6  }
0xf: {  	[smem:$0x3FA7] =	sst s7  }
0x10: {  	[smem:$0x3FA8] =	sst s8  }
0x11: {  	[smem:$0x3FA9] =	sst s9;
	s0 =	simm.s32 @!p0 $0x0  }
0x12: {  	s1 =	sld [smem:$0x3F8F];
	s0 =	simm.s32 @p0 $0x1  }
0x13: {  	[smem:$0x3FAA] =	sst s0;
	s0 =	simm.s32 @!p1 $0x0  }
0x14: {  	s2 =	sld [smem:$0x3F8E];
	s0 =	simm.s32 @p1 $0x1  }
0x15: {  	[smem:$0x3FAB] =	sst s0;
	s0 =	simm.s32 @!p2 $0x0  }
0x16: {  	s3 =	sld [smem:$0x3FDB];
	s0 =	simm.s32 @p2 $0x1  }
0x17: {  	s4 =	simm.s32 $0x1BF5;
	[smem:$0x3FAD] =	sst s0  }
0x18: {  	s0 =	sld [smem:$0x3F90];
	_ =	swait.ge [sflag:s4], $0x0  }
0x19: {  	s7 =	sld [smem:$0x3F91]  }
0x1a: {  	s8 =	sadd.s32 $0xFFFFE003, lr  }
0x1b: {  	s9 =	sadd.s32 $0xFFFFFEF7, lr;
	s5 =	simm.s32 $0xFFFFFFFF;
	p2 =	slt.u32 s8, $0xFFFFF086  }
0x1c: {  	p1 =	slt.u32 s9, $0xF7A;
	s5 =	simm.s32 @!p2 $0x0  }
0x1d: {  	s5 =	simm.s32 @p1 $0x1;
	p0 =	seq.s32 s7, s2  }
0x1e: {  	s7 =	smul.u32 @!p0 $0xF7A, s2;
	p2 =	seq.s32 @!p0 s5, $0x0  }
0x1f: {  	s9 =	smul.u32 $0xF7A, s1;
	s8 =	simm.s32 @!p0 $0x1BF5;
	p2 =	por !p2, p0  }
0x20: {  	[sflag:s8] =	ssyncset.s32 @!p0 $0xFFFFF086;
	s6 =	sadd.s32 @!p0 s3, s7;
	s7 =	simm.s32 @!p0 $0x108  }
0x21: {  	s3 =	sadd.s32 s3, s9;
	s6 =	sadd.s32 @!p0 $0x88, s6;
	s7 =	simm.s32 @p2 $0x1082  }
0x22: {  	[simem:s7], [sflag:s8] =	dma.local @!p0 [hbm:s6], $0xF7A  }
0x23: {  	s9 =	sor.u32 $0xD0000000, s2;
	s6 =	simm.s32 $0x108;
	_ =	swait.ge @!p0 [sflag:s8], $0x0  }
0x24: {  	s3 =	sadd.s32 $0x88, s3;
	s6 =	simm.s32 @!p1 $0x1082;
	[sflag:s4] =	ssyncset.s32 $0xFFFFF086  }
0x25: {  	[simem:s6], [sflag:s4] =	dma.local [hbm:s3], $0xF7A  }
0x26: {  	[smem:$0x3F91] =	sst s1;
	(tag) =	ssettag s2;
	_ =	strace s9  }
0x27: {  	s1 =	sld [smem:$0x3FA1]  }
0x28: {  	s2 =	sld [smem:$0x3FA2]  }
0x29: {  	s4 =	sld [smem:$0x3FA4]  }
0x2a: {  	p0 =	seq.s32 s5, $0x0;
	s5 =	sld [smem:$0x3FA5]  }
0x2b: {  	s6 =	sld [smem:$0x3FA6]  }
0x2c: {  	s7 =	sld [smem:$0x3FA7]  }
0x2d: {  	s3 =	simm.s32 $0x108;
	s8 =	sld [smem:$0x3FA8]  }
0x2e: {  	s3 =	simm.s32 @!p0 $0x1082;
	s9 =	sld [smem:$0x3FA9]  }
0x2f: {  	lr =	sadd.s32 s0, s3;
	s0 =	sld [smem:$0x3FA0]  }
0x30: {  	s3 =	sld [smem:$0x3FA3]  }
0x31: {  	[smem:$0x3FAC] =	sst s10  }
0x32: {  	s10 =	sld [smem:$0x3FAA];
	_ =	sdelay $0x3  }
0x33: {  	p0 =	seq.s32 s10, $0x1;
	s10 =	sld [smem:$0x3FAC];
	_ =	sdelay $0x3  }
0x34: {  	[smem:$0x3FAC] =	sst s10  }
0x35: {  	s10 =	sld [smem:$0x3FAB];
	_ =	sdelay $0x3  }
0x36: {  	p1 =	seq.s32 s10, $0x1;
	s10 =	sld [smem:$0x3FAC];
	_ =	sdelay $0x3  }
0x37: {  	[smem:$0x3FAC] =	sst s10  }
0x38: {  	s10 =	sld [smem:$0x3FAD]  }
0x39: {  	_ = 	snop;
	(pc) =	sbr.ind lr, $3  }
0x3a: {  	_ = 	snop  }
0x3b: {  	_ = 	snop  }
0x3c: {  	p2 =	seq.s32 s10, $0x1;
	s10 =	sld [smem:$0x3FAC]  }
0x3d: {  	_ =	shalt  }
0x3e: {  	_ =	shalt  }
0x3f: {  	_ =	shalt  }
0x40: {  	_ =	shalt  }
0x41: {  	_ =	shalt  }
0x42: {  	_ =	shalt  }
0x43: {  	_ =	shalt  }
0x44: {  	_ =	shalt  }
0x45: {  	_ =	shalt  }
0x46: {  	_ =	shalt  }
0x47: {  	_ =	shalt  }
0x48: {  	_ =	shalt  }
0x49: {  	_ =	shalt  }
0x4a: {  	_ =	shalt  }
0x4b: {  	_ =	shalt  }
0x4c: {  	_ =	shalt  }
0x4d: {  	_ =	shalt  }
0x4e: {  	_ =	shalt  }
0x4f: {  	_ =	shalt  }
0x50: {  	_ =	shalt  }
0x51: {  	_ =	shalt  }
0x52: {  	_ =	shalt  }
0x53: {  	_ =	shalt  }
0x54: {  	_ =	shalt  }
0x55: {  	_ =	shalt  }
0x56: {  	_ =	shalt  }
0x57: {  	_ =	shalt  }
0x58: {  	_ =	shalt  }
0x59: {  	_ =	shalt  }
0x5a: {  	_ =	shalt  }
0x5b: {  	_ =	shalt  }
0x5c: {  	_ =	shalt  }
0x5d: {  	_ =	shalt  }
0x5e: {  	_ =	shalt  }
0x5f: {  	_ =	shalt  }
0x60: {  	_ =	shalt  }
0x61: {  	_ =	shalt  }
0x62: {  	_ =	shalt  }
0x63: {  	_ =	shalt  }
0x64: {  	_ =	shalt  }
0x65: {  	_ =	shalt  }
0x66: {  	_ =	shalt  }
0x67: {  	_ =	shalt  }
0x68: {  	_ =	shalt  }
0x69: {  	_ =	shalt  }
0x6a: {  	_ =	shalt  }
0x6b: {  	_ =	shalt  }
0x6c: {  	_ =	shalt  }
0x6d: {  	_ =	shalt  }
0x6e: {  	_ =	shalt  }
0x6f: {  	_ =	shalt  }
0x70: {  	_ =	shalt  }
0x71: {  	_ =	shalt  }
0x72: {  	_ =	shalt  }
0x73: {  	_ =	shalt  }
0x74: {  	_ =	shalt  }
0x75: {  	_ =	shalt  }
0x76: {  	_ =	shalt  }
0x77: {  	_ =	shalt  }
0x78: {  	_ =	shalt  }
0x79: {  	_ =	shalt  }
0x7a: {  	_ =	shalt  }
0x7b: {  	_ =	shalt  }
0x7c: {  	_ =	shalt  }
0x7d: {  	_ =	shalt  }
0x7e: {  	_ =	shalt  }
0x7f: {  	_ =	shalt  }
0x80: {  	_ =	shalt  }
0x81: {  	_ =	shalt  }
0x82: {  	_ =	shalt  }
0x83: {  	_ =	shalt  }
0x84: {  	_ =	shalt  }
0x85: {  	_ =	shalt  }
0x86: {  	_ =	shalt  }
0x87: {  	_ =	shalt  }
.Lfunc_end0:
.L_simem_size_0:
called_computation.3_lowered:
.L_overlay_start_0:
0x88: {  	s2 =	sld [smem:$0x3FD9]  }
0x89: {  	s3 =	sld [smem:$0x3FFE];
	_ =	sdelay $0x1  }
0x8a: {  	s1 =	srdreg.scid  }
0x8b: {  	s0 =	sand.u32 $0x1, s1  }
0x8c: {  	s17 =	sshll.u32 s0, $0xA;
	s2 =	sadd.s32 s3, s2  }
0x8d: {  	s2 =	sadd.s32 s2, s17  }
0x8e: {  	[smem:$0x3FB8] =	sst s2  }
0x8f: {  	_ = 	snop  }
0x90: {  	(tm) =	ssettm $0x1  }
0x91: {  	s18 =	sld [smem:$0x3FFB];
	_ =	sdelay $0x3  }
0x92: {  	_ =	strace s18  }
0x93: {  	s2 =	sld [smem:$0x3FFC];
	_ =	sdelay $0x3  }
0x94: {  	_ =	strace s2  }
0x95: {  	s2 =	sld [smem:$0x3FFD];
	_ =	sdelay $0x3  }
0x96: {  	_ =	strace s2  }
0x97: {  	_ =	strace $0x8FFFFFFF  }
0x98: {  	s19 =	sld [smem:$0x3FDB];
	_ =	sdelay $0x1  }
0x99: {  	s20 =	simm.s32 $_scs_section_size  }
0x9a: {  	s4 =	simm.s32 $_size__tile_overlayer_lowered;
	s5 =	simm.s32 $_tile_overlayer_lowered  }
0x9b: {  	s6 =	simm.s32 $0x1BFF;
	s21 =	sshll.u32 s5, $0x1;
	s3 =	sadd.s32 s20, s19  }
0x9c: {  	s22 =	simm.s32 $0x0;
	s4 =	sshll.u32 s4, $0x1;
	s5 =	sadd.s32 s21, s3  }
0x9d: {  	[timem:s22], [sflag:s6] =	dma.local [hbm:s5], s4  }
0x9e: {  	_ =	swait.ge [sflag:s6], s4  }
0x9f: {  	s4 =	ssub.s32 $0x0, s4;
	[sflag:s6] =	ssyncset.done $0x0  }
0xa0: {  	[sflag:s6] =	ssyncadd.s32 s4;
	_ =	sdelay $0x1  }
0xa1: {  	s23 =	simm.s32 $0x1B8B  }
0xa2: {  	_ =	swait.ge [sflag:s23], $0x1  }
0xa3: {  	[sflag:s23] =	ssyncset.done $0x0  }
0xa4: {  	[sflag:s23] =	ssyncadd.s32 $0xFFFFFFFF  }
0xa5: {  	s4 =	sld [smem:$0x0]  }
0xa6: {  	s5 =	sand.u32 $0xFFFFFFFE, s1  }
0xa7: {  	p0 =	sne.s32 s1, s5  }
0xa8: {  	s5 =	sshll.u32 @p0 s5, $0xE  }
0xa9: {  	s5 =	sadd.s32 @p0 $0x11B8D, s5;
	s6 =	sshll.u32 @p0 s4, $0x11  }
0xaa: {  	s5 =	sor.u32 @p0 s6, s5  }
0xab: {  	[sflag:s5] =	ssyncadd.remote.s32 @p0 $0x1;
	_ =	sdelay $0x1  }
0xac: {  	s5 =	simm.s32 @p0 $0x1B8D  }
0xad: {  	_ =	swait.eq @p0 [sflag:s5], $0x1  }
0xae: {  	[sflag:s5] =	ssyncadd.s32 @p0 $0xFFFFFFFF  }
0xaf: {  	s6 =	sshll.u32 @!p0 s1, $0xE  }
0xb0: {  	s6 =	sor.u32 @!p0 $0x4000, s6;
	s5 =	simm.s32 @!p0 $0x1B8D  }
0xb1: {  	s4 =	sshll.u32 @!p0 s4, $0x11;
	s6 =	sadd.s32 @!p0 $0x11B8D, s6;
	_ =	swait.eq @!p0 [sflag:s5], $0x1  }
0xb2: {  	s4 =	sor.u32 @!p0 s4, s6;
	[sflag:s5] =	ssyncadd.s32 @!p0 $0xFFFFFFFF  }
0xb3: {  	s25 =	simm.s32 $0x1B8E;
	s24 =	sld [smem:$0x3FFE];
	[sflag:s4] =	ssyncadd.remote.s32 @!p0 $0x1  }
0xb4: {  	s26 =	simm.s32 $execute0_lowered;
	[smem:$0x3FD2] =	sst s25  }
0xb5: {  	s5 =	sshll.u32 s26, $0x1;
	_ =	strace $0x8000004C;
	[dreg:$0x1] =	wrdreg $0xFFFFFFFF  }
0xb6: {  	s28 =	simm.s32 $_size_execute0_lowered;
	s3 =	sadd.s32 s3, s5;
	[dreg:$0x0] =	wrdreg $0x0  }
0xb7: {  	s5 =	sshll.u32 s28, $0x1;
	[dreg:$0x2] =	wrdreg s3  }
0xb8: {  	[dreg:$0x3] =	wrdreg s5  }
0xb9: {  	[dreg:$0x4] =	wrdreg $0xC0  }
0xba: {  	_ =	task [dreg:s22], $0x5FFFF  }
0xbb: {  	[dreg:$0x1] =	wrdreg $0xFFFFFFFF  }
0xbc: {  	[dreg:$0x0] =	wrdreg $0x60  }
0xbd: {  	[dreg:$0x2] =	wrdreg s24  }
0xbe: {  	[dreg:$0x3] =	wrdreg $0x0  }
0xbf: {  	[dreg:$0x4] =	wrdreg $0x140000  }
0xc0: {  	[dreg:$0x5] =	wrdreg $0xA  }
0xc1: {  	_ =	task.clear_ibuf [dreg:s22], $0x6FFFF;
	_ =	strace $0x9000004C  }
0xc2: {  	s29 =	simm.s32 $0xA;
	_ =	strace $0x8000004E  }
0xc3: {  	_ =	swait.ge [sflag:s29], $0x1  }
0xc4: {  	[sflag:s29] =	ssyncadd.s32 $0xFFFFFFFF  }
0xc5: {  	_ =	strace $0x9000004E  }
0xc6: {  	_ =	sfence  }
0xc7: {  	s30 =	sld [smem:$0x0];
	_ =	sdelay $0x2  }
0xc8: {  	s31 =	sshll.u32 s1, $0xD;
	s1 =	sshrl.u32 s1, $0x2  }
0xc9: {  	s4 =	sand.u32 $0x4000, s31;
	s1 =	sadd.s32 s1, s30  }
0xca: {  	s0 =	sor.u32 s4, s0;
	s1 =	sshll.u32 s1, $0x11  }
0xcb: {  	s0 =	sor.u32 s1, s0  }
0xcc: {  	s0 =	sadd.s32 $0x8F2B, s0  }
0xcd: {  	[sflag:s0] =	ssyncadd.remote.s32 $0x1  }
0xce: {  	_ =	sfence.sel $0xFFFF  }
0xcf: {  	[dreg:$0x0] =	wrdreg $0xFFFFFFFF;
	(pc) =	sbr.abs _section_cstart, $3  }
0xd0: {  	[dreg:$0x1] =	wrdreg $0xFFFFFFFF  }
0xd1: {  	_ =	task.clear_ibuf [dreg:s22], $0x2FFFF;
	_ =	strace $0x9FFFFFFF  }
0xd2: {  	(tm) =	ssettm $0x7FFFFFFF  }
0xd3: {  	_ =	shalt  }
tec
execute0_lowered:
.L_overlay_start_1:
0x0: {  	(tag) =	ssettag $0x1  }
0x1: {  	s15 =	stileid.u32  }
0x2: {  	s8 =	smul.u32 $0x2800, s15  }
0x3: {  	s0 =	rddreg [dreg:$0x0];
	s10 =	smul.u32 $0x500, s15  }
0x4: {  	s1 =	rddreg [dreg:$0x1];
	s13 =	smul.u32 $0xA000, s15  }
0x5: {  	s2 =	rddreg [dreg:$0x2];
	s3 =	simm.s32 $0x0;
	s18 =	smul.u32 $0x50000, s15  }
0x6: {  	s4 =	srdreg.scid;
	s30 =	simm.s32 $0x16800;
	s20 =	smul.u32 $0x26200, s15  }
0x7: {  	s31 =	simm.s32 $0x7;
	[smem:$0x7FF] =	sst s3;
	s24 =	smul.u32 $0x4C4, s15  }
0x8: {  	s4 =	sand.u32 $0x1, s4;
	s5 =	sadd.s32 $0xC9D800, s0;
	s25 =	smul.u32 $0x2620, s15  }
0x9: {  	s7 =	sadd.s32 $0xEFF800, s0;
	s9 =	sadd.s32 $0xCC00, s0;
	s6 =	smul.u32 $0x28000, s4  }
0xa: {  	s11 =	sadd.s32 $0xC98A00, s0;
	s12 =	sshll.u32 s15, $0x1;
	s29 =	smul.u32 $0x5000, s4  }
0xb: {  	s12 =	sor.u32 s4, s12;
	s14 =	ssub.s32 $0x2, s4;
	s23 =	smul.u32 $0x13100, s4  }
0xc: {  	_ =	strace $0x8000004D;
	s12 =	smul.u32 $0x1310, s12;
	s16 =	sshrl.u32 s14, $0x1  }
0xd: {  	s13 =	sshrl.u32 s13, $0x2;
	s21 =	sshrl.u32 s18, $0x2;
	s6 =	sadd.s32 s8, s6  }
0xe: {  	s8 =	sadd.s32 s10, s29;
	s22 =	sadd.s32 s13, s2;
	s29 =	smul.u32 $0x1310, s4  }
0xf: {  	s4 =	smul.u32 $0x262, s4;
	s13 =	simm.s32 $0x5;
	s6 =	sadd.s32 s6, s0  }
0x10: {  	s0 =	sadd.s32 s8, s0;
	s8 =	ssub.s32 s14, s16;
	s17 =	sadd.s32 $0x12C0, s12  }
0x11: {  	s16 =	sadd.s32 s24, s9;
	s12 =	sshrl.u32 s17, $0x3;
	s6 =	sadd.s32 $0xA40000, s6  }
0x12: {  	s10 =	sshll.u32 s17, $0x4;
	s0 =	sadd.s32 $0xA36000, s0;
	[dreg:$0x8] =	wrdreg s6  }
0x13: {  	s26 =	smax.u32 s8, $0x1;
	s8 =	simm.s32 $0x1B800;
	[dreg:$0x9] =	wrdreg s0  }
0x14: {  	s14 =	sadd.s32 s9, s12;
	s19 =	sadd.s32 s5, s10;
	[dreg:$0xa] =	wrdreg s26  }
0x15: {  	s12 =	sadd.s32 s11, s12;
	s10 =	sadd.s32 s7, s10;
	[dreg:$0x4] =	wrdreg s14  }
0x16: {  	s5 =	sadd.s32 s20, s5;
	s0 =	sadd.s32 s29, s25;
	[dreg:$0x5] =	wrdreg s19  }
0x17: {  	s7 =	sadd.s32 s20, s7;
	s6 =	simm.s32 $0x19000;
	[dreg:$0x6] =	wrdreg s12  }
0x18: {  	[dreg:$0x7] =	wrdreg s10;
	s10 =	sadd.s32 s21, s1;
	s17 =	sadd.s32 s23, s5  }
0x19: {  	s19 =	sadd.s32 s4, s16;
	s20 =	sadd.s32 $0xA0, s0;
	s0 =	sadd.s32 $0x50, s0  }
0x1a: {  	s12 =	simm.s32 $0x50;
	s14 =	simm.s32 $0x2;
	s16 =	simm.s32 $0x3  }
0x1b: {  	s28 =	sadd.s32 $0x2800, s10;
	s15 =	sadd.s32 $0x5000, s10;
	s18 =	sadd.s32 $0x7800, s10  }
0x1c: {  	[dreg:$0xe] =	wrdreg s19;
	s19 =	sadd.s32 s23, s7;
	s21 =	sshrl.u32 s20, $0x3  }
0x1d: {  	s0 =	sshrl.u32 s0, $0x3;
	s23 =	sadd.s32 s24, s11;
	[dreg:$0xb] =	wrdreg s28  }
0x1e: {  	s25 =	sadd.s32 $0xA000, s10;
	s26 =	sadd.s32 $0xC800, s10;
	[dreg:$0xc] =	wrdreg s15  }
0x1f: {  	s29 =	sadd.s32 $0x11800, s10;
	s7 =	simm.s32 $0x1E100;
	[dreg:$0xd] =	wrdreg s18  }
0x20: {  	s20 =	sadd.s32 s4, s23;
	s5 =	sadd.s32 s21, s9;
	[dreg:$0x11] =	wrdreg s25  }
0x21: {  	s24 =	sadd.s32 s0, s9;
	s23 =	sadd.s32 s21, s11;
	[dreg:$0x12] =	wrdreg s26  }
0x22: {  	s0 =	sadd.s32 s0, s11;
	s28 =	sadd.s32 $0xF000, s10;
	[dreg:$0x14] =	wrdreg s29  }
0x23: {  	s4 =	simm.s32 $0x1E080;
	s9 =	simm.s32 $0x4;
	[dreg:$0xf] =	wrdreg s24  }
0x24: {  	s11 =	simm.s32 $0x1;
	s15 =	simm.s32 $0x6;
	[dreg:$0x10] =	wrdreg s0  }
0x25: {  	v0 =	vimm.f32 $0.0e+00;
	s25 =	simm.s32 $0x0;
	[dreg:$0x13] =	wrdreg s28;
	s0 =	simm.s32 $0x1E000  }
.LBB2_1:
0x26: {  	s18 =	simm.s32 $0x0;
	s21 =	simm.s32 $0x200  }
.LBB2_2:
0x27: {  	p0 =	sne.s32 s21, $0x9E00;
	[tilespmem:s18+$0x16870] =	vst v0  }
0x28: {  	[tilespmem:s18+$0x16800] =	vst v0  }
0x29: {  	[tilespmem:s18+$0x16810] =	vst v0  }
.Ltmp0:
0x2a: {  	[tilespmem:s18+$0x16820] =	vst v0;
	(pc) =	sbr.rel @p0 .LBB2_2-.Ltmp0, $4  }
0x2b: {  	[tilespmem:s18+$0x16830] =	vst v0  }
0x2c: {  	[tilespmem:s18+$0x16840] =	vst v0  }
0x2d: {  	[tilespmem:s18+$0x16850] =	vst v0  }
0x2e: {  	[tilespmem:s18+$0x16860] =	vst v0;
	s18 =	sshra.s32 s21, $0x2;
	s21 =	sadd.s32 $0x200, s21  }
0x2f: {  	[tilespmem:s18+$0x16870] =	vst v0  }
0x30: {  	[tilespmem:s18+$0x16800] =	vst v0  }
0x31: {  	[tilespmem:s18+$0x16810] =	vst v0  }
0x32: {  	[tilespmem:s18+$0x16820] =	vst v0  }
0x33: {  	[tilespmem:s18+$0x16830] =	vst v0  }
0x34: {  	[tilespmem:s18+$0x16840] =	vst v0  }
0x35: {  	[tilespmem:s18+$0x16850] =	vst v0  }
0x36: {  	[tilespmem:s18+$0x16860] =	vst v0  }
0x37: {  	[spmem:s10] =	stream.linear.scatter [tilespmem:s30], [sflag:$0x7], $0x2800, $0x38;
	[tilespmem:$0x1E180] =	vst v63  }
0x38: {  	_ =	swait.ge [sflag:s31], $0x2800  }
0x39: {  	[sflag:s31] =	ssyncset.done $0x0  }
0x3a: {  	s21 =	rddreg [dreg:$0xb];
	[sflag:s31] =	ssyncadd.s32 $0xFFFFD800  }
0x3b: {  	[spmem:s21] =	stream.linear.scatter [tilespmem:s30], [sflag:$0x7], $0x2800, $0x38;
	[tilespmem:$0x1E180] =	vst v63  }
0x3c: {  	_ =	swait.ge [sflag:s31], $0x2800  }
0x3d: {  	[sflag:s31] =	ssyncset.done $0x0  }
0x3e: {  	s24 =	rddreg [dreg:$0xc];
	[sflag:s31] =	ssyncadd.s32 $0xFFFFD800  }
0x3f: {  	[spmem:s24] =	stream.linear.scatter [tilespmem:s30], [sflag:$0x7], $0x2800, $0x38;
	[tilespmem:$0x1E180] =	vst v63  }
0x40: {  	_ =	swait.ge [sflag:s31], $0x2800  }
0x41: {  	[sflag:s31] =	ssyncset.done $0x0  }
0x42: {  	s26 =	rddreg [dreg:$0xd];
	[sflag:s31] =	ssyncadd.s32 $0xFFFFD800  }
0x43: {  	[spmem:s26] =	stream.linear.scatter [tilespmem:s30], [sflag:$0x7], $0x2800, $0x38;
	[tilespmem:$0x1E180] =	vst v63  }
0x44: {  	_ =	swait.ge [sflag:s31], $0x2800  }
0x45: {  	[sflag:s31] =	ssyncset.done $0x0  }
0x46: {  	s29 =	rddreg [dreg:$0x11];
	[sflag:s31] =	ssyncadd.s32 $0xFFFFD800  }
0x47: {  	[spmem:s29] =	stream.linear.scatter [tilespmem:s30], [sflag:$0x7], $0x2800, $0x38;
	[tilespmem:$0x1E180] =	vst v63  }
0x48: {  	_ =	swait.ge [sflag:s31], $0x2800  }
0x49: {  	[sflag:s31] =	ssyncset.done $0x0  }
0x4a: {  	s21 =	rddreg [dreg:$0x12];
	[sflag:s31] =	ssyncadd.s32 $0xFFFFD800  }
0x4b: {  	[spmem:s21] =	stream.linear.scatter [tilespmem:s30], [sflag:$0x7], $0x2800, $0x38;
	[tilespmem:$0x1E180] =	vst v63  }
0x4c: {  	_ =	swait.ge [sflag:s31], $0x2800  }
0x4d: {  	[sflag:s31] =	ssyncset.done $0x0  }
0x4e: {  	s24 =	rddreg [dreg:$0x13];
	[sflag:s31] =	ssyncadd.s32 $0xFFFFD800  }
0x4f: {  	[spmem:s24] =	stream.linear.scatter [tilespmem:s30], [sflag:$0x7], $0x2800, $0x38;
	[tilespmem:$0x1E180] =	vst v63  }
0x50: {  	_ =	swait.ge [sflag:s31], $0x2800  }
0x51: {  	[sflag:s31] =	ssyncset.done $0x0  }
0x52: {  	s26 =	rddreg [dreg:$0x14];
	[sflag:s31] =	ssyncadd.s32 $0xFFFFD800  }
0x53: {  	[spmem:s26] =	stream.linear.scatter [tilespmem:s30], [sflag:$0x7], $0x2800, $0x38;
	[tilespmem:$0x1E180] =	vst v63  }
0x54: {  	_ =	swait.ge [sflag:s31], $0x2800  }
0x55: {  	[sflag:s31] =	ssyncset.done $0x0  }
0x56: {  	[sflag:s31] =	ssyncadd.s32 $0xFFFFD800  }
0x57: {  	[spmem:s22] =	stream.linear.scatter [tilespmem:s30], [sflag:$0x7], $0x2800, $0x38;
	[tilespmem:$0x1E180] =	vst v63  }
0x58: {  	_ =	swait.ge [sflag:s31], $0x2800  }
0x59: {  	[sflag:s31] =	ssyncset.done $0x0  }
0x5a: {  	[sflag:s31] =	ssyncadd.s32 $0xFFFFD800  }
0x5b: {  	[bflag:$0x0] =	sbarrier.arrive $0xFFFF  }
0x5c: {  	s24 =	smov.u32 s22;
	s22 =	rddreg [dreg:$0xe]  }
0x5d: {  	[tilespmem:s0], [sflag:$0x4] =	stream.linear.gather [hbm4b:s22+s3], $0x50, $0x38;
	[tilespmem:$0x1E180] =	vst v63  }
0x5e: {  	s29 =	sadd.s32 $0x0, s17  }
0x5f: {  	[tilespmem:s30], [sflag:$0x1] =	stream.linear.gather [hbm4b:s29+s3], $0x2800, $0x38;
	[tilespmem:$0x1E180] =	vst v63  }
0x60: {  	s28 =	rddreg [dreg:$0xf]  }
0x61: {  	[tilespmem:s4], [sflag:$0x5] =	stream.linear.gather [hbm4b:s28+s3], $0x50, $0x38;
	[tilespmem:$0x1E180] =	vst v63  }
0x62: {  	s21 =	sadd.s32 $0x500, s29  }
0x63: {  	[tilespmem:s6], [sflag:$0x2] =	stream.linear.gather [hbm4b:s21+s3], $0x2800, $0x38;
	[tilespmem:$0x1E180] =	vst v63  }
0x64: {  	_ = 	snop  }
0x65: {  	[tilespmem:s7], [sflag:$0x6] =	stream.linear.gather [hbm4b:s5+s3], $0x50, $0x38;
	[tilespmem:$0x1E180] =	vst v63  }
0x66: {  	s18 =	sadd.s32 $0xA00, s29  }
0x67: {  	[tilespmem:s8], [sflag:$0x3] =	stream.linear.gather [hbm4b:s18+s3], $0x2800, $0x38;
	[tilespmem:$0x1E180] =	vst v63  }
0x68: {  	_ =	swait.ge [sflag:s9], $0x50  }
0x69: {  	[sflag:s9] =	ssyncset.done $0x0  }
0x6a: {  	[sflag:s9] =	ssyncadd.s32 $0xFFFFFFB0  }
0x6b: {  	_ =	swait.ge [sflag:s11], $0x2800  }
0x6c: {  	[sflag:s11] =	ssyncset.done $0x0  }
0x6d: {  	[sflag:s11] =	ssyncadd.s32 $0xFFFFD800  }
0x6e: {  	[spmem:s1] =	stream.indirect.scatter.add.f32 [tilespmem:s30], [sflag:$0x1], $0x80, s0, s12, $0xb8;
	[tilespmem:$0x1E180] =	vst v63  }
0x6f: {  	_ =	swait.ge [sflag:s13], $0x50  }
0x70: {  	[sflag:s13] =	ssyncset.done $0x0  }
0x71: {  	[sflag:s13] =	ssyncadd.s32 $0xFFFFFFB0  }
0x72: {  	_ =	swait.ge [sflag:s14], $0x2800  }
0x73: {  	[sflag:s14] =	ssyncset.done $0x0  }
0x74: {  	[sflag:s14] =	ssyncadd.s32 $0xFFFFD800  }
0x75: {  	[spmem:s1] =	stream.indirect.scatter.add.f32 [tilespmem:s6], [sflag:$0x2], $0x80, s4, s12, $0xb8;
	[tilespmem:$0x1E180] =	vst v63  }
0x76: {  	_ =	swait.ge [sflag:s15], $0x50  }
0x77: {  	[sflag:s15] =	ssyncset.done $0x0  }
0x78: {  	[sflag:s15] =	ssyncadd.s32 $0xFFFFFFB0  }
0x79: {  	_ =	swait.ge [sflag:s16], $0x2800  }
0x7a: {  	[sflag:s16] =	ssyncset.done $0x0  }
0x7b: {  	[sflag:s16] =	ssyncadd.s32 $0xFFFFD800  }
0x7c: {  	[spmem:s1] =	stream.indirect.scatter.add.f32 [tilespmem:s8], [sflag:$0x3], $0x80, s7, s12, $0xb8;
	[tilespmem:$0x1E180] =	vst v63  }
0x7d: {  	_ =	swait.ge [sflag:s11], $0x2800  }
0x7e: {  	[sflag:s11] =	ssyncset.done $0x0  }
0x7f: {  	[sflag:s11] =	ssyncadd.s32 $0xFFFFD800  }
0x80: {  	_ =	swait.ge [sflag:s14], $0x2800  }
0x81: {  	[sflag:s14] =	ssyncset.done $0x0  }
0x82: {  	[sflag:s14] =	ssyncadd.s32 $0xFFFFD800  }
0x83: {  	s26 =	simm.s32 $0xF00;
	s28 =	sadd.s32 $0x1E, s28;
	_ =	swait.ge [sflag:s16], $0x2800  }
0x84: {  	s21 =	smov.u32 s5;
	s18 =	smov.u32 s22;
	[sflag:s16] =	ssyncset.done $0x0  }
.LBB2_4:
0x85: {  	[sflag:s16] =	ssyncadd.s32 $0xFFFFD800;
	s18 =	sadd.s32 $0x1E, s18;
	s21 =	sadd.s32 $0x1E, s21  }
0x86: {  	[tilespmem:s0], [sflag:$0x4] =	stream.linear.gather [hbm4b:s18+s3], $0x50, $0x38;
	[tilespmem:$0x1E180] =	vst v63  }
0x87: {  	s29 =	sadd.s32 s26, s17;
	p0 =	sne.s32 s26, $0x11D00;
	s26 =	sadd.s32 $0xF00, s26  }
0x88: {  	[tilespmem:s30], [sflag:$0x1] =	stream.linear.gather [hbm4b:s29+s3], $0x2800, $0x38;
	[tilespmem:$0x1E180] =	vst v63  }
0x89: {  	_ = 	snop  }
0x8a: {  	[tilespmem:s4], [sflag:$0x5] =	stream.linear.gather [hbm4b:s28+s3], $0x50, $0x38;
	[tilespmem:$0x1E180] =	vst v63  }
0x8b: {  	s22 =	sadd.s32 $0x500, s29  }
0x8c: {  	[tilespmem:s6], [sflag:$0x2] =	stream.linear.gather [hbm4b:s22+s3], $0x2800, $0x38;
	[tilespmem:$0x1E180] =	vst v63  }
0x8d: {  	_ = 	snop  }
0x8e: {  	[tilespmem:s7], [sflag:$0x6] =	stream.linear.gather [hbm4b:s21+s3], $0x50, $0x38;
	[tilespmem:$0x1E180] =	vst v63  }
0x8f: {  	s22 =	sadd.s32 $0xA00, s29  }
0x90: {  	[tilespmem:s8], [sflag:$0x3] =	stream.linear.gather [hbm4b:s22+s3], $0x2800, $0x38;
	[tilespmem:$0x1E180] =	vst v63  }
0x91: {  	_ =	swait.ge [sflag:s9], $0x50  }
0x92: {  	[sflag:s9] =	ssyncset.done $0x0  }
0x93: {  	[sflag:s9] =	ssyncadd.s32 $0xFFFFFFB0  }
0x94: {  	_ =	swait.ge [sflag:s11], $0x2800  }
0x95: {  	[sflag:s11] =	ssyncset.done $0x0  }
0x96: {  	[sflag:s11] =	ssyncadd.s32 $0xFFFFD800  }
0x97: {  	[spmem:s1] =	stream.indirect.scatter.add.f32 [tilespmem:s30], [sflag:$0x1], $0x80, s0, s12, $0xb8;
	[tilespmem:$0x1E180] =	vst v63  }
0x98: {  	_ =	swait.ge [sflag:s13], $0x50  }
0x99: {  	[sflag:s13] =	ssyncset.done $0x0  }
0x9a: {  	[sflag:s13] =	ssyncadd.s32 $0xFFFFFFB0  }
0x9b: {  	_ =	swait.ge [sflag:s14], $0x2800  }
0x9c: {  	[sflag:s14] =	ssyncset.done $0x0  }
0x9d: {  	[sflag:s14] =	ssyncadd.s32 $0xFFFFD800  }
0x9e: {  	[spmem:s1] =	stream.indirect.scatter.add.f32 [tilespmem:s6], [sflag:$0x2], $0x80, s4, s12, $0xb8;
	[tilespmem:$0x1E180] =	vst v63  }
0x9f: {  	_ =	swait.ge [sflag:s15], $0x50  }
0xa0: {  	[sflag:s15] =	ssyncset.done $0x0  }
0xa1: {  	[sflag:s15] =	ssyncadd.s32 $0xFFFFFFB0  }
0xa2: {  	_ =	swait.ge [sflag:s16], $0x2800  }
0xa3: {  	[sflag:s16] =	ssyncset.done $0x0  }
0xa4: {  	[sflag:s16] =	ssyncadd.s32 $0xFFFFD800  }
0xa5: {  	[spmem:s1] =	stream.indirect.scatter.add.f32 [tilespmem:s8], [sflag:$0x3], $0x80, s7, s12, $0xb8;
	[tilespmem:$0x1E180] =	vst v63  }
0xa6: {  	_ =	swait.ge [sflag:s11], $0x2800  }
0xa7: {  	[sflag:s11] =	ssyncset.done $0x0  }
0xa8: {  	[sflag:s11] =	ssyncadd.s32 $0xFFFFD800  }
.Ltmp1:
0xa9: {  	_ =	swait.ge [sflag:s14], $0x2800;
	(pc) =	sbr.rel @p0 .LBB2_4-.Ltmp1, $4  }
0xaa: {  	[sflag:s14] =	ssyncset.done $0x0  }
0xab: {  	[sflag:s14] =	ssyncadd.s32 $0xFFFFD800  }
0xac: {  	_ =	swait.ge [sflag:s16], $0x2800  }
0xad: {  	s28 =	sadd.s32 $0x1E, s28;
	[sflag:s16] =	ssyncset.done $0x0  }
0xae: {  	[sflag:s16] =	ssyncadd.s32 $0xFFFFD800;
	s18 =	simm.s32 $0x0;
	s21 =	rddreg [dreg:$0x4]  }
0xaf: {  	[tilespmem:s0], [sflag:$0x4] =	stream.linear.gather [hbm4b:s21+s18], $0x50, $0x38;
	[tilespmem:$0x1E180] =	vst v63  }
0xb0: {  	s22 =	rddreg [dreg:$0x5]  }
0xb1: {  	[tilespmem:s30], [sflag:$0x1] =	stream.linear.gather [hbm4b:s22+s18], $0x2800, $0x38;
	[tilespmem:$0x1E180] =	vst v63  }
0xb2: {  	_ =	swait.ge [sflag:s9], $0x50  }
0xb3: {  	[sflag:s9] =	ssyncset.done $0x0  }
0xb4: {  	[sflag:s9] =	ssyncadd.s32 $0xFFFFFFB0  }
0xb5: {  	_ =	swait.ge [sflag:s11], $0x2800  }
0xb6: {  	[sflag:s11] =	ssyncset.done $0x0  }
0xb7: {  	[sflag:s11] =	ssyncadd.s32 $0xFFFFD800  }
0xb8: {  	[spmem:s1] =	stream.indirect.scatter.add.f32 [tilespmem:s30], [sflag:$0x1], $0x80, s0, s12, $0xb8;
	[tilespmem:$0x1E180] =	vst v63  }
0xb9: {  	_ =	swait.ge [sflag:s11], $0x2800  }
0xba: {  	[sflag:s11] =	ssyncset.done $0x0  }
0xbb: {  	[sflag:s11] =	ssyncadd.s32 $0xFFFFD800  }
0xbc: {  	[tilespmem:s0], [sflag:$0x4] =	stream.linear.gather [hbm4b:s20+s3], $0x50, $0x38;
	[tilespmem:$0x1E180] =	vst v63  }
0xbd: {  	s26 =	sadd.s32 $0x0, s19  }
0xbe: {  	[tilespmem:s30], [sflag:$0x1] =	stream.linear.gather [hbm4b:s26+s3], $0x2800, $0x38;
	[tilespmem:$0x1E180] =	vst v63  }
0xbf: {  	s22 =	rddreg [dreg:$0x10]  }
0xc0: {  	[tilespmem:s4], [sflag:$0x5] =	stream.linear.gather [hbm4b:s22+s3], $0x50, $0x38;
	[tilespmem:$0x1E180] =	vst v63  }
0xc1: {  	s29 =	sadd.s32 $0x500, s26  }
0xc2: {  	[tilespmem:s6], [sflag:$0x2] =	stream.linear.gather [hbm4b:s29+s3], $0x2800, $0x38;
	[tilespmem:$0x1E180] =	vst v63  }
0xc3: {  	_ = 	snop  }
0xc4: {  	[tilespmem:s7], [sflag:$0x6] =	stream.linear.gather [hbm4b:s23+s3], $0x50, $0x38;
	[tilespmem:$0x1E180] =	vst v63  }
0xc5: {  	s18 =	sadd.s32 $0xA00, s26  }
0xc6: {  	[tilespmem:s8], [sflag:$0x3] =	stream.linear.gather [hbm4b:s18+s3], $0x2800, $0x38;
	[tilespmem:$0x1E180] =	vst v63  }
0xc7: {  	_ =	swait.ge [sflag:s9], $0x50  }
0xc8: {  	[sflag:s9] =	ssyncset.done $0x0  }
0xc9: {  	[sflag:s9] =	ssyncadd.s32 $0xFFFFFFB0  }
0xca: {  	_ =	swait.ge [sflag:s11], $0x2800  }
0xcb: {  	[sflag:s11] =	ssyncset.done $0x0  }
0xcc: {  	[sflag:s11] =	ssyncadd.s32 $0xFFFFD800  }
0xcd: {  	[spmem:s2] =	stream.indirect.scatter.add.f32 [tilespmem:s30], [sflag:$0x1], $0x80, s0, s12, $0xb8;
	[tilespmem:$0x1E180] =	vst v63  }
0xce: {  	_ =	swait.ge [sflag:s13], $0x50  }
0xcf: {  	[sflag:s13] =	ssyncset.done $0x0  }
0xd0: {  	[sflag:s13] =	ssyncadd.s32 $0xFFFFFFB0  }
0xd1: {  	_ =	swait.ge [sflag:s14], $0x2800  }
0xd2: {  	[sflag:s14] =	ssyncset.done $0x0  }
0xd3: {  	[sflag:s14] =	ssyncadd.s32 $0xFFFFD800  }
0xd4: {  	[spmem:s2] =	stream.indirect.scatter.add.f32 [tilespmem:s6], [sflag:$0x2], $0x80, s4, s12, $0xb8;
	[tilespmem:$0x1E180] =	vst v63  }
0xd5: {  	_ =	swait.ge [sflag:s15], $0x50  }
0xd6: {  	[sflag:s15] =	ssyncset.done $0x0  }
0xd7: {  	[sflag:s15] =	ssyncadd.s32 $0xFFFFFFB0  }
0xd8: {  	_ =	swait.ge [sflag:s16], $0x2800  }
0xd9: {  	[sflag:s16] =	ssyncset.done $0x0  }
0xda: {  	[sflag:s16] =	ssyncadd.s32 $0xFFFFD800  }
0xdb: {  	[spmem:s2] =	stream.indirect.scatter.add.f32 [tilespmem:s8], [sflag:$0x3], $0x80, s7, s12, $0xb8;
	[tilespmem:$0x1E180] =	vst v63  }
0xdc: {  	_ =	swait.ge [sflag:s11], $0x2800  }
0xdd: {  	[sflag:s11] =	ssyncset.done $0x0  }
0xde: {  	[sflag:s11] =	ssyncadd.s32 $0xFFFFD800  }
0xdf: {  	_ =	swait.ge [sflag:s14], $0x2800  }
0xe0: {  	[sflag:s14] =	ssyncset.done $0x0  }
0xe1: {  	[sflag:s14] =	ssyncadd.s32 $0xFFFFD800  }
0xe2: {  	s21 =	smov.u32 s23;
	s28 =	sadd.s32 $0x1E, s22;
	_ =	swait.ge [sflag:s16], $0x2800  }
0xe3: {  	s26 =	simm.s32 $0xF00;
	s18 =	smov.u32 s20;
	[sflag:s16] =	ssyncset.done $0x0  }
.LBB2_6:
0xe4: {  	[sflag:s16] =	ssyncadd.s32 $0xFFFFD800;
	s18 =	sadd.s32 $0x1E, s18;
	s21 =	sadd.s32 $0x1E, s21  }
0xe5: {  	[tilespmem:s0], [sflag:$0x4] =	stream.linear.gather [hbm4b:s18+s3], $0x50, $0x38;
	[tilespmem:$0x1E180] =	vst v63  }
0xe6: {  	s22 =	sadd.s32 s26, s19;
	p0 =	sne.s32 s26, $0x11D00;
	s26 =	sadd.s32 $0xF00, s26  }
0xe7: {  	[tilespmem:s30], [sflag:$0x1] =	stream.linear.gather [hbm4b:s22+s3], $0x2800, $0x38;
	[tilespmem:$0x1E180] =	vst v63  }
0xe8: {  	_ = 	snop  }
0xe9: {  	[tilespmem:s4], [sflag:$0x5] =	stream.linear.gather [hbm4b:s28+s3], $0x50, $0x38;
	[tilespmem:$0x1E180] =	vst v63  }
0xea: {  	s29 =	sadd.s32 $0x500, s22  }
0xeb: {  	[tilespmem:s6], [sflag:$0x2] =	stream.linear.gather [hbm4b:s29+s3], $0x2800, $0x38;
	[tilespmem:$0x1E180] =	vst v63  }
0xec: {  	_ = 	snop  }
0xed: {  	[tilespmem:s7], [sflag:$0x6] =	stream.linear.gather [hbm4b:s21+s3], $0x50, $0x38;
	[tilespmem:$0x1E180] =	vst v63  }
0xee: {  	s22 =	sadd.s32 $0xA00, s22  }
0xef: {  	[tilespmem:s8], [sflag:$0x3] =	stream.linear.gather [hbm4b:s22+s3], $0x2800, $0x38;
	[tilespmem:$0x1E180] =	vst v63  }
0xf0: {  	_ =	swait.ge [sflag:s9], $0x50  }
0xf1: {  	[sflag:s9] =	ssyncset.done $0x0  }
0xf2: {  	[sflag:s9] =	ssyncadd.s32 $0xFFFFFFB0  }
0xf3: {  	_ =	swait.ge [sflag:s11], $0x2800  }
0xf4: {  	[sflag:s11] =	ssyncset.done $0x0  }
0xf5: {  	[sflag:s11] =	ssyncadd.s32 $0xFFFFD800  }
0xf6: {  	[spmem:s2] =	stream.indirect.scatter.add.f32 [tilespmem:s30], [sflag:$0x1], $0x80, s0, s12, $0xb8;
	[tilespmem:$0x1E180] =	vst v63  }
0xf7: {  	_ =	swait.ge [sflag:s13], $0x50  }
0xf8: {  	[sflag:s13] =	ssyncset.done $0x0  }
0xf9: {  	[sflag:s13] =	ssyncadd.s32 $0xFFFFFFB0  }
0xfa: {  	_ =	swait.ge [sflag:s14], $0x2800  }
0xfb: {  	[sflag:s14] =	ssyncset.done $0x0  }
0xfc: {  	[sflag:s14] =	ssyncadd.s32 $0xFFFFD800  }
0xfd: {  	[spmem:s2] =	stream.indirect.scatter.add.f32 [tilespmem:s6], [sflag:$0x2], $0x80, s4, s12, $0xb8;
	[tilespmem:$0x1E180] =	vst v63  }
0xfe: {  	_ =	swait.ge [sflag:s15], $0x50  }
0xff: {  	[sflag:s15] =	ssyncset.done $0x0  }
0x100: {  	[sflag:s15] =	ssyncadd.s32 $0xFFFFFFB0  }
0x101: {  	_ =	swait.ge [sflag:s16], $0x2800  }
0x102: {  	[sflag:s16] =	ssyncset.done $0x0  }
0x103: {  	[sflag:s16] =	ssyncadd.s32 $0xFFFFD800  }
0x104: {  	[spmem:s2] =	stream.indirect.scatter.add.f32 [tilespmem:s8], [sflag:$0x3], $0x80, s7, s12, $0xb8;
	[tilespmem:$0x1E180] =	vst v63  }
0x105: {  	_ =	swait.ge [sflag:s11], $0x2800  }
0x106: {  	[sflag:s11] =	ssyncset.done $0x0  }
0x107: {  	[sflag:s11] =	ssyncadd.s32 $0xFFFFD800  }
.Ltmp2:
0x108: {  	_ =	swait.ge [sflag:s14], $0x2800;
	(pc) =	sbr.rel @p0 .LBB2_6-.Ltmp2, $4  }
0x109: {  	[sflag:s14] =	ssyncset.done $0x0  }
0x10a: {  	[sflag:s14] =	ssyncadd.s32 $0xFFFFD800  }
0x10b: {  	_ =	swait.ge [sflag:s16], $0x2800  }
0x10c: {  	s28 =	sadd.s32 $0x1E, s28;
	[sflag:s16] =	ssyncset.done $0x0  }
0x10d: {  	[sflag:s16] =	ssyncadd.s32 $0xFFFFD800;
	s18 =	rddreg [dreg:$0x6]  }
0x10e: {  	[tilespmem:s0], [sflag:$0x4] =	stream.linear.gather [hbm4b:s18+s3], $0x50, $0x38;
	[tilespmem:$0x1E180] =	vst v63  }
0x10f: {  	s21 =	rddreg [dreg:$0x7]  }
0x110: {  	[tilespmem:s30], [sflag:$0x1] =	stream.linear.gather [hbm4b:s21+s3], $0x2800, $0x38;
	[tilespmem:$0x1E180] =	vst v63  }
0x111: {  	_ =	swait.ge [sflag:s9], $0x50  }
0x112: {  	[sflag:s9] =	ssyncset.done $0x0  }
0x113: {  	[sflag:s9] =	ssyncadd.s32 $0xFFFFFFB0  }
0x114: {  	_ =	swait.ge [sflag:s11], $0x2800  }
0x115: {  	[sflag:s11] =	ssyncset.done $0x0  }
0x116: {  	[sflag:s11] =	ssyncadd.s32 $0xFFFFD800  }
0x117: {  	[spmem:s2] =	stream.indirect.scatter.add.f32 [tilespmem:s30], [sflag:$0x1], $0x80, s0, s12, $0xb8;
	[tilespmem:$0x1E180] =	vst v63  }
0x118: {  	_ =	swait.ge [sflag:s11], $0x2800  }
0x119: {  	[sflag:s11] =	ssyncset.done $0x0  }
0x11a: {  	s22 =	stileid.u32;
	[sflag:s11] =	ssyncadd.s32 $0xFFFFD800  }
0x11b: {  	s18 =	sshll.u32 s22, $0x6;
	[bflag:$0x0] =	sbarrier.arrive $0xFFFF  }
0x11c: {  	s18 =	sor.u32 $0x1C07, s18;
	s21 =	sshrl.u32 s10, $0x3;
	s22 =	rddreg [dreg:$0x8]  }
0x11d: {  	[hbm:s22], [sflag:s18] =	dma.local [spmem:s21], $0x2800  }
0x11e: {  	_ =	swait.ge [sflag:s31], $0x2800  }
0x11f: {  	[sflag:s31] =	ssyncset.done $0x0  }
0x120: {  	s26 =	sshrl.u32 s24, $0x3;
	s28 =	rddreg [dreg:$0x9];
	[sflag:s31] =	ssyncadd.s32 $0xFFFFD800  }
0x121: {  	[hbm:s28], [sflag:s18] =	dma.local [spmem:s26], $0x500  }
0x122: {  	_ =	swait.ge [sflag:s31], $0x500  }
0x123: {  	s25 =	sadd.s32 $0x1, s25;
	s29 =	rddreg [dreg:$0xa]  }
0x124: {  	p0 =	sne.s32 s25, s29  }
.Ltmp3:
0x125: {  	_ = 	snop;
	(pc) =	sbr.rel @p0 .LBB2_1-.Ltmp3, $3  }
0x126: {  	_ =	sdelay $0x1  }
0x127: {  	[sflag:s31] =	ssyncset.done $0x0  }
0x128: {  	s22 =	smov.u32 s24;
	[sflag:s31] =	ssyncadd.s32 $0xFFFFFB00  }
0x129: {  	_ =	sfence.sel $0x180000  }
0x12a: {  	[bflag:$0x0] =	sbarrier.arrive $0xFFFF  }
0x12b: {  	_ =	strace $0x9000004D  }
0x12c: {  	s0 =	stileid.u32;
	[bflag:$0x2] =	sbarrier.arrive $0xFFFF  }
0x12d: {  	p0 =	sne.s32 s0, $0x0;
	s0 =	rddreg [dreg:$0x3]  }
0x12e: {  	s0 =	sadd.s32 @!p0 $0x100000, s0  }
0x12f: {  	[sflag:s0] =	ssyncadd.tile.s32 @!p0 $0x1;
	_ =	shalt  }
.Lfunc_end2:
_tile_overlayer_lowered:
.L_overlay_start_2:
0x130: {  	(tag) =	ssettag $0x2  }
0x131: {  	s0 =	rddreg [dreg:$0x0];
	s2 =	stileid.u32  }
0x132: {  	s1 =	rddreg [dreg:$0x1];
	p0 =	sne.s32 s2, $0x0  }
0x133: {  	s3 =	rddreg [dreg:$0x2];
	[bflag:$0x3] =	sbarrier.arrive $0xFFFF;
	s2 =	simm.s32 @!p0 $0x1C07  }
0x134: {  	[timem:s3], [sflag:s2] =	dma.local @!p0 [hbm:s0], s1  }
0x135: {  	s0 =	simm.s32 @!p0 $0x7  }
0x136: {  	_ =	swait.ge @!p0 [sflag:s0], s1  }
0x137: {  	s1 =	ssub.s32 @!p0 $0x0, s1;
	[sflag:s0] =	ssyncset.done @!p0 $0x0  }
0x138: {  	[sflag:s0] =	ssyncadd.s32 @!p0 s1  }
0x139: {  	[bflag:$0x3] =	sbarrier.arrive $0xFFFF  }
0x13a: {  	_ =	shalt  }

</sc_bundles>
